<compile_context>
chip_gen: v7x
topology: tpu7x:2x2x1
jax: 0.10.2.dev20260603
libtpu: 0.0.44.dev20260713+nightly
codegen_flags: <defaults>
</compile_context>

<pallas_src>
import functools

import jax
import jax.numpy as jnp
from jax import lax
from jax.experimental import pallas as pl
from jax.experimental.pallas import tpu as pltpu
from jax.experimental.pallas import tpu_sc as plsc

N = 10000
E = 320000
IN = 128
H = 256
OUT = 128

NCORES = 2
NSUB = 16
NW = NCORES * NSUB
CK = 64
NCH = 160
CH_TOT = NW * NCH
E_PAD = CH_TOT * CK
NP = 10240
RPT = NP // NSUB
NBUF = 4
CA = 304
CB = 16


def _sc_aggregate(with_counts):
    mesh = plsc.VectorSubcoreMesh(
        core_axis_name="c", subcore_axis_name="s",
        num_cores=NCORES, num_subcores=NSUB)

    out_type = [jax.ShapeDtypeStruct((NCORES, NP, 128), jnp.float32)]
    scratch = [
        pltpu.VMEM((NBUF, 2, CK), jnp.int32),
        pltpu.VMEM((NBUF, CK, 128), jnp.float32),
        pltpu.VMEM_SHARED((NP, 128), jnp.float32),
        pltpu.SemaphoreType.DMA((NBUF,)),
        pltpu.SemaphoreType.DMA((NBUF,)),
        pltpu.SemaphoreType.DMA((NBUF,)),
    ]
    if with_counts:
        out_type.append(jax.ShapeDtypeStruct((NW, NP), jnp.float32))
        scratch.append(pltpu.VMEM((NP,), jnp.float32))

    @functools.partial(
        pl.kernel, out_type=out_type, mesh=mesh, scratch_types=scratch,
        compiler_params=pltpu.CompilerParams(needs_layout_passes=False))
    def kfn(table, idxp, out, *rest):
        if with_counts:
            cnt_out, iring, bufs, acc, isem, gsem, ssem, cntv = rest
        else:
            iring, bufs, acc, isem, gsem, ssem = rest
        cid = lax.axis_index("c")
        sid = lax.axis_index("s")
        wid = sid * NCORES + cid

        zv = jnp.zeros((16,), jnp.float32)
        buf0 = bufs.at[0]

        def zb(r, carry):
            for t in range(8):
                buf0[r, pl.ds(t * 16, 16)] = zv
            return carry

        lax.fori_loop(0, CK, zb, 0)
        for t in range(RPT // CK):
            pltpu.sync_copy(buf0, acc.at[pl.ds(sid * RPT + t * CK, CK), :])

        if with_counts:
            def zc(r, carry):
                cntv[pl.ds(r * 16, 16)] = zv
                return carry
            lax.fori_loop(0, NP // 16, zc, 0)

        plsc.subcore_barrier()

        ones16 = jnp.ones((16,), jnp.float32)
        pch = jnp.where(cid == 0, CA, CB)
        base = jnp.where(cid == 0, sid * CA, NSUB * CA + sid * CB)

        def start_i(j, slot):
            pltpu.async_copy(idxp.at[base + j], iring.at[slot],
                             isem.at[slot])

        def start_g(slot):
            pltpu.async_copy(table.at[iring.at[slot, 0]], bufs.at[slot],
                             gsem.at[slot])

        def start_s(slot):
            pltpu.async_copy(bufs.at[slot], acc.at[iring.at[slot, 1]],
                             ssem.at[slot], add=True)

        def wait_i(slot):
            pltpu.make_async_copy(idxp.at[base], iring.at[slot],
                                  isem.at[slot]).wait()

        def wait_g(slot):
            pltpu.make_async_copy(table.at[iring.at[slot, 0]],
                                  bufs.at[slot], gsem.at[slot]).wait()

        def wait_s(slot):
            pltpu.make_async_copy(bufs.at[slot], acc.at[iring.at[slot, 1]],
                                  ssem.at[slot]).wait()

        start_i(0, 0)
        start_i(1, 1)
        wait_i(0)
        start_g(0)

        def body(g, carry):
            for b in range(NBUF):
                j = NBUF * g + b
                s2 = (b + 2) % NBUF
                s1 = (b + 1) % NBUF

                @pl.when(j >= 2)
                def _():
                    wait_s(s2)

                @pl.when(j + 2 < pch)
                def _():
                    start_i(j + 2, s2)

                @pl.when(j + 1 < pch)
                def _():
                    wait_i(s1)
                    start_g(s1)

                wait_g(b)
                start_s(b)

                if with_counts:
                    for t in range(CK // 16):
                        idxv = iring[b, 1, pl.ds(t * 16, 16)]
                        plsc.addupdate_scatter(cntv, [idxv], ones16)
            return carry

        lax.fori_loop(0, pch // NBUF, body, 0)
        wait_s(2)
        wait_s(3)
        plsc.subcore_barrier()

        pltpu.sync_copy(acc.at[pl.ds(sid * RPT, RPT), :],
                        out.at[cid, pl.ds(sid * RPT, RPT), :])
        if with_counts:
            pltpu.sync_copy(cntv, cnt_out.at[wid])

    return kfn


_DN = (((1,), (1,)), ((), ()))
_DT = (((0,), (0,)), ((), ()))


def _tc_dense(pa, cp, x, w1l, b1l, w1r, w2l, b2l, w2r):
    R = 1024

    def body(pa_ref, cp_ref, x_ref, w1l_ref, b1l_ref, w1r_ref, w2l_ref,
             b2l_ref, w2r_ref, p_ref, r_ref, ic_ref):
        cnt = lax.dot_general(cp_ref[...], jnp.ones((NW, 1), jnp.float32),
                              _DT, preferred_element_type=jnp.float32)
        invc = 1.0 / jnp.maximum(cnt, 1.0)
        mean = (pa_ref[0] + pa_ref[1]) * invc
        h = lax.dot_general(mean, w1l_ref[...], _DN,
                            preferred_element_type=jnp.float32)
        h = h + b1l_ref[...]
        h = h + lax.dot_general(x_ref[...], w1r_ref[...], _DN,
                                preferred_element_type=jnp.float32)
        h = jnp.maximum(h, 0.0)
        p_ref[...] = lax.dot_general(h, w2l_ref[...], _DN,
                                     preferred_element_type=jnp.float32)
        r_ref[...] = lax.dot_general(h, w2r_ref[...], _DN,
                                     preferred_element_type=jnp.float32) \
            + b2l_ref[...]
        ic_ref[...] = invc

    return pl.pallas_call(
        body,
        grid=(NP // R,),
        in_specs=[
            pl.BlockSpec((NCORES, R, IN), lambda i: (0, i, 0)),
            pl.BlockSpec((NW, R), lambda i: (0, i)),
            pl.BlockSpec((R, IN), lambda i: (i, 0)),
            pl.BlockSpec((H, IN), lambda i: (0, 0)),
            pl.BlockSpec((1, H), lambda i: (0, 0)),
            pl.BlockSpec((H, IN), lambda i: (0, 0)),
            pl.BlockSpec((OUT, H), lambda i: (0, 0)),
            pl.BlockSpec((1, OUT), lambda i: (0, 0)),
            pl.BlockSpec((OUT, H), lambda i: (0, 0)),
        ],
        out_specs=[
            pl.BlockSpec((R, OUT), lambda i: (i, 0)),
            pl.BlockSpec((R, OUT), lambda i: (i, 0)),
            pl.BlockSpec((R, 1), lambda i: (i, 0)),
        ],
        out_shape=[
            jax.ShapeDtypeStruct((N, OUT), jnp.float32),
            jax.ShapeDtypeStruct((N, OUT), jnp.float32),
            jax.ShapeDtypeStruct((N, 1), jnp.float32),
        ],
    )(pa, cp, x, w1l, b1l, w1r, w2l, b2l, w2r)


def _tc_finish(pb, invc, r):
    R = 1024

    def body(pb_ref, ic_ref, r_ref, o_ref):
        o_ref[...] = (pb_ref[0] + pb_ref[1]) * ic_ref[...] + r_ref[...]

    return pl.pallas_call(
        body,
        grid=(NP // R,),
        in_specs=[
            pl.BlockSpec((NCORES, R, OUT), lambda i: (0, i, 0)),
            pl.BlockSpec((R, 1), lambda i: (i, 0)),
            pl.BlockSpec((R, OUT), lambda i: (i, 0)),
        ],
        out_specs=pl.BlockSpec((R, OUT), lambda i: (i, 0)),
        out_shape=jax.ShapeDtypeStruct((N, OUT), jnp.float32),
    )(pb, invc, r)


@jax.jit
def kernel(x, edge_index, W1l, b1l, W1r, W2l, b2l, W2r):
    src = edge_index[0]
    dst = edge_index[1]
    pad = E_PAD - E
    srcp = jnp.concatenate(
        [src, jnp.zeros((pad,), jnp.int32)]).reshape(CH_TOT, CK)
    dstp = jnp.concatenate(
        [dst, N + jnp.arange(pad, dtype=jnp.int32) % (NP - N)]
    ).reshape(CH_TOT, CK)
    idxp = jnp.stack([srcp, dstp], axis=1)

    pa, cp = _sc_aggregate(True)(x, idxp)
    p, r, invc = _tc_dense(pa, cp, x, W1l, b1l.reshape(1, H), W1r,
                           W2l, b2l.reshape(1, OUT), W2r)
    pb, = _sc_aggregate(False)(p, idxp)
    return _tc_finish(pb, invc, r)

# --- scband reference (transcript-rebuilt; emitter-appended) ---
"""Pipeline reference for scband-sage-22170621182207 (READ-ONLY COPY).

The authoritative reference and input builder live on the scoring server;
editing this copy changes nothing except your own understanding.
"""

import jax, jax.numpy as jnp
import numpy as np

N = 10000
E = 320000
IN = 128
H = 256
OUT = 128


def setup_inputs(seed: int = 0) -> dict:
    key = jax.random.key(seed)
    ks = jax.random.split(key, 9)
    x = jax.random.normal(ks[0], (N, IN), dtype=jnp.float32)
    edge_index = jax.random.randint(ks[1], (2, E), 0, N, dtype=jnp.int32)
    # Layer 1 SAGEConv params: lin_l (with bias) applied to aggregated neighbors,
    # lin_r (no bias) applied to root node features.
    W1l = jax.random.normal(ks[2], (H, IN), dtype=jnp.float32) * (1.0 / np.sqrt(IN))
    b1l = jnp.zeros((H,), dtype=jnp.float32)
    W1r = jax.random.normal(ks[3], (H, IN), dtype=jnp.float32) * (1.0 / np.sqrt(IN))
    # Layer 2 SAGEConv params
    W2l = jax.random.normal(ks[4], (OUT, H), dtype=jnp.float32) * (1.0 / np.sqrt(H))
    b2l = jnp.zeros((OUT,), dtype=jnp.float32)
    W2r = jax.random.normal(ks[5], (OUT, H), dtype=jnp.float32) * (1.0 / np.sqrt(H))
    return {
        "x": x,
        "edge_index": edge_index,
        "W1l": W1l,
        "b1l": b1l,
        "W1r": W1r,
        "W2l": W2l,
        "b2l": b2l,
        "W2r": W2r,
    }


def _sage_conv(h, edge_index, Wl, bl, Wr):
    # PyG SAGEConv with aggr='mean', root_weight=True, normalize=False:
    #   out = lin_l(mean_{j in N(i)} x_j) + lin_r(x_i)
    src = edge_index[0]
    dst = edge_index[1]
    msg = jnp.take(h, src, axis=0)                      # gather source features
    summed = jax.ops.segment_sum(msg, dst, num_segments=N)
    cnt = jax.ops.segment_sum(jnp.ones((E,), dtype=h.dtype), dst, num_segments=N)
    mean = summed / jnp.clip(cnt, 1.0)[:, None]
    return mean @ Wl.T + bl + h @ Wr.T


def reference(x, edge_index, W1l, b1l, W1r, W2l, b2l, W2r):
    h = _sage_conv(x, edge_index, W1l, b1l, W1r)
    h = jax.nn.relu(h)  # PyG BasicGNN applies act between layers, not after last
    out = _sage_conv(h, edge_index, W2l, b2l, W2r)
    return out

if __name__ == "__main__":
    import jax
    _d = setup_inputs()
    print(jax.jit(kernel)(*tuple(_d.values())))

</pallas_src>

<mosaic_0001>
#map = affine_map<(d0, d1) -> (0, 0)>
#map1 = affine_map<(d0, d1) -> (0, 0, 0)>
module attributes {stable_mosaic.version = 14 : i64} {
  func.func @kfn(%arg0: i32, %arg1: i32, %arg2: memref<10000x128xf32, #tpu.memory_space<hbm>>, %arg3: memref<5120x2x64xi32, #tpu.memory_space<hbm>>, %arg4: memref<2x10240x128xf32, #tpu.memory_space<hbm>>, %arg5: memref<32x10240xf32, #tpu.memory_space<hbm>>, %arg6: memref<4x2x64xi32, #tpu.memory_space<vmem>>, %arg7: memref<4x64x128xf32, #tpu.memory_space<vmem>>, %arg8: memref<10240x128xf32, #tpu.memory_space<vmem_shared>>, %arg9: memref<4x!tpu.dma_semaphore, #tpu.memory_space<semaphore_mem>>, %arg10: memref<4x!tpu.dma_semaphore, #tpu.memory_space<semaphore_mem>>, %arg11: memref<4x!tpu.dma_semaphore, #tpu.memory_space<semaphore_mem>>, %arg12: memref<10240xf32, #tpu.memory_space<vmem>>) attributes {dimension_semantics = [#tpu.dimension_semantics<core_parallel>, #tpu.dimension_semantics<subcore_parallel>], iteration_bounds = array<i64: 2, 16>, scalar_prefetch = 0 : i64, scratch_operands = 7 : i64, tpu.core_type = #tpu.core_type<sc_vector_subcore>, window_params = [{transform_indices = #map}, {transform_indices = #map1}, {transform_indices = #map1}, {transform_indices = #map}]} {
    %mul3A = arith.constant 2 : i32
    %mul3A_0 = arith.muli %arg1, %mul3A : i32
    %add3A = arith.addi %mul3A_0, %arg0 : i32
    %broadcast_in_dim3A = arith.constant 0.000000e+00 : f32
    %broadcast_in_dim3A_1 = vector.broadcast %broadcast_in_dim3A : f32 to vector<16xf32>
    %scan3A = arith.constant 0 : i32
    %scan3A_2 = arith.constant 0 : i32
    %scan3A_3 = arith.constant 0 : i32
    %scan3A_4 = arith.constant 64 : i32
    %scan3A_5 = arith.addi %scan3A_3, %scan3A_4 : i32
    %scan3A_6 = arith.constant 1 : i32
    scf.for %scan3A_218 = %scan3A_3 to %scan3A_5 step %scan3A_6  : i32 {
      %swap3A = arith.constant 0 : i32
      %swap3A_219 = arith.constant 0 : i32
      %swap3A_220 = tpu.memref_slice %arg7[%scan3A_2, %swap3A, %swap3A_219] : memref<4x64x128xf32, #tpu.memory_space<vmem>> -> memref<1x64x128xf32, #tpu.memory_space<vmem>>
      %swap3A_221 = tpu.memref_squeeze %swap3A_220 : memref<1x64x128xf32, #tpu.memory_space<vmem>> -> memref<64x128xf32, #tpu.memory_space<vmem>>
      %swap3A_222 = arith.index_cast %scan3A_218 : i32 to index
      %swap3A_223 = arith.constant 0 : index
      %swap3A_224 = tpu.vector_load %swap3A_221[%swap3A_222, %swap3A_223] {strides = array<i32>} : memref<64x128xf32, #tpu.memory_space<vmem>>, vector<16xf32>,
      tpu.vector_store %swap3A_221[%swap3A_222, %swap3A_223], %broadcast_in_dim3A_1 {strides = array<i32>} : memref<64x128xf32, #tpu.memory_space<vmem>>, vector<16xf32>,
      %swap3A_225 = arith.constant 0 : i32
      %swap3A_226 = arith.constant 0 : i32
      %swap3A_227 = tpu.memref_slice %arg7[%scan3A_2, %swap3A_225, %swap3A_226] : memref<4x64x128xf32, #tpu.memory_space<vmem>> -> memref<1x64x128xf32, #tpu.memory_space<vmem>>
      %swap3A_228 = tpu.memref_squeeze %swap3A_227 : memref<1x64x128xf32, #tpu.memory_space<vmem>> -> memref<64x128xf32, #tpu.memory_space<vmem>>
      %swap3A_229 = arith.index_cast %scan3A_218 : i32 to index
      %swap3A_230 = arith.constant 16 : index
      %swap3A_231 = tpu.vector_load %swap3A_228[%swap3A_229, %swap3A_230] {strides = array<i32>} : memref<64x128xf32, #tpu.memory_space<vmem>>, vector<16xf32>,
      tpu.vector_store %swap3A_228[%swap3A_229, %swap3A_230], %broadcast_in_dim3A_1 {strides = array<i32>} : memref<64x128xf32, #tpu.memory_space<vmem>>, vector<16xf32>,
      %swap3A_232 = arith.constant 0 : i32
      %swap3A_233 = arith.constant 0 : i32
      %swap3A_234 = tpu.memref_slice %arg7[%scan3A_2, %swap3A_232, %swap3A_233] : memref<4x64x128xf32, #tpu.memory_space<vmem>> -> memref<1x64x128xf32, #tpu.memory_space<vmem>>
      %swap3A_235 = tpu.memref_squeeze %swap3A_234 : memref<1x64x128xf32, #tpu.memory_space<vmem>> -> memref<64x128xf32, #tpu.memory_space<vmem>>
      %swap3A_236 = arith.index_cast %scan3A_218 : i32 to index
      %swap3A_237 = arith.constant 32 : index
      %swap3A_238 = tpu.vector_load %swap3A_235[%swap3A_236, %swap3A_237] {strides = array<i32>} : memref<64x128xf32, #tpu.memory_space<vmem>>, vector<16xf32>,
      tpu.vector_store %swap3A_235[%swap3A_236, %swap3A_237], %broadcast_in_dim3A_1 {strides = array<i32>} : memref<64x128xf32, #tpu.memory_space<vmem>>, vector<16xf32>,
      %swap3A_239 = arith.constant 0 : i32
      %swap3A_240 = arith.constant 0 : i32
      %swap3A_241 = tpu.memref_slice %arg7[%scan3A_2, %swap3A_239, %swap3A_240] : memref<4x64x128xf32, #tpu.memory_space<vmem>> -> memref<1x64x128xf32, #tpu.memory_space<vmem>>
      %swap3A_242 = tpu.memref_squeeze %swap3A_241 : memref<1x64x128xf32, #tpu.memory_space<vmem>> -> memref<64x128xf32, #tpu.memory_space<vmem>>
      %swap3A_243 = arith.index_cast %scan3A_218 : i32 to index
      %swap3A_244 = arith.constant 48 : index
      %swap3A_245 = tpu.vector_load %swap3A_242[%swap3A_243, %swap3A_244] {strides = array<i32>} : memref<64x128xf32, #tpu.memory_space<vmem>>, vector<16xf32>,
      tpu.vector_store %swap3A_242[%swap3A_243, %swap3A_244], %broadcast_in_dim3A_1 {strides = array<i32>} : memref<64x128xf32, #tpu.memory_space<vmem>>, vector<16xf32>,
      %swap3A_246 = arith.constant 0 : i32
      %swap3A_247 = arith.constant 0 : i32
      %swap3A_248 = tpu.memref_slice %arg7[%scan3A_2, %swap3A_246, %swap3A_247] : memref<4x64x128xf32, #tpu.memory_space<vmem>> -> memref<1x64x128xf32, #tpu.memory_space<vmem>>
      %swap3A_249 = tpu.memref_squeeze %swap3A_248 : memref<1x64x128xf32, #tpu.memory_space<vmem>> -> memref<64x128xf32, #tpu.memory_space<vmem>>
      %swap3A_250 = arith.index_cast %scan3A_218 : i32 to index
      %swap3A_251 = arith.constant 64 : index
      %swap3A_252 = tpu.vector_load %swap3A_249[%swap3A_250, %swap3A_251] {strides = array<i32>} : memref<64x128xf32, #tpu.memory_space<vmem>>, vector<16xf32>,
      tpu.vector_store %swap3A_249[%swap3A_250, %swap3A_251], %broadcast_in_dim3A_1 {strides = array<i32>} : memref<64x128xf32, #tpu.memory_space<vmem>>, vector<16xf32>,
      %swap3A_253 = arith.constant 0 : i32
      %swap3A_254 = arith.constant 0 : i32
      %swap3A_255 = tpu.memref_slice %arg7[%scan3A_2, %swap3A_253, %swap3A_254] : memref<4x64x128xf32, #tpu.memory_space<vmem>> -> memref<1x64x128xf32, #tpu.memory_space<vmem>>
      %swap3A_256 = tpu.memref_squeeze %swap3A_255 : memref<1x64x128xf32, #tpu.memory_space<vmem>> -> memref<64x128xf32, #tpu.memory_space<vmem>>
      %swap3A_257 = arith.index_cast %scan3A_218 : i32 to index
      %swap3A_258 = arith.constant 80 : index
      %swap3A_259 = tpu.vector_load %swap3A_256[%swap3A_257, %swap3A_258] {strides = array<i32>} : memref<64x128xf32, #tpu.memory_space<vmem>>, vector<16xf32>,
      tpu.vector_store %swap3A_256[%swap3A_257, %swap3A_258], %broadcast_in_dim3A_1 {strides = array<i32>} : memref<64x128xf32, #tpu.memory_space<vmem>>, vector<16xf32>,
      %swap3A_260 = arith.constant 0 : i32
      %swap3A_261 = arith.constant 0 : i32
      %swap3A_262 = tpu.memref_slice %arg7[%scan3A_2, %swap3A_260, %swap3A_261] : memref<4x64x128xf32, #tpu.memory_space<vmem>> -> memref<1x64x128xf32, #tpu.memory_space<vmem>>
      %swap3A_263 = tpu.memref_squeeze %swap3A_262 : memref<1x64x128xf32, #tpu.memory_space<vmem>> -> memref<64x128xf32, #tpu.memory_space<vmem>>
      %swap3A_264 = arith.index_cast %scan3A_218 : i32 to index
      %swap3A_265 = arith.constant 96 : index
      %swap3A_266 = tpu.vector_load %swap3A_263[%swap3A_264, %swap3A_265] {strides = array<i32>} : memref<64x128xf32, #tpu.memory_space<vmem>>, vector<16xf32>,
      tpu.vector_store %swap3A_263[%swap3A_264, %swap3A_265], %broadcast_in_dim3A_1 {strides = array<i32>} : memref<64x128xf32, #tpu.memory_space<vmem>>, vector<16xf32>,
      %swap3A_267 = arith.constant 0 : i32
      %swap3A_268 = arith.constant 0 : i32
      %swap3A_269 = tpu.memref_slice %arg7[%scan3A_2, %swap3A_267, %swap3A_268] : memref<4x64x128xf32, #tpu.memory_space<vmem>> -> memref<1x64x128xf32, #tpu.memory_space<vmem>>
      %swap3A_270 = tpu.memref_squeeze %swap3A_269 : memref<1x64x128xf32, #tpu.memory_space<vmem>> -> memref<64x128xf32, #tpu.memory_space<vmem>>
      %swap3A_271 = arith.index_cast %scan3A_218 : i32 to index
      %swap3A_272 = arith.constant 112 : index
      %swap3A_273 = tpu.vector_load %swap3A_270[%swap3A_271, %swap3A_272] {strides = array<i32>} : memref<64x128xf32, #tpu.memory_space<vmem>>, vector<16xf32>,
      tpu.vector_store %swap3A_270[%swap3A_271, %swap3A_272], %broadcast_in_dim3A_1 {strides = array<i32>} : memref<64x128xf32, #tpu.memory_space<vmem>>, vector<16xf32>,
    }
    %scan3A_7 = arith.constant 64 : i32
    %mul3A_8 = arith.constant 640 : i32
    %mul3A_9 = arith.muli %arg1, %mul3A_8 : i32
    %add3A_10 = arith.constant 0 : i32
    %add3A_11 = arith.addi %mul3A_9, %add3A_10 : i32
    %run_scoped3A = arith.constant 0 : i32
    "tpu.region"() ({
      %run_scoped3A_218 = tpu.sem_alloc : memref<!tpu.dma_semaphore, #tpu.memory_space<semaphore_mem>>
      %dma_start3A_219 = arith.constant 0 : i32
      %dma_start3A_220 = arith.constant 0 : i32
      %dma_start3A_221 = tpu.memref_slice %arg7[%run_scoped3A, %dma_start3A_219, %dma_start3A_220] : memref<4x64x128xf32, #tpu.memory_space<vmem>> -> memref<1x64x128xf32, #tpu.memory_space<vmem>>
      %dma_start3A_222 = tpu.memref_squeeze %dma_start3A_221 : memref<1x64x128xf32, #tpu.memory_space<vmem>> -> memref<64x128xf32, #tpu.memory_space<vmem>>
      %dma_start3A_223 = arith.constant 0 : i32
      %dma_start3A_224 = tpu.memref_slice %arg8[%add3A_11, %dma_start3A_223] : memref<10240x128xf32, #tpu.memory_space<vmem_shared>> -> memref<64x128xf32, #tpu.memory_space<vmem_shared>>
      %dma_start3A_225 = arith.constant 0 : i32
      %dma_start3A_226 = tpu.memref_slice %arg8[%add3A_11, %dma_start3A_225] : memref<10240x128xf32, #tpu.memory_space<vmem_shared>> -> memref<64x128xf32, #tpu.memory_space<vmem_shared>>
      %dma_start3A_227 = arith.constant 0 : i32
      %dma_start3A_228 = arith.constant 0 : i32
      %dma_start3A_229 = tpu.memref_slice %arg7[%run_scoped3A, %dma_start3A_227, %dma_start3A_228] : memref<4x64x128xf32, #tpu.memory_space<vmem>> -> memref<1x64x128xf32, #tpu.memory_space<vmem>>
      %dma_start3A_230 = tpu.memref_squeeze %dma_start3A_229 : memref<1x64x128xf32, #tpu.memory_space<vmem>> -> memref<64x128xf32, #tpu.memory_space<vmem>>
      tpu.enqueue_dma source(%dma_start3A_230 : memref<64x128xf32, #tpu.memory_space<vmem>>) target(%dma_start3A_226 : memref<64x128xf32, #tpu.memory_space<vmem_shared>>) target_semaphore(%run_scoped3A_218 : memref<!tpu.dma_semaphore, #tpu.memory_space<semaphore_mem>>)
      %dma_wait3A_231 = arith.constant 0 : i32
      %dma_wait3A_232 = arith.constant 0 : i32
      %dma_wait3A_233 = tpu.memref_slice %arg7[%run_scoped3A, %dma_wait3A_231, %dma_wait3A_232] : memref<4x64x128xf32, #tpu.memory_space<vmem>> -> memref<1x64x128xf32, #tpu.memory_space<vmem>>
      %dma_wait3A_234 = tpu.memref_squeeze %dma_wait3A_233 : memref<1x64x128xf32, #tpu.memory_space<vmem>> -> memref<64x128xf32, #tpu.memory_space<vmem>>
      %dma_wait3A_235 = arith.constant 0 : i32
      %dma_wait3A_236 = tpu.memref_slice %arg8[%add3A_11, %dma_wait3A_235] : memref<10240x128xf32, #tpu.memory_space<vmem_shared>> -> memref<64x128xf32, #tpu.memory_space<vmem_shared>>
      %dma_wait3A_237 = arith.constant 0 : i32
      %dma_wait3A_238 = tpu.memref_slice %arg8[%add3A_11, %dma_wait3A_237] : memref<10240x128xf32, #tpu.memory_space<vmem_shared>> -> memref<64x128xf32, #tpu.memory_space<vmem_shared>>
      %dma_wait3A_239 = arith.constant 0 : i32
      %dma_wait3A_240 = arith.constant 0 : i32
      %dma_wait3A_241 = tpu.memref_slice %arg7[%run_scoped3A, %dma_wait3A_239, %dma_wait3A_240] : memref<4x64x128xf32, #tpu.memory_space<vmem>> -> memref<1x64x128xf32, #tpu.memory_space<vmem>>
      %dma_wait3A_242 = tpu.memref_squeeze %dma_wait3A_241 : memref<1x64x128xf32, #tpu.memory_space<vmem>> -> memref<64x128xf32, #tpu.memory_space<vmem>>
      tpu.wait_dma2 semaphore(%run_scoped3A_218 : memref<!tpu.dma_semaphore, #tpu.memory_space<semaphore_mem>>) src(%dma_wait3A_242 : memref<64x128xf32, #tpu.memory_space<vmem>>) dst(%dma_wait3A_238 : memref<64x128xf32, #tpu.memory_space<vmem_shared>>)
      tpu.yield
    }) : () -> ()
    %mul3A_12 = arith.constant 640 : i32
    %mul3A_13 = arith.muli %arg1, %mul3A_12 : i32
    %add3A_14 = arith.constant 64 : i32
    %add3A_15 = arith.addi %mul3A_13, %add3A_14 : i32
    %run_scoped3A_16 = arith.constant 0 : i32
    "tpu.region"() ({
      %run_scoped3A_218 = tpu.sem_alloc : memref<!tpu.dma_semaphore, #tpu.memory_space<semaphore_mem>>
      %dma_start3A_219 = arith.constant 0 : i32
      %dma_start3A_220 = arith.constant 0 : i32
      %dma_start3A_221 = tpu.memref_slice %arg7[%run_scoped3A_16, %dma_start3A_219, %dma_start3A_220] : memref<4x64x128xf32, #tpu.memory_space<vmem>> -> memref<1x64x128xf32, #tpu.memory_space<vmem>>
      %dma_start3A_222 = tpu.memref_squeeze %dma_start3A_221 : memref<1x64x128xf32, #tpu.memory_space<vmem>> -> memref<64x128xf32, #tpu.memory_space<vmem>>
      %dma_start3A_223 = arith.constant 0 : i32
      %dma_start3A_224 = tpu.memref_slice %arg8[%add3A_15, %dma_start3A_223] : memref<10240x128xf32, #tpu.memory_space<vmem_shared>> -> memref<64x128xf32, #tpu.memory_space<vmem_shared>>
      %dma_start3A_225 = arith.constant 0 : i32
      %dma_start3A_226 = tpu.memref_slice %arg8[%add3A_15, %dma_start3A_225] : memref<10240x128xf32, #tpu.memory_space<vmem_shared>> -> memref<64x128xf32, #tpu.memory_space<vmem_shared>>
      %dma_start3A_227 = arith.constant 0 : i32
      %dma_start3A_228 = arith.constant 0 : i32
      %dma_start3A_229 = tpu.memref_slice %arg7[%run_scoped3A_16, %dma_start3A_227, %dma_start3A_228] : memref<4x64x128xf32, #tpu.memory_space<vmem>> -> memref<1x64x128xf32, #tpu.memory_space<vmem>>
      %dma_start3A_230 = tpu.memref_squeeze %dma_start3A_229 : memref<1x64x128xf32, #tpu.memory_space<vmem>> -> memref<64x128xf32, #tpu.memory_space<vmem>>
      tpu.enqueue_dma source(%dma_start3A_230 : memref<64x128xf32, #tpu.memory_space<vmem>>) target(%dma_start3A_226 : memref<64x128xf32, #tpu.memory_space<vmem_shared>>) target_semaphore(%run_scoped3A_218 : memref<!tpu.dma_semaphore, #tpu.memory_space<semaphore_mem>>)
      %dma_wait3A_231 = arith.constant 0 : i32
      %dma_wait3A_232 = arith.constant 0 : i32
      %dma_wait3A_233 = tpu.memref_slice %arg7[%run_scoped3A_16, %dma_wait3A_231, %dma_wait3A_232] : memref<4x64x128xf32, #tpu.memory_space<vmem>> -> memref<1x64x128xf32, #tpu.memory_space<vmem>>
      %dma_wait3A_234 = tpu.memref_squeeze %dma_wait3A_233 : memref<1x64x128xf32, #tpu.memory_space<vmem>> -> memref<64x128xf32, #tpu.memory_space<vmem>>
      %dma_wait3A_235 = arith.constant 0 : i32
      %dma_wait3A_236 = tpu.memref_slice %arg8[%add3A_15, %dma_wait3A_235] : memref<10240x128xf32, #tpu.memory_space<vmem_shared>> -> memref<64x128xf32, #tpu.memory_space<vmem_shared>>
      %dma_wait3A_237 = arith.constant 0 : i32
      %dma_wait3A_238 = tpu.memref_slice %arg8[%add3A_15, %dma_wait3A_237] : memref<10240x128xf32, #tpu.memory_space<vmem_shared>> -> memref<64x128xf32, #tpu.memory_space<vmem_shared>>
      %dma_wait3A_239 = arith.constant 0 : i32
      %dma_wait3A_240 = arith.constant 0 : i32
      %dma_wait3A_241 = tpu.memref_slice %arg7[%run_scoped3A_16, %dma_wait3A_239, %dma_wait3A_240] : memref<4x64x128xf32, #tpu.memory_space<vmem>> -> memref<1x64x128xf32, #tpu.memory_space<vmem>>
      %dma_wait3A_242 = tpu.memref_squeeze %dma_wait3A_241 : memref<1x64x128xf32, #tpu.memory_space<vmem>> -> memref<64x128xf32, #tpu.memory_space<vmem>>
      tpu.wait_dma2 semaphore(%run_scoped3A_218 : memref<!tpu.dma_semaphore, #tpu.memory_space<semaphore_mem>>) src(%dma_wait3A_242 : memref<64x128xf32, #tpu.memory_space<vmem>>) dst(%dma_wait3A_238 : memref<64x128xf32, #tpu.memory_space<vmem_shared>>)
      tpu.yield
    }) : () -> ()
    %mul3A_17 = arith.constant 640 : i32
    %mul3A_18 = arith.muli %arg1, %mul3A_17 : i32
    %add3A_19 = arith.constant 128 : i32
    %add3A_20 = arith.addi %mul3A_18, %add3A_19 : i32
    %run_scoped3A_21 = arith.constant 0 : i32
    "tpu.region"() ({
      %run_scoped3A_218 = tpu.sem_alloc : memref<!tpu.dma_semaphore, #tpu.memory_space<semaphore_mem>>
      %dma_start3A_219 = arith.constant 0 : i32
      %dma_start3A_220 = arith.constant 0 : i32
      %dma_start3A_221 = tpu.memref_slice %arg7[%run_scoped3A_21, %dma_start3A_219, %dma_start3A_220] : memref<4x64x128xf32, #tpu.memory_space<vmem>> -> memref<1x64x128xf32, #tpu.memory_space<vmem>>
      %dma_start3A_222 = tpu.memref_squeeze %dma_start3A_221 : memref<1x64x128xf32, #tpu.memory_space<vmem>> -> memref<64x128xf32, #tpu.memory_space<vmem>>
      %dma_start3A_223 = arith.constant 0 : i32
      %dma_start3A_224 = tpu.memref_slice %arg8[%add3A_20, %dma_start3A_223] : memref<10240x128xf32, #tpu.memory_space<vmem_shared>> -> memref<64x128xf32, #tpu.memory_space<vmem_shared>>
      %dma_start3A_225 = arith.constant 0 : i32
      %dma_start3A_226 = tpu.memref_slice %arg8[%add3A_20, %dma_start3A_225] : memref<10240x128xf32, #tpu.memory_space<vmem_shared>> -> memref<64x128xf32, #tpu.memory_space<vmem_shared>>
      %dma_start3A_227 = arith.constant 0 : i32
      %dma_start3A_228 = arith.constant 0 : i32
      %dma_start3A_229 = tpu.memref_slice %arg7[%run_scoped3A_21, %dma_start3A_227, %dma_start3A_228] : memref<4x64x128xf32, #tpu.memory_space<vmem>> -> memref<1x64x128xf32, #tpu.memory_space<vmem>>
      %dma_start3A_230 = tpu.memref_squeeze %dma_start3A_229 : memref<1x64x128xf32, #tpu.memory_space<vmem>> -> memref<64x128xf32, #tpu.memory_space<vmem>>
      tpu.enqueue_dma source(%dma_start3A_230 : memref<64x128xf32, #tpu.memory_space<vmem>>) target(%dma_start3A_226 : memref<64x128xf32, #tpu.memory_space<vmem_shared>>) target_semaphore(%run_scoped3A_218 : memref<!tpu.dma_semaphore, #tpu.memory_space<semaphore_mem>>)
      %dma_wait3A_231 = arith.constant 0 : i32
      %dma_wait3A_232 = arith.constant 0 : i32
      %dma_wait3A_233 = tpu.memref_slice %arg7[%run_scoped3A_21, %dma_wait3A_231, %dma_wait3A_232] : memref<4x64x128xf32, #tpu.memory_space<vmem>> -> memref<1x64x128xf32, #tpu.memory_space<vmem>>
      %dma_wait3A_234 = tpu.memref_squeeze %dma_wait3A_233 : memref<1x64x128xf32, #tpu.memory_space<vmem>> -> memref<64x128xf32, #tpu.memory_space<vmem>>
      %dma_wait3A_235 = arith.constant 0 : i32
      %dma_wait3A_236 = tpu.memref_slice %arg8[%add3A_20, %dma_wait3A_235] : memref<10240x128xf32, #tpu.memory_space<vmem_shared>> -> memref<64x128xf32, #tpu.memory_space<vmem_shared>>
      %dma_wait3A_237 = arith.constant 0 : i32
      %dma_wait3A_238 = tpu.memref_slice %arg8[%add3A_20, %dma_wait3A_237] : memref<10240x128xf32, #tpu.memory_space<vmem_shared>> -> memref<64x128xf32, #tpu.memory_space<vmem_shared>>
      %dma_wait3A_239 = arith.constant 0 : i32
      %dma_wait3A_240 = arith.constant 0 : i32
      %dma_wait3A_241 = tpu.memref_slice %arg7[%run_scoped3A_21, %dma_wait3A_239, %dma_wait3A_240] : memref<4x64x128xf32, #tpu.memory_space<vmem>> -> memref<1x64x128xf32, #tpu.memory_space<vmem>>
      %dma_wait3A_242 = tpu.memref_squeeze %dma_wait3A_241 : memref<1x64x128xf32, #tpu.memory_space<vmem>> -> memref<64x128xf32, #tpu.memory_space<vmem>>
      tpu.wait_dma2 semaphore(%run_scoped3A_218 : memref<!tpu.dma_semaphore, #tpu.memory_space<semaphore_mem>>) src(%dma_wait3A_242 : memref<64x128xf32, #tpu.memory_space<vmem>>) dst(%dma_wait3A_238 : memref<64x128xf32, #tpu.memory_space<vmem_shared>>)
      tpu.yield
    }) : () -> ()
    %mul3A_22 = arith.constant 640 : i32
    %mul3A_23 = arith.muli %arg1, %mul3A_22 : i32
    %add3A_24 = arith.constant 192 : i32
    %add3A_25 = arith.addi %mul3A_23, %add3A_24 : i32
    %run_scoped3A_26 = arith.constant 0 : i32
    "tpu.region"() ({
      %run_scoped3A_218 = tpu.sem_alloc : memref<!tpu.dma_semaphore, #tpu.memory_space<semaphore_mem>>
      %dma_start3A_219 = arith.constant 0 : i32
      %dma_start3A_220 = arith.constant 0 : i32
      %dma_start3A_221 = tpu.memref_slice %arg7[%run_scoped3A_26, %dma_start3A_219, %dma_start3A_220] : memref<4x64x128xf32, #tpu.memory_space<vmem>> -> memref<1x64x128xf32, #tpu.memory_space<vmem>>
      %dma_start3A_222 = tpu.memref_squeeze %dma_start3A_221 : memref<1x64x128xf32, #tpu.memory_space<vmem>> -> memref<64x128xf32, #tpu.memory_space<vmem>>
      %dma_start3A_223 = arith.constant 0 : i32
      %dma_start3A_224 = tpu.memref_slice %arg8[%add3A_25, %dma_start3A_223] : memref<10240x128xf32, #tpu.memory_space<vmem_shared>> -> memref<64x128xf32, #tpu.memory_space<vmem_shared>>
      %dma_start3A_225 = arith.constant 0 : i32
      %dma_start3A_226 = tpu.memref_slice %arg8[%add3A_25, %dma_start3A_225] : memref<10240x128xf32, #tpu.memory_space<vmem_shared>> -> memref<64x128xf32, #tpu.memory_space<vmem_shared>>
      %dma_start3A_227 = arith.constant 0 : i32
      %dma_start3A_228 = arith.constant 0 : i32
      %dma_start3A_229 = tpu.memref_slice %arg7[%run_scoped3A_26, %dma_start3A_227, %dma_start3A_228] : memref<4x64x128xf32, #tpu.memory_space<vmem>> -> memref<1x64x128xf32, #tpu.memory_space<vmem>>
      %dma_start3A_230 = tpu.memref_squeeze %dma_start3A_229 : memref<1x64x128xf32, #tpu.memory_space<vmem>> -> memref<64x128xf32, #tpu.memory_space<vmem>>
      tpu.enqueue_dma source(%dma_start3A_230 : memref<64x128xf32, #tpu.memory_space<vmem>>) target(%dma_start3A_226 : memref<64x128xf32, #tpu.memory_space<vmem_shared>>) target_semaphore(%run_scoped3A_218 : memref<!tpu.dma_semaphore, #tpu.memory_space<semaphore_mem>>)
      %dma_wait3A_231 = arith.constant 0 : i32
      %dma_wait3A_232 = arith.constant 0 : i32
      %dma_wait3A_233 = tpu.memref_slice %arg7[%run_scoped3A_26, %dma_wait3A_231, %dma_wait3A_232] : memref<4x64x128xf32, #tpu.memory_space<vmem>> -> memref<1x64x128xf32, #tpu.memory_space<vmem>>
      %dma_wait3A_234 = tpu.memref_squeeze %dma_wait3A_233 : memref<1x64x128xf32, #tpu.memory_space<vmem>> -> memref<64x128xf32, #tpu.memory_space<vmem>>
      %dma_wait3A_235 = arith.constant 0 : i32
      %dma_wait3A_236 = tpu.memref_slice %arg8[%add3A_25, %dma_wait3A_235] : memref<10240x128xf32, #tpu.memory_space<vmem_shared>> -> memref<64x128xf32, #tpu.memory_space<vmem_shared>>
      %dma_wait3A_237 = arith.constant 0 : i32
      %dma_wait3A_238 = tpu.memref_slice %arg8[%add3A_25, %dma_wait3A_237] : memref<10240x128xf32, #tpu.memory_space<vmem_shared>> -> memref<64x128xf32, #tpu.memory_space<vmem_shared>>
      %dma_wait3A_239 = arith.constant 0 : i32
      %dma_wait3A_240 = arith.constant 0 : i32
      %dma_wait3A_241 = tpu.memref_slice %arg7[%run_scoped3A_26, %dma_wait3A_239, %dma_wait3A_240] : memref<4x64x128xf32, #tpu.memory_space<vmem>> -> memref<1x64x128xf32, #tpu.memory_space<vmem>>
      %dma_wait3A_242 = tpu.memref_squeeze %dma_wait3A_241 : memref<1x64x128xf32, #tpu.memory_space<vmem>> -> memref<64x128xf32, #tpu.memory_space<vmem>>
      tpu.wait_dma2 semaphore(%run_scoped3A_218 : memref<!tpu.dma_semaphore, #tpu.memory_space<semaphore_mem>>) src(%dma_wait3A_242 : memref<64x128xf32, #tpu.memory_space<vmem>>) dst(%dma_wait3A_238 : memref<64x128xf32, #tpu.memory_space<vmem_shared>>)
      tpu.yield
    }) : () -> ()
    %mul3A_27 = arith.constant 640 : i32
    %mul3A_28 = arith.muli %arg1, %mul3A_27 : i32
    %add3A_29 = arith.constant 256 : i32
    %add3A_30 = arith.addi %mul3A_28, %add3A_29 : i32
    %run_scoped3A_31 = arith.constant 0 : i32
    "tpu.region"() ({
      %run_scoped3A_218 = tpu.sem_alloc : memref<!tpu.dma_semaphore, #tpu.memory_space<semaphore_mem>>
      %dma_start3A_219 = arith.constant 0 : i32
      %dma_start3A_220 = arith.constant 0 : i32
      %dma_start3A_221 = tpu.memref_slice %arg7[%run_scoped3A_31, %dma_start3A_219, %dma_start3A_220] : memref<4x64x128xf32, #tpu.memory_space<vmem>> -> memref<1x64x128xf32, #tpu.memory_space<vmem>>
      %dma_start3A_222 = tpu.memref_squeeze %dma_start3A_221 : memref<1x64x128xf32, #tpu.memory_space<vmem>> -> memref<64x128xf32, #tpu.memory_space<vmem>>
      %dma_start3A_223 = arith.constant 0 : i32
      %dma_start3A_224 = tpu.memref_slice %arg8[%add3A_30, %dma_start3A_223] : memref<10240x128xf32, #tpu.memory_space<vmem_shared>> -> memref<64x128xf32, #tpu.memory_space<vmem_shared>>
      %dma_start3A_225 = arith.constant 0 : i32
      %dma_start3A_226 = tpu.memref_slice %arg8[%add3A_30, %dma_start3A_225] : memref<10240x128xf32, #tpu.memory_space<vmem_shared>> -> memref<64x128xf32, #tpu.memory_space<vmem_shared>>
      %dma_start3A_227 = arith.constant 0 : i32
      %dma_start3A_228 = arith.constant 0 : i32
      %dma_start3A_229 = tpu.memref_slice %arg7[%run_scoped3A_31, %dma_start3A_227, %dma_start3A_228] : memref<4x64x128xf32, #tpu.memory_space<vmem>> -> memref<1x64x128xf32, #tpu.memory_space<vmem>>
      %dma_start3A_230 = tpu.memref_squeeze %dma_start3A_229 : memref<1x64x128xf32, #tpu.memory_space<vmem>> -> memref<64x128xf32, #tpu.memory_space<vmem>>
      tpu.enqueue_dma source(%dma_start3A_230 : memref<64x128xf32, #tpu.memory_space<vmem>>) target(%dma_start3A_226 : memref<64x128xf32, #tpu.memory_space<vmem_shared>>) target_semaphore(%run_scoped3A_218 : memref<!tpu.dma_semaphore, #tpu.memory_space<semaphore_mem>>)
      %dma_wait3A_231 = arith.constant 0 : i32
      %dma_wait3A_232 = arith.constant 0 : i32
      %dma_wait3A_233 = tpu.memref_slice %arg7[%run_scoped3A_31, %dma_wait3A_231, %dma_wait3A_232] : memref<4x64x128xf32, #tpu.memory_space<vmem>> -> memref<1x64x128xf32, #tpu.memory_space<vmem>>
      %dma_wait3A_234 = tpu.memref_squeeze %dma_wait3A_233 : memref<1x64x128xf32, #tpu.memory_space<vmem>> -> memref<64x128xf32, #tpu.memory_space<vmem>>
      %dma_wait3A_235 = arith.constant 0 : i32
      %dma_wait3A_236 = tpu.memref_slice %arg8[%add3A_30, %dma_wait3A_235] : memref<10240x128xf32, #tpu.memory_space<vmem_shared>> -> memref<64x128xf32, #tpu.memory_space<vmem_shared>>
      %dma_wait3A_237 = arith.constant 0 : i32
      %dma_wait3A_238 = tpu.memref_slice %arg8[%add3A_30, %dma_wait3A_237] : memref<10240x128xf32, #tpu.memory_space<vmem_shared>> -> memref<64x128xf32, #tpu.memory_space<vmem_shared>>
      %dma_wait3A_239 = arith.constant 0 : i32
      %dma_wait3A_240 = arith.constant 0 : i32
      %dma_wait3A_241 = tpu.memref_slice %arg7[%run_scoped3A_31, %dma_wait3A_239, %dma_wait3A_240] : memref<4x64x128xf32, #tpu.memory_space<vmem>> -> memref<1x64x128xf32, #tpu.memory_space<vmem>>
      %dma_wait3A_242 = tpu.memref_squeeze %dma_wait3A_241 : memref<1x64x128xf32, #tpu.memory_space<vmem>> -> memref<64x128xf32, #tpu.memory_space<vmem>>
      tpu.wait_dma2 semaphore(%run_scoped3A_218 : memref<!tpu.dma_semaphore, #tpu.memory_space<semaphore_mem>>) src(%dma_wait3A_242 : memref<64x128xf32, #tpu.memory_space<vmem>>) dst(%dma_wait3A_238 : memref<64x128xf32, #tpu.memory_space<vmem_shared>>)
      tpu.yield
    }) : () -> ()
    %mul3A_32 = arith.constant 640 : i32
    %mul3A_33 = arith.muli %arg1, %mul3A_32 : i32
    %add3A_34 = arith.constant 320 : i32
    %add3A_35 = arith.addi %mul3A_33, %add3A_34 : i32
    %run_scoped3A_36 = arith.constant 0 : i32
    "tpu.region"() ({
      %run_scoped3A_218 = tpu.sem_alloc : memref<!tpu.dma_semaphore, #tpu.memory_space<semaphore_mem>>
      %dma_start3A_219 = arith.constant 0 : i32
      %dma_start3A_220 = arith.constant 0 : i32
      %dma_start3A_221 = tpu.memref_slice %arg7[%run_scoped3A_36, %dma_start3A_219, %dma_start3A_220] : memref<4x64x128xf32, #tpu.memory_space<vmem>> -> memref<1x64x128xf32, #tpu.memory_space<vmem>>
      %dma_start3A_222 = tpu.memref_squeeze %dma_start3A_221 : memref<1x64x128xf32, #tpu.memory_space<vmem>> -> memref<64x128xf32, #tpu.memory_space<vmem>>
      %dma_start3A_223 = arith.constant 0 : i32
      %dma_start3A_224 = tpu.memref_slice %arg8[%add3A_35, %dma_start3A_223] : memref<10240x128xf32, #tpu.memory_space<vmem_shared>> -> memref<64x128xf32, #tpu.memory_space<vmem_shared>>
      %dma_start3A_225 = arith.constant 0 : i32
      %dma_start3A_226 = tpu.memref_slice %arg8[%add3A_35, %dma_start3A_225] : memref<10240x128xf32, #tpu.memory_space<vmem_shared>> -> memref<64x128xf32, #tpu.memory_space<vmem_shared>>
      %dma_start3A_227 = arith.constant 0 : i32
      %dma_start3A_228 = arith.constant 0 : i32
      %dma_start3A_229 = tpu.memref_slice %arg7[%run_scoped3A_36, %dma_start3A_227, %dma_start3A_228] : memref<4x64x128xf32, #tpu.memory_space<vmem>> -> memref<1x64x128xf32, #tpu.memory_space<vmem>>
      %dma_start3A_230 = tpu.memref_squeeze %dma_start3A_229 : memref<1x64x128xf32, #tpu.memory_space<vmem>> -> memref<64x128xf32, #tpu.memory_space<vmem>>
      tpu.enqueue_dma source(%dma_start3A_230 : memref<64x128xf32, #tpu.memory_space<vmem>>) target(%dma_start3A_226 : memref<64x128xf32, #tpu.memory_space<vmem_shared>>) target_semaphore(%run_scoped3A_218 : memref<!tpu.dma_semaphore, #tpu.memory_space<semaphore_mem>>)
      %dma_wait3A_231 = arith.constant 0 : i32
      %dma_wait3A_232 = arith.constant 0 : i32
      %dma_wait3A_233 = tpu.memref_slice %arg7[%run_scoped3A_36, %dma_wait3A_231, %dma_wait3A_232] : memref<4x64x128xf32, #tpu.memory_space<vmem>> -> memref<1x64x128xf32, #tpu.memory_space<vmem>>
      %dma_wait3A_234 = tpu.memref_squeeze %dma_wait3A_233 : memref<1x64x128xf32, #tpu.memory_space<vmem>> -> memref<64x128xf32, #tpu.memory_space<vmem>>
      %dma_wait3A_235 = arith.constant 0 : i32
      %dma_wait3A_236 = tpu.memref_slice %arg8[%add3A_35, %dma_wait3A_235] : memref<10240x128xf32, #tpu.memory_space<vmem_shared>> -> memref<64x128xf32, #tpu.memory_space<vmem_shared>>
      %dma_wait3A_237 = arith.constant 0 : i32
      %dma_wait3A_238 = tpu.memref_slice %arg8[%add3A_35, %dma_wait3A_237] : memref<10240x128xf32, #tpu.memory_space<vmem_shared>> -> memref<64x128xf32, #tpu.memory_space<vmem_shared>>
      %dma_wait3A_239 = arith.constant 0 : i32
      %dma_wait3A_240 = arith.constant 0 : i32
      %dma_wait3A_241 = tpu.memref_slice %arg7[%run_scoped3A_36, %dma_wait3A_239, %dma_wait3A_240] : memref<4x64x128xf32, #tpu.memory_space<vmem>> -> memref<1x64x128xf32, #tpu.memory_space<vmem>>
      %dma_wait3A_242 = tpu.memref_squeeze %dma_wait3A_241 : memref<1x64x128xf32, #tpu.memory_space<vmem>> -> memref<64x128xf32, #tpu.memory_space<vmem>>
      tpu.wait_dma2 semaphore(%run_scoped3A_218 : memref<!tpu.dma_semaphore, #tpu.memory_space<semaphore_mem>>) src(%dma_wait3A_242 : memref<64x128xf32, #tpu.memory_space<vmem>>) dst(%dma_wait3A_238 : memref<64x128xf32, #tpu.memory_space<vmem_shared>>)
      tpu.yield
    }) : () -> ()
    %mul3A_37 = arith.constant 640 : i32
    %mul3A_38 = arith.muli %arg1, %mul3A_37 : i32
    %add3A_39 = arith.constant 384 : i32
    %add3A_40 = arith.addi %mul3A_38, %add3A_39 : i32
    %run_scoped3A_41 = arith.constant 0 : i32
    "tpu.region"() ({
      %run_scoped3A_218 = tpu.sem_alloc : memref<!tpu.dma_semaphore, #tpu.memory_space<semaphore_mem>>
      %dma_start3A_219 = arith.constant 0 : i32
      %dma_start3A_220 = arith.constant 0 : i32
      %dma_start3A_221 = tpu.memref_slice %arg7[%run_scoped3A_41, %dma_start3A_219, %dma_start3A_220] : memref<4x64x128xf32, #tpu.memory_space<vmem>> -> memref<1x64x128xf32, #tpu.memory_space<vmem>>
      %dma_start3A_222 = tpu.memref_squeeze %dma_start3A_221 : memref<1x64x128xf32, #tpu.memory_space<vmem>> -> memref<64x128xf32, #tpu.memory_space<vmem>>
      %dma_start3A_223 = arith.constant 0 : i32
      %dma_start3A_224 = tpu.memref_slice %arg8[%add3A_40, %dma_start3A_223] : memref<10240x128xf32, #tpu.memory_space<vmem_shared>> -> memref<64x128xf32, #tpu.memory_space<vmem_shared>>
      %dma_start3A_225 = arith.constant 0 : i32
      %dma_start3A_226 = tpu.memref_slice %arg8[%add3A_40, %dma_start3A_225] : memref<10240x128xf32, #tpu.memory_space<vmem_shared>> -> memref<64x128xf32, #tpu.memory_space<vmem_shared>>
      %dma_start3A_227 = arith.constant 0 : i32
      %dma_start3A_228 = arith.constant 0 : i32
      %dma_start3A_229 = tpu.memref_slice %arg7[%run_scoped3A_41, %dma_start3A_227, %dma_start3A_228] : memref<4x64x128xf32, #tpu.memory_space<vmem>> -> memref<1x64x128xf32, #tpu.memory_space<vmem>>
      %dma_start3A_230 = tpu.memref_squeeze %dma_start3A_229 : memref<1x64x128xf32, #tpu.memory_space<vmem>> -> memref<64x128xf32, #tpu.memory_space<vmem>>
      tpu.enqueue_dma source(%dma_start3A_230 : memref<64x128xf32, #tpu.memory_space<vmem>>) target(%dma_start3A_226 : memref<64x128xf32, #tpu.memory_space<vmem_shared>>) target_semaphore(%run_scoped3A_218 : memref<!tpu.dma_semaphore, #tpu.memory_space<semaphore_mem>>)
      %dma_wait3A_231 = arith.constant 0 : i32
      %dma_wait3A_232 = arith.constant 0 : i32
      %dma_wait3A_233 = tpu.memref_slice %arg7[%run_scoped3A_41, %dma_wait3A_231, %dma_wait3A_232] : memref<4x64x128xf32, #tpu.memory_space<vmem>> -> memref<1x64x128xf32, #tpu.memory_space<vmem>>
      %dma_wait3A_234 = tpu.memref_squeeze %dma_wait3A_233 : memref<1x64x128xf32, #tpu.memory_space<vmem>> -> memref<64x128xf32, #tpu.memory_space<vmem>>
      %dma_wait3A_235 = arith.constant 0 : i32
      %dma_wait3A_236 = tpu.memref_slice %arg8[%add3A_40, %dma_wait3A_235] : memref<10240x128xf32, #tpu.memory_space<vmem_shared>> -> memref<64x128xf32, #tpu.memory_space<vmem_shared>>
      %dma_wait3A_237 = arith.constant 0 : i32
      %dma_wait3A_238 = tpu.memref_slice %arg8[%add3A_40, %dma_wait3A_237] : memref<10240x128xf32, #tpu.memory_space<vmem_shared>> -> memref<64x128xf32, #tpu.memory_space<vmem_shared>>
      %dma_wait3A_239 = arith.constant 0 : i32
      %dma_wait3A_240 = arith.constant 0 : i32
      %dma_wait3A_241 = tpu.memref_slice %arg7[%run_scoped3A_41, %dma_wait3A_239, %dma_wait3A_240] : memref<4x64x128xf32, #tpu.memory_space<vmem>> -> memref<1x64x128xf32, #tpu.memory_space<vmem>>
      %dma_wait3A_242 = tpu.memref_squeeze %dma_wait3A_241 : memref<1x64x128xf32, #tpu.memory_space<vmem>> -> memref<64x128xf32, #tpu.memory_space<vmem>>
      tpu.wait_dma2 semaphore(%run_scoped3A_218 : memref<!tpu.dma_semaphore, #tpu.memory_space<semaphore_mem>>) src(%dma_wait3A_242 : memref<64x128xf32, #tpu.memory_space<vmem>>) dst(%dma_wait3A_238 : memref<64x128xf32, #tpu.memory_space<vmem_shared>>)
      tpu.yield
    }) : () -> ()
    %mul3A_42 = arith.constant 640 : i32
    %mul3A_43 = arith.muli %arg1, %mul3A_42 : i32
    %add3A_44 = arith.constant 448 : i32
    %add3A_45 = arith.addi %mul3A_43, %add3A_44 : i32
    %run_scoped3A_46 = arith.constant 0 : i32
    "tpu.region"() ({
      %run_scoped3A_218 = tpu.sem_alloc : memref<!tpu.dma_semaphore, #tpu.memory_space<semaphore_mem>>
      %dma_start3A_219 = arith.constant 0 : i32
      %dma_start3A_220 = arith.constant 0 : i32
      %dma_start3A_221 = tpu.memref_slice %arg7[%run_scoped3A_46, %dma_start3A_219, %dma_start3A_220] : memref<4x64x128xf32, #tpu.memory_space<vmem>> -> memref<1x64x128xf32, #tpu.memory_space<vmem>>
      %dma_start3A_222 = tpu.memref_squeeze %dma_start3A_221 : memref<1x64x128xf32, #tpu.memory_space<vmem>> -> memref<64x128xf32, #tpu.memory_space<vmem>>
      %dma_start3A_223 = arith.constant 0 : i32
      %dma_start3A_224 = tpu.memref_slice %arg8[%add3A_45, %dma_start3A_223] : memref<10240x128xf32, #tpu.memory_space<vmem_shared>> -> memref<64x128xf32, #tpu.memory_space<vmem_shared>>
      %dma_start3A_225 = arith.constant 0 : i32
      %dma_start3A_226 = tpu.memref_slice %arg8[%add3A_45, %dma_start3A_225] : memref<10240x128xf32, #tpu.memory_space<vmem_shared>> -> memref<64x128xf32, #tpu.memory_space<vmem_shared>>
      %dma_start3A_227 = arith.constant 0 : i32
      %dma_start3A_228 = arith.constant 0 : i32
      %dma_start3A_229 = tpu.memref_slice %arg7[%run_scoped3A_46, %dma_start3A_227, %dma_start3A_228] : memref<4x64x128xf32, #tpu.memory_space<vmem>> -> memref<1x64x128xf32, #tpu.memory_space<vmem>>
      %dma_start3A_230 = tpu.memref_squeeze %dma_start3A_229 : memref<1x64x128xf32, #tpu.memory_space<vmem>> -> memref<64x128xf32, #tpu.memory_space<vmem>>
      tpu.enqueue_dma source(%dma_start3A_230 : memref<64x128xf32, #tpu.memory_space<vmem>>) target(%dma_start3A_226 : memref<64x128xf32, #tpu.memory_space<vmem_shared>>) target_semaphore(%run_scoped3A_218 : memref<!tpu.dma_semaphore, #tpu.memory_space<semaphore_mem>>)
      %dma_wait3A_231 = arith.constant 0 : i32
      %dma_wait3A_232 = arith.constant 0 : i32
      %dma_wait3A_233 = tpu.memref_slice %arg7[%run_scoped3A_46, %dma_wait3A_231, %dma_wait3A_232] : memref<4x64x128xf32, #tpu.memory_space<vmem>> -> memref<1x64x128xf32, #tpu.memory_space<vmem>>
      %dma_wait3A_234 = tpu.memref_squeeze %dma_wait3A_233 : memref<1x64x128xf32, #tpu.memory_space<vmem>> -> memref<64x128xf32, #tpu.memory_space<vmem>>
      %dma_wait3A_235 = arith.constant 0 : i32
      %dma_wait3A_236 = tpu.memref_slice %arg8[%add3A_45, %dma_wait3A_235] : memref<10240x128xf32, #tpu.memory_space<vmem_shared>> -> memref<64x128xf32, #tpu.memory_space<vmem_shared>>
      %dma_wait3A_237 = arith.constant 0 : i32
      %dma_wait3A_238 = tpu.memref_slice %arg8[%add3A_45, %dma_wait3A_237] : memref<10240x128xf32, #tpu.memory_space<vmem_shared>> -> memref<64x128xf32, #tpu.memory_space<vmem_shared>>
      %dma_wait3A_239 = arith.constant 0 : i32
      %dma_wait3A_240 = arith.constant 0 : i32
      %dma_wait3A_241 = tpu.memref_slice %arg7[%run_scoped3A_46, %dma_wait3A_239, %dma_wait3A_240] : memref<4x64x128xf32, #tpu.memory_space<vmem>> -> memref<1x64x128xf32, #tpu.memory_space<vmem>>
      %dma_wait3A_242 = tpu.memref_squeeze %dma_wait3A_241 : memref<1x64x128xf32, #tpu.memory_space<vmem>> -> memref<64x128xf32, #tpu.memory_space<vmem>>
      tpu.wait_dma2 semaphore(%run_scoped3A_218 : memref<!tpu.dma_semaphore, #tpu.memory_space<semaphore_mem>>) src(%dma_wait3A_242 : memref<64x128xf32, #tpu.memory_space<vmem>>) dst(%dma_wait3A_238 : memref<64x128xf32, #tpu.memory_space<vmem_shared>>)
      tpu.yield
    }) : () -> ()
    %mul3A_47 = arith.constant 640 : i32
    %mul3A_48 = arith.muli %arg1, %mul3A_47 : i32
    %add3A_49 = arith.constant 512 : i32
    %add3A_50 = arith.addi %mul3A_48, %add3A_49 : i32
    %run_scoped3A_51 = arith.constant 0 : i32
    "tpu.region"() ({
      %run_scoped3A_218 = tpu.sem_alloc : memref<!tpu.dma_semaphore, #tpu.memory_space<semaphore_mem>>
      %dma_start3A_219 = arith.constant 0 : i32
      %dma_start3A_220 = arith.constant 0 : i32
      %dma_start3A_221 = tpu.memref_slice %arg7[%run_scoped3A_51, %dma_start3A_219, %dma_start3A_220] : memref<4x64x128xf32, #tpu.memory_space<vmem>> -> memref<1x64x128xf32, #tpu.memory_space<vmem>>
      %dma_start3A_222 = tpu.memref_squeeze %dma_start3A_221 : memref<1x64x128xf32, #tpu.memory_space<vmem>> -> memref<64x128xf32, #tpu.memory_space<vmem>>
      %dma_start3A_223 = arith.constant 0 : i32
      %dma_start3A_224 = tpu.memref_slice %arg8[%add3A_50, %dma_start3A_223] : memref<10240x128xf32, #tpu.memory_space<vmem_shared>> -> memref<64x128xf32, #tpu.memory_space<vmem_shared>>
      %dma_start3A_225 = arith.constant 0 : i32
      %dma_start3A_226 = tpu.memref_slice %arg8[%add3A_50, %dma_start3A_225] : memref<10240x128xf32, #tpu.memory_space<vmem_shared>> -> memref<64x128xf32, #tpu.memory_space<vmem_shared>>
      %dma_start3A_227 = arith.constant 0 : i32
      %dma_start3A_228 = arith.constant 0 : i32
      %dma_start3A_229 = tpu.memref_slice %arg7[%run_scoped3A_51, %dma_start3A_227, %dma_start3A_228] : memref<4x64x128xf32, #tpu.memory_space<vmem>> -> memref<1x64x128xf32, #tpu.memory_space<vmem>>
      %dma_start3A_230 = tpu.memref_squeeze %dma_start3A_229 : memref<1x64x128xf32, #tpu.memory_space<vmem>> -> memref<64x128xf32, #tpu.memory_space<vmem>>
      tpu.enqueue_dma source(%dma_start3A_230 : memref<64x128xf32, #tpu.memory_space<vmem>>) target(%dma_start3A_226 : memref<64x128xf32, #tpu.memory_space<vmem_shared>>) target_semaphore(%run_scoped3A_218 : memref<!tpu.dma_semaphore, #tpu.memory_space<semaphore_mem>>)
      %dma_wait3A_231 = arith.constant 0 : i32
      %dma_wait3A_232 = arith.constant 0 : i32
      %dma_wait3A_233 = tpu.memref_slice %arg7[%run_scoped3A_51, %dma_wait3A_231, %dma_wait3A_232] : memref<4x64x128xf32, #tpu.memory_space<vmem>> -> memref<1x64x128xf32, #tpu.memory_space<vmem>>
      %dma_wait3A_234 = tpu.memref_squeeze %dma_wait3A_233 : memref<1x64x128xf32, #tpu.memory_space<vmem>> -> memref<64x128xf32, #tpu.memory_space<vmem>>
      %dma_wait3A_235 = arith.constant 0 : i32
      %dma_wait3A_236 = tpu.memref_slice %arg8[%add3A_50, %dma_wait3A_235] : memref<10240x128xf32, #tpu.memory_space<vmem_shared>> -> memref<64x128xf32, #tpu.memory_space<vmem_shared>>
      %dma_wait3A_237 = arith.constant 0 : i32
      %dma_wait3A_238 = tpu.memref_slice %arg8[%add3A_50, %dma_wait3A_237] : memref<10240x128xf32, #tpu.memory_space<vmem_shared>> -> memref<64x128xf32, #tpu.memory_space<vmem_shared>>
      %dma_wait3A_239 = arith.constant 0 : i32
      %dma_wait3A_240 = arith.constant 0 : i32
      %dma_wait3A_241 = tpu.memref_slice %arg7[%run_scoped3A_51, %dma_wait3A_239, %dma_wait3A_240] : memref<4x64x128xf32, #tpu.memory_space<vmem>> -> memref<1x64x128xf32, #tpu.memory_space<vmem>>
      %dma_wait3A_242 = tpu.memref_squeeze %dma_wait3A_241 : memref<1x64x128xf32, #tpu.memory_space<vmem>> -> memref<64x128xf32, #tpu.memory_space<vmem>>
      tpu.wait_dma2 semaphore(%run_scoped3A_218 : memref<!tpu.dma_semaphore, #tpu.memory_space<semaphore_mem>>) src(%dma_wait3A_242 : memref<64x128xf32, #tpu.memory_space<vmem>>) dst(%dma_wait3A_238 : memref<64x128xf32, #tpu.memory_space<vmem_shared>>)
      tpu.yield
    }) : () -> ()
    %mul3A_52 = arith.constant 640 : i32
    %mul3A_53 = arith.muli %arg1, %mul3A_52 : i32
    %add3A_54 = arith.constant 576 : i32
    %add3A_55 = arith.addi %mul3A_53, %add3A_54 : i32
    %run_scoped3A_56 = arith.constant 0 : i32
    "tpu.region"() ({
      %run_scoped3A_218 = tpu.sem_alloc : memref<!tpu.dma_semaphore, #tpu.memory_space<semaphore_mem>>
      %dma_start3A_219 = arith.constant 0 : i32
      %dma_start3A_220 = arith.constant 0 : i32
      %dma_start3A_221 = tpu.memref_slice %arg7[%run_scoped3A_56, %dma_start3A_219, %dma_start3A_220] : memref<4x64x128xf32, #tpu.memory_space<vmem>> -> memref<1x64x128xf32, #tpu.memory_space<vmem>>
      %dma_start3A_222 = tpu.memref_squeeze %dma_start3A_221 : memref<1x64x128xf32, #tpu.memory_space<vmem>> -> memref<64x128xf32, #tpu.memory_space<vmem>>
      %dma_start3A_223 = arith.constant 0 : i32
      %dma_start3A_224 = tpu.memref_slice %arg8[%add3A_55, %dma_start3A_223] : memref<10240x128xf32, #tpu.memory_space<vmem_shared>> -> memref<64x128xf32, #tpu.memory_space<vmem_shared>>
      %dma_start3A_225 = arith.constant 0 : i32
      %dma_start3A_226 = tpu.memref_slice %arg8[%add3A_55, %dma_start3A_225] : memref<10240x128xf32, #tpu.memory_space<vmem_shared>> -> memref<64x128xf32, #tpu.memory_space<vmem_shared>>
      %dma_start3A_227 = arith.constant 0 : i32
      %dma_start3A_228 = arith.constant 0 : i32
      %dma_start3A_229 = tpu.memref_slice %arg7[%run_scoped3A_56, %dma_start3A_227, %dma_start3A_228] : memref<4x64x128xf32, #tpu.memory_space<vmem>> -> memref<1x64x128xf32, #tpu.memory_space<vmem>>
      %dma_start3A_230 = tpu.memref_squeeze %dma_start3A_229 : memref<1x64x128xf32, #tpu.memory_space<vmem>> -> memref<64x128xf32, #tpu.memory_space<vmem>>
      tpu.enqueue_dma source(%dma_start3A_230 : memref<64x128xf32, #tpu.memory_space<vmem>>) target(%dma_start3A_226 : memref<64x128xf32, #tpu.memory_space<vmem_shared>>) target_semaphore(%run_scoped3A_218 : memref<!tpu.dma_semaphore, #tpu.memory_space<semaphore_mem>>)
      %dma_wait3A_231 = arith.constant 0 : i32
      %dma_wait3A_232 = arith.constant 0 : i32
      %dma_wait3A_233 = tpu.memref_slice %arg7[%run_scoped3A_56, %dma_wait3A_231, %dma_wait3A_232] : memref<4x64x128xf32, #tpu.memory_space<vmem>> -> memref<1x64x128xf32, #tpu.memory_space<vmem>>
      %dma_wait3A_234 = tpu.memref_squeeze %dma_wait3A_233 : memref<1x64x128xf32, #tpu.memory_space<vmem>> -> memref<64x128xf32, #tpu.memory_space<vmem>>
      %dma_wait3A_235 = arith.constant 0 : i32
      %dma_wait3A_236 = tpu.memref_slice %arg8[%add3A_55, %dma_wait3A_235] : memref<10240x128xf32, #tpu.memory_space<vmem_shared>> -> memref<64x128xf32, #tpu.memory_space<vmem_shared>>
      %dma_wait3A_237 = arith.constant 0 : i32
      %dma_wait3A_238 = tpu.memref_slice %arg8[%add3A_55, %dma_wait3A_237] : memref<10240x128xf32, #tpu.memory_space<vmem_shared>> -> memref<64x128xf32, #tpu.memory_space<vmem_shared>>
      %dma_wait3A_239 = arith.constant 0 : i32
      %dma_wait3A_240 = arith.constant 0 : i32
      %dma_wait3A_241 = tpu.memref_slice %arg7[%run_scoped3A_56, %dma_wait3A_239, %dma_wait3A_240] : memref<4x64x128xf32, #tpu.memory_space<vmem>> -> memref<1x64x128xf32, #tpu.memory_space<vmem>>
      %dma_wait3A_242 = tpu.memref_squeeze %dma_wait3A_241 : memref<1x64x128xf32, #tpu.memory_space<vmem>> -> memref<64x128xf32, #tpu.memory_space<vmem>>
      tpu.wait_dma2 semaphore(%run_scoped3A_218 : memref<!tpu.dma_semaphore, #tpu.memory_space<semaphore_mem>>) src(%dma_wait3A_242 : memref<64x128xf32, #tpu.memory_space<vmem>>) dst(%dma_wait3A_238 : memref<64x128xf32, #tpu.memory_space<vmem_shared>>)
      tpu.yield
    }) : () -> ()
    %scan3A_57 = arith.constant 0 : i32
    %scan3A_58 = arith.constant 0 : i32
    %scan3A_59 = arith.constant 640 : i32
    %scan3A_60 = arith.addi %scan3A_58, %scan3A_59 : i32
    %scan3A_61 = arith.constant 1 : i32
    scf.for %scan3A_218 = %scan3A_58 to %scan3A_60 step %scan3A_61  : i32 {
      %mul3A_219 = arith.constant 16 : i32
      %mul3A_220 = arith.muli %scan3A_218, %mul3A_219 : i32
      %swap3A = arith.index_cast %mul3A_220 : i32 to index
      %swap3A_221 = tpu.vector_load %arg12[%swap3A] {strides = array<i32>} : memref<10240xf32, #tpu.memory_space<vmem>>, vector<16xf32>,
      tpu.vector_store %arg12[%swap3A], %broadcast_in_dim3A_1 {strides = array<i32>} : memref<10240xf32, #tpu.memory_space<vmem>>, vector<16xf32>,
    }
    %scan3A_62 = arith.constant 640 : i32
    %barrier3A = arith.constant 0 : index
    tpu.barrier barrier_id(%barrier3A)
    %broadcast_in_dim3A_63 = arith.constant 1.000000e+00 : f32
    %broadcast_in_dim3A_64 = vector.broadcast %broadcast_in_dim3A_63 : f32 to vector<16xf32>
    %eq3A = arith.constant 0 : i32
    %eq3A_65 = arith.cmpi eq, %arg0, %eq3A : i32
    %jit3A = arith.constant 304 : i32
    %jit3A_66 = arith.constant 16 : i32
    %select_n3A = arith.select %eq3A_65, %jit3A, %jit3A_66 : i32
    %eq3A_67 = arith.constant 0 : i32
    %eq3A_68 = arith.cmpi eq, %arg0, %eq3A_67 : i32
    %mul3A_69 = arith.constant 304 : i32
    %mul3A_70 = arith.muli %arg1, %mul3A_69 : i32
    %mul3A_71 = arith.constant 16 : i32
    %mul3A_72 = arith.muli %arg1, %mul3A_71 : i32
    %add3A_73 = arith.constant 4864 : i32
    %add3A_74 = arith.addi %add3A_73, %mul3A_72 : i32
    %select_n3A_75 = arith.select %eq3A_68, %mul3A_70, %add3A_74 : i32
    %add3A_76 = arith.constant 0 : i32
    %add3A_77 = arith.addi %select_n3A_75, %add3A_76 : i32
    %dma_start3A = arith.constant 0 : i32
    %dma_start3A_78 = arith.constant 0 : i32
    %dma_start3A_79 = arith.constant 0 : i32
    %dma_start3A_80 = arith.constant 0 : i32
    %dma_start3A_81 = tpu.memref_slice %arg6[%dma_start3A, %dma_start3A_79, %dma_start3A_80] : memref<4x2x64xi32, #tpu.memory_space<vmem>> -> memref<1x2x64xi32, #tpu.memory_space<vmem>>
    %dma_start3A_82 = tpu.memref_squeeze %dma_start3A_81 : memref<1x2x64xi32, #tpu.memory_space<vmem>> -> memref<2x64xi32, #tpu.memory_space<vmem>>
    %dma_start3A_83 = arith.constant 0 : i32
    %dma_start3A_84 = arith.constant 0 : i32
    %dma_start3A_85 = tpu.memref_slice %arg3[%add3A_77, %dma_start3A_83, %dma_start3A_84] : memref<5120x2x64xi32, #tpu.memory_space<hbm>> -> memref<1x2x64xi32, #tpu.memory_space<hbm>>
    %dma_start3A_86 = tpu.memref_squeeze %dma_start3A_85 : memref<1x2x64xi32, #tpu.memory_space<hbm>> -> memref<2x64xi32, #tpu.memory_space<hbm>>
    %dma_start3A_87 = tpu.memref_slice %arg9[%dma_start3A_78] : memref<4x!tpu.dma_semaphore, #tpu.memory_space<semaphore_mem>> -> memref<1x!tpu.dma_semaphore, #tpu.memory_space<semaphore_mem>>
    %dma_start3A_88 = tpu.memref_squeeze %dma_start3A_87 : memref<1x!tpu.dma_semaphore, #tpu.memory_space<semaphore_mem>> -> memref<!tpu.dma_semaphore, #tpu.memory_space<semaphore_mem>>
    %dma_start3A_89 = arith.constant 0 : i32
    %dma_start3A_90 = arith.constant 0 : i32
    %dma_start3A_91 = tpu.memref_slice %arg6[%dma_start3A, %dma_start3A_89, %dma_start3A_90] : memref<4x2x64xi32, #tpu.memory_space<vmem>> -> memref<1x2x64xi32, #tpu.memory_space<vmem>>
    %dma_start3A_92 = tpu.memref_squeeze %dma_start3A_91 : memref<1x2x64xi32, #tpu.memory_space<vmem>> -> memref<2x64xi32, #tpu.memory_space<vmem>>
    %dma_start3A_93 = arith.constant 0 : i32
    %dma_start3A_94 = arith.constant 0 : i32
    %dma_start3A_95 = tpu.memref_slice %arg3[%add3A_77, %dma_start3A_93, %dma_start3A_94] : memref<5120x2x64xi32, #tpu.memory_space<hbm>> -> memref<1x2x64xi32, #tpu.memory_space<hbm>>
    %dma_start3A_96 = tpu.memref_squeeze %dma_start3A_95 : memref<1x2x64xi32, #tpu.memory_space<hbm>> -> memref<2x64xi32, #tpu.memory_space<hbm>>
    tpu.enqueue_dma source(%dma_start3A_96 : memref<2x64xi32, #tpu.memory_space<hbm>>) target(%dma_start3A_92 : memref<2x64xi32, #tpu.memory_space<vmem>>) target_semaphore(%dma_start3A_88 : memref<!tpu.dma_semaphore, #tpu.memory_space<semaphore_mem>>)
    %add3A_97 = arith.constant 1 : i32
    %add3A_98 = arith.addi %select_n3A_75, %add3A_97 : i32
    %dma_start3A_99 = arith.constant 1 : i32
    %dma_start3A_100 = arith.constant 1 : i32
    %dma_start3A_101 = arith.constant 0 : i32
    %dma_start3A_102 = arith.constant 0 : i32
    %dma_start3A_103 = tpu.memref_slice %arg6[%dma_start3A_99, %dma_start3A_101, %dma_start3A_102] : memref<4x2x64xi32, #tpu.memory_space<vmem>> -> memref<1x2x64xi32, #tpu.memory_space<vmem>>
    %dma_start3A_104 = tpu.memref_squeeze %dma_start3A_103 : memref<1x2x64xi32, #tpu.memory_space<vmem>> -> memref<2x64xi32, #tpu.memory_space<vmem>>
    %dma_start3A_105 = arith.constant 0 : i32
    %dma_start3A_106 = arith.constant 0 : i32
    %dma_start3A_107 = tpu.memref_slice %arg3[%add3A_98, %dma_start3A_105, %dma_start3A_106] : memref<5120x2x64xi32, #tpu.memory_space<hbm>> -> memref<1x2x64xi32, #tpu.memory_space<hbm>>
    %dma_start3A_108 = tpu.memref_squeeze %dma_start3A_107 : memref<1x2x64xi32, #tpu.memory_space<hbm>> -> memref<2x64xi32, #tpu.memory_space<hbm>>
    %dma_start3A_109 = tpu.memref_slice %arg9[%dma_start3A_100] : memref<4x!tpu.dma_semaphore, #tpu.memory_space<semaphore_mem>> -> memref<1x!tpu.dma_semaphore, #tpu.memory_space<semaphore_mem>>
    %dma_start3A_110 = tpu.memref_squeeze %dma_start3A_109 : memref<1x!tpu.dma_semaphore, #tpu.memory_space<semaphore_mem>> -> memref<!tpu.dma_semaphore, #tpu.memory_space<semaphore_mem>>
    %dma_start3A_111 = arith.constant 0 : i32
    %dma_start3A_112 = arith.constant 0 : i32
    %dma_start3A_113 = tpu.memref_slice %arg6[%dma_start3A_99, %dma_start3A_111, %dma_start3A_112] : memref<4x2x64xi32, #tpu.memory_space<vmem>> -> memref<1x2x64xi32, #tpu.memory_space<vmem>>
    %dma_start3A_114 = tpu.memref_squeeze %dma_start3A_113 : memref<1x2x64xi32, #tpu.memory_space<vmem>> -> memref<2x64xi32, #tpu.memory_space<vmem>>
    %dma_start3A_115 = arith.constant 0 : i32
    %dma_start3A_116 = arith.constant 0 : i32
    %dma_start3A_117 = tpu.memref_slice %arg3[%add3A_98, %dma_start3A_115, %dma_start3A_116] : memref<5120x2x64xi32, #tpu.memory_space<hbm>> -> memref<1x2x64xi32, #tpu.memory_space<hbm>>
    %dma_start3A_118 = tpu.memref_squeeze %dma_start3A_117 : memref<1x2x64xi32, #tpu.memory_space<hbm>> -> memref<2x64xi32, #tpu.memory_space<hbm>>
    tpu.enqueue_dma source(%dma_start3A_118 : memref<2x64xi32, #tpu.memory_space<hbm>>) target(%dma_start3A_114 : memref<2x64xi32, #tpu.memory_space<vmem>>) target_semaphore(%dma_start3A_110 : memref<!tpu.dma_semaphore, #tpu.memory_space<semaphore_mem>>)
    %dma_wait3A = arith.constant 0 : i32
    %dma_wait3A_119 = arith.constant 0 : i32
    %dma_wait3A_120 = arith.constant 0 : i32
    %dma_wait3A_121 = arith.constant 0 : i32
    %dma_wait3A_122 = tpu.memref_slice %arg6[%dma_wait3A, %dma_wait3A_120, %dma_wait3A_121] : memref<4x2x64xi32, #tpu.memory_space<vmem>> -> memref<1x2x64xi32, #tpu.memory_space<vmem>>
    %dma_wait3A_123 = tpu.memref_squeeze %dma_wait3A_122 : memref<1x2x64xi32, #tpu.memory_space<vmem>> -> memref<2x64xi32, #tpu.memory_space<vmem>>
    %dma_wait3A_124 = arith.constant 0 : i32
    %dma_wait3A_125 = arith.constant 0 : i32
    %dma_wait3A_126 = tpu.memref_slice %arg3[%select_n3A_75, %dma_wait3A_124, %dma_wait3A_125] : memref<5120x2x64xi32, #tpu.memory_space<hbm>> -> memref<1x2x64xi32, #tpu.memory_space<hbm>>
    %dma_wait3A_127 = tpu.memref_squeeze %dma_wait3A_126 : memref<1x2x64xi32, #tpu.memory_space<hbm>> -> memref<2x64xi32, #tpu.memory_space<hbm>>
    %dma_wait3A_128 = tpu.memref_slice %arg9[%dma_wait3A_119] : memref<4x!tpu.dma_semaphore, #tpu.memory_space<semaphore_mem>> -> memref<1x!tpu.dma_semaphore, #tpu.memory_space<semaphore_mem>>
    %dma_wait3A_129 = tpu.memref_squeeze %dma_wait3A_128 : memref<1x!tpu.dma_semaphore, #tpu.memory_space<semaphore_mem>> -> memref<!tpu.dma_semaphore, #tpu.memory_space<semaphore_mem>>
    %dma_wait3A_130 = arith.constant 0 : i32
    %dma_wait3A_131 = arith.constant 0 : i32
    %dma_wait3A_132 = tpu.memref_slice %arg6[%dma_wait3A, %dma_wait3A_130, %dma_wait3A_131] : memref<4x2x64xi32, #tpu.memory_space<vmem>> -> memref<1x2x64xi32, #tpu.memory_space<vmem>>
    %dma_wait3A_133 = tpu.memref_squeeze %dma_wait3A_132 : memref<1x2x64xi32, #tpu.memory_space<vmem>> -> memref<2x64xi32, #tpu.memory_space<vmem>>
    %dma_wait3A_134 = arith.constant 0 : i32
    %dma_wait3A_135 = arith.constant 0 : i32
    %dma_wait3A_136 = tpu.memref_slice %arg3[%select_n3A_75, %dma_wait3A_134, %dma_wait3A_135] : memref<5120x2x64xi32, #tpu.memory_space<hbm>> -> memref<1x2x64xi32, #tpu.memory_space<hbm>>
    %dma_wait3A_137 = tpu.memref_squeeze %dma_wait3A_136 : memref<1x2x64xi32, #tpu.memory_space<hbm>> -> memref<2x64xi32, #tpu.memory_space<hbm>>
    tpu.wait_dma2 semaphore(%dma_wait3A_129 : memref<!tpu.dma_semaphore, #tpu.memory_space<semaphore_mem>>) src(%dma_wait3A_137 : memref<2x64xi32, #tpu.memory_space<hbm>>) dst(%dma_wait3A_133 : memref<2x64xi32, #tpu.memory_space<vmem>>)
    %dma_start3A_138 = arith.constant 0 : i32
    %dma_start3A_139 = arith.constant 0 : i32
    %dma_start3A_140 = arith.constant 0 : i32
    %dma_start3A_141 = arith.constant 0 : i32
    %dma_start3A_142 = arith.constant 0 : i32
    %dma_start3A_143 = arith.constant 0 : i32
    %dma_start3A_144 = tpu.memref_slice %arg7[%dma_start3A_140, %dma_start3A_142, %dma_start3A_143] : memref<4x64x128xf32, #tpu.memory_space<vmem>> -> memref<1x64x128xf32, #tpu.memory_space<vmem>>
    %dma_start3A_145 = tpu.memref_squeeze %dma_start3A_144 : memref<1x64x128xf32, #tpu.memory_space<vmem>> -> memref<64x128xf32, #tpu.memory_space<vmem>>
    %dma_start3A_146 = arith.constant 0 : i32
    %dma_start3A_147 = tpu.memref_slice %arg6[%dma_start3A_138, %dma_start3A_139, %dma_start3A_146] : memref<4x2x64xi32, #tpu.memory_space<vmem>> -> memref<1x1x64xi32, #tpu.memory_space<vmem>>
    %dma_start3A_148 = tpu.memref_squeeze %dma_start3A_147 : memref<1x1x64xi32, #tpu.memory_space<vmem>> -> memref<64xi32, #tpu.memory_space<vmem>>
    %dma_start3A_149 = arith.constant 0 : i32
    %dma_start3A_150 = arith.constant 0 : i32
    %dma_start3A_151 = tpu.memref_slice %arg2[%dma_start3A_149, %dma_start3A_150] : memref<10000x128xf32, #tpu.memory_space<hbm>> -> memref<10000x128xf32, #tpu.memory_space<hbm>>
    %dma_start3A_152 = tpu.memref_slice %arg10[%dma_start3A_141] : memref<4x!tpu.dma_semaphore, #tpu.memory_space<semaphore_mem>> -> memref<1x!tpu.dma_semaphore, #tpu.memory_space<semaphore_mem>>
    %dma_start3A_153 = tpu.memref_squeeze %dma_start3A_152 : memref<1x!tpu.dma_semaphore, #tpu.memory_space<semaphore_mem>> -> memref<!tpu.dma_semaphore, #tpu.memory_space<semaphore_mem>>
    tpu.enqueue_indirect_dma source(%dma_start3A_151 : memref<10000x128xf32, #tpu.memory_space<hbm>>) target(%dma_start3A_145 : memref<64x128xf32, #tpu.memory_space<vmem>>) offsets(%dma_start3A_148 : memref<64xi32, #tpu.memory_space<vmem>>) semaphore(%dma_start3A_153 : memref<!tpu.dma_semaphore, #tpu.memory_space<semaphore_mem>>)
    %jit3A_154 = arith.constant 4 : i32
    %div3A = arith.divsi %select_n3A, %jit3A_154 : i32
    %sign3A = arith.constant 0 : i32
    %sign3A_155 = arith.cmpi sgt, %select_n3A, %sign3A : i32
    %sign3A_156 = arith.extui %sign3A_155 : i1 to i32
    %sign3A_157 = arith.constant 0 : i32
    %sign3A_158 = arith.cmpi slt, %select_n3A, %sign3A_157 : i32
    %sign3A_159 = arith.extui %sign3A_158 : i1 to i32
    %sign3A_160 = arith.subi %sign3A_156, %sign3A_159 : i32
    %sign3A_161 = arith.constant 0 : i32
    %sign3A_162 = arith.cmpi sgt, %jit3A_154, %sign3A_161 : i32
    %sign3A_163 = arith.extui %sign3A_162 : i1 to i32
    %sign3A_164 = arith.constant 0 : i32
    %sign3A_165 = arith.cmpi slt, %jit3A_154, %sign3A_164 : i32
    %sign3A_166 = arith.extui %sign3A_165 : i1 to i32
    %sign3A_167 = arith.subi %sign3A_163, %sign3A_166 : i32
    %ne3A = arith.cmpi ne, %sign3A_160, %sign3A_167 : i32
    %rem3A = arith.remsi %select_n3A, %jit3A_154 : i32
    %ne3A_168 = arith.constant 0 : i32
    %ne3A_169 = arith.cmpi ne, %rem3A, %ne3A_168 : i32
    %and3A = arith.andi %ne3A, %ne3A_169 : i1
    %sub3A = arith.constant 1 : i32
    %sub3A_170 = arith.subi %div3A, %sub3A : i32
    %select_n3A_171 = arith.select %and3A, %sub3A_170, %div3A : i32
    %while3A = arith.constant 0 : i32
    %while3A_172 = arith.constant 0 : i32
    %while3A_173 = arith.subi %select_n3A_171, %while3A_172 : i32
    %while3A_174 = arith.addi %while3A_172, %while3A_173 : i32
    %while3A_175 = arith.constant 1 : i32
    %while3A_176 = arith.divsi %while3A_173, %while3A_175 : i32
    %while3A_177 = arith.muli %while3A_176, %while3A_175 : i32
    %while3A_178 = arith.addi %while3A_172, %while3A_177 : i32
    %while3A_179 = arith.constant 1 : i32
    scf.for %while3A_218 = %while3A_172 to %while3A_178 step %while3A_179  : i32 {
      %mul3A_219 = arith.constant 4 : i32
      %mul3A_220 = arith.muli %mul3A_219, %while3A_218 : i32
      %add3A_221 = arith.constant 0 : i32
      %add3A_222 = arith.addi %mul3A_220, %add3A_221 : i32
      %ge3A = arith.constant 2 : i32
      %ge3A_223 = arith.cmpi sge, %add3A_222, %ge3A : i32
      %convert_element_type3A = arith.extui %ge3A_223 : i1 to i32
      %cond3A = arith.constant 0 : i32
      %cond3A_224 = arith.cmpi ne, %convert_element_type3A, %cond3A : i32
      scf.if %cond3A_224 {
        %dma_wait3A_522 = arith.constant 2 : i32
        %dma_wait3A_523 = arith.constant 2 : i32
        %dma_wait3A_524 = arith.constant 1 : i32
        %dma_wait3A_525 = arith.constant 2 : i32
        %dma_wait3A_526 = arith.constant 0 : i32
        %dma_wait3A_527 = arith.constant 0 : i32
        %dma_wait3A_528 = tpu.memref_slice %arg7[%dma_wait3A_522, %dma_wait3A_526, %dma_wait3A_527] : memref<4x64x128xf32, #tpu.memory_space<vmem>> -> memref<1x64x128xf32, #tpu.memory_space<vmem>>
        %dma_wait3A_529 = tpu.memref_squeeze %dma_wait3A_528 : memref<1x64x128xf32, #tpu.memory_space<vmem>> -> memref<64x128xf32, #tpu.memory_space<vmem>>
        %dma_wait3A_530 = arith.constant 0 : i32
        %dma_wait3A_531 = tpu.memref_slice %arg6[%dma_wait3A_523, %dma_wait3A_524, %dma_wait3A_530] : memref<4x2x64xi32, #tpu.memory_space<vmem>> -> memref<1x1x64xi32, #tpu.memory_space<vmem>>
        %dma_wait3A_532 = tpu.memref_squeeze %dma_wait3A_531 : memref<1x1x64xi32, #tpu.memory_space<vmem>> -> memref<64xi32, #tpu.memory_space<vmem>>
        %dma_wait3A_533 = arith.constant 0 : i32
        %dma_wait3A_534 = arith.constant 0 : i32
        %dma_wait3A_535 = tpu.memref_slice %arg8[%dma_wait3A_533, %dma_wait3A_534] : memref<10240x128xf32, #tpu.memory_space<vmem_shared>> -> memref<10240x128xf32, #tpu.memory_space<vmem_shared>>
        %dma_wait3A_536 = tpu.memref_slice %arg11[%dma_wait3A_525] : memref<4x!tpu.dma_semaphore, #tpu.memory_space<semaphore_mem>> -> memref<1x!tpu.dma_semaphore, #tpu.memory_space<semaphore_mem>>
        %dma_wait3A_537 = tpu.memref_squeeze %dma_wait3A_536 : memref<1x!tpu.dma_semaphore, #tpu.memory_space<semaphore_mem>> -> memref<!tpu.dma_semaphore, #tpu.memory_space<semaphore_mem>>
        tpu.wait_indirect_dma semaphore(%dma_wait3A_537 : memref<!tpu.dma_semaphore, #tpu.memory_space<semaphore_mem>>) src(%dma_wait3A_529 : memref<64x128xf32, #tpu.memory_space<vmem>>) dst(%dma_wait3A_535 : memref<10240x128xf32, #tpu.memory_space<vmem_shared>>)
      } else {
      }
      %add3A_225 = arith.constant 2 : i32
      %add3A_226 = arith.addi %add3A_222, %add3A_225 : i32
      %lt3A = arith.cmpi slt, %add3A_226, %select_n3A : i32
      %convert_element_type3A_227 = arith.extui %lt3A : i1 to i32
      %cond3A_228 = arith.constant 0 : i32
      %cond3A_229 = arith.cmpi ne, %convert_element_type3A_227, %cond3A_228 : i32
      scf.if %cond3A_229 {
        %add3A_522 = arith.constant 2 : i32
        %add3A_523 = arith.addi %add3A_222, %add3A_522 : i32
        %add3A_524 = arith.addi %select_n3A_75, %add3A_523 : i32
        %dma_start3A_525 = arith.constant 2 : i32
        %dma_start3A_526 = arith.constant 2 : i32
        %dma_start3A_527 = arith.constant 0 : i32
        %dma_start3A_528 = arith.constant 0 : i32
        %dma_start3A_529 = tpu.memref_slice %arg6[%dma_start3A_525, %dma_start3A_527, %dma_start3A_528] : memref<4x2x64xi32, #tpu.memory_space<vmem>> -> memref<1x2x64xi32, #tpu.memory_space<vmem>>
        %dma_start3A_530 = tpu.memref_squeeze %dma_start3A_529 : memref<1x2x64xi32, #tpu.memory_space<vmem>> -> memref<2x64xi32, #tpu.memory_space<vmem>>
        %dma_start3A_531 = arith.constant 0 : i32
        %dma_start3A_532 = arith.constant 0 : i32
        %dma_start3A_533 = tpu.memref_slice %arg3[%add3A_524, %dma_start3A_531, %dma_start3A_532] : memref<5120x2x64xi32, #tpu.memory_space<hbm>> -> memref<1x2x64xi32, #tpu.memory_space<hbm>>
        %dma_start3A_534 = tpu.memref_squeeze %dma_start3A_533 : memref<1x2x64xi32, #tpu.memory_space<hbm>> -> memref<2x64xi32, #tpu.memory_space<hbm>>
        %dma_start3A_535 = tpu.memref_slice %arg9[%dma_start3A_526] : memref<4x!tpu.dma_semaphore, #tpu.memory_space<semaphore_mem>> -> memref<1x!tpu.dma_semaphore, #tpu.memory_space<semaphore_mem>>
        %dma_start3A_536 = tpu.memref_squeeze %dma_start3A_535 : memref<1x!tpu.dma_semaphore, #tpu.memory_space<semaphore_mem>> -> memref<!tpu.dma_semaphore, #tpu.memory_space<semaphore_mem>>
        %dma_start3A_537 = arith.constant 0 : i32
        %dma_start3A_538 = arith.constant 0 : i32
        %dma_start3A_539 = tpu.memref_slice %arg6[%dma_start3A_525, %dma_start3A_537, %dma_start3A_538] : memref<4x2x64xi32, #tpu.memory_space<vmem>> -> memref<1x2x64xi32, #tpu.memory_space<vmem>>
        %dma_start3A_540 = tpu.memref_squeeze %dma_start3A_539 : memref<1x2x64xi32, #tpu.memory_space<vmem>> -> memref<2x64xi32, #tpu.memory_space<vmem>>
        %dma_start3A_541 = arith.constant 0 : i32
        %dma_start3A_542 = arith.constant 0 : i32
        %dma_start3A_543 = tpu.memref_slice %arg3[%add3A_524, %dma_start3A_541, %dma_start3A_542] : memref<5120x2x64xi32, #tpu.memory_space<hbm>> -> memref<1x2x64xi32, #tpu.memory_space<hbm>>
        %dma_start3A_544 = tpu.memref_squeeze %dma_start3A_543 : memref<1x2x64xi32, #tpu.memory_space<hbm>> -> memref<2x64xi32, #tpu.memory_space<hbm>>
        tpu.enqueue_dma source(%dma_start3A_544 : memref<2x64xi32, #tpu.memory_space<hbm>>) target(%dma_start3A_540 : memref<2x64xi32, #tpu.memory_space<vmem>>) target_semaphore(%dma_start3A_536 : memref<!tpu.dma_semaphore, #tpu.memory_space<semaphore_mem>>)
      } else {
      }
      %add3A_230 = arith.constant 1 : i32
      %add3A_231 = arith.addi %add3A_222, %add3A_230 : i32
      %lt3A_232 = arith.cmpi slt, %add3A_231, %select_n3A : i32
      %convert_element_type3A_233 = arith.extui %lt3A_232 : i1 to i32
      %cond3A_234 = arith.constant 0 : i32
      %cond3A_235 = arith.cmpi ne, %convert_element_type3A_233, %cond3A_234 : i32
      scf.if %cond3A_235 {
        %dma_wait3A_522 = arith.constant 1 : i32
        %dma_wait3A_523 = arith.constant 1 : i32
        %dma_wait3A_524 = arith.constant 0 : i32
        %dma_wait3A_525 = arith.constant 0 : i32
        %dma_wait3A_526 = tpu.memref_slice %arg6[%dma_wait3A_522, %dma_wait3A_524, %dma_wait3A_525] : memref<4x2x64xi32, #tpu.memory_space<vmem>> -> memref<1x2x64xi32, #tpu.memory_space<vmem>>
        %dma_wait3A_527 = tpu.memref_squeeze %dma_wait3A_526 : memref<1x2x64xi32, #tpu.memory_space<vmem>> -> memref<2x64xi32, #tpu.memory_space<vmem>>
        %dma_wait3A_528 = arith.constant 0 : i32
        %dma_wait3A_529 = arith.constant 0 : i32
        %dma_wait3A_530 = tpu.memref_slice %arg3[%select_n3A_75, %dma_wait3A_528, %dma_wait3A_529] : memref<5120x2x64xi32, #tpu.memory_space<hbm>> -> memref<1x2x64xi32, #tpu.memory_space<hbm>>
        %dma_wait3A_531 = tpu.memref_squeeze %dma_wait3A_530 : memref<1x2x64xi32, #tpu.memory_space<hbm>> -> memref<2x64xi32, #tpu.memory_space<hbm>>
        %dma_wait3A_532 = tpu.memref_slice %arg9[%dma_wait3A_523] : memref<4x!tpu.dma_semaphore, #tpu.memory_space<semaphore_mem>> -> memref<1x!tpu.dma_semaphore, #tpu.memory_space<semaphore_mem>>
        %dma_wait3A_533 = tpu.memref_squeeze %dma_wait3A_532 : memref<1x!tpu.dma_semaphore, #tpu.memory_space<semaphore_mem>> -> memref<!tpu.dma_semaphore, #tpu.memory_space<semaphore_mem>>
        %dma_wait3A_534 = arith.constant 0 : i32
        %dma_wait3A_535 = arith.constant 0 : i32
        %dma_wait3A_536 = tpu.memref_slice %arg6[%dma_wait3A_522, %dma_wait3A_534, %dma_wait3A_535] : memref<4x2x64xi32, #tpu.memory_space<vmem>> -> memref<1x2x64xi32, #tpu.memory_space<vmem>>
        %dma_wait3A_537 = tpu.memref_squeeze %dma_wait3A_536 : memref<1x2x64xi32, #tpu.memory_space<vmem>> -> memref<2x64xi32, #tpu.memory_space<vmem>>
        %dma_wait3A_538 = arith.constant 0 : i32
        %dma_wait3A_539 = arith.constant 0 : i32
        %dma_wait3A_540 = tpu.memref_slice %arg3[%select_n3A_75, %dma_wait3A_538, %dma_wait3A_539] : memref<5120x2x64xi32, #tpu.memory_space<hbm>> -> memref<1x2x64xi32, #tpu.memory_space<hbm>>
        %dma_wait3A_541 = tpu.memref_squeeze %dma_wait3A_540 : memref<1x2x64xi32, #tpu.memory_space<hbm>> -> memref<2x64xi32, #tpu.memory_space<hbm>>
        tpu.wait_dma2 semaphore(%dma_wait3A_533 : memref<!tpu.dma_semaphore, #tpu.memory_space<semaphore_mem>>) src(%dma_wait3A_541 : memref<2x64xi32, #tpu.memory_space<hbm>>) dst(%dma_wait3A_537 : memref<2x64xi32, #tpu.memory_space<vmem>>)
        %dma_start3A_542 = arith.constant 1 : i32
        %dma_start3A_543 = arith.constant 0 : i32
        %dma_start3A_544 = arith.constant 1 : i32
        %dma_start3A_545 = arith.constant 1 : i32
        %dma_start3A_546 = arith.constant 0 : i32
        %dma_start3A_547 = arith.constant 0 : i32
        %dma_start3A_548 = tpu.memref_slice %arg7[%dma_start3A_544, %dma_start3A_546, %dma_start3A_547] : memref<4x64x128xf32, #tpu.memory_space<vmem>> -> memref<1x64x128xf32, #tpu.memory_space<vmem>>
        %dma_start3A_549 = tpu.memref_squeeze %dma_start3A_548 : memref<1x64x128xf32, #tpu.memory_space<vmem>> -> memref<64x128xf32, #tpu.memory_space<vmem>>
        %dma_start3A_550 = arith.constant 0 : i32
        %dma_start3A_551 = tpu.memref_slice %arg6[%dma_start3A_542, %dma_start3A_543, %dma_start3A_550] : memref<4x2x64xi32, #tpu.memory_space<vmem>> -> memref<1x1x64xi32, #tpu.memory_space<vmem>>
        %dma_start3A_552 = tpu.memref_squeeze %dma_start3A_551 : memref<1x1x64xi32, #tpu.memory_space<vmem>> -> memref<64xi32, #tpu.memory_space<vmem>>
        %dma_start3A_553 = arith.constant 0 : i32
        %dma_start3A_554 = arith.constant 0 : i32
        %dma_start3A_555 = tpu.memref_slice %arg2[%dma_start3A_553, %dma_start3A_554] : memref<10000x128xf32, #tpu.memory_space<hbm>> -> memref<10000x128xf32, #tpu.memory_space<hbm>>
        %dma_start3A_556 = tpu.memref_slice %arg10[%dma_start3A_545] : memref<4x!tpu.dma_semaphore, #tpu.memory_space<semaphore_mem>> -> memref<1x!tpu.dma_semaphore, #tpu.memory_space<semaphore_mem>>
        %dma_start3A_557 = tpu.memref_squeeze %dma_start3A_556 : memref<1x!tpu.dma_semaphore, #tpu.memory_space<semaphore_mem>> -> memref<!tpu.dma_semaphore, #tpu.memory_space<semaphore_mem>>
        tpu.enqueue_indirect_dma source(%dma_start3A_555 : memref<10000x128xf32, #tpu.memory_space<hbm>>) target(%dma_start3A_549 : memref<64x128xf32, #tpu.memory_space<vmem>>) offsets(%dma_start3A_552 : memref<64xi32, #tpu.memory_space<vmem>>) semaphore(%dma_start3A_557 : memref<!tpu.dma_semaphore, #tpu.memory_space<semaphore_mem>>)
      } else {
      }
      %dma_wait3A_236 = arith.constant 0 : i32
      %dma_wait3A_237 = arith.constant 0 : i32
      %dma_wait3A_238 = arith.constant 0 : i32
      %dma_wait3A_239 = arith.constant 0 : i32
      %dma_wait3A_240 = arith.constant 0 : i32
      %dma_wait3A_241 = arith.constant 0 : i32
      %dma_wait3A_242 = tpu.memref_slice %arg7[%dma_wait3A_238, %dma_wait3A_240, %dma_wait3A_241] : memref<4x64x128xf32, #tpu.memory_space<vmem>> -> memref<1x64x128xf32, #tpu.memory_space<vmem>>
      %dma_wait3A_243 = tpu.memref_squeeze %dma_wait3A_242 : memref<1x64x128xf32, #tpu.memory_space<vmem>> -> memref<64x128xf32, #tpu.memory_space<vmem>>
      %dma_wait3A_244 = arith.constant 0 : i32
      %dma_wait3A_245 = tpu.memref_slice %arg6[%dma_wait3A_236, %dma_wait3A_237, %dma_wait3A_244] : memref<4x2x64xi32, #tpu.memory_space<vmem>> -> memref<1x1x64xi32, #tpu.memory_space<vmem>>
      %dma_wait3A_246 = tpu.memref_squeeze %dma_wait3A_245 : memref<1x1x64xi32, #tpu.memory_space<vmem>> -> memref<64xi32, #tpu.memory_space<vmem>>
      %dma_wait3A_247 = arith.constant 0 : i32
      %dma_wait3A_248 = arith.constant 0 : i32
      %dma_wait3A_249 = tpu.memref_slice %arg2[%dma_wait3A_247, %dma_wait3A_248] : memref<10000x128xf32, #tpu.memory_space<hbm>> -> memref<10000x128xf32, #tpu.memory_space<hbm>>
      %dma_wait3A_250 = tpu.memref_slice %arg10[%dma_wait3A_239] : memref<4x!tpu.dma_semaphore, #tpu.memory_space<semaphore_mem>> -> memref<1x!tpu.dma_semaphore, #tpu.memory_space<semaphore_mem>>
      %dma_wait3A_251 = tpu.memref_squeeze %dma_wait3A_250 : memref<1x!tpu.dma_semaphore, #tpu.memory_space<semaphore_mem>> -> memref<!tpu.dma_semaphore, #tpu.memory_space<semaphore_mem>>
      tpu.wait_indirect_dma semaphore(%dma_wait3A_251 : memref<!tpu.dma_semaphore, #tpu.memory_space<semaphore_mem>>) src(%dma_wait3A_249 : memref<10000x128xf32, #tpu.memory_space<hbm>>) dst(%dma_wait3A_243 : memref<64x128xf32, #tpu.memory_space<vmem>>)
      %dma_start3A_252 = arith.constant 0 : i32
      %dma_start3A_253 = arith.constant 0 : i32
      %dma_start3A_254 = arith.constant 1 : i32
      %dma_start3A_255 = arith.constant 0 : i32
      %dma_start3A_256 = arith.constant 0 : i32
      %dma_start3A_257 = arith.constant 0 : i32
      %dma_start3A_258 = tpu.memref_slice %arg7[%dma_start3A_252, %dma_start3A_256, %dma_start3A_257] : memref<4x64x128xf32, #tpu.memory_space<vmem>> -> memref<1x64x128xf32, #tpu.memory_space<vmem>>
      %dma_start3A_259 = tpu.memref_squeeze %dma_start3A_258 : memref<1x64x128xf32, #tpu.memory_space<vmem>> -> memref<64x128xf32, #tpu.memory_space<vmem>>
      %dma_start3A_260 = arith.constant 0 : i32
      %dma_start3A_261 = tpu.memref_slice %arg6[%dma_start3A_253, %dma_start3A_254, %dma_start3A_260] : memref<4x2x64xi32, #tpu.memory_space<vmem>> -> memref<1x1x64xi32, #tpu.memory_space<vmem>>
      %dma_start3A_262 = tpu.memref_squeeze %dma_start3A_261 : memref<1x1x64xi32, #tpu.memory_space<vmem>> -> memref<64xi32, #tpu.memory_space<vmem>>
      %dma_start3A_263 = arith.constant 0 : i32
      %dma_start3A_264 = arith.constant 0 : i32
      %dma_start3A_265 = tpu.memref_slice %arg8[%dma_start3A_263, %dma_start3A_264] : memref<10240x128xf32, #tpu.memory_space<vmem_shared>> -> memref<10240x128xf32, #tpu.memory_space<vmem_shared>>
      %dma_start3A_266 = tpu.memref_slice %arg11[%dma_start3A_255] : memref<4x!tpu.dma_semaphore, #tpu.memory_space<semaphore_mem>> -> memref<1x!tpu.dma_semaphore, #tpu.memory_space<semaphore_mem>>
      %dma_start3A_267 = tpu.memref_squeeze %dma_start3A_266 : memref<1x!tpu.dma_semaphore, #tpu.memory_space<semaphore_mem>> -> memref<!tpu.dma_semaphore, #tpu.memory_space<semaphore_mem>>
      tpu.enqueue_indirect_dma source(%dma_start3A_259 : memref<64x128xf32, #tpu.memory_space<vmem>>) target(%dma_start3A_265 : memref<10240x128xf32, #tpu.memory_space<vmem_shared>>) offsets(%dma_start3A_262 : memref<64xi32, #tpu.memory_space<vmem>>) semaphore(%dma_start3A_267 : memref<!tpu.dma_semaphore, #tpu.memory_space<semaphore_mem>>) {add = true}
      %get3A = arith.constant 0 : i32
      %get3A_268 = arith.constant 1 : i32
      %get3A_269 = arith.index_cast %get3A : i32 to index
      %get3A_270 = arith.index_cast %get3A_268 : i32 to index
      %get3A_271 = arith.constant 0 : index
      %get3A_272 = tpu.vector_load %arg6[%get3A_269, %get3A_270, %get3A_271] {strides = array<i32>} : memref<4x2x64xi32, #tpu.memory_space<vmem>>, vector<16xi32>,
      tpu.vector_store_idx %arg12[%get3A_272], %broadcast_in_dim3A_64 {add = true} : memref<10240xf32, #tpu.memory_space<vmem>>[vector<16xi32>], vector<16xf32>,
      %get3A_273 = arith.constant 0 : i32
      %get3A_274 = arith.constant 1 : i32
      %get3A_275 = arith.index_cast %get3A_273 : i32 to index
      %get3A_276 = arith.index_cast %get3A_274 : i32 to index
      %get3A_277 = arith.constant 16 : index
      %get3A_278 = tpu.vector_load %arg6[%get3A_275, %get3A_276, %get3A_277] {strides = array<i32>} : memref<4x2x64xi32, #tpu.memory_space<vmem>>, vector<16xi32>,
      tpu.vector_store_idx %arg12[%get3A_278], %broadcast_in_dim3A_64 {add = true} : memref<10240xf32, #tpu.memory_space<vmem>>[vector<16xi32>], vector<16xf32>,
      %get3A_279 = arith.constant 0 : i32
      %get3A_280 = arith.constant 1 : i32
      %get3A_281 = arith.index_cast %get3A_279 : i32 to index
      %get3A_282 = arith.index_cast %get3A_280 : i32 to index
      %get3A_283 = arith.constant 32 : index
      %get3A_284 = tpu.vector_load %arg6[%get3A_281, %get3A_282, %get3A_283] {strides = array<i32>} : memref<4x2x64xi32, #tpu.memory_space<vmem>>, vector<16xi32>,
      tpu.vector_store_idx %arg12[%get3A_284], %broadcast_in_dim3A_64 {add = true} : memref<10240xf32, #tpu.memory_space<vmem>>[vector<16xi32>], vector<16xf32>,
      %get3A_285 = arith.constant 0 : i32
      %get3A_286 = arith.constant 1 : i32
      %get3A_287 = arith.index_cast %get3A_285 : i32 to index
      %get3A_288 = arith.index_cast %get3A_286 : i32 to index
      %get3A_289 = arith.constant 48 : index
      %get3A_290 = tpu.vector_load %arg6[%get3A_287, %get3A_288, %get3A_289] {strides = array<i32>} : memref<4x2x64xi32, #tpu.memory_space<vmem>>, vector<16xi32>,
      tpu.vector_store_idx %arg12[%get3A_290], %broadcast_in_dim3A_64 {add = true} : memref<10240xf32, #tpu.memory_space<vmem>>[vector<16xi32>], vector<16xf32>,
      %mul3A_291 = arith.constant 4 : i32
      %mul3A_292 = arith.muli %mul3A_291, %while3A_218 : i32
      %add3A_293 = arith.constant 1 : i32
      %add3A_294 = arith.addi %mul3A_292, %add3A_293 : i32
      %ge3A_295 = arith.constant 2 : i32
      %ge3A_296 = arith.cmpi sge, %add3A_294, %ge3A_295 : i32
      %convert_element_type3A_297 = arith.extui %ge3A_296 : i1 to i32
      %cond3A_298 = arith.constant 0 : i32
      %cond3A_299 = arith.cmpi ne, %convert_element_type3A_297, %cond3A_298 : i32
      scf.if %cond3A_299 {
        %dma_wait3A_522 = arith.constant 3 : i32
        %dma_wait3A_523 = arith.constant 3 : i32
        %dma_wait3A_524 = arith.constant 1 : i32
        %dma_wait3A_525 = arith.constant 3 : i32
        %dma_wait3A_526 = arith.constant 0 : i32
        %dma_wait3A_527 = arith.constant 0 : i32
        %dma_wait3A_528 = tpu.memref_slice %arg7[%dma_wait3A_522, %dma_wait3A_526, %dma_wait3A_527] : memref<4x64x128xf32, #tpu.memory_space<vmem>> -> memref<1x64x128xf32, #tpu.memory_space<vmem>>
        %dma_wait3A_529 = tpu.memref_squeeze %dma_wait3A_528 : memref<1x64x128xf32, #tpu.memory_space<vmem>> -> memref<64x128xf32, #tpu.memory_space<vmem>>
        %dma_wait3A_530 = arith.constant 0 : i32
        %dma_wait3A_531 = tpu.memref_slice %arg6[%dma_wait3A_523, %dma_wait3A_524, %dma_wait3A_530] : memref<4x2x64xi32, #tpu.memory_space<vmem>> -> memref<1x1x64xi32, #tpu.memory_space<vmem>>
        %dma_wait3A_532 = tpu.memref_squeeze %dma_wait3A_531 : memref<1x1x64xi32, #tpu.memory_space<vmem>> -> memref<64xi32, #tpu.memory_space<vmem>>
        %dma_wait3A_533 = arith.constant 0 : i32
        %dma_wait3A_534 = arith.constant 0 : i32
        %dma_wait3A_535 = tpu.memref_slice %arg8[%dma_wait3A_533, %dma_wait3A_534] : memref<10240x128xf32, #tpu.memory_space<vmem_shared>> -> memref<10240x128xf32, #tpu.memory_space<vmem_shared>>
        %dma_wait3A_536 = tpu.memref_slice %arg11[%dma_wait3A_525] : memref<4x!tpu.dma_semaphore, #tpu.memory_space<semaphore_mem>> -> memref<1x!tpu.dma_semaphore, #tpu.memory_space<semaphore_mem>>
        %dma_wait3A_537 = tpu.memref_squeeze %dma_wait3A_536 : memref<1x!tpu.dma_semaphore, #tpu.memory_space<semaphore_mem>> -> memref<!tpu.dma_semaphore, #tpu.memory_space<semaphore_mem>>
        tpu.wait_indirect_dma semaphore(%dma_wait3A_537 : memref<!tpu.dma_semaphore, #tpu.memory_space<semaphore_mem>>) src(%dma_wait3A_529 : memref<64x128xf32, #tpu.memory_space<vmem>>) dst(%dma_wait3A_535 : memref<10240x128xf32, #tpu.memory_space<vmem_shared>>)
      } else {
      }
      %add3A_300 = arith.constant 2 : i32
      %add3A_301 = arith.addi %add3A_294, %add3A_300 : i32
      %lt3A_302 = arith.cmpi slt, %add3A_301, %select_n3A : i32
      %convert_element_type3A_303 = arith.extui %lt3A_302 : i1 to i32
      %cond3A_304 = arith.constant 0 : i32
      %cond3A_305 = arith.cmpi ne, %convert_element_type3A_303, %cond3A_304 : i32
      scf.if %cond3A_305 {
        %add3A_522 = arith.constant 2 : i32
        %add3A_523 = arith.addi %add3A_294, %add3A_522 : i32
        %add3A_524 = arith.addi %select_n3A_75, %add3A_523 : i32
        %dma_start3A_525 = arith.constant 3 : i32
        %dma_start3A_526 = arith.constant 3 : i32
        %dma_start3A_527 = arith.constant 0 : i32
        %dma_start3A_528 = arith.constant 0 : i32
        %dma_start3A_529 = tpu.memref_slice %arg6[%dma_start3A_525, %dma_start3A_527, %dma_start3A_528] : memref<4x2x64xi32, #tpu.memory_space<vmem>> -> memref<1x2x64xi32, #tpu.memory_space<vmem>>
        %dma_start3A_530 = tpu.memref_squeeze %dma_start3A_529 : memref<1x2x64xi32, #tpu.memory_space<vmem>> -> memref<2x64xi32, #tpu.memory_space<vmem>>
        %dma_start3A_531 = arith.constant 0 : i32
        %dma_start3A_532 = arith.constant 0 : i32
        %dma_start3A_533 = tpu.memref_slice %arg3[%add3A_524, %dma_start3A_531, %dma_start3A_532] : memref<5120x2x64xi32, #tpu.memory_space<hbm>> -> memref<1x2x64xi32, #tpu.memory_space<hbm>>
        %dma_start3A_534 = tpu.memref_squeeze %dma_start3A_533 : memref<1x2x64xi32, #tpu.memory_space<hbm>> -> memref<2x64xi32, #tpu.memory_space<hbm>>
        %dma_start3A_535 = tpu.memref_slice %arg9[%dma_start3A_526] : memref<4x!tpu.dma_semaphore, #tpu.memory_space<semaphore_mem>> -> memref<1x!tpu.dma_semaphore, #tpu.memory_space<semaphore_mem>>
        %dma_start3A_536 = tpu.memref_squeeze %dma_start3A_535 : memref<1x!tpu.dma_semaphore, #tpu.memory_space<semaphore_mem>> -> memref<!tpu.dma_semaphore, #tpu.memory_space<semaphore_mem>>
        %dma_start3A_537 = arith.constant 0 : i32
        %dma_start3A_538 = arith.constant 0 : i32
        %dma_start3A_539 = tpu.memref_slice %arg6[%dma_start3A_525, %dma_start3A_537, %dma_start3A_538] : memref<4x2x64xi32, #tpu.memory_space<vmem>> -> memref<1x2x64xi32, #tpu.memory_space<vmem>>
        %dma_start3A_540 = tpu.memref_squeeze %dma_start3A_539 : memref<1x2x64xi32, #tpu.memory_space<vmem>> -> memref<2x64xi32, #tpu.memory_space<vmem>>
        %dma_start3A_541 = arith.constant 0 : i32
        %dma_start3A_542 = arith.constant 0 : i32
        %dma_start3A_543 = tpu.memref_slice %arg3[%add3A_524, %dma_start3A_541, %dma_start3A_542] : memref<5120x2x64xi32, #tpu.memory_space<hbm>> -> memref<1x2x64xi32, #tpu.memory_space<hbm>>
        %dma_start3A_544 = tpu.memref_squeeze %dma_start3A_543 : memref<1x2x64xi32, #tpu.memory_space<hbm>> -> memref<2x64xi32, #tpu.memory_space<hbm>>
        tpu.enqueue_dma source(%dma_start3A_544 : memref<2x64xi32, #tpu.memory_space<hbm>>) target(%dma_start3A_540 : memref<2x64xi32, #tpu.memory_space<vmem>>) target_semaphore(%dma_start3A_536 : memref<!tpu.dma_semaphore, #tpu.memory_space<semaphore_mem>>)
      } else {
      }
      %add3A_306 = arith.constant 1 : i32
      %add3A_307 = arith.addi %add3A_294, %add3A_306 : i32
      %lt3A_308 = arith.cmpi slt, %add3A_307, %select_n3A : i32
      %convert_element_type3A_309 = arith.extui %lt3A_308 : i1 to i32
      %cond3A_310 = arith.constant 0 : i32
      %cond3A_311 = arith.cmpi ne, %convert_element_type3A_309, %cond3A_310 : i32
      scf.if %cond3A_311 {
        %dma_wait3A_522 = arith.constant 2 : i32
        %dma_wait3A_523 = arith.constant 2 : i32
        %dma_wait3A_524 = arith.constant 0 : i32
        %dma_wait3A_525 = arith.constant 0 : i32
        %dma_wait3A_526 = tpu.memref_slice %arg6[%dma_wait3A_522, %dma_wait3A_524, %dma_wait3A_525] : memref<4x2x64xi32, #tpu.memory_space<vmem>> -> memref<1x2x64xi32, #tpu.memory_space<vmem>>
        %dma_wait3A_527 = tpu.memref_squeeze %dma_wait3A_526 : memref<1x2x64xi32, #tpu.memory_space<vmem>> -> memref<2x64xi32, #tpu.memory_space<vmem>>
        %dma_wait3A_528 = arith.constant 0 : i32
        %dma_wait3A_529 = arith.constant 0 : i32
        %dma_wait3A_530 = tpu.memref_slice %arg3[%select_n3A_75, %dma_wait3A_528, %dma_wait3A_529] : memref<5120x2x64xi32, #tpu.memory_space<hbm>> -> memref<1x2x64xi32, #tpu.memory_space<hbm>>
        %dma_wait3A_531 = tpu.memref_squeeze %dma_wait3A_530 : memref<1x2x64xi32, #tpu.memory_space<hbm>> -> memref<2x64xi32, #tpu.memory_space<hbm>>
        %dma_wait3A_532 = tpu.memref_slice %arg9[%dma_wait3A_523] : memref<4x!tpu.dma_semaphore, #tpu.memory_space<semaphore_mem>> -> memref<1x!tpu.dma_semaphore, #tpu.memory_space<semaphore_mem>>
        %dma_wait3A_533 = tpu.memref_squeeze %dma_wait3A_532 : memref<1x!tpu.dma_semaphore, #tpu.memory_space<semaphore_mem>> -> memref<!tpu.dma_semaphore, #tpu.memory_space<semaphore_mem>>
        %dma_wait3A_534 = arith.constant 0 : i32
        %dma_wait3A_535 = arith.constant 0 : i32
        %dma_wait3A_536 = tpu.memref_slice %arg6[%dma_wait3A_522, %dma_wait3A_534, %dma_wait3A_535] : memref<4x2x64xi32, #tpu.memory_space<vmem>> -> memref<1x2x64xi32, #tpu.memory_space<vmem>>
        %dma_wait3A_537 = tpu.memref_squeeze %dma_wait3A_536 : memref<1x2x64xi32, #tpu.memory_space<vmem>> -> memref<2x64xi32, #tpu.memory_space<vmem>>
        %dma_wait3A_538 = arith.constant 0 : i32
        %dma_wait3A_539 = arith.constant 0 : i32
        %dma_wait3A_540 = tpu.memref_slice %arg3[%select_n3A_75, %dma_wait3A_538, %dma_wait3A_539] : memref<5120x2x64xi32, #tpu.memory_space<hbm>> -> memref<1x2x64xi32, #tpu.memory_space<hbm>>
        %dma_wait3A_541 = tpu.memref_squeeze %dma_wait3A_540 : memref<1x2x64xi32, #tpu.memory_space<hbm>> -> memref<2x64xi32, #tpu.memory_space<hbm>>
        tpu.wait_dma2 semaphore(%dma_wait3A_533 : memref<!tpu.dma_semaphore, #tpu.memory_space<semaphore_mem>>) src(%dma_wait3A_541 : memref<2x64xi32, #tpu.memory_space<hbm>>) dst(%dma_wait3A_537 : memref<2x64xi32, #tpu.memory_space<vmem>>)
        %dma_start3A_542 = arith.constant 2 : i32
        %dma_start3A_543 = arith.constant 0 : i32
        %dma_start3A_544 = arith.constant 2 : i32
        %dma_start3A_545 = arith.constant 2 : i32
        %dma_start3A_546 = arith.constant 0 : i32
        %dma_start3A_547 = arith.constant 0 : i32
        %dma_start3A_548 = tpu.memref_slice %arg7[%dma_start3A_544, %dma_start3A_546, %dma_start3A_547] : memref<4x64x128xf32, #tpu.memory_space<vmem>> -> memref<1x64x128xf32, #tpu.memory_space<vmem>>
        %dma_start3A_549 = tpu.memref_squeeze %dma_start3A_548 : memref<1x64x128xf32, #tpu.memory_space<vmem>> -> memref<64x128xf32, #tpu.memory_space<vmem>>
        %dma_start3A_550 = arith.constant 0 : i32
        %dma_start3A_551 = tpu.memref_slice %arg6[%dma_start3A_542, %dma_start3A_543, %dma_start3A_550] : memref<4x2x64xi32, #tpu.memory_space<vmem>> -> memref<1x1x64xi32, #tpu.memory_space<vmem>>
        %dma_start3A_552 = tpu.memref_squeeze %dma_start3A_551 : memref<1x1x64xi32, #tpu.memory_space<vmem>> -> memref<64xi32, #tpu.memory_space<vmem>>
        %dma_start3A_553 = arith.constant 0 : i32
        %dma_start3A_554 = arith.constant 0 : i32
        %dma_start3A_555 = tpu.memref_slice %arg2[%dma_start3A_553, %dma_start3A_554] : memref<10000x128xf32, #tpu.memory_space<hbm>> -> memref<10000x128xf32, #tpu.memory_space<hbm>>
        %dma_start3A_556 = tpu.memref_slice %arg10[%dma_start3A_545] : memref<4x!tpu.dma_semaphore, #tpu.memory_space<semaphore_mem>> -> memref<1x!tpu.dma_semaphore, #tpu.memory_space<semaphore_mem>>
        %dma_start3A_557 = tpu.memref_squeeze %dma_start3A_556 : memref<1x!tpu.dma_semaphore, #tpu.memory_space<semaphore_mem>> -> memref<!tpu.dma_semaphore, #tpu.memory_space<semaphore_mem>>
        tpu.enqueue_indirect_dma source(%dma_start3A_555 : memref<10000x128xf32, #tpu.memory_space<hbm>>) target(%dma_start3A_549 : memref<64x128xf32, #tpu.memory_space<vmem>>) offsets(%dma_start3A_552 : memref<64xi32, #tpu.memory_space<vmem>>) semaphore(%dma_start3A_557 : memref<!tpu.dma_semaphore, #tpu.memory_space<semaphore_mem>>)
      } else {
      }
      %dma_wait3A_312 = arith.constant 1 : i32
      %dma_wait3A_313 = arith.constant 0 : i32
      %dma_wait3A_314 = arith.constant 1 : i32
      %dma_wait3A_315 = arith.constant 1 : i32
      %dma_wait3A_316 = arith.constant 0 : i32
      %dma_wait3A_317 = arith.constant 0 : i32
      %dma_wait3A_318 = tpu.memref_slice %arg7[%dma_wait3A_314, %dma_wait3A_316, %dma_wait3A_317] : memref<4x64x128xf32, #tpu.memory_space<vmem>> -> memref<1x64x128xf32, #tpu.memory_space<vmem>>
      %dma_wait3A_319 = tpu.memref_squeeze %dma_wait3A_318 : memref<1x64x128xf32, #tpu.memory_space<vmem>> -> memref<64x128xf32, #tpu.memory_space<vmem>>
      %dma_wait3A_320 = arith.constant 0 : i32
      %dma_wait3A_321 = tpu.memref_slice %arg6[%dma_wait3A_312, %dma_wait3A_313, %dma_wait3A_320] : memref<4x2x64xi32, #tpu.memory_space<vmem>> -> memref<1x1x64xi32, #tpu.memory_space<vmem>>
      %dma_wait3A_322 = tpu.memref_squeeze %dma_wait3A_321 : memref<1x1x64xi32, #tpu.memory_space<vmem>> -> memref<64xi32, #tpu.memory_space<vmem>>
      %dma_wait3A_323 = arith.constant 0 : i32
      %dma_wait3A_324 = arith.constant 0 : i32
      %dma_wait3A_325 = tpu.memref_slice %arg2[%dma_wait3A_323, %dma_wait3A_324] : memref<10000x128xf32, #tpu.memory_space<hbm>> -> memref<10000x128xf32, #tpu.memory_space<hbm>>
      %dma_wait3A_326 = tpu.memref_slice %arg10[%dma_wait3A_315] : memref<4x!tpu.dma_semaphore, #tpu.memory_space<semaphore_mem>> -> memref<1x!tpu.dma_semaphore, #tpu.memory_space<semaphore_mem>>
      %dma_wait3A_327 = tpu.memref_squeeze %dma_wait3A_326 : memref<1x!tpu.dma_semaphore, #tpu.memory_space<semaphore_mem>> -> memref<!tpu.dma_semaphore, #tpu.memory_space<semaphore_mem>>
      tpu.wait_indirect_dma semaphore(%dma_wait3A_327 : memref<!tpu.dma_semaphore, #tpu.memory_space<semaphore_mem>>) src(%dma_wait3A_325 : memref<10000x128xf32, #tpu.memory_space<hbm>>) dst(%dma_wait3A_319 : memref<64x128xf32, #tpu.memory_space<vmem>>)
      %dma_start3A_328 = arith.constant 1 : i32
      %dma_start3A_329 = arith.constant 1 : i32
      %dma_start3A_330 = arith.constant 1 : i32
      %dma_start3A_331 = arith.constant 1 : i32
      %dma_start3A_332 = arith.constant 0 : i32
      %dma_start3A_333 = arith.constant 0 : i32
      %dma_start3A_334 = tpu.memref_slice %arg7[%dma_start3A_328, %dma_start3A_332, %dma_start3A_333] : memref<4x64x128xf32, #tpu.memory_space<vmem>> -> memref<1x64x128xf32, #tpu.memory_space<vmem>>
      %dma_start3A_335 = tpu.memref_squeeze %dma_start3A_334 : memref<1x64x128xf32, #tpu.memory_space<vmem>> -> memref<64x128xf32, #tpu.memory_space<vmem>>
      %dma_start3A_336 = arith.constant 0 : i32
      %dma_start3A_337 = tpu.memref_slice %arg6[%dma_start3A_329, %dma_start3A_330, %dma_start3A_336] : memref<4x2x64xi32, #tpu.memory_space<vmem>> -> memref<1x1x64xi32, #tpu.memory_space<vmem>>
      %dma_start3A_338 = tpu.memref_squeeze %dma_start3A_337 : memref<1x1x64xi32, #tpu.memory_space<vmem>> -> memref<64xi32, #tpu.memory_space<vmem>>
      %dma_start3A_339 = arith.constant 0 : i32
      %dma_start3A_340 = arith.constant 0 : i32
      %dma_start3A_341 = tpu.memref_slice %arg8[%dma_start3A_339, %dma_start3A_340] : memref<10240x128xf32, #tpu.memory_space<vmem_shared>> -> memref<10240x128xf32, #tpu.memory_space<vmem_shared>>
      %dma_start3A_342 = tpu.memref_slice %arg11[%dma_start3A_331] : memref<4x!tpu.dma_semaphore, #tpu.memory_space<semaphore_mem>> -> memref<1x!tpu.dma_semaphore, #tpu.memory_space<semaphore_mem>>
      %dma_start3A_343 = tpu.memref_squeeze %dma_start3A_342 : memref<1x!tpu.dma_semaphore, #tpu.memory_space<semaphore_mem>> -> memref<!tpu.dma_semaphore, #tpu.memory_space<semaphore_mem>>
      tpu.enqueue_indirect_dma source(%dma_start3A_335 : memref<64x128xf32, #tpu.memory_space<vmem>>) target(%dma_start3A_341 : memref<10240x128xf32, #tpu.memory_space<vmem_shared>>) offsets(%dma_start3A_338 : memref<64xi32, #tpu.memory_space<vmem>>) semaphore(%dma_start3A_343 : memref<!tpu.dma_semaphore, #tpu.memory_space<semaphore_mem>>) {add = true}
      %get3A_344 = arith.constant 1 : i32
      %get3A_345 = arith.constant 1 : i32
      %get3A_346 = arith.index_cast %get3A_344 : i32 to index
      %get3A_347 = arith.index_cast %get3A_345 : i32 to index
      %get3A_348 = arith.constant 0 : index
      %get3A_349 = tpu.vector_load %arg6[%get3A_346, %get3A_347, %get3A_348] {strides = array<i32>} : memref<4x2x64xi32, #tpu.memory_space<vmem>>, vector<16xi32>,
      tpu.vector_store_idx %arg12[%get3A_349], %broadcast_in_dim3A_64 {add = true} : memref<10240xf32, #tpu.memory_space<vmem>>[vector<16xi32>], vector<16xf32>,
      %get3A_350 = arith.constant 1 : i32
      %get3A_351 = arith.constant 1 : i32
      %get3A_352 = arith.index_cast %get3A_350 : i32 to index
      %get3A_353 = arith.index_cast %get3A_351 : i32 to index
      %get3A_354 = arith.constant 16 : index
      %get3A_355 = tpu.vector_load %arg6[%get3A_352, %get3A_353, %get3A_354] {strides = array<i32>} : memref<4x2x64xi32, #tpu.memory_space<vmem>>, vector<16xi32>,
      tpu.vector_store_idx %arg12[%get3A_355], %broadcast_in_dim3A_64 {add = true} : memref<10240xf32, #tpu.memory_space<vmem>>[vector<16xi32>], vector<16xf32>,
      %get3A_356 = arith.constant 1 : i32
      %get3A_357 = arith.constant 1 : i32
      %get3A_358 = arith.index_cast %get3A_356 : i32 to index
      %get3A_359 = arith.index_cast %get3A_357 : i32 to index
      %get3A_360 = arith.constant 32 : index
      %get3A_361 = tpu.vector_load %arg6[%get3A_358, %get3A_359, %get3A_360] {strides = array<i32>} : memref<4x2x64xi32, #tpu.memory_space<vmem>>, vector<16xi32>,
      tpu.vector_store_idx %arg12[%get3A_361], %broadcast_in_dim3A_64 {add = true} : memref<10240xf32, #tpu.memory_space<vmem>>[vector<16xi32>], vector<16xf32>,
      %get3A_362 = arith.constant 1 : i32
      %get3A_363 = arith.constant 1 : i32
      %get3A_364 = arith.index_cast %get3A_362 : i32 to index
      %get3A_365 = arith.index_cast %get3A_363 : i32 to index
      %get3A_366 = arith.constant 48 : index
      %get3A_367 = tpu.vector_load %arg6[%get3A_364, %get3A_365, %get3A_366] {strides = array<i32>} : memref<4x2x64xi32, #tpu.memory_space<vmem>>, vector<16xi32>,
      tpu.vector_store_idx %arg12[%get3A_367], %broadcast_in_dim3A_64 {add = true} : memref<10240xf32, #tpu.memory_space<vmem>>[vector<16xi32>], vector<16xf32>,
      %mul3A_368 = arith.constant 4 : i32
      %mul3A_369 = arith.muli %mul3A_368, %while3A_218 : i32
      %add3A_370 = arith.constant 2 : i32
      %add3A_371 = arith.addi %mul3A_369, %add3A_370 : i32
      %ge3A_372 = arith.constant 2 : i32
      %ge3A_373 = arith.cmpi sge, %add3A_371, %ge3A_372 : i32
      %convert_element_type3A_374 = arith.extui %ge3A_373 : i1 to i32
      %cond3A_375 = arith.constant 0 : i32
      %cond3A_376 = arith.cmpi ne, %convert_element_type3A_374, %cond3A_375 : i32
      scf.if %cond3A_376 {
        %dma_wait3A_522 = arith.constant 0 : i32
        %dma_wait3A_523 = arith.constant 0 : i32
        %dma_wait3A_524 = arith.constant 1 : i32
        %dma_wait3A_525 = arith.constant 0 : i32
        %dma_wait3A_526 = arith.constant 0 : i32
        %dma_wait3A_527 = arith.constant 0 : i32
        %dma_wait3A_528 = tpu.memref_slice %arg7[%dma_wait3A_522, %dma_wait3A_526, %dma_wait3A_527] : memref<4x64x128xf32, #tpu.memory_space<vmem>> -> memref<1x64x128xf32, #tpu.memory_space<vmem>>
        %dma_wait3A_529 = tpu.memref_squeeze %dma_wait3A_528 : memref<1x64x128xf32, #tpu.memory_space<vmem>> -> memref<64x128xf32, #tpu.memory_space<vmem>>
        %dma_wait3A_530 = arith.constant 0 : i32
        %dma_wait3A_531 = tpu.memref_slice %arg6[%dma_wait3A_523, %dma_wait3A_524, %dma_wait3A_530] : memref<4x2x64xi32, #tpu.memory_space<vmem>> -> memref<1x1x64xi32, #tpu.memory_space<vmem>>
        %dma_wait3A_532 = tpu.memref_squeeze %dma_wait3A_531 : memref<1x1x64xi32, #tpu.memory_space<vmem>> -> memref<64xi32, #tpu.memory_space<vmem>>
        %dma_wait3A_533 = arith.constant 0 : i32
        %dma_wait3A_534 = arith.constant 0 : i32
        %dma_wait3A_535 = tpu.memref_slice %arg8[%dma_wait3A_533, %dma_wait3A_534] : memref<10240x128xf32, #tpu.memory_space<vmem_shared>> -> memref<10240x128xf32, #tpu.memory_space<vmem_shared>>
        %dma_wait3A_536 = tpu.memref_slice %arg11[%dma_wait3A_525] : memref<4x!tpu.dma_semaphore, #tpu.memory_space<semaphore_mem>> -> memref<1x!tpu.dma_semaphore, #tpu.memory_space<semaphore_mem>>
        %dma_wait3A_537 = tpu.memref_squeeze %dma_wait3A_536 : memref<1x!tpu.dma_semaphore, #tpu.memory_space<semaphore_mem>> -> memref<!tpu.dma_semaphore, #tpu.memory_space<semaphore_mem>>
        tpu.wait_indirect_dma semaphore(%dma_wait3A_537 : memref<!tpu.dma_semaphore, #tpu.memory_space<semaphore_mem>>) src(%dma_wait3A_529 : memref<64x128xf32, #tpu.memory_space<vmem>>) dst(%dma_wait3A_535 : memref<10240x128xf32, #tpu.memory_space<vmem_shared>>)
      } else {
      }
      %add3A_377 = arith.constant 2 : i32
      %add3A_378 = arith.addi %add3A_371, %add3A_377 : i32
      %lt3A_379 = arith.cmpi slt, %add3A_378, %select_n3A : i32
      %convert_element_type3A_380 = arith.extui %lt3A_379 : i1 to i32
      %cond3A_381 = arith.constant 0 : i32
      %cond3A_382 = arith.cmpi ne, %convert_element_type3A_380, %cond3A_381 : i32
      scf.if %cond3A_382 {
        %add3A_522 = arith.constant 2 : i32
        %add3A_523 = arith.addi %add3A_371, %add3A_522 : i32
        %add3A_524 = arith.addi %select_n3A_75, %add3A_523 : i32
        %dma_start3A_525 = arith.constant 0 : i32
        %dma_start3A_526 = arith.constant 0 : i32
        %dma_start3A_527 = arith.constant 0 : i32
        %dma_start3A_528 = arith.constant 0 : i32
        %dma_start3A_529 = tpu.memref_slice %arg6[%dma_start3A_525, %dma_start3A_527, %dma_start3A_528] : memref<4x2x64xi32, #tpu.memory_space<vmem>> -> memref<1x2x64xi32, #tpu.memory_space<vmem>>
        %dma_start3A_530 = tpu.memref_squeeze %dma_start3A_529 : memref<1x2x64xi32, #tpu.memory_space<vmem>> -> memref<2x64xi32, #tpu.memory_space<vmem>>
        %dma_start3A_531 = arith.constant 0 : i32
        %dma_start3A_532 = arith.constant 0 : i32
        %dma_start3A_533 = tpu.memref_slice %arg3[%add3A_524, %dma_start3A_531, %dma_start3A_532] : memref<5120x2x64xi32, #tpu.memory_space<hbm>> -> memref<1x2x64xi32, #tpu.memory_space<hbm>>
        %dma_start3A_534 = tpu.memref_squeeze %dma_start3A_533 : memref<1x2x64xi32, #tpu.memory_space<hbm>> -> memref<2x64xi32, #tpu.memory_space<hbm>>
        %dma_start3A_535 = tpu.memref_slice %arg9[%dma_start3A_526] : memref<4x!tpu.dma_semaphore, #tpu.memory_space<semaphore_mem>> -> memref<1x!tpu.dma_semaphore, #tpu.memory_space<semaphore_mem>>
        %dma_start3A_536 = tpu.memref_squeeze %dma_start3A_535 : memref<1x!tpu.dma_semaphore, #tpu.memory_space<semaphore_mem>> -> memref<!tpu.dma_semaphore, #tpu.memory_space<semaphore_mem>>
        %dma_start3A_537 = arith.constant 0 : i32
        %dma_start3A_538 = arith.constant 0 : i32
        %dma_start3A_539 = tpu.memref_slice %arg6[%dma_start3A_525, %dma_start3A_537, %dma_start3A_538] : memref<4x2x64xi32, #tpu.memory_space<vmem>> -> memref<1x2x64xi32, #tpu.memory_space<vmem>>
        %dma_start3A_540 = tpu.memref_squeeze %dma_start3A_539 : memref<1x2x64xi32, #tpu.memory_space<vmem>> -> memref<2x64xi32, #tpu.memory_space<vmem>>
        %dma_start3A_541 = arith.constant 0 : i32
        %dma_start3A_542 = arith.constant 0 : i32
        %dma_start3A_543 = tpu.memref_slice %arg3[%add3A_524, %dma_start3A_541, %dma_start3A_542] : memref<5120x2x64xi32, #tpu.memory_space<hbm>> -> memref<1x2x64xi32, #tpu.memory_space<hbm>>
        %dma_start3A_544 = tpu.memref_squeeze %dma_start3A_543 : memref<1x2x64xi32, #tpu.memory_space<hbm>> -> memref<2x64xi32, #tpu.memory_space<hbm>>
        tpu.enqueue_dma source(%dma_start3A_544 : memref<2x64xi32, #tpu.memory_space<hbm>>) target(%dma_start3A_540 : memref<2x64xi32, #tpu.memory_space<vmem>>) target_semaphore(%dma_start3A_536 : memref<!tpu.dma_semaphore, #tpu.memory_space<semaphore_mem>>)
      } else {
      }
      %add3A_383 = arith.constant 1 : i32
      %add3A_384 = arith.addi %add3A_371, %add3A_383 : i32
      %lt3A_385 = arith.cmpi slt, %add3A_384, %select_n3A : i32
      %convert_element_type3A_386 = arith.extui %lt3A_385 : i1 to i32
      %cond3A_387 = arith.constant 0 : i32
      %cond3A_388 = arith.cmpi ne, %convert_element_type3A_386, %cond3A_387 : i32
      scf.if %cond3A_388 {
        %dma_wait3A_522 = arith.constant 3 : i32
        %dma_wait3A_523 = arith.constant 3 : i32
        %dma_wait3A_524 = arith.constant 0 : i32
        %dma_wait3A_525 = arith.constant 0 : i32
        %dma_wait3A_526 = tpu.memref_slice %arg6[%dma_wait3A_522, %dma_wait3A_524, %dma_wait3A_525] : memref<4x2x64xi32, #tpu.memory_space<vmem>> -> memref<1x2x64xi32, #tpu.memory_space<vmem>>
        %dma_wait3A_527 = tpu.memref_squeeze %dma_wait3A_526 : memref<1x2x64xi32, #tpu.memory_space<vmem>> -> memref<2x64xi32, #tpu.memory_space<vmem>>
        %dma_wait3A_528 = arith.constant 0 : i32
        %dma_wait3A_529 = arith.constant 0 : i32
        %dma_wait3A_530 = tpu.memref_slice %arg3[%select_n3A_75, %dma_wait3A_528, %dma_wait3A_529] : memref<5120x2x64xi32, #tpu.memory_space<hbm>> -> memref<1x2x64xi32, #tpu.memory_space<hbm>>
        %dma_wait3A_531 = tpu.memref_squeeze %dma_wait3A_530 : memref<1x2x64xi32, #tpu.memory_space<hbm>> -> memref<2x64xi32, #tpu.memory_space<hbm>>
        %dma_wait3A_532 = tpu.memref_slice %arg9[%dma_wait3A_523] : memref<4x!tpu.dma_semaphore, #tpu.memory_space<semaphore_mem>> -> memref<1x!tpu.dma_semaphore, #tpu.memory_space<semaphore_mem>>
        %dma_wait3A_533 = tpu.memref_squeeze %dma_wait3A_532 : memref<1x!tpu.dma_semaphore, #tpu.memory_space<semaphore_mem>> -> memref<!tpu.dma_semaphore, #tpu.memory_space<semaphore_mem>>
        %dma_wait3A_534 = arith.constant 0 : i32
        %dma_wait3A_535 = arith.constant 0 : i32
        %dma_wait3A_536 = tpu.memref_slice %arg6[%dma_wait3A_522, %dma_wait3A_534, %dma_wait3A_535] : memref<4x2x64xi32, #tpu.memory_space<vmem>> -> memref<1x2x64xi32, #tpu.memory_space<vmem>>
        %dma_wait3A_537 = tpu.memref_squeeze %dma_wait3A_536 : memref<1x2x64xi32, #tpu.memory_space<vmem>> -> memref<2x64xi32, #tpu.memory_space<vmem>>
        %dma_wait3A_538 = arith.constant 0 : i32
        %dma_wait3A_539 = arith.constant 0 : i32
        %dma_wait3A_540 = tpu.memref_slice %arg3[%select_n3A_75, %dma_wait3A_538, %dma_wait3A_539] : memref<5120x2x64xi32, #tpu.memory_space<hbm>> -> memref<1x2x64xi32, #tpu.memory_space<hbm>>
        %dma_wait3A_541 = tpu.memref_squeeze %dma_wait3A_540 : memref<1x2x64xi32, #tpu.memory_space<hbm>> -> memref<2x64xi32, #tpu.memory_space<hbm>>
        tpu.wait_dma2 semaphore(%dma_wait3A_533 : memref<!tpu.dma_semaphore, #tpu.memory_space<semaphore_mem>>) src(%dma_wait3A_541 : memref<2x64xi32, #tpu.memory_space<hbm>>) dst(%dma_wait3A_537 : memref<2x64xi32, #tpu.memory_space<vmem>>)
        %dma_start3A_542 = arith.constant 3 : i32
        %dma_start3A_543 = arith.constant 0 : i32
        %dma_start3A_544 = arith.constant 3 : i32
        %dma_start3A_545 = arith.constant 3 : i32
        %dma_start3A_546 = arith.constant 0 : i32
        %dma_start3A_547 = arith.constant 0 : i32
        %dma_start3A_548 = tpu.memref_slice %arg7[%dma_start3A_544, %dma_start3A_546, %dma_start3A_547] : memref<4x64x128xf32, #tpu.memory_space<vmem>> -> memref<1x64x128xf32, #tpu.memory_space<vmem>>
        %dma_start3A_549 = tpu.memref_squeeze %dma_start3A_548 : memref<1x64x128xf32, #tpu.memory_space<vmem>> -> memref<64x128xf32, #tpu.memory_space<vmem>>
        %dma_start3A_550 = arith.constant 0 : i32
        %dma_start3A_551 = tpu.memref_slice %arg6[%dma_start3A_542, %dma_start3A_543, %dma_start3A_550] : memref<4x2x64xi32, #tpu.memory_space<vmem>> -> memref<1x1x64xi32, #tpu.memory_space<vmem>>
        %dma_start3A_552 = tpu.memref_squeeze %dma_start3A_551 : memref<1x1x64xi32, #tpu.memory_space<vmem>> -> memref<64xi32, #tpu.memory_space<vmem>>
        %dma_start3A_553 = arith.constant 0 : i32
        %dma_start3A_554 = arith.constant 0 : i32
        %dma_start3A_555 = tpu.memref_slice %arg2[%dma_start3A_553, %dma_start3A_554] : memref<10000x128xf32, #tpu.memory_space<hbm>> -> memref<10000x128xf32, #tpu.memory_space<hbm>>
        %dma_start3A_556 = tpu.memref_slice %arg10[%dma_start3A_545] : memref<4x!tpu.dma_semaphore, #tpu.memory_space<semaphore_mem>> -> memref<1x!tpu.dma_semaphore, #tpu.memory_space<semaphore_mem>>
        %dma_start3A_557 = tpu.memref_squeeze %dma_start3A_556 : memref<1x!tpu.dma_semaphore, #tpu.memory_space<semaphore_mem>> -> memref<!tpu.dma_semaphore, #tpu.memory_space<semaphore_mem>>
        tpu.enqueue_indirect_dma source(%dma_start3A_555 : memref<10000x128xf32, #tpu.memory_space<hbm>>) target(%dma_start3A_549 : memref<64x128xf32, #tpu.memory_space<vmem>>) offsets(%dma_start3A_552 : memref<64xi32, #tpu.memory_space<vmem>>) semaphore(%dma_start3A_557 : memref<!tpu.dma_semaphore, #tpu.memory_space<semaphore_mem>>)
      } else {
      }
      %dma_wait3A_389 = arith.constant 2 : i32
      %dma_wait3A_390 = arith.constant 0 : i32
      %dma_wait3A_391 = arith.constant 2 : i32
      %dma_wait3A_392 = arith.constant 2 : i32
      %dma_wait3A_393 = arith.constant 0 : i32
      %dma_wait3A_394 = arith.constant 0 : i32
      %dma_wait3A_395 = tpu.memref_slice %arg7[%dma_wait3A_391, %dma_wait3A_393, %dma_wait3A_394] : memref<4x64x128xf32, #tpu.memory_space<vmem>> -> memref<1x64x128xf32, #tpu.memory_space<vmem>>
      %dma_wait3A_396 = tpu.memref_squeeze %dma_wait3A_395 : memref<1x64x128xf32, #tpu.memory_space<vmem>> -> memref<64x128xf32, #tpu.memory_space<vmem>>
      %dma_wait3A_397 = arith.constant 0 : i32
      %dma_wait3A_398 = tpu.memref_slice %arg6[%dma_wait3A_389, %dma_wait3A_390, %dma_wait3A_397] : memref<4x2x64xi32, #tpu.memory_space<vmem>> -> memref<1x1x64xi32, #tpu.memory_space<vmem>>
      %dma_wait3A_399 = tpu.memref_squeeze %dma_wait3A_398 : memref<1x1x64xi32, #tpu.memory_space<vmem>> -> memref<64xi32, #tpu.memory_space<vmem>>
      %dma_wait3A_400 = arith.constant 0 : i32
      %dma_wait3A_401 = arith.constant 0 : i32
      %dma_wait3A_402 = tpu.memref_slice %arg2[%dma_wait3A_400, %dma_wait3A_401] : memref<10000x128xf32, #tpu.memory_space<hbm>> -> memref<10000x128xf32, #tpu.memory_space<hbm>>
      %dma_wait3A_403 = tpu.memref_slice %arg10[%dma_wait3A_392] : memref<4x!tpu.dma_semaphore, #tpu.memory_space<semaphore_mem>> -> memref<1x!tpu.dma_semaphore, #tpu.memory_space<semaphore_mem>>
      %dma_wait3A_404 = tpu.memref_squeeze %dma_wait3A_403 : memref<1x!tpu.dma_semaphore, #tpu.memory_space<semaphore_mem>> -> memref<!tpu.dma_semaphore, #tpu.memory_space<semaphore_mem>>
      tpu.wait_indirect_dma semaphore(%dma_wait3A_404 : memref<!tpu.dma_semaphore, #tpu.memory_space<semaphore_mem>>) src(%dma_wait3A_402 : memref<10000x128xf32, #tpu.memory_space<hbm>>) dst(%dma_wait3A_396 : memref<64x128xf32, #tpu.memory_space<vmem>>)
      %dma_start3A_405 = arith.constant 2 : i32
      %dma_start3A_406 = arith.constant 2 : i32
      %dma_start3A_407 = arith.constant 1 : i32
      %dma_start3A_408 = arith.constant 2 : i32
      %dma_start3A_409 = arith.constant 0 : i32
      %dma_start3A_410 = arith.constant 0 : i32
      %dma_start3A_411 = tpu.memref_slice %arg7[%dma_start3A_405, %dma_start3A_409, %dma_start3A_410] : memref<4x64x128xf32, #tpu.memory_space<vmem>> -> memref<1x64x128xf32, #tpu.memory_space<vmem>>
      %dma_start3A_412 = tpu.memref_squeeze %dma_start3A_411 : memref<1x64x128xf32, #tpu.memory_space<vmem>> -> memref<64x128xf32, #tpu.memory_space<vmem>>
      %dma_start3A_413 = arith.constant 0 : i32
      %dma_start3A_414 = tpu.memref_slice %arg6[%dma_start3A_406, %dma_start3A_407, %dma_start3A_413] : memref<4x2x64xi32, #tpu.memory_space<vmem>> -> memref<1x1x64xi32, #tpu.memory_space<vmem>>
      %dma_start3A_415 = tpu.memref_squeeze %dma_start3A_414 : memref<1x1x64xi32, #tpu.memory_space<vmem>> -> memref<64xi32, #tpu.memory_space<vmem>>
      %dma_start3A_416 = arith.constant 0 : i32
      %dma_start3A_417 = arith.constant 0 : i32
      %dma_start3A_418 = tpu.memref_slice %arg8[%dma_start3A_416, %dma_start3A_417] : memref<10240x128xf32, #tpu.memory_space<vmem_shared>> -> memref<10240x128xf32, #tpu.memory_space<vmem_shared>>
      %dma_start3A_419 = tpu.memref_slice %arg11[%dma_start3A_408] : memref<4x!tpu.dma_semaphore, #tpu.memory_space<semaphore_mem>> -> memref<1x!tpu.dma_semaphore, #tpu.memory_space<semaphore_mem>>
      %dma_start3A_420 = tpu.memref_squeeze %dma_start3A_419 : memref<1x!tpu.dma_semaphore, #tpu.memory_space<semaphore_mem>> -> memref<!tpu.dma_semaphore, #tpu.memory_space<semaphore_mem>>
      tpu.enqueue_indirect_dma source(%dma_start3A_412 : memref<64x128xf32, #tpu.memory_space<vmem>>) target(%dma_start3A_418 : memref<10240x128xf32, #tpu.memory_space<vmem_shared>>) offsets(%dma_start3A_415 : memref<64xi32, #tpu.memory_space<vmem>>) semaphore(%dma_start3A_420 : memref<!tpu.dma_semaphore, #tpu.memory_space<semaphore_mem>>) {add = true}
      %get3A_421 = arith.constant 2 : i32
      %get3A_422 = arith.constant 1 : i32
      %get3A_423 = arith.index_cast %get3A_421 : i32 to index
      %get3A_424 = arith.index_cast %get3A_422 : i32 to index
      %get3A_425 = arith.constant 0 : index
      %get3A_426 = tpu.vector_load %arg6[%get3A_423, %get3A_424, %get3A_425] {strides = array<i32>} : memref<4x2x64xi32, #tpu.memory_space<vmem>>, vector<16xi32>,
      tpu.vector_store_idx %arg12[%get3A_426], %broadcast_in_dim3A_64 {add = true} : memref<10240xf32, #tpu.memory_space<vmem>>[vector<16xi32>], vector<16xf32>,
      %get3A_427 = arith.constant 2 : i32
      %get3A_428 = arith.constant 1 : i32
      %get3A_429 = arith.index_cast %get3A_427 : i32 to index
      %get3A_430 = arith.index_cast %get3A_428 : i32 to index
      %get3A_431 = arith.constant 16 : index
      %get3A_432 = tpu.vector_load %arg6[%get3A_429, %get3A_430, %get3A_431] {strides = array<i32>} : memref<4x2x64xi32, #tpu.memory_space<vmem>>, vector<16xi32>,
      tpu.vector_store_idx %arg12[%get3A_432], %broadcast_in_dim3A_64 {add = true} : memref<10240xf32, #tpu.memory_space<vmem>>[vector<16xi32>], vector<16xf32>,
      %get3A_433 = arith.constant 2 : i32
      %get3A_434 = arith.constant 1 : i32
      %get3A_435 = arith.index_cast %get3A_433 : i32 to index
      %get3A_436 = arith.index_cast %get3A_434 : i32 to index
      %get3A_437 = arith.constant 32 : index
      %get3A_438 = tpu.vector_load %arg6[%get3A_435, %get3A_436, %get3A_437] {strides = array<i32>} : memref<4x2x64xi32, #tpu.memory_space<vmem>>, vector<16xi32>,
      tpu.vector_store_idx %arg12[%get3A_438], %broadcast_in_dim3A_64 {add = true} : memref<10240xf32, #tpu.memory_space<vmem>>[vector<16xi32>], vector<16xf32>,
      %get3A_439 = arith.constant 2 : i32
      %get3A_440 = arith.constant 1 : i32
      %get3A_441 = arith.index_cast %get3A_439 : i32 to index
      %get3A_442 = arith.index_cast %get3A_440 : i32 to index
      %get3A_443 = arith.constant 48 : index
      %get3A_444 = tpu.vector_load %arg6[%get3A_441, %get3A_442, %get3A_443] {strides = array<i32>} : memref<4x2x64xi32, #tpu.memory_space<vmem>>, vector<16xi32>,
      tpu.vector_store_idx %arg12[%get3A_444], %broadcast_in_dim3A_64 {add = true} : memref<10240xf32, #tpu.memory_space<vmem>>[vector<16xi32>], vector<16xf32>,
      %mul3A_445 = arith.constant 4 : i32
      %mul3A_446 = arith.muli %mul3A_445, %while3A_218 : i32
      %add3A_447 = arith.constant 3 : i32
      %add3A_448 = arith.addi %mul3A_446, %add3A_447 : i32
      %ge3A_449 = arith.constant 2 : i32
      %ge3A_450 = arith.cmpi sge, %add3A_448, %ge3A_449 : i32
      %convert_element_type3A_451 = arith.extui %ge3A_450 : i1 to i32
      %cond3A_452 = arith.constant 0 : i32
      %cond3A_453 = arith.cmpi ne, %convert_element_type3A_451, %cond3A_452 : i32
      scf.if %cond3A_453 {
        %dma_wait3A_522 = arith.constant 1 : i32
        %dma_wait3A_523 = arith.constant 1 : i32
        %dma_wait3A_524 = arith.constant 1 : i32
        %dma_wait3A_525 = arith.constant 1 : i32
        %dma_wait3A_526 = arith.constant 0 : i32
        %dma_wait3A_527 = arith.constant 0 : i32
        %dma_wait3A_528 = tpu.memref_slice %arg7[%dma_wait3A_522, %dma_wait3A_526, %dma_wait3A_527] : memref<4x64x128xf32, #tpu.memory_space<vmem>> -> memref<1x64x128xf32, #tpu.memory_space<vmem>>
        %dma_wait3A_529 = tpu.memref_squeeze %dma_wait3A_528 : memref<1x64x128xf32, #tpu.memory_space<vmem>> -> memref<64x128xf32, #tpu.memory_space<vmem>>
        %dma_wait3A_530 = arith.constant 0 : i32
        %dma_wait3A_531 = tpu.memref_slice %arg6[%dma_wait3A_523, %dma_wait3A_524, %dma_wait3A_530] : memref<4x2x64xi32, #tpu.memory_space<vmem>> -> memref<1x1x64xi32, #tpu.memory_space<vmem>>
        %dma_wait3A_532 = tpu.memref_squeeze %dma_wait3A_531 : memref<1x1x64xi32, #tpu.memory_space<vmem>> -> memref<64xi32, #tpu.memory_space<vmem>>
        %dma_wait3A_533 = arith.constant 0 : i32
        %dma_wait3A_534 = arith.constant 0 : i32
        %dma_wait3A_535 = tpu.memref_slice %arg8[%dma_wait3A_533, %dma_wait3A_534] : memref<10240x128xf32, #tpu.memory_space<vmem_shared>> -> memref<10240x128xf32, #tpu.memory_space<vmem_shared>>
        %dma_wait3A_536 = tpu.memref_slice %arg11[%dma_wait3A_525] : memref<4x!tpu.dma_semaphore, #tpu.memory_space<semaphore_mem>> -> memref<1x!tpu.dma_semaphore, #tpu.memory_space<semaphore_mem>>
        %dma_wait3A_537 = tpu.memref_squeeze %dma_wait3A_536 : memref<1x!tpu.dma_semaphore, #tpu.memory_space<semaphore_mem>> -> memref<!tpu.dma_semaphore, #tpu.memory_space<semaphore_mem>>
        tpu.wait_indirect_dma semaphore(%dma_wait3A_537 : memref<!tpu.dma_semaphore, #tpu.memory_space<semaphore_mem>>) src(%dma_wait3A_529 : memref<64x128xf32, #tpu.memory_space<vmem>>) dst(%dma_wait3A_535 : memref<10240x128xf32, #tpu.memory_space<vmem_shared>>)
      } else {
      }
      %add3A_454 = arith.constant 2 : i32
      %add3A_455 = arith.addi %add3A_448, %add3A_454 : i32
      %lt3A_456 = arith.cmpi slt, %add3A_455, %select_n3A : i32
      %convert_element_type3A_457 = arith.extui %lt3A_456 : i1 to i32
      %cond3A_458 = arith.constant 0 : i32
      %cond3A_459 = arith.cmpi ne, %convert_element_type3A_457, %cond3A_458 : i32
      scf.if %cond3A_459 {
        %add3A_522 = arith.constant 2 : i32
        %add3A_523 = arith.addi %add3A_448, %add3A_522 : i32
        %add3A_524 = arith.addi %select_n3A_75, %add3A_523 : i32
        %dma_start3A_525 = arith.constant 1 : i32
        %dma_start3A_526 = arith.constant 1 : i32
        %dma_start3A_527 = arith.constant 0 : i32
        %dma_start3A_528 = arith.constant 0 : i32
        %dma_start3A_529 = tpu.memref_slice %arg6[%dma_start3A_525, %dma_start3A_527, %dma_start3A_528] : memref<4x2x64xi32, #tpu.memory_space<vmem>> -> memref<1x2x64xi32, #tpu.memory_space<vmem>>
        %dma_start3A_530 = tpu.memref_squeeze %dma_start3A_529 : memref<1x2x64xi32, #tpu.memory_space<vmem>> -> memref<2x64xi32, #tpu.memory_space<vmem>>
        %dma_start3A_531 = arith.constant 0 : i32
        %dma_start3A_532 = arith.constant 0 : i32
        %dma_start3A_533 = tpu.memref_slice %arg3[%add3A_524, %dma_start3A_531, %dma_start3A_532] : memref<5120x2x64xi32, #tpu.memory_space<hbm>> -> memref<1x2x64xi32, #tpu.memory_space<hbm>>
        %dma_start3A_534 = tpu.memref_squeeze %dma_start3A_533 : memref<1x2x64xi32, #tpu.memory_space<hbm>> -> memref<2x64xi32, #tpu.memory_space<hbm>>
        %dma_start3A_535 = tpu.memref_slice %arg9[%dma_start3A_526] : memref<4x!tpu.dma_semaphore, #tpu.memory_space<semaphore_mem>> -> memref<1x!tpu.dma_semaphore, #tpu.memory_space<semaphore_mem>>
        %dma_start3A_536 = tpu.memref_squeeze %dma_start3A_535 : memref<1x!tpu.dma_semaphore, #tpu.memory_space<semaphore_mem>> -> memref<!tpu.dma_semaphore, #tpu.memory_space<semaphore_mem>>
        %dma_start3A_537 = arith.constant 0 : i32
        %dma_start3A_538 = arith.constant 0 : i32
        %dma_start3A_539 = tpu.memref_slice %arg6[%dma_start3A_525, %dma_start3A_537, %dma_start3A_538] : memref<4x2x64xi32, #tpu.memory_space<vmem>> -> memref<1x2x64xi32, #tpu.memory_space<vmem>>
        %dma_start3A_540 = tpu.memref_squeeze %dma_start3A_539 : memref<1x2x64xi32, #tpu.memory_space<vmem>> -> memref<2x64xi32, #tpu.memory_space<vmem>>
        %dma_start3A_541 = arith.constant 0 : i32
        %dma_start3A_542 = arith.constant 0 : i32
        %dma_start3A_543 = tpu.memref_slice %arg3[%add3A_524, %dma_start3A_541, %dma_start3A_542] : memref<5120x2x64xi32, #tpu.memory_space<hbm>> -> memref<1x2x64xi32, #tpu.memory_space<hbm>>
        %dma_start3A_544 = tpu.memref_squeeze %dma_start3A_543 : memref<1x2x64xi32, #tpu.memory_space<hbm>> -> memref<2x64xi32, #tpu.memory_space<hbm>>
        tpu.enqueue_dma source(%dma_start3A_544 : memref<2x64xi32, #tpu.memory_space<hbm>>) target(%dma_start3A_540 : memref<2x64xi32, #tpu.memory_space<vmem>>) target_semaphore(%dma_start3A_536 : memref<!tpu.dma_semaphore, #tpu.memory_space<semaphore_mem>>)
      } else {
      }
      %add3A_460 = arith.constant 1 : i32
      %add3A_461 = arith.addi %add3A_448, %add3A_460 : i32
      %lt3A_462 = arith.cmpi slt, %add3A_461, %select_n3A : i32
      %convert_element_type3A_463 = arith.extui %lt3A_462 : i1 to i32
      %cond3A_464 = arith.constant 0 : i32
      %cond3A_465 = arith.cmpi ne, %convert_element_type3A_463, %cond3A_464 : i32
      scf.if %cond3A_465 {
        %dma_wait3A_522 = arith.constant 0 : i32
        %dma_wait3A_523 = arith.constant 0 : i32
        %dma_wait3A_524 = arith.constant 0 : i32
        %dma_wait3A_525 = arith.constant 0 : i32
        %dma_wait3A_526 = tpu.memref_slice %arg6[%dma_wait3A_522, %dma_wait3A_524, %dma_wait3A_525] : memref<4x2x64xi32, #tpu.memory_space<vmem>> -> memref<1x2x64xi32, #tpu.memory_space<vmem>>
        %dma_wait3A_527 = tpu.memref_squeeze %dma_wait3A_526 : memref<1x2x64xi32, #tpu.memory_space<vmem>> -> memref<2x64xi32, #tpu.memory_space<vmem>>
        %dma_wait3A_528 = arith.constant 0 : i32
        %dma_wait3A_529 = arith.constant 0 : i32
        %dma_wait3A_530 = tpu.memref_slice %arg3[%select_n3A_75, %dma_wait3A_528, %dma_wait3A_529] : memref<5120x2x64xi32, #tpu.memory_space<hbm>> -> memref<1x2x64xi32, #tpu.memory_space<hbm>>
        %dma_wait3A_531 = tpu.memref_squeeze %dma_wait3A_530 : memref<1x2x64xi32, #tpu.memory_space<hbm>> -> memref<2x64xi32, #tpu.memory_space<hbm>>
        %dma_wait3A_532 = tpu.memref_slice %arg9[%dma_wait3A_523] : memref<4x!tpu.dma_semaphore, #tpu.memory_space<semaphore_mem>> -> memref<1x!tpu.dma_semaphore, #tpu.memory_space<semaphore_mem>>
        %dma_wait3A_533 = tpu.memref_squeeze %dma_wait3A_532 : memref<1x!tpu.dma_semaphore, #tpu.memory_space<semaphore_mem>> -> memref<!tpu.dma_semaphore, #tpu.memory_space<semaphore_mem>>
        %dma_wait3A_534 = arith.constant 0 : i32
        %dma_wait3A_535 = arith.constant 0 : i32
        %dma_wait3A_536 = tpu.memref_slice %arg6[%dma_wait3A_522, %dma_wait3A_534, %dma_wait3A_535] : memref<4x2x64xi32, #tpu.memory_space<vmem>> -> memref<1x2x64xi32, #tpu.memory_space<vmem>>
        %dma_wait3A_537 = tpu.memref_squeeze %dma_wait3A_536 : memref<1x2x64xi32, #tpu.memory_space<vmem>> -> memref<2x64xi32, #tpu.memory_space<vmem>>
        %dma_wait3A_538 = arith.constant 0 : i32
        %dma_wait3A_539 = arith.constant 0 : i32
        %dma_wait3A_540 = tpu.memref_slice %arg3[%select_n3A_75, %dma_wait3A_538, %dma_wait3A_539] : memref<5120x2x64xi32, #tpu.memory_space<hbm>> -> memref<1x2x64xi32, #tpu.memory_space<hbm>>
        %dma_wait3A_541 = tpu.memref_squeeze %dma_wait3A_540 : memref<1x2x64xi32, #tpu.memory_space<hbm>> -> memref<2x64xi32, #tpu.memory_space<hbm>>
        tpu.wait_dma2 semaphore(%dma_wait3A_533 : memref<!tpu.dma_semaphore, #tpu.memory_space<semaphore_mem>>) src(%dma_wait3A_541 : memref<2x64xi32, #tpu.memory_space<hbm>>) dst(%dma_wait3A_537 : memref<2x64xi32, #tpu.memory_space<vmem>>)
        %dma_start3A_542 = arith.constant 0 : i32
        %dma_start3A_543 = arith.constant 0 : i32
        %dma_start3A_544 = arith.constant 0 : i32
        %dma_start3A_545 = arith.constant 0 : i32
        %dma_start3A_546 = arith.constant 0 : i32
        %dma_start3A_547 = arith.constant 0 : i32
        %dma_start3A_548 = tpu.memref_slice %arg7[%dma_start3A_544, %dma_start3A_546, %dma_start3A_547] : memref<4x64x128xf32, #tpu.memory_space<vmem>> -> memref<1x64x128xf32, #tpu.memory_space<vmem>>
        %dma_start3A_549 = tpu.memref_squeeze %dma_start3A_548 : memref<1x64x128xf32, #tpu.memory_space<vmem>> -> memref<64x128xf32, #tpu.memory_space<vmem>>
        %dma_start3A_550 = arith.constant 0 : i32
        %dma_start3A_551 = tpu.memref_slice %arg6[%dma_start3A_542, %dma_start3A_543, %dma_start3A_550] : memref<4x2x64xi32, #tpu.memory_space<vmem>> -> memref<1x1x64xi32, #tpu.memory_space<vmem>>
        %dma_start3A_552 = tpu.memref_squeeze %dma_start3A_551 : memref<1x1x64xi32, #tpu.memory_space<vmem>> -> memref<64xi32, #tpu.memory_space<vmem>>
        %dma_start3A_553 = arith.constant 0 : i32
        %dma_start3A_554 = arith.constant 0 : i32
        %dma_start3A_555 = tpu.memref_slice %arg2[%dma_start3A_553, %dma_start3A_554] : memref<10000x128xf32, #tpu.memory_space<hbm>> -> memref<10000x128xf32, #tpu.memory_space<hbm>>
        %dma_start3A_556 = tpu.memref_slice %arg10[%dma_start3A_545] : memref<4x!tpu.dma_semaphore, #tpu.memory_space<semaphore_mem>> -> memref<1x!tpu.dma_semaphore, #tpu.memory_space<semaphore_mem>>
        %dma_start3A_557 = tpu.memref_squeeze %dma_start3A_556 : memref<1x!tpu.dma_semaphore, #tpu.memory_space<semaphore_mem>> -> memref<!tpu.dma_semaphore, #tpu.memory_space<semaphore_mem>>
        tpu.enqueue_indirect_dma source(%dma_start3A_555 : memref<10000x128xf32, #tpu.memory_space<hbm>>) target(%dma_start3A_549 : memref<64x128xf32, #tpu.memory_space<vmem>>) offsets(%dma_start3A_552 : memref<64xi32, #tpu.memory_space<vmem>>) semaphore(%dma_start3A_557 : memref<!tpu.dma_semaphore, #tpu.memory_space<semaphore_mem>>)
      } else {
      }
      %dma_wait3A_466 = arith.constant 3 : i32
      %dma_wait3A_467 = arith.constant 0 : i32
      %dma_wait3A_468 = arith.constant 3 : i32
      %dma_wait3A_469 = arith.constant 3 : i32
      %dma_wait3A_470 = arith.constant 0 : i32
      %dma_wait3A_471 = arith.constant 0 : i32
      %dma_wait3A_472 = tpu.memref_slice %arg7[%dma_wait3A_468, %dma_wait3A_470, %dma_wait3A_471] : memref<4x64x128xf32, #tpu.memory_space<vmem>> -> memref<1x64x128xf32, #tpu.memory_space<vmem>>
      %dma_wait3A_473 = tpu.memref_squeeze %dma_wait3A_472 : memref<1x64x128xf32, #tpu.memory_space<vmem>> -> memref<64x128xf32, #tpu.memory_space<vmem>>
      %dma_wait3A_474 = arith.constant 0 : i32
      %dma_wait3A_475 = tpu.memref_slice %arg6[%dma_wait3A_466, %dma_wait3A_467, %dma_wait3A_474] : memref<4x2x64xi32, #tpu.memory_space<vmem>> -> memref<1x1x64xi32, #tpu.memory_space<vmem>>
      %dma_wait3A_476 = tpu.memref_squeeze %dma_wait3A_475 : memref<1x1x64xi32, #tpu.memory_space<vmem>> -> memref<64xi32, #tpu.memory_space<vmem>>
      %dma_wait3A_477 = arith.constant 0 : i32
      %dma_wait3A_478 = arith.constant 0 : i32
      %dma_wait3A_479 = tpu.memref_slice %arg2[%dma_wait3A_477, %dma_wait3A_478] : memref<10000x128xf32, #tpu.memory_space<hbm>> -> memref<10000x128xf32, #tpu.memory_space<hbm>>
      %dma_wait3A_480 = tpu.memref_slice %arg10[%dma_wait3A_469] : memref<4x!tpu.dma_semaphore, #tpu.memory_space<semaphore_mem>> -> memref<1x!tpu.dma_semaphore, #tpu.memory_space<semaphore_mem>>
      %dma_wait3A_481 = tpu.memref_squeeze %dma_wait3A_480 : memref<1x!tpu.dma_semaphore, #tpu.memory_space<semaphore_mem>> -> memref<!tpu.dma_semaphore, #tpu.memory_space<semaphore_mem>>
      tpu.wait_indirect_dma semaphore(%dma_wait3A_481 : memref<!tpu.dma_semaphore, #tpu.memory_space<semaphore_mem>>) src(%dma_wait3A_479 : memref<10000x128xf32, #tpu.memory_space<hbm>>) dst(%dma_wait3A_473 : memref<64x128xf32, #tpu.memory_space<vmem>>)
      %dma_start3A_482 = arith.constant 3 : i32
      %dma_start3A_483 = arith.constant 3 : i32
      %dma_start3A_484 = arith.constant 1 : i32
      %dma_start3A_485 = arith.constant 3 : i32
      %dma_start3A_486 = arith.constant 0 : i32
      %dma_start3A_487 = arith.constant 0 : i32
      %dma_start3A_488 = tpu.memref_slice %arg7[%dma_start3A_482, %dma_start3A_486, %dma_start3A_487] : memref<4x64x128xf32, #tpu.memory_space<vmem>> -> memref<1x64x128xf32, #tpu.memory_space<vmem>>
      %dma_start3A_489 = tpu.memref_squeeze %dma_start3A_488 : memref<1x64x128xf32, #tpu.memory_space<vmem>> -> memref<64x128xf32, #tpu.memory_space<vmem>>
      %dma_start3A_490 = arith.constant 0 : i32
      %dma_start3A_491 = tpu.memref_slice %arg6[%dma_start3A_483, %dma_start3A_484, %dma_start3A_490] : memref<4x2x64xi32, #tpu.memory_space<vmem>> -> memref<1x1x64xi32, #tpu.memory_space<vmem>>
      %dma_start3A_492 = tpu.memref_squeeze %dma_start3A_491 : memref<1x1x64xi32, #tpu.memory_space<vmem>> -> memref<64xi32, #tpu.memory_space<vmem>>
      %dma_start3A_493 = arith.constant 0 : i32
      %dma_start3A_494 = arith.constant 0 : i32
      %dma_start3A_495 = tpu.memref_slice %arg8[%dma_start3A_493, %dma_start3A_494] : memref<10240x128xf32, #tpu.memory_space<vmem_shared>> -> memref<10240x128xf32, #tpu.memory_space<vmem_shared>>
      %dma_start3A_496 = tpu.memref_slice %arg11[%dma_start3A_485] : memref<4x!tpu.dma_semaphore, #tpu.memory_space<semaphore_mem>> -> memref<1x!tpu.dma_semaphore, #tpu.memory_space<semaphore_mem>>
      %dma_start3A_497 = tpu.memref_squeeze %dma_start3A_496 : memref<1x!tpu.dma_semaphore, #tpu.memory_space<semaphore_mem>> -> memref<!tpu.dma_semaphore, #tpu.memory_space<semaphore_mem>>
      tpu.enqueue_indirect_dma source(%dma_start3A_489 : memref<64x128xf32, #tpu.memory_space<vmem>>) target(%dma_start3A_495 : memref<10240x128xf32, #tpu.memory_space<vmem_shared>>) offsets(%dma_start3A_492 : memref<64xi32, #tpu.memory_space<vmem>>) semaphore(%dma_start3A_497 : memref<!tpu.dma_semaphore, #tpu.memory_space<semaphore_mem>>) {add = true}
      %get3A_498 = arith.constant 3 : i32
      %get3A_499 = arith.constant 1 : i32
      %get3A_500 = arith.index_cast %get3A_498 : i32 to index
      %get3A_501 = arith.index_cast %get3A_499 : i32 to index
      %get3A_502 = arith.constant 0 : index
      %get3A_503 = tpu.vector_load %arg6[%get3A_500, %get3A_501, %get3A_502] {strides = array<i32>} : memref<4x2x64xi32, #tpu.memory_space<vmem>>, vector<16xi32>,
      tpu.vector_store_idx %arg12[%get3A_503], %broadcast_in_dim3A_64 {add = true} : memref<10240xf32, #tpu.memory_space<vmem>>[vector<16xi32>], vector<16xf32>,
      %get3A_504 = arith.constant 3 : i32
      %get3A_505 = arith.constant 1 : i32
      %get3A_506 = arith.index_cast %get3A_504 : i32 to index
      %get3A_507 = arith.index_cast %get3A_505 : i32 to index
      %get3A_508 = arith.constant 16 : index
      %get3A_509 = tpu.vector_load %arg6[%get3A_506, %get3A_507, %get3A_508] {strides = array<i32>} : memref<4x2x64xi32, #tpu.memory_space<vmem>>, vector<16xi32>,
      tpu.vector_store_idx %arg12[%get3A_509], %broadcast_in_dim3A_64 {add = true} : memref<10240xf32, #tpu.memory_space<vmem>>[vector<16xi32>], vector<16xf32>,
      %get3A_510 = arith.constant 3 : i32
      %get3A_511 = arith.constant 1 : i32
      %get3A_512 = arith.index_cast %get3A_510 : i32 to index
      %get3A_513 = arith.index_cast %get3A_511 : i32 to index
      %get3A_514 = arith.constant 32 : index
      %get3A_515 = tpu.vector_load %arg6[%get3A_512, %get3A_513, %get3A_514] {strides = array<i32>} : memref<4x2x64xi32, #tpu.memory_space<vmem>>, vector<16xi32>,
      tpu.vector_store_idx %arg12[%get3A_515], %broadcast_in_dim3A_64 {add = true} : memref<10240xf32, #tpu.memory_space<vmem>>[vector<16xi32>], vector<16xf32>,
      %get3A_516 = arith.constant 3 : i32
      %get3A_517 = arith.constant 1 : i32
      %get3A_518 = arith.index_cast %get3A_516 : i32 to index
      %get3A_519 = arith.index_cast %get3A_517 : i32 to index
      %get3A_520 = arith.constant 48 : index
      %get3A_521 = tpu.vector_load %arg6[%get3A_518, %get3A_519, %get3A_520] {strides = array<i32>} : memref<4x2x64xi32, #tpu.memory_space<vmem>>, vector<16xi32>,
      tpu.vector_store_idx %arg12[%get3A_521], %broadcast_in_dim3A_64 {add = true} : memref<10240xf32, #tpu.memory_space<vmem>>[vector<16xi32>], vector<16xf32>,
    }
    %while3A_180 = arith.constant 1 : i32
    scf.for %while3A_218 = %while3A_178 to %while3A_174 step %while3A_180  : i32 {
      %mul3A_219 = arith.constant 4 : i32
      %mul3A_220 = arith.muli %mul3A_219, %while3A_218 : i32
      %add3A_221 = arith.constant 0 : i32
      %add3A_222 = arith.addi %mul3A_220, %add3A_221 : i32
      %ge3A = arith.constant 2 : i32
      %ge3A_223 = arith.cmpi sge, %add3A_222, %ge3A : i32
      %convert_element_type3A = arith.extui %ge3A_223 : i1 to i32
      %cond3A = arith.constant 0 : i32
      %cond3A_224 = arith.cmpi ne, %convert_element_type3A, %cond3A : i32
      scf.if %cond3A_224 {
        %dma_wait3A_522 = arith.constant 2 : i32
        %dma_wait3A_523 = arith.constant 2 : i32
        %dma_wait3A_524 = arith.constant 1 : i32
        %dma_wait3A_525 = arith.constant 2 : i32
        %dma_wait3A_526 = arith.constant 0 : i32
        %dma_wait3A_527 = arith.constant 0 : i32
        %dma_wait3A_528 = tpu.memref_slice %arg7[%dma_wait3A_522, %dma_wait3A_526, %dma_wait3A_527] : memref<4x64x128xf32, #tpu.memory_space<vmem>> -> memref<1x64x128xf32, #tpu.memory_space<vmem>>
        %dma_wait3A_529 = tpu.memref_squeeze %dma_wait3A_528 : memref<1x64x128xf32, #tpu.memory_space<vmem>> -> memref<64x128xf32, #tpu.memory_space<vmem>>
        %dma_wait3A_530 = arith.constant 0 : i32
        %dma_wait3A_531 = tpu.memref_slice %arg6[%dma_wait3A_523, %dma_wait3A_524, %dma_wait3A_530] : memref<4x2x64xi32, #tpu.memory_space<vmem>> -> memref<1x1x64xi32, #tpu.memory_space<vmem>>
        %dma_wait3A_532 = tpu.memref_squeeze %dma_wait3A_531 : memref<1x1x64xi32, #tpu.memory_space<vmem>> -> memref<64xi32, #tpu.memory_space<vmem>>
        %dma_wait3A_533 = arith.constant 0 : i32
        %dma_wait3A_534 = arith.constant 0 : i32
        %dma_wait3A_535 = tpu.memref_slice %arg8[%dma_wait3A_533, %dma_wait3A_534] : memref<10240x128xf32, #tpu.memory_space<vmem_shared>> -> memref<10240x128xf32, #tpu.memory_space<vmem_shared>>
        %dma_wait3A_536 = tpu.memref_slice %arg11[%dma_wait3A_525] : memref<4x!tpu.dma_semaphore, #tpu.memory_space<semaphore_mem>> -> memref<1x!tpu.dma_semaphore, #tpu.memory_space<semaphore_mem>>
        %dma_wait3A_537 = tpu.memref_squeeze %dma_wait3A_536 : memref<1x!tpu.dma_semaphore, #tpu.memory_space<semaphore_mem>> -> memref<!tpu.dma_semaphore, #tpu.memory_space<semaphore_mem>>
        tpu.wait_indirect_dma semaphore(%dma_wait3A_537 : memref<!tpu.dma_semaphore, #tpu.memory_space<semaphore_mem>>) src(%dma_wait3A_529 : memref<64x128xf32, #tpu.memory_space<vmem>>) dst(%dma_wait3A_535 : memref<10240x128xf32, #tpu.memory_space<vmem_shared>>)
      } else {
      }
      %add3A_225 = arith.constant 2 : i32
      %add3A_226 = arith.addi %add3A_222, %add3A_225 : i32
      %lt3A = arith.cmpi slt, %add3A_226, %select_n3A : i32
      %convert_element_type3A_227 = arith.extui %lt3A : i1 to i32
      %cond3A_228 = arith.constant 0 : i32
      %cond3A_229 = arith.cmpi ne, %convert_element_type3A_227, %cond3A_228 : i32
      scf.if %cond3A_229 {
        %add3A_522 = arith.constant 2 : i32
        %add3A_523 = arith.addi %add3A_222, %add3A_522 : i32
        %add3A_524 = arith.addi %select_n3A_75, %add3A_523 : i32
        %dma_start3A_525 = arith.constant 2 : i32
        %dma_start3A_526 = arith.constant 2 : i32
        %dma_start3A_527 = arith.constant 0 : i32
        %dma_start3A_528 = arith.constant 0 : i32
        %dma_start3A_529 = tpu.memref_slice %arg6[%dma_start3A_525, %dma_start3A_527, %dma_start3A_528] : memref<4x2x64xi32, #tpu.memory_space<vmem>> -> memref<1x2x64xi32, #tpu.memory_space<vmem>>
        %dma_start3A_530 = tpu.memref_squeeze %dma_start3A_529 : memref<1x2x64xi32, #tpu.memory_space<vmem>> -> memref<2x64xi32, #tpu.memory_space<vmem>>
        %dma_start3A_531 = arith.constant 0 : i32
        %dma_start3A_532 = arith.constant 0 : i32
        %dma_start3A_533 = tpu.memref_slice %arg3[%add3A_524, %dma_start3A_531, %dma_start3A_532] : memref<5120x2x64xi32, #tpu.memory_space<hbm>> -> memref<1x2x64xi32, #tpu.memory_space<hbm>>
        %dma_start3A_534 = tpu.memref_squeeze %dma_start3A_533 : memref<1x2x64xi32, #tpu.memory_space<hbm>> -> memref<2x64xi32, #tpu.memory_space<hbm>>
        %dma_start3A_535 = tpu.memref_slice %arg9[%dma_start3A_526] : memref<4x!tpu.dma_semaphore, #tpu.memory_space<semaphore_mem>> -> memref<1x!tpu.dma_semaphore, #tpu.memory_space<semaphore_mem>>
        %dma_start3A_536 = tpu.memref_squeeze %dma_start3A_535 : memref<1x!tpu.dma_semaphore, #tpu.memory_space<semaphore_mem>> -> memref<!tpu.dma_semaphore, #tpu.memory_space<semaphore_mem>>
        %dma_start3A_537 = arith.constant 0 : i32
        %dma_start3A_538 = arith.constant 0 : i32
        %dma_start3A_539 = tpu.memref_slice %arg6[%dma_start3A_525, %dma_start3A_537, %dma_start3A_538] : memref<4x2x64xi32, #tpu.memory_space<vmem>> -> memref<1x2x64xi32, #tpu.memory_space<vmem>>
        %dma_start3A_540 = tpu.memref_squeeze %dma_start3A_539 : memref<1x2x64xi32, #tpu.memory_space<vmem>> -> memref<2x64xi32, #tpu.memory_space<vmem>>
        %dma_start3A_541 = arith.constant 0 : i32
        %dma_start3A_542 = arith.constant 0 : i32
        %dma_start3A_543 = tpu.memref_slice %arg3[%add3A_524, %dma_start3A_541, %dma_start3A_542] : memref<5120x2x64xi32, #tpu.memory_space<hbm>> -> memref<1x2x64xi32, #tpu.memory_space<hbm>>
        %dma_start3A_544 = tpu.memref_squeeze %dma_start3A_543 : memref<1x2x64xi32, #tpu.memory_space<hbm>> -> memref<2x64xi32, #tpu.memory_space<hbm>>
        tpu.enqueue_dma source(%dma_start3A_544 : memref<2x64xi32, #tpu.memory_space<hbm>>) target(%dma_start3A_540 : memref<2x64xi32, #tpu.memory_space<vmem>>) target_semaphore(%dma_start3A_536 : memref<!tpu.dma_semaphore, #tpu.memory_space<semaphore_mem>>)
      } else {
      }
      %add3A_230 = arith.constant 1 : i32
      %add3A_231 = arith.addi %add3A_222, %add3A_230 : i32
      %lt3A_232 = arith.cmpi slt, %add3A_231, %select_n3A : i32
      %convert_element_type3A_233 = arith.extui %lt3A_232 : i1 to i32
      %cond3A_234 = arith.constant 0 : i32
      %cond3A_235 = arith.cmpi ne, %convert_element_type3A_233, %cond3A_234 : i32
      scf.if %cond3A_235 {
        %dma_wait3A_522 = arith.constant 1 : i32
        %dma_wait3A_523 = arith.constant 1 : i32
        %dma_wait3A_524 = arith.constant 0 : i32
        %dma_wait3A_525 = arith.constant 0 : i32
        %dma_wait3A_526 = tpu.memref_slice %arg6[%dma_wait3A_522, %dma_wait3A_524, %dma_wait3A_525] : memref<4x2x64xi32, #tpu.memory_space<vmem>> -> memref<1x2x64xi32, #tpu.memory_space<vmem>>
        %dma_wait3A_527 = tpu.memref_squeeze %dma_wait3A_526 : memref<1x2x64xi32, #tpu.memory_space<vmem>> -> memref<2x64xi32, #tpu.memory_space<vmem>>
        %dma_wait3A_528 = arith.constant 0 : i32
        %dma_wait3A_529 = arith.constant 0 : i32
        %dma_wait3A_530 = tpu.memref_slice %arg3[%select_n3A_75, %dma_wait3A_528, %dma_wait3A_529] : memref<5120x2x64xi32, #tpu.memory_space<hbm>> -> memref<1x2x64xi32, #tpu.memory_space<hbm>>
        %dma_wait3A_531 = tpu.memref_squeeze %dma_wait3A_530 : memref<1x2x64xi32, #tpu.memory_space<hbm>> -> memref<2x64xi32, #tpu.memory_space<hbm>>
        %dma_wait3A_532 = tpu.memref_slice %arg9[%dma_wait3A_523] : memref<4x!tpu.dma_semaphore, #tpu.memory_space<semaphore_mem>> -> memref<1x!tpu.dma_semaphore, #tpu.memory_space<semaphore_mem>>
        %dma_wait3A_533 = tpu.memref_squeeze %dma_wait3A_532 : memref<1x!tpu.dma_semaphore, #tpu.memory_space<semaphore_mem>> -> memref<!tpu.dma_semaphore, #tpu.memory_space<semaphore_mem>>
        %dma_wait3A_534 = arith.constant 0 : i32
        %dma_wait3A_535 = arith.constant 0 : i32
        %dma_wait3A_536 = tpu.memref_slice %arg6[%dma_wait3A_522, %dma_wait3A_534, %dma_wait3A_535] : memref<4x2x64xi32, #tpu.memory_space<vmem>> -> memref<1x2x64xi32, #tpu.memory_space<vmem>>
        %dma_wait3A_537 = tpu.memref_squeeze %dma_wait3A_536 : memref<1x2x64xi32, #tpu.memory_space<vmem>> -> memref<2x64xi32, #tpu.memory_space<vmem>>
        %dma_wait3A_538 = arith.constant 0 : i32
        %dma_wait3A_539 = arith.constant 0 : i32
        %dma_wait3A_540 = tpu.memref_slice %arg3[%select_n3A_75, %dma_wait3A_538, %dma_wait3A_539] : memref<5120x2x64xi32, #tpu.memory_space<hbm>> -> memref<1x2x64xi32, #tpu.memory_space<hbm>>
        %dma_wait3A_541 = tpu.memref_squeeze %dma_wait3A_540 : memref<1x2x64xi32, #tpu.memory_space<hbm>> -> memref<2x64xi32, #tpu.memory_space<hbm>>
        tpu.wait_dma2 semaphore(%dma_wait3A_533 : memref<!tpu.dma_semaphore, #tpu.memory_space<semaphore_mem>>) src(%dma_wait3A_541 : memref<2x64xi32, #tpu.memory_space<hbm>>) dst(%dma_wait3A_537 : memref<2x64xi32, #tpu.memory_space<vmem>>)
        %dma_start3A_542 = arith.constant 1 : i32
        %dma_start3A_543 = arith.constant 0 : i32
        %dma_start3A_544 = arith.constant 1 : i32
        %dma_start3A_545 = arith.constant 1 : i32
        %dma_start3A_546 = arith.constant 0 : i32
        %dma_start3A_547 = arith.constant 0 : i32
        %dma_start3A_548 = tpu.memref_slice %arg7[%dma_start3A_544, %dma_start3A_546, %dma_start3A_547] : memref<4x64x128xf32, #tpu.memory_space<vmem>> -> memref<1x64x128xf32, #tpu.memory_space<vmem>>
        %dma_start3A_549 = tpu.memref_squeeze %dma_start3A_548 : memref<1x64x128xf32, #tpu.memory_space<vmem>> -> memref<64x128xf32, #tpu.memory_space<vmem>>
        %dma_start3A_550 = arith.constant 0 : i32
        %dma_start3A_551 = tpu.memref_slice %arg6[%dma_start3A_542, %dma_start3A_543, %dma_start3A_550] : memref<4x2x64xi32, #tpu.memory_space<vmem>> -> memref<1x1x64xi32, #tpu.memory_space<vmem>>
        %dma_start3A_552 = tpu.memref_squeeze %dma_start3A_551 : memref<1x1x64xi32, #tpu.memory_space<vmem>> -> memref<64xi32, #tpu.memory_space<vmem>>
        %dma_start3A_553 = arith.constant 0 : i32
        %dma_start3A_554 = arith.constant 0 : i32
        %dma_start3A_555 = tpu.memref_slice %arg2[%dma_start3A_553, %dma_start3A_554] : memref<10000x128xf32, #tpu.memory_space<hbm>> -> memref<10000x128xf32, #tpu.memory_space<hbm>>
        %dma_start3A_556 = tpu.memref_slice %arg10[%dma_start3A_545] : memref<4x!tpu.dma_semaphore, #tpu.memory_space<semaphore_mem>> -> memref<1x!tpu.dma_semaphore, #tpu.memory_space<semaphore_mem>>
        %dma_start3A_557 = tpu.memref_squeeze %dma_start3A_556 : memref<1x!tpu.dma_semaphore, #tpu.memory_space<semaphore_mem>> -> memref<!tpu.dma_semaphore, #tpu.memory_space<semaphore_mem>>
        tpu.enqueue_indirect_dma source(%dma_start3A_555 : memref<10000x128xf32, #tpu.memory_space<hbm>>) target(%dma_start3A_549 : memref<64x128xf32, #tpu.memory_space<vmem>>) offsets(%dma_start3A_552 : memref<64xi32, #tpu.memory_space<vmem>>) semaphore(%dma_start3A_557 : memref<!tpu.dma_semaphore, #tpu.memory_space<semaphore_mem>>)
      } else {
      }
      %dma_wait3A_236 = arith.constant 0 : i32
      %dma_wait3A_237 = arith.constant 0 : i32
      %dma_wait3A_238 = arith.constant 0 : i32
      %dma_wait3A_239 = arith.constant 0 : i32
      %dma_wait3A_240 = arith.constant 0 : i32
      %dma_wait3A_241 = arith.constant 0 : i32
      %dma_wait3A_242 = tpu.memref_slice %arg7[%dma_wait3A_238, %dma_wait3A_240, %dma_wait3A_241] : memref<4x64x128xf32, #tpu.memory_space<vmem>> -> memref<1x64x128xf32, #tpu.memory_space<vmem>>
      %dma_wait3A_243 = tpu.memref_squeeze %dma_wait3A_242 : memref<1x64x128xf32, #tpu.memory_space<vmem>> -> memref<64x128xf32, #tpu.memory_space<vmem>>
      %dma_wait3A_244 = arith.constant 0 : i32
      %dma_wait3A_245 = tpu.memref_slice %arg6[%dma_wait3A_236, %dma_wait3A_237, %dma_wait3A_244] : memref<4x2x64xi32, #tpu.memory_space<vmem>> -> memref<1x1x64xi32, #tpu.memory_space<vmem>>
      %dma_wait3A_246 = tpu.memref_squeeze %dma_wait3A_245 : memref<1x1x64xi32, #tpu.memory_space<vmem>> -> memref<64xi32, #tpu.memory_space<vmem>>
      %dma_wait3A_247 = arith.constant 0 : i32
      %dma_wait3A_248 = arith.constant 0 : i32
      %dma_wait3A_249 = tpu.memref_slice %arg2[%dma_wait3A_247, %dma_wait3A_248] : memref<10000x128xf32, #tpu.memory_space<hbm>> -> memref<10000x128xf32, #tpu.memory_space<hbm>>
      %dma_wait3A_250 = tpu.memref_slice %arg10[%dma_wait3A_239] : memref<4x!tpu.dma_semaphore, #tpu.memory_space<semaphore_mem>> -> memref<1x!tpu.dma_semaphore, #tpu.memory_space<semaphore_mem>>
      %dma_wait3A_251 = tpu.memref_squeeze %dma_wait3A_250 : memref<1x!tpu.dma_semaphore, #tpu.memory_space<semaphore_mem>> -> memref<!tpu.dma_semaphore, #tpu.memory_space<semaphore_mem>>
      tpu.wait_indirect_dma semaphore(%dma_wait3A_251 : memref<!tpu.dma_semaphore, #tpu.memory_space<semaphore_mem>>) src(%dma_wait3A_249 : memref<10000x128xf32, #tpu.memory_space<hbm>>) dst(%dma_wait3A_243 : memref<64x128xf32, #tpu.memory_space<vmem>>)
      %dma_start3A_252 = arith.constant 0 : i32
      %dma_start3A_253 = arith.constant 0 : i32
      %dma_start3A_254 = arith.constant 1 : i32
      %dma_start3A_255 = arith.constant 0 : i32
      %dma_start3A_256 = arith.constant 0 : i32
      %dma_start3A_257 = arith.constant 0 : i32
      %dma_start3A_258 = tpu.memref_slice %arg7[%dma_start3A_252, %dma_start3A_256, %dma_start3A_257] : memref<4x64x128xf32, #tpu.memory_space<vmem>> -> memref<1x64x128xf32, #tpu.memory_space<vmem>>
      %dma_start3A_259 = tpu.memref_squeeze %dma_start3A_258 : memref<1x64x128xf32, #tpu.memory_space<vmem>> -> memref<64x128xf32, #tpu.memory_space<vmem>>
      %dma_start3A_260 = arith.constant 0 : i32
      %dma_start3A_261 = tpu.memref_slice %arg6[%dma_start3A_253, %dma_start3A_254, %dma_start3A_260] : memref<4x2x64xi32, #tpu.memory_space<vmem>> -> memref<1x1x64xi32, #tpu.memory_space<vmem>>
      %dma_start3A_262 = tpu.memref_squeeze %dma_start3A_261 : memref<1x1x64xi32, #tpu.memory_space<vmem>> -> memref<64xi32, #tpu.memory_space<vmem>>
      %dma_start3A_263 = arith.constant 0 : i32
      %dma_start3A_264 = arith.constant 0 : i32
      %dma_start3A_265 = tpu.memref_slice %arg8[%dma_start3A_263, %dma_start3A_264] : memref<10240x128xf32, #tpu.memory_space<vmem_shared>> -> memref<10240x128xf32, #tpu.memory_space<vmem_shared>>
      %dma_start3A_266 = tpu.memref_slice %arg11[%dma_start3A_255] : memref<4x!tpu.dma_semaphore, #tpu.memory_space<semaphore_mem>> -> memref<1x!tpu.dma_semaphore, #tpu.memory_space<semaphore_mem>>
      %dma_start3A_267 = tpu.memref_squeeze %dma_start3A_266 : memref<1x!tpu.dma_semaphore, #tpu.memory_space<semaphore_mem>> -> memref<!tpu.dma_semaphore, #tpu.memory_space<semaphore_mem>>
      tpu.enqueue_indirect_dma source(%dma_start3A_259 : memref<64x128xf32, #tpu.memory_space<vmem>>) target(%dma_start3A_265 : memref<10240x128xf32, #tpu.memory_space<vmem_shared>>) offsets(%dma_start3A_262 : memref<64xi32, #tpu.memory_space<vmem>>) semaphore(%dma_start3A_267 : memref<!tpu.dma_semaphore, #tpu.memory_space<semaphore_mem>>) {add = true}
      %get3A = arith.constant 0 : i32
      %get3A_268 = arith.constant 1 : i32
      %get3A_269 = arith.index_cast %get3A : i32 to index
      %get3A_270 = arith.index_cast %get3A_268 : i32 to index
      %get3A_271 = arith.constant 0 : index
      %get3A_272 = tpu.vector_load %arg6[%get3A_269, %get3A_270, %get3A_271] {strides = array<i32>} : memref<4x2x64xi32, #tpu.memory_space<vmem>>, vector<16xi32>,
      tpu.vector_store_idx %arg12[%get3A_272], %broadcast_in_dim3A_64 {add = true} : memref<10240xf32, #tpu.memory_space<vmem>>[vector<16xi32>], vector<16xf32>,
      %get3A_273 = arith.constant 0 : i32
      %get3A_274 = arith.constant 1 : i32
      %get3A_275 = arith.index_cast %get3A_273 : i32 to index
      %get3A_276 = arith.index_cast %get3A_274 : i32 to index
      %get3A_277 = arith.constant 16 : index
      %get3A_278 = tpu.vector_load %arg6[%get3A_275, %get3A_276, %get3A_277] {strides = array<i32>} : memref<4x2x64xi32, #tpu.memory_space<vmem>>, vector<16xi32>,
      tpu.vector_store_idx %arg12[%get3A_278], %broadcast_in_dim3A_64 {add = true} : memref<10240xf32, #tpu.memory_space<vmem>>[vector<16xi32>], vector<16xf32>,
      %get3A_279 = arith.constant 0 : i32
      %get3A_280 = arith.constant 1 : i32
      %get3A_281 = arith.index_cast %get3A_279 : i32 to index
      %get3A_282 = arith.index_cast %get3A_280 : i32 to index
      %get3A_283 = arith.constant 32 : index
      %get3A_284 = tpu.vector_load %arg6[%get3A_281, %get3A_282, %get3A_283] {strides = array<i32>} : memref<4x2x64xi32, #tpu.memory_space<vmem>>, vector<16xi32>,
      tpu.vector_store_idx %arg12[%get3A_284], %broadcast_in_dim3A_64 {add = true} : memref<10240xf32, #tpu.memory_space<vmem>>[vector<16xi32>], vector<16xf32>,
      %get3A_285 = arith.constant 0 : i32
      %get3A_286 = arith.constant 1 : i32
      %get3A_287 = arith.index_cast %get3A_285 : i32 to index
      %get3A_288 = arith.index_cast %get3A_286 : i32 to index
      %get3A_289 = arith.constant 48 : index
      %get3A_290 = tpu.vector_load %arg6[%get3A_287, %get3A_288, %get3A_289] {strides = array<i32>} : memref<4x2x64xi32, #tpu.memory_space<vmem>>, vector<16xi32>,
      tpu.vector_store_idx %arg12[%get3A_290], %broadcast_in_dim3A_64 {add = true} : memref<10240xf32, #tpu.memory_space<vmem>>[vector<16xi32>], vector<16xf32>,
      %mul3A_291 = arith.constant 4 : i32
      %mul3A_292 = arith.muli %mul3A_291, %while3A_218 : i32
      %add3A_293 = arith.constant 1 : i32
      %add3A_294 = arith.addi %mul3A_292, %add3A_293 : i32
      %ge3A_295 = arith.constant 2 : i32
      %ge3A_296 = arith.cmpi sge, %add3A_294, %ge3A_295 : i32
      %convert_element_type3A_297 = arith.extui %ge3A_296 : i1 to i32
      %cond3A_298 = arith.constant 0 : i32
      %cond3A_299 = arith.cmpi ne, %convert_element_type3A_297, %cond3A_298 : i32
      scf.if %cond3A_299 {
        %dma_wait3A_522 = arith.constant 3 : i32
        %dma_wait3A_523 = arith.constant 3 : i32
        %dma_wait3A_524 = arith.constant 1 : i32
        %dma_wait3A_525 = arith.constant 3 : i32
        %dma_wait3A_526 = arith.constant 0 : i32
        %dma_wait3A_527 = arith.constant 0 : i32
        %dma_wait3A_528 = tpu.memref_slice %arg7[%dma_wait3A_522, %dma_wait3A_526, %dma_wait3A_527] : memref<4x64x128xf32, #tpu.memory_space<vmem>> -> memref<1x64x128xf32, #tpu.memory_space<vmem>>
        %dma_wait3A_529 = tpu.memref_squeeze %dma_wait3A_528 : memref<1x64x128xf32, #tpu.memory_space<vmem>> -> memref<64x128xf32, #tpu.memory_space<vmem>>
        %dma_wait3A_530 = arith.constant 0 : i32
        %dma_wait3A_531 = tpu.memref_slice %arg6[%dma_wait3A_523, %dma_wait3A_524, %dma_wait3A_530] : memref<4x2x64xi32, #tpu.memory_space<vmem>> -> memref<1x1x64xi32, #tpu.memory_space<vmem>>
        %dma_wait3A_532 = tpu.memref_squeeze %dma_wait3A_531 : memref<1x1x64xi32, #tpu.memory_space<vmem>> -> memref<64xi32, #tpu.memory_space<vmem>>
        %dma_wait3A_533 = arith.constant 0 : i32
        %dma_wait3A_534 = arith.constant 0 : i32
        %dma_wait3A_535 = tpu.memref_slice %arg8[%dma_wait3A_533, %dma_wait3A_534] : memref<10240x128xf32, #tpu.memory_space<vmem_shared>> -> memref<10240x128xf32, #tpu.memory_space<vmem_shared>>
        %dma_wait3A_536 = tpu.memref_slice %arg11[%dma_wait3A_525] : memref<4x!tpu.dma_semaphore, #tpu.memory_space<semaphore_mem>> -> memref<1x!tpu.dma_semaphore, #tpu.memory_space<semaphore_mem>>
        %dma_wait3A_537 = tpu.memref_squeeze %dma_wait3A_536 : memref<1x!tpu.dma_semaphore, #tpu.memory_space<semaphore_mem>> -> memref<!tpu.dma_semaphore, #tpu.memory_space<semaphore_mem>>
        tpu.wait_indirect_dma semaphore(%dma_wait3A_537 : memref<!tpu.dma_semaphore, #tpu.memory_space<semaphore_mem>>) src(%dma_wait3A_529 : memref<64x128xf32, #tpu.memory_space<vmem>>) dst(%dma_wait3A_535 : memref<10240x128xf32, #tpu.memory_space<vmem_shared>>)
      } else {
      }
      %add3A_300 = arith.constant 2 : i32
      %add3A_301 = arith.addi %add3A_294, %add3A_300 : i32
      %lt3A_302 = arith.cmpi slt, %add3A_301, %select_n3A : i32
      %convert_element_type3A_303 = arith.extui %lt3A_302 : i1 to i32
      %cond3A_304 = arith.constant 0 : i32
      %cond3A_305 = arith.cmpi ne, %convert_element_type3A_303, %cond3A_304 : i32
      scf.if %cond3A_305 {
        %add3A_522 = arith.constant 2 : i32
        %add3A_523 = arith.addi %add3A_294, %add3A_522 : i32
        %add3A_524 = arith.addi %select_n3A_75, %add3A_523 : i32
        %dma_start3A_525 = arith.constant 3 : i32
        %dma_start3A_526 = arith.constant 3 : i32
        %dma_start3A_527 = arith.constant 0 : i32
        %dma_start3A_528 = arith.constant 0 : i32
        %dma_start3A_529 = tpu.memref_slice %arg6[%dma_start3A_525, %dma_start3A_527, %dma_start3A_528] : memref<4x2x64xi32, #tpu.memory_space<vmem>> -> memref<1x2x64xi32, #tpu.memory_space<vmem>>
        %dma_start3A_530 = tpu.memref_squeeze %dma_start3A_529 : memref<1x2x64xi32, #tpu.memory_space<vmem>> -> memref<2x64xi32, #tpu.memory_space<vmem>>
        %dma_start3A_531 = arith.constant 0 : i32
        %dma_start3A_532 = arith.constant 0 : i32
        %dma_start3A_533 = tpu.memref_slice %arg3[%add3A_524, %dma_start3A_531, %dma_start3A_532] : memref<5120x2x64xi32, #tpu.memory_space<hbm>> -> memref<1x2x64xi32, #tpu.memory_space<hbm>>
        %dma_start3A_534 = tpu.memref_squeeze %dma_start3A_533 : memref<1x2x64xi32, #tpu.memory_space<hbm>> -> memref<2x64xi32, #tpu.memory_space<hbm>>
        %dma_start3A_535 = tpu.memref_slice %arg9[%dma_start3A_526] : memref<4x!tpu.dma_semaphore, #tpu.memory_space<semaphore_mem>> -> memref<1x!tpu.dma_semaphore, #tpu.memory_space<semaphore_mem>>
        %dma_start3A_536 = tpu.memref_squeeze %dma_start3A_535 : memref<1x!tpu.dma_semaphore, #tpu.memory_space<semaphore_mem>> -> memref<!tpu.dma_semaphore, #tpu.memory_space<semaphore_mem>>
        %dma_start3A_537 = arith.constant 0 : i32
        %dma_start3A_538 = arith.constant 0 : i32
        %dma_start3A_539 = tpu.memref_slice %arg6[%dma_start3A_525, %dma_start3A_537, %dma_start3A_538] : memref<4x2x64xi32, #tpu.memory_space<vmem>> -> memref<1x2x64xi32, #tpu.memory_space<vmem>>
        %dma_start3A_540 = tpu.memref_squeeze %dma_start3A_539 : memref<1x2x64xi32, #tpu.memory_space<vmem>> -> memref<2x64xi32, #tpu.memory_space<vmem>>
        %dma_start3A_541 = arith.constant 0 : i32
        %dma_start3A_542 = arith.constant 0 : i32
        %dma_start3A_543 = tpu.memref_slice %arg3[%add3A_524, %dma_start3A_541, %dma_start3A_542] : memref<5120x2x64xi32, #tpu.memory_space<hbm>> -> memref<1x2x64xi32, #tpu.memory_space<hbm>>
        %dma_start3A_544 = tpu.memref_squeeze %dma_start3A_543 : memref<1x2x64xi32, #tpu.memory_space<hbm>> -> memref<2x64xi32, #tpu.memory_space<hbm>>
        tpu.enqueue_dma source(%dma_start3A_544 : memref<2x64xi32, #tpu.memory_space<hbm>>) target(%dma_start3A_540 : memref<2x64xi32, #tpu.memory_space<vmem>>) target_semaphore(%dma_start3A_536 : memref<!tpu.dma_semaphore, #tpu.memory_space<semaphore_mem>>)
      } else {
      }
      %add3A_306 = arith.constant 1 : i32
      %add3A_307 = arith.addi %add3A_294, %add3A_306 : i32
      %lt3A_308 = arith.cmpi slt, %add3A_307, %select_n3A : i32
      %convert_element_type3A_309 = arith.extui %lt3A_308 : i1 to i32
      %cond3A_310 = arith.constant 0 : i32
      %cond3A_311 = arith.cmpi ne, %convert_element_type3A_309, %cond3A_310 : i32
      scf.if %cond3A_311 {
        %dma_wait3A_522 = arith.constant 2 : i32
        %dma_wait3A_523 = arith.constant 2 : i32
        %dma_wait3A_524 = arith.constant 0 : i32
        %dma_wait3A_525 = arith.constant 0 : i32
        %dma_wait3A_526 = tpu.memref_slice %arg6[%dma_wait3A_522, %dma_wait3A_524, %dma_wait3A_525] : memref<4x2x64xi32, #tpu.memory_space<vmem>> -> memref<1x2x64xi32, #tpu.memory_space<vmem>>
        %dma_wait3A_527 = tpu.memref_squeeze %dma_wait3A_526 : memref<1x2x64xi32, #tpu.memory_space<vmem>> -> memref<2x64xi32, #tpu.memory_space<vmem>>
        %dma_wait3A_528 = arith.constant 0 : i32
        %dma_wait3A_529 = arith.constant 0 : i32
        %dma_wait3A_530 = tpu.memref_slice %arg3[%select_n3A_75, %dma_wait3A_528, %dma_wait3A_529] : memref<5120x2x64xi32, #tpu.memory_space<hbm>> -> memref<1x2x64xi32, #tpu.memory_space<hbm>>
        %dma_wait3A_531 = tpu.memref_squeeze %dma_wait3A_530 : memref<1x2x64xi32, #tpu.memory_space<hbm>> -> memref<2x64xi32, #tpu.memory_space<hbm>>
        %dma_wait3A_532 = tpu.memref_slice %arg9[%dma_wait3A_523] : memref<4x!tpu.dma_semaphore, #tpu.memory_space<semaphore_mem>> -> memref<1x!tpu.dma_semaphore, #tpu.memory_space<semaphore_mem>>
        %dma_wait3A_533 = tpu.memref_squeeze %dma_wait3A_532 : memref<1x!tpu.dma_semaphore, #tpu.memory_space<semaphore_mem>> -> memref<!tpu.dma_semaphore, #tpu.memory_space<semaphore_mem>>
        %dma_wait3A_534 = arith.constant 0 : i32
        %dma_wait3A_535 = arith.constant 0 : i32
        %dma_wait3A_536 = tpu.memref_slice %arg6[%dma_wait3A_522, %dma_wait3A_534, %dma_wait3A_535] : memref<4x2x64xi32, #tpu.memory_space<vmem>> -> memref<1x2x64xi32, #tpu.memory_space<vmem>>
        %dma_wait3A_537 = tpu.memref_squeeze %dma_wait3A_536 : memref<1x2x64xi32, #tpu.memory_space<vmem>> -> memref<2x64xi32, #tpu.memory_space<vmem>>
        %dma_wait3A_538 = arith.constant 0 : i32
        %dma_wait3A_539 = arith.constant 0 : i32
        %dma_wait3A_540 = tpu.memref_slice %arg3[%select_n3A_75, %dma_wait3A_538, %dma_wait3A_539] : memref<5120x2x64xi32, #tpu.memory_space<hbm>> -> memref<1x2x64xi32, #tpu.memory_space<hbm>>
        %dma_wait3A_541 = tpu.memref_squeeze %dma_wait3A_540 : memref<1x2x64xi32, #tpu.memory_space<hbm>> -> memref<2x64xi32, #tpu.memory_space<hbm>>
        tpu.wait_dma2 semaphore(%dma_wait3A_533 : memref<!tpu.dma_semaphore, #tpu.memory_space<semaphore_mem>>) src(%dma_wait3A_541 : memref<2x64xi32, #tpu.memory_space<hbm>>) dst(%dma_wait3A_537 : memref<2x64xi32, #tpu.memory_space<vmem>>)
        %dma_start3A_542 = arith.constant 2 : i32
        %dma_start3A_543 = arith.constant 0 : i32
        %dma_start3A_544 = arith.constant 2 : i32
        %dma_start3A_545 = arith.constant 2 : i32
        %dma_start3A_546 = arith.constant 0 : i32
        %dma_start3A_547 = arith.constant 0 : i32
        %dma_start3A_548 = tpu.memref_slice %arg7[%dma_start3A_544, %dma_start3A_546, %dma_start3A_547] : memref<4x64x128xf32, #tpu.memory_space<vmem>> -> memref<1x64x128xf32, #tpu.memory_space<vmem>>
        %dma_start3A_549 = tpu.memref_squeeze %dma_start3A_548 : memref<1x64x128xf32, #tpu.memory_space<vmem>> -> memref<64x128xf32, #tpu.memory_space<vmem>>
        %dma_start3A_550 = arith.constant 0 : i32
        %dma_start3A_551 = tpu.memref_slice %arg6[%dma_start3A_542, %dma_start3A_543, %dma_start3A_550] : memref<4x2x64xi32, #tpu.memory_space<vmem>> -> memref<1x1x64xi32, #tpu.memory_space<vmem>>
        %dma_start3A_552 = tpu.memref_squeeze %dma_start3A_551 : memref<1x1x64xi32, #tpu.memory_space<vmem>> -> memref<64xi32, #tpu.memory_space<vmem>>
        %dma_start3A_553 = arith.constant 0 : i32
        %dma_start3A_554 = arith.constant 0 : i32
        %dma_start3A_555 = tpu.memref_slice %arg2[%dma_start3A_553, %dma_start3A_554] : memref<10000x128xf32, #tpu.memory_space<hbm>> -> memref<10000x128xf32, #tpu.memory_space<hbm>>
        %dma_start3A_556 = tpu.memref_slice %arg10[%dma_start3A_545] : memref<4x!tpu.dma_semaphore, #tpu.memory_space<semaphore_mem>> -> memref<1x!tpu.dma_semaphore, #tpu.memory_space<semaphore_mem>>
        %dma_start3A_557 = tpu.memref_squeeze %dma_start3A_556 : memref<1x!tpu.dma_semaphore, #tpu.memory_space<semaphore_mem>> -> memref<!tpu.dma_semaphore, #tpu.memory_space<semaphore_mem>>
        tpu.enqueue_indirect_dma source(%dma_start3A_555 : memref<10000x128xf32, #tpu.memory_space<hbm>>) target(%dma_start3A_549 : memref<64x128xf32, #tpu.memory_space<vmem>>) offsets(%dma_start3A_552 : memref<64xi32, #tpu.memory_space<vmem>>) semaphore(%dma_start3A_557 : memref<!tpu.dma_semaphore, #tpu.memory_space<semaphore_mem>>)
      } else {
      }
      %dma_wait3A_312 = arith.constant 1 : i32
      %dma_wait3A_313 = arith.constant 0 : i32
      %dma_wait3A_314 = arith.constant 1 : i32
      %dma_wait3A_315 = arith.constant 1 : i32
      %dma_wait3A_316 = arith.constant 0 : i32
      %dma_wait3A_317 = arith.constant 0 : i32
      %dma_wait3A_318 = tpu.memref_slice %arg7[%dma_wait3A_314, %dma_wait3A_316, %dma_wait3A_317] : memref<4x64x128xf32, #tpu.memory_space<vmem>> -> memref<1x64x128xf32, #tpu.memory_space<vmem>>
      %dma_wait3A_319 = tpu.memref_squeeze %dma_wait3A_318 : memref<1x64x128xf32, #tpu.memory_space<vmem>> -> memref<64x128xf32, #tpu.memory_space<vmem>>
      %dma_wait3A_320 = arith.constant 0 : i32
      %dma_wait3A_321 = tpu.memref_slice %arg6[%dma_wait3A_312, %dma_wait3A_313, %dma_wait3A_320] : memref<4x2x64xi32, #tpu.memory_space<vmem>> -> memref<1x1x64xi32, #tpu.memory_space<vmem>>
      %dma_wait3A_322 = tpu.memref_squeeze %dma_wait3A_321 : memref<1x1x64xi32, #tpu.memory_space<vmem>> -> memref<64xi32, #tpu.memory_space<vmem>>
      %dma_wait3A_323 = arith.constant 0 : i32
      %dma_wait3A_324 = arith.constant 0 : i32
      %dma_wait3A_325 = tpu.memref_slice %arg2[%dma_wait3A_323, %dma_wait3A_324] : memref<10000x128xf32, #tpu.memory_space<hbm>> -> memref<10000x128xf32, #tpu.memory_space<hbm>>
      %dma_wait3A_326 = tpu.memref_slice %arg10[%dma_wait3A_315] : memref<4x!tpu.dma_semaphore, #tpu.memory_space<semaphore_mem>> -> memref<1x!tpu.dma_semaphore, #tpu.memory_space<semaphore_mem>>
      %dma_wait3A_327 = tpu.memref_squeeze %dma_wait3A_326 : memref<1x!tpu.dma_semaphore, #tpu.memory_space<semaphore_mem>> -> memref<!tpu.dma_semaphore, #tpu.memory_space<semaphore_mem>>
      tpu.wait_indirect_dma semaphore(%dma_wait3A_327 : memref<!tpu.dma_semaphore, #tpu.memory_space<semaphore_mem>>) src(%dma_wait3A_325 : memref<10000x128xf32, #tpu.memory_space<hbm>>) dst(%dma_wait3A_319 : memref<64x128xf32, #tpu.memory_space<vmem>>)
      %dma_start3A_328 = arith.constant 1 : i32
      %dma_start3A_329 = arith.constant 1 : i32
      %dma_start3A_330 = arith.constant 1 : i32
      %dma_start3A_331 = arith.constant 1 : i32
      %dma_start3A_332 = arith.constant 0 : i32
      %dma_start3A_333 = arith.constant 0 : i32
      %dma_start3A_334 = tpu.memref_slice %arg7[%dma_start3A_328, %dma_start3A_332, %dma_start3A_333] : memref<4x64x128xf32, #tpu.memory_space<vmem>> -> memref<1x64x128xf32, #tpu.memory_space<vmem>>
      %dma_start3A_335 = tpu.memref_squeeze %dma_start3A_334 : memref<1x64x128xf32, #tpu.memory_space<vmem>> -> memref<64x128xf32, #tpu.memory_space<vmem>>
      %dma_start3A_336 = arith.constant 0 : i32
      %dma_start3A_337 = tpu.memref_slice %arg6[%dma_start3A_329, %dma_start3A_330, %dma_start3A_336] : memref<4x2x64xi32, #tpu.memory_space<vmem>> -> memref<1x1x64xi32, #tpu.memory_space<vmem>>
      %dma_start3A_338 = tpu.memref_squeeze %dma_start3A_337 : memref<1x1x64xi32, #tpu.memory_space<vmem>> -> memref<64xi32, #tpu.memory_space<vmem>>
      %dma_start3A_339 = arith.constant 0 : i32
      %dma_start3A_340 = arith.constant 0 : i32
      %dma_start3A_341 = tpu.memref_slice %arg8[%dma_start3A_339, %dma_start3A_340] : memref<10240x128xf32, #tpu.memory_space<vmem_shared>> -> memref<10240x128xf32, #tpu.memory_space<vmem_shared>>
      %dma_start3A_342 = tpu.memref_slice %arg11[%dma_start3A_331] : memref<4x!tpu.dma_semaphore, #tpu.memory_space<semaphore_mem>> -> memref<1x!tpu.dma_semaphore, #tpu.memory_space<semaphore_mem>>
      %dma_start3A_343 = tpu.memref_squeeze %dma_start3A_342 : memref<1x!tpu.dma_semaphore, #tpu.memory_space<semaphore_mem>> -> memref<!tpu.dma_semaphore, #tpu.memory_space<semaphore_mem>>
      tpu.enqueue_indirect_dma source(%dma_start3A_335 : memref<64x128xf32, #tpu.memory_space<vmem>>) target(%dma_start3A_341 : memref<10240x128xf32, #tpu.memory_space<vmem_shared>>) offsets(%dma_start3A_338 : memref<64xi32, #tpu.memory_space<vmem>>) semaphore(%dma_start3A_343 : memref<!tpu.dma_semaphore, #tpu.memory_space<semaphore_mem>>) {add = true}
      %get3A_344 = arith.constant 1 : i32
      %get3A_345 = arith.constant 1 : i32
      %get3A_346 = arith.index_cast %get3A_344 : i32 to index
      %get3A_347 = arith.index_cast %get3A_345 : i32 to index
      %get3A_348 = arith.constant 0 : index
      %get3A_349 = tpu.vector_load %arg6[%get3A_346, %get3A_347, %get3A_348] {strides = array<i32>} : memref<4x2x64xi32, #tpu.memory_space<vmem>>, vector<16xi32>,
      tpu.vector_store_idx %arg12[%get3A_349], %broadcast_in_dim3A_64 {add = true} : memref<10240xf32, #tpu.memory_space<vmem>>[vector<16xi32>], vector<16xf32>,
      %get3A_350 = arith.constant 1 : i32
      %get3A_351 = arith.constant 1 : i32
      %get3A_352 = arith.index_cast %get3A_350 : i32 to index
      %get3A_353 = arith.index_cast %get3A_351 : i32 to index
      %get3A_354 = arith.constant 16 : index
      %get3A_355 = tpu.vector_load %arg6[%get3A_352, %get3A_353, %get3A_354] {strides = array<i32>} : memref<4x2x64xi32, #tpu.memory_space<vmem>>, vector<16xi32>,
      tpu.vector_store_idx %arg12[%get3A_355], %broadcast_in_dim3A_64 {add = true} : memref<10240xf32, #tpu.memory_space<vmem>>[vector<16xi32>], vector<16xf32>,
      %get3A_356 = arith.constant 1 : i32
      %get3A_357 = arith.constant 1 : i32
      %get3A_358 = arith.index_cast %get3A_356 : i32 to index
      %get3A_359 = arith.index_cast %get3A_357 : i32 to index
      %get3A_360 = arith.constant 32 : index
      %get3A_361 = tpu.vector_load %arg6[%get3A_358, %get3A_359, %get3A_360] {strides = array<i32>} : memref<4x2x64xi32, #tpu.memory_space<vmem>>, vector<16xi32>,
      tpu.vector_store_idx %arg12[%get3A_361], %broadcast_in_dim3A_64 {add = true} : memref<10240xf32, #tpu.memory_space<vmem>>[vector<16xi32>], vector<16xf32>,
      %get3A_362 = arith.constant 1 : i32
      %get3A_363 = arith.constant 1 : i32
      %get3A_364 = arith.index_cast %get3A_362 : i32 to index
      %get3A_365 = arith.index_cast %get3A_363 : i32 to index
      %get3A_366 = arith.constant 48 : index
      %get3A_367 = tpu.vector_load %arg6[%get3A_364, %get3A_365, %get3A_366] {strides = array<i32>} : memref<4x2x64xi32, #tpu.memory_space<vmem>>, vector<16xi32>,
      tpu.vector_store_idx %arg12[%get3A_367], %broadcast_in_dim3A_64 {add = true} : memref<10240xf32, #tpu.memory_space<vmem>>[vector<16xi32>], vector<16xf32>,
      %mul3A_368 = arith.constant 4 : i32
      %mul3A_369 = arith.muli %mul3A_368, %while3A_218 : i32
      %add3A_370 = arith.constant 2 : i32
      %add3A_371 = arith.addi %mul3A_369, %add3A_370 : i32
      %ge3A_372 = arith.constant 2 : i32
      %ge3A_373 = arith.cmpi sge, %add3A_371, %ge3A_372 : i32
      %convert_element_type3A_374 = arith.extui %ge3A_373 : i1 to i32
      %cond3A_375 = arith.constant 0 : i32
      %cond3A_376 = arith.cmpi ne, %convert_element_type3A_374, %cond3A_375 : i32
      scf.if %cond3A_376 {
        %dma_wait3A_522 = arith.constant 0 : i32
        %dma_wait3A_523 = arith.constant 0 : i32
        %dma_wait3A_524 = arith.constant 1 : i32
        %dma_wait3A_525 = arith.constant 0 : i32
        %dma_wait3A_526 = arith.constant 0 : i32
        %dma_wait3A_527 = arith.constant 0 : i32
        %dma_wait3A_528 = tpu.memref_slice %arg7[%dma_wait3A_522, %dma_wait3A_526, %dma_wait3A_527] : memref<4x64x128xf32, #tpu.memory_space<vmem>> -> memref<1x64x128xf32, #tpu.memory_space<vmem>>
        %dma_wait3A_529 = tpu.memref_squeeze %dma_wait3A_528 : memref<1x64x128xf32, #tpu.memory_space<vmem>> -> memref<64x128xf32, #tpu.memory_space<vmem>>
        %dma_wait3A_530 = arith.constant 0 : i32
        %dma_wait3A_531 = tpu.memref_slice %arg6[%dma_wait3A_523, %dma_wait3A_524, %dma_wait3A_530] : memref<4x2x64xi32, #tpu.memory_space<vmem>> -> memref<1x1x64xi32, #tpu.memory_space<vmem>>
        %dma_wait3A_532 = tpu.memref_squeeze %dma_wait3A_531 : memref<1x1x64xi32, #tpu.memory_space<vmem>> -> memref<64xi32, #tpu.memory_space<vmem>>
        %dma_wait3A_533 = arith.constant 0 : i32
        %dma_wait3A_534 = arith.constant 0 : i32
        %dma_wait3A_535 = tpu.memref_slice %arg8[%dma_wait3A_533, %dma_wait3A_534] : memref<10240x128xf32, #tpu.memory_space<vmem_shared>> -> memref<10240x128xf32, #tpu.memory_space<vmem_shared>>
        %dma_wait3A_536 = tpu.memref_slice %arg11[%dma_wait3A_525] : memref<4x!tpu.dma_semaphore, #tpu.memory_space<semaphore_mem>> -> memref<1x!tpu.dma_semaphore, #tpu.memory_space<semaphore_mem>>
        %dma_wait3A_537 = tpu.memref_squeeze %dma_wait3A_536 : memref<1x!tpu.dma_semaphore, #tpu.memory_space<semaphore_mem>> -> memref<!tpu.dma_semaphore, #tpu.memory_space<semaphore_mem>>
        tpu.wait_indirect_dma semaphore(%dma_wait3A_537 : memref<!tpu.dma_semaphore, #tpu.memory_space<semaphore_mem>>) src(%dma_wait3A_529 : memref<64x128xf32, #tpu.memory_space<vmem>>) dst(%dma_wait3A_535 : memref<10240x128xf32, #tpu.memory_space<vmem_shared>>)
      } else {
      }
      %add3A_377 = arith.constant 2 : i32
      %add3A_378 = arith.addi %add3A_371, %add3A_377 : i32
      %lt3A_379 = arith.cmpi slt, %add3A_378, %select_n3A : i32
      %convert_element_type3A_380 = arith.extui %lt3A_379 : i1 to i32
      %cond3A_381 = arith.constant 0 : i32
      %cond3A_382 = arith.cmpi ne, %convert_element_type3A_380, %cond3A_381 : i32
      scf.if %cond3A_382 {
        %add3A_522 = arith.constant 2 : i32
        %add3A_523 = arith.addi %add3A_371, %add3A_522 : i32
        %add3A_524 = arith.addi %select_n3A_75, %add3A_523 : i32
        %dma_start3A_525 = arith.constant 0 : i32
        %dma_start3A_526 = arith.constant 0 : i32
        %dma_start3A_527 = arith.constant 0 : i32
        %dma_start3A_528 = arith.constant 0 : i32
        %dma_start3A_529 = tpu.memref_slice %arg6[%dma_start3A_525, %dma_start3A_527, %dma_start3A_528] : memref<4x2x64xi32, #tpu.memory_space<vmem>> -> memref<1x2x64xi32, #tpu.memory_space<vmem>>
        %dma_start3A_530 = tpu.memref_squeeze %dma_start3A_529 : memref<1x2x64xi32, #tpu.memory_space<vmem>> -> memref<2x64xi32, #tpu.memory_space<vmem>>
        %dma_start3A_531 = arith.constant 0 : i32
        %dma_start3A_532 = arith.constant 0 : i32
        %dma_start3A_533 = tpu.memref_slice %arg3[%add3A_524, %dma_start3A_531, %dma_start3A_532] : memref<5120x2x64xi32, #tpu.memory_space<hbm>> -> memref<1x2x64xi32, #tpu.memory_space<hbm>>
        %dma_start3A_534 = tpu.memref_squeeze %dma_start3A_533 : memref<1x2x64xi32, #tpu.memory_space<hbm>> -> memref<2x64xi32, #tpu.memory_space<hbm>>
        %dma_start3A_535 = tpu.memref_slice %arg9[%dma_start3A_526] : memref<4x!tpu.dma_semaphore, #tpu.memory_space<semaphore_mem>> -> memref<1x!tpu.dma_semaphore, #tpu.memory_space<semaphore_mem>>
        %dma_start3A_536 = tpu.memref_squeeze %dma_start3A_535 : memref<1x!tpu.dma_semaphore, #tpu.memory_space<semaphore_mem>> -> memref<!tpu.dma_semaphore, #tpu.memory_space<semaphore_mem>>
        %dma_start3A_537 = arith.constant 0 : i32
        %dma_start3A_538 = arith.constant 0 : i32
        %dma_start3A_539 = tpu.memref_slice %arg6[%dma_start3A_525, %dma_start3A_537, %dma_start3A_538] : memref<4x2x64xi32, #tpu.memory_space<vmem>> -> memref<1x2x64xi32, #tpu.memory_space<vmem>>
        %dma_start3A_540 = tpu.memref_squeeze %dma_start3A_539 : memref<1x2x64xi32, #tpu.memory_space<vmem>> -> memref<2x64xi32, #tpu.memory_space<vmem>>
        %dma_start3A_541 = arith.constant 0 : i32
        %dma_start3A_542 = arith.constant 0 : i32
        %dma_start3A_543 = tpu.memref_slice %arg3[%add3A_524, %dma_start3A_541, %dma_start3A_542] : memref<5120x2x64xi32, #tpu.memory_space<hbm>> -> memref<1x2x64xi32, #tpu.memory_space<hbm>>
        %dma_start3A_544 = tpu.memref_squeeze %dma_start3A_543 : memref<1x2x64xi32, #tpu.memory_space<hbm>> -> memref<2x64xi32, #tpu.memory_space<hbm>>
        tpu.enqueue_dma source(%dma_start3A_544 : memref<2x64xi32, #tpu.memory_space<hbm>>) target(%dma_start3A_540 : memref<2x64xi32, #tpu.memory_space<vmem>>) target_semaphore(%dma_start3A_536 : memref<!tpu.dma_semaphore, #tpu.memory_space<semaphore_mem>>)
      } else {
      }
      %add3A_383 = arith.constant 1 : i32
      %add3A_384 = arith.addi %add3A_371, %add3A_383 : i32
      %lt3A_385 = arith.cmpi slt, %add3A_384, %select_n3A : i32
      %convert_element_type3A_386 = arith.extui %lt3A_385 : i1 to i32
      %cond3A_387 = arith.constant 0 : i32
      %cond3A_388 = arith.cmpi ne, %convert_element_type3A_386, %cond3A_387 : i32
      scf.if %cond3A_388 {
        %dma_wait3A_522 = arith.constant 3 : i32
        %dma_wait3A_523 = arith.constant 3 : i32
        %dma_wait3A_524 = arith.constant 0 : i32
        %dma_wait3A_525 = arith.constant 0 : i32
        %dma_wait3A_526 = tpu.memref_slice %arg6[%dma_wait3A_522, %dma_wait3A_524, %dma_wait3A_525] : memref<4x2x64xi32, #tpu.memory_space<vmem>> -> memref<1x2x64xi32, #tpu.memory_space<vmem>>
        %dma_wait3A_527 = tpu.memref_squeeze %dma_wait3A_526 : memref<1x2x64xi32, #tpu.memory_space<vmem>> -> memref<2x64xi32, #tpu.memory_space<vmem>>
        %dma_wait3A_528 = arith.constant 0 : i32
        %dma_wait3A_529 = arith.constant 0 : i32
        %dma_wait3A_530 = tpu.memref_slice %arg3[%select_n3A_75, %dma_wait3A_528, %dma_wait3A_529] : memref<5120x2x64xi32, #tpu.memory_space<hbm>> -> memref<1x2x64xi32, #tpu.memory_space<hbm>>
        %dma_wait3A_531 = tpu.memref_squeeze %dma_wait3A_530 : memref<1x2x64xi32, #tpu.memory_space<hbm>> -> memref<2x64xi32, #tpu.memory_space<hbm>>
        %dma_wait3A_532 = tpu.memref_slice %arg9[%dma_wait3A_523] : memref<4x!tpu.dma_semaphore, #tpu.memory_space<semaphore_mem>> -> memref<1x!tpu.dma_semaphore, #tpu.memory_space<semaphore_mem>>
        %dma_wait3A_533 = tpu.memref_squeeze %dma_wait3A_532 : memref<1x!tpu.dma_semaphore, #tpu.memory_space<semaphore_mem>> -> memref<!tpu.dma_semaphore, #tpu.memory_space<semaphore_mem>>
        %dma_wait3A_534 = arith.constant 0 : i32
        %dma_wait3A_535 = arith.constant 0 : i32
        %dma_wait3A_536 = tpu.memref_slice %arg6[%dma_wait3A_522, %dma_wait3A_534, %dma_wait3A_535] : memref<4x2x64xi32, #tpu.memory_space<vmem>> -> memref<1x2x64xi32, #tpu.memory_space<vmem>>
        %dma_wait3A_537 = tpu.memref_squeeze %dma_wait3A_536 : memref<1x2x64xi32, #tpu.memory_space<vmem>> -> memref<2x64xi32, #tpu.memory_space<vmem>>
        %dma_wait3A_538 = arith.constant 0 : i32
        %dma_wait3A_539 = arith.constant 0 : i32
        %dma_wait3A_540 = tpu.memref_slice %arg3[%select_n3A_75, %dma_wait3A_538, %dma_wait3A_539] : memref<5120x2x64xi32, #tpu.memory_space<hbm>> -> memref<1x2x64xi32, #tpu.memory_space<hbm>>
        %dma_wait3A_541 = tpu.memref_squeeze %dma_wait3A_540 : memref<1x2x64xi32, #tpu.memory_space<hbm>> -> memref<2x64xi32, #tpu.memory_space<hbm>>
        tpu.wait_dma2 semaphore(%dma_wait3A_533 : memref<!tpu.dma_semaphore, #tpu.memory_space<semaphore_mem>>) src(%dma_wait3A_541 : memref<2x64xi32, #tpu.memory_space<hbm>>) dst(%dma_wait3A_537 : memref<2x64xi32, #tpu.memory_space<vmem>>)
        %dma_start3A_542 = arith.constant 3 : i32
        %dma_start3A_543 = arith.constant 0 : i32
        %dma_start3A_544 = arith.constant 3 : i32
        %dma_start3A_545 = arith.constant 3 : i32
        %dma_start3A_546 = arith.constant 0 : i32
        %dma_start3A_547 = arith.constant 0 : i32
        %dma_start3A_548 = tpu.memref_slice %arg7[%dma_start3A_544, %dma_start3A_546, %dma_start3A_547] : memref<4x64x128xf32, #tpu.memory_space<vmem>> -> memref<1x64x128xf32, #tpu.memory_space<vmem>>
        %dma_start3A_549 = tpu.memref_squeeze %dma_start3A_548 : memref<1x64x128xf32, #tpu.memory_space<vmem>> -> memref<64x128xf32, #tpu.memory_space<vmem>>
        %dma_start3A_550 = arith.constant 0 : i32
        %dma_start3A_551 = tpu.memref_slice %arg6[%dma_start3A_542, %dma_start3A_543, %dma_start3A_550] : memref<4x2x64xi32, #tpu.memory_space<vmem>> -> memref<1x1x64xi32, #tpu.memory_space<vmem>>
        %dma_start3A_552 = tpu.memref_squeeze %dma_start3A_551 : memref<1x1x64xi32, #tpu.memory_space<vmem>> -> memref<64xi32, #tpu.memory_space<vmem>>
        %dma_start3A_553 = arith.constant 0 : i32
        %dma_start3A_554 = arith.constant 0 : i32
        %dma_start3A_555 = tpu.memref_slice %arg2[%dma_start3A_553, %dma_start3A_554] : memref<10000x128xf32, #tpu.memory_space<hbm>> -> memref<10000x128xf32, #tpu.memory_space<hbm>>
        %dma_start3A_556 = tpu.memref_slice %arg10[%dma_start3A_545] : memref<4x!tpu.dma_semaphore, #tpu.memory_space<semaphore_mem>> -> memref<1x!tpu.dma_semaphore, #tpu.memory_space<semaphore_mem>>
        %dma_start3A_557 = tpu.memref_squeeze %dma_start3A_556 : memref<1x!tpu.dma_semaphore, #tpu.memory_space<semaphore_mem>> -> memref<!tpu.dma_semaphore, #tpu.memory_space<semaphore_mem>>
        tpu.enqueue_indirect_dma source(%dma_start3A_555 : memref<10000x128xf32, #tpu.memory_space<hbm>>) target(%dma_start3A_549 : memref<64x128xf32, #tpu.memory_space<vmem>>) offsets(%dma_start3A_552 : memref<64xi32, #tpu.memory_space<vmem>>) semaphore(%dma_start3A_557 : memref<!tpu.dma_semaphore, #tpu.memory_space<semaphore_mem>>)
      } else {
      }
      %dma_wait3A_389 = arith.constant 2 : i32
      %dma_wait3A_390 = arith.constant 0 : i32
      %dma_wait3A_391 = arith.constant 2 : i32
      %dma_wait3A_392 = arith.constant 2 : i32
      %dma_wait3A_393 = arith.constant 0 : i32
      %dma_wait3A_394 = arith.constant 0 : i32
      %dma_wait3A_395 = tpu.memref_slice %arg7[%dma_wait3A_391, %dma_wait3A_393, %dma_wait3A_394] : memref<4x64x128xf32, #tpu.memory_space<vmem>> -> memref<1x64x128xf32, #tpu.memory_space<vmem>>
      %dma_wait3A_396 = tpu.memref_squeeze %dma_wait3A_395 : memref<1x64x128xf32, #tpu.memory_space<vmem>> -> memref<64x128xf32, #tpu.memory_space<vmem>>
      %dma_wait3A_397 = arith.constant 0 : i32
      %dma_wait3A_398 = tpu.memref_slice %arg6[%dma_wait3A_389, %dma_wait3A_390, %dma_wait3A_397] : memref<4x2x64xi32, #tpu.memory_space<vmem>> -> memref<1x1x64xi32, #tpu.memory_space<vmem>>
      %dma_wait3A_399 = tpu.memref_squeeze %dma_wait3A_398 : memref<1x1x64xi32, #tpu.memory_space<vmem>> -> memref<64xi32, #tpu.memory_space<vmem>>
      %dma_wait3A_400 = arith.constant 0 : i32
      %dma_wait3A_401 = arith.constant 0 : i32
      %dma_wait3A_402 = tpu.memref_slice %arg2[%dma_wait3A_400, %dma_wait3A_401] : memref<10000x128xf32, #tpu.memory_space<hbm>> -> memref<10000x128xf32, #tpu.memory_space<hbm>>
      %dma_wait3A_403 = tpu.memref_slice %arg10[%dma_wait3A_392] : memref<4x!tpu.dma_semaphore, #tpu.memory_space<semaphore_mem>> -> memref<1x!tpu.dma_semaphore, #tpu.memory_space<semaphore_mem>>
      %dma_wait3A_404 = tpu.memref_squeeze %dma_wait3A_403 : memref<1x!tpu.dma_semaphore, #tpu.memory_space<semaphore_mem>> -> memref<!tpu.dma_semaphore, #tpu.memory_space<semaphore_mem>>
      tpu.wait_indirect_dma semaphore(%dma_wait3A_404 : memref<!tpu.dma_semaphore, #tpu.memory_space<semaphore_mem>>) src(%dma_wait3A_402 : memref<10000x128xf32, #tpu.memory_space<hbm>>) dst(%dma_wait3A_396 : memref<64x128xf32, #tpu.memory_space<vmem>>)
      %dma_start3A_405 = arith.constant 2 : i32
      %dma_start3A_406 = arith.constant 2 : i32
      %dma_start3A_407 = arith.constant 1 : i32
      %dma_start3A_408 = arith.constant 2 : i32
      %dma_start3A_409 = arith.constant 0 : i32
      %dma_start3A_410 = arith.constant 0 : i32
      %dma_start3A_411 = tpu.memref_slice %arg7[%dma_start3A_405, %dma_start3A_409, %dma_start3A_410] : memref<4x64x128xf32, #tpu.memory_space<vmem>> -> memref<1x64x128xf32, #tpu.memory_space<vmem>>
      %dma_start3A_412 = tpu.memref_squeeze %dma_start3A_411 : memref<1x64x128xf32, #tpu.memory_space<vmem>> -> memref<64x128xf32, #tpu.memory_space<vmem>>
      %dma_start3A_413 = arith.constant 0 : i32
      %dma_start3A_414 = tpu.memref_slice %arg6[%dma_start3A_406, %dma_start3A_407, %dma_start3A_413] : memref<4x2x64xi32, #tpu.memory_space<vmem>> -> memref<1x1x64xi32, #tpu.memory_space<vmem>>
      %dma_start3A_415 = tpu.memref_squeeze %dma_start3A_414 : memref<1x1x64xi32, #tpu.memory_space<vmem>> -> memref<64xi32, #tpu.memory_space<vmem>>
      %dma_start3A_416 = arith.constant 0 : i32
      %dma_start3A_417 = arith.constant 0 : i32
      %dma_start3A_418 = tpu.memref_slice %arg8[%dma_start3A_416, %dma_start3A_417] : memref<10240x128xf32, #tpu.memory_space<vmem_shared>> -> memref<10240x128xf32, #tpu.memory_space<vmem_shared>>
      %dma_start3A_419 = tpu.memref_slice %arg11[%dma_start3A_408] : memref<4x!tpu.dma_semaphore, #tpu.memory_space<semaphore_mem>> -> memref<1x!tpu.dma_semaphore, #tpu.memory_space<semaphore_mem>>
      %dma_start3A_420 = tpu.memref_squeeze %dma_start3A_419 : memref<1x!tpu.dma_semaphore, #tpu.memory_space<semaphore_mem>> -> memref<!tpu.dma_semaphore, #tpu.memory_space<semaphore_mem>>
      tpu.enqueue_indirect_dma source(%dma_start3A_412 : memref<64x128xf32, #tpu.memory_space<vmem>>) target(%dma_start3A_418 : memref<10240x128xf32, #tpu.memory_space<vmem_shared>>) offsets(%dma_start3A_415 : memref<64xi32, #tpu.memory_space<vmem>>) semaphore(%dma_start3A_420 : memref<!tpu.dma_semaphore, #tpu.memory_space<semaphore_mem>>) {add = true}
      %get3A_421 = arith.constant 2 : i32
      %get3A_422 = arith.constant 1 : i32
      %get3A_423 = arith.index_cast %get3A_421 : i32 to index
      %get3A_424 = arith.index_cast %get3A_422 : i32 to index
      %get3A_425 = arith.constant 0 : index
      %get3A_426 = tpu.vector_load %arg6[%get3A_423, %get3A_424, %get3A_425] {strides = array<i32>} : memref<4x2x64xi32, #tpu.memory_space<vmem>>, vector<16xi32>,
      tpu.vector_store_idx %arg12[%get3A_426], %broadcast_in_dim3A_64 {add = true} : memref<10240xf32, #tpu.memory_space<vmem>>[vector<16xi32>], vector<16xf32>,
      %get3A_427 = arith.constant 2 : i32
      %get3A_428 = arith.constant 1 : i32
      %get3A_429 = arith.index_cast %get3A_427 : i32 to index
      %get3A_430 = arith.index_cast %get3A_428 : i32 to index
      %get3A_431 = arith.constant 16 : index
      %get3A_432 = tpu.vector_load %arg6[%get3A_429, %get3A_430, %get3A_431] {strides = array<i32>} : memref<4x2x64xi32, #tpu.memory_space<vmem>>, vector<16xi32>,
      tpu.vector_store_idx %arg12[%get3A_432], %broadcast_in_dim3A_64 {add = true} : memref<10240xf32, #tpu.memory_space<vmem>>[vector<16xi32>], vector<16xf32>,
      %get3A_433 = arith.constant 2 : i32
      %get3A_434 = arith.constant 1 : i32
      %get3A_435 = arith.index_cast %get3A_433 : i32 to index
      %get3A_436 = arith.index_cast %get3A_434 : i32 to index
      %get3A_437 = arith.constant 32 : index
      %get3A_438 = tpu.vector_load %arg6[%get3A_435, %get3A_436, %get3A_437] {strides = array<i32>} : memref<4x2x64xi32, #tpu.memory_space<vmem>>, vector<16xi32>,
      tpu.vector_store_idx %arg12[%get3A_438], %broadcast_in_dim3A_64 {add = true} : memref<10240xf32, #tpu.memory_space<vmem>>[vector<16xi32>], vector<16xf32>,
      %get3A_439 = arith.constant 2 : i32
      %get3A_440 = arith.constant 1 : i32
      %get3A_441 = arith.index_cast %get3A_439 : i32 to index
      %get3A_442 = arith.index_cast %get3A_440 : i32 to index
      %get3A_443 = arith.constant 48 : index
      %get3A_444 = tpu.vector_load %arg6[%get3A_441, %get3A_442, %get3A_443] {strides = array<i32>} : memref<4x2x64xi32, #tpu.memory_space<vmem>>, vector<16xi32>,
      tpu.vector_store_idx %arg12[%get3A_444], %broadcast_in_dim3A_64 {add = true} : memref<10240xf32, #tpu.memory_space<vmem>>[vector<16xi32>], vector<16xf32>,
      %mul3A_445 = arith.constant 4 : i32
      %mul3A_446 = arith.muli %mul3A_445, %while3A_218 : i32
      %add3A_447 = arith.constant 3 : i32
      %add3A_448 = arith.addi %mul3A_446, %add3A_447 : i32
      %ge3A_449 = arith.constant 2 : i32
      %ge3A_450 = arith.cmpi sge, %add3A_448, %ge3A_449 : i32
      %convert_element_type3A_451 = arith.extui %ge3A_450 : i1 to i32
      %cond3A_452 = arith.constant 0 : i32
      %cond3A_453 = arith.cmpi ne, %convert_element_type3A_451, %cond3A_452 : i32
      scf.if %cond3A_453 {
        %dma_wait3A_522 = arith.constant 1 : i32
        %dma_wait3A_523 = arith.constant 1 : i32
        %dma_wait3A_524 = arith.constant 1 : i32
        %dma_wait3A_525 = arith.constant 1 : i32
        %dma_wait3A_526 = arith.constant 0 : i32
        %dma_wait3A_527 = arith.constant 0 : i32
        %dma_wait3A_528 = tpu.memref_slice %arg7[%dma_wait3A_522, %dma_wait3A_526, %dma_wait3A_527] : memref<4x64x128xf32, #tpu.memory_space<vmem>> -> memref<1x64x128xf32, #tpu.memory_space<vmem>>
        %dma_wait3A_529 = tpu.memref_squeeze %dma_wait3A_528 : memref<1x64x128xf32, #tpu.memory_space<vmem>> -> memref<64x128xf32, #tpu.memory_space<vmem>>
        %dma_wait3A_530 = arith.constant 0 : i32
        %dma_wait3A_531 = tpu.memref_slice %arg6[%dma_wait3A_523, %dma_wait3A_524, %dma_wait3A_530] : memref<4x2x64xi32, #tpu.memory_space<vmem>> -> memref<1x1x64xi32, #tpu.memory_space<vmem>>
        %dma_wait3A_532 = tpu.memref_squeeze %dma_wait3A_531 : memref<1x1x64xi32, #tpu.memory_space<vmem>> -> memref<64xi32, #tpu.memory_space<vmem>>
        %dma_wait3A_533 = arith.constant 0 : i32
        %dma_wait3A_534 = arith.constant 0 : i32
        %dma_wait3A_535 = tpu.memref_slice %arg8[%dma_wait3A_533, %dma_wait3A_534] : memref<10240x128xf32, #tpu.memory_space<vmem_shared>> -> memref<10240x128xf32, #tpu.memory_space<vmem_shared>>
        %dma_wait3A_536 = tpu.memref_slice %arg11[%dma_wait3A_525] : memref<4x!tpu.dma_semaphore, #tpu.memory_space<semaphore_mem>> -> memref<1x!tpu.dma_semaphore, #tpu.memory_space<semaphore_mem>>
        %dma_wait3A_537 = tpu.memref_squeeze %dma_wait3A_536 : memref<1x!tpu.dma_semaphore, #tpu.memory_space<semaphore_mem>> -> memref<!tpu.dma_semaphore, #tpu.memory_space<semaphore_mem>>
        tpu.wait_indirect_dma semaphore(%dma_wait3A_537 : memref<!tpu.dma_semaphore, #tpu.memory_space<semaphore_mem>>) src(%dma_wait3A_529 : memref<64x128xf32, #tpu.memory_space<vmem>>) dst(%dma_wait3A_535 : memref<10240x128xf32, #tpu.memory_space<vmem_shared>>)
      } else {
      }
      %add3A_454 = arith.constant 2 : i32
      %add3A_455 = arith.addi %add3A_448, %add3A_454 : i32
      %lt3A_456 = arith.cmpi slt, %add3A_455, %select_n3A : i32
      %convert_element_type3A_457 = arith.extui %lt3A_456 : i1 to i32
      %cond3A_458 = arith.constant 0 : i32
      %cond3A_459 = arith.cmpi ne, %convert_element_type3A_457, %cond3A_458 : i32
      scf.if %cond3A_459 {
        %add3A_522 = arith.constant 2 : i32
        %add3A_523 = arith.addi %add3A_448, %add3A_522 : i32
        %add3A_524 = arith.addi %select_n3A_75, %add3A_523 : i32
        %dma_start3A_525 = arith.constant 1 : i32
        %dma_start3A_526 = arith.constant 1 : i32
        %dma_start3A_527 = arith.constant 0 : i32
        %dma_start3A_528 = arith.constant 0 : i32
        %dma_start3A_529 = tpu.memref_slice %arg6[%dma_start3A_525, %dma_start3A_527, %dma_start3A_528] : memref<4x2x64xi32, #tpu.memory_space<vmem>> -> memref<1x2x64xi32, #tpu.memory_space<vmem>>
        %dma_start3A_530 = tpu.memref_squeeze %dma_start3A_529 : memref<1x2x64xi32, #tpu.memory_space<vmem>> -> memref<2x64xi32, #tpu.memory_space<vmem>>
        %dma_start3A_531 = arith.constant 0 : i32
        %dma_start3A_532 = arith.constant 0 : i32
        %dma_start3A_533 = tpu.memref_slice %arg3[%add3A_524, %dma_start3A_531, %dma_start3A_532] : memref<5120x2x64xi32, #tpu.memory_space<hbm>> -> memref<1x2x64xi32, #tpu.memory_space<hbm>>
        %dma_start3A_534 = tpu.memref_squeeze %dma_start3A_533 : memref<1x2x64xi32, #tpu.memory_space<hbm>> -> memref<2x64xi32, #tpu.memory_space<hbm>>
        %dma_start3A_535 = tpu.memref_slice %arg9[%dma_start3A_526] : memref<4x!tpu.dma_semaphore, #tpu.memory_space<semaphore_mem>> -> memref<1x!tpu.dma_semaphore, #tpu.memory_space<semaphore_mem>>
        %dma_start3A_536 = tpu.memref_squeeze %dma_start3A_535 : memref<1x!tpu.dma_semaphore, #tpu.memory_space<semaphore_mem>> -> memref<!tpu.dma_semaphore, #tpu.memory_space<semaphore_mem>>
        %dma_start3A_537 = arith.constant 0 : i32
        %dma_start3A_538 = arith.constant 0 : i32
        %dma_start3A_539 = tpu.memref_slice %arg6[%dma_start3A_525, %dma_start3A_537, %dma_start3A_538] : memref<4x2x64xi32, #tpu.memory_space<vmem>> -> memref<1x2x64xi32, #tpu.memory_space<vmem>>
        %dma_start3A_540 = tpu.memref_squeeze %dma_start3A_539 : memref<1x2x64xi32, #tpu.memory_space<vmem>> -> memref<2x64xi32, #tpu.memory_space<vmem>>
        %dma_start3A_541 = arith.constant 0 : i32
        %dma_start3A_542 = arith.constant 0 : i32
        %dma_start3A_543 = tpu.memref_slice %arg3[%add3A_524, %dma_start3A_541, %dma_start3A_542] : memref<5120x2x64xi32, #tpu.memory_space<hbm>> -> memref<1x2x64xi32, #tpu.memory_space<hbm>>
        %dma_start3A_544 = tpu.memref_squeeze %dma_start3A_543 : memref<1x2x64xi32, #tpu.memory_space<hbm>> -> memref<2x64xi32, #tpu.memory_space<hbm>>
        tpu.enqueue_dma source(%dma_start3A_544 : memref<2x64xi32, #tpu.memory_space<hbm>>) target(%dma_start3A_540 : memref<2x64xi32, #tpu.memory_space<vmem>>) target_semaphore(%dma_start3A_536 : memref<!tpu.dma_semaphore, #tpu.memory_space<semaphore_mem>>)
      } else {
      }
      %add3A_460 = arith.constant 1 : i32
      %add3A_461 = arith.addi %add3A_448, %add3A_460 : i32
      %lt3A_462 = arith.cmpi slt, %add3A_461, %select_n3A : i32
      %convert_element_type3A_463 = arith.extui %lt3A_462 : i1 to i32
      %cond3A_464 = arith.constant 0 : i32
      %cond3A_465 = arith.cmpi ne, %convert_element_type3A_463, %cond3A_464 : i32
      scf.if %cond3A_465 {
        %dma_wait3A_522 = arith.constant 0 : i32
        %dma_wait3A_523 = arith.constant 0 : i32
        %dma_wait3A_524 = arith.constant 0 : i32
        %dma_wait3A_525 = arith.constant 0 : i32
        %dma_wait3A_526 = tpu.memref_slice %arg6[%dma_wait3A_522, %dma_wait3A_524, %dma_wait3A_525] : memref<4x2x64xi32, #tpu.memory_space<vmem>> -> memref<1x2x64xi32, #tpu.memory_space<vmem>>
        %dma_wait3A_527 = tpu.memref_squeeze %dma_wait3A_526 : memref<1x2x64xi32, #tpu.memory_space<vmem>> -> memref<2x64xi32, #tpu.memory_space<vmem>>
        %dma_wait3A_528 = arith.constant 0 : i32
        %dma_wait3A_529 = arith.constant 0 : i32
        %dma_wait3A_530 = tpu.memref_slice %arg3[%select_n3A_75, %dma_wait3A_528, %dma_wait3A_529] : memref<5120x2x64xi32, #tpu.memory_space<hbm>> -> memref<1x2x64xi32, #tpu.memory_space<hbm>>
        %dma_wait3A_531 = tpu.memref_squeeze %dma_wait3A_530 : memref<1x2x64xi32, #tpu.memory_space<hbm>> -> memref<2x64xi32, #tpu.memory_space<hbm>>
        %dma_wait3A_532 = tpu.memref_slice %arg9[%dma_wait3A_523] : memref<4x!tpu.dma_semaphore, #tpu.memory_space<semaphore_mem>> -> memref<1x!tpu.dma_semaphore, #tpu.memory_space<semaphore_mem>>
        %dma_wait3A_533 = tpu.memref_squeeze %dma_wait3A_532 : memref<1x!tpu.dma_semaphore, #tpu.memory_space<semaphore_mem>> -> memref<!tpu.dma_semaphore, #tpu.memory_space<semaphore_mem>>
        %dma_wait3A_534 = arith.constant 0 : i32
        %dma_wait3A_535 = arith.constant 0 : i32
        %dma_wait3A_536 = tpu.memref_slice %arg6[%dma_wait3A_522, %dma_wait3A_534, %dma_wait3A_535] : memref<4x2x64xi32, #tpu.memory_space<vmem>> -> memref<1x2x64xi32, #tpu.memory_space<vmem>>
        %dma_wait3A_537 = tpu.memref_squeeze %dma_wait3A_536 : memref<1x2x64xi32, #tpu.memory_space<vmem>> -> memref<2x64xi32, #tpu.memory_space<vmem>>
        %dma_wait3A_538 = arith.constant 0 : i32
        %dma_wait3A_539 = arith.constant 0 : i32
        %dma_wait3A_540 = tpu.memref_slice %arg3[%select_n3A_75, %dma_wait3A_538, %dma_wait3A_539] : memref<5120x2x64xi32, #tpu.memory_space<hbm>> -> memref<1x2x64xi32, #tpu.memory_space<hbm>>
        %dma_wait3A_541 = tpu.memref_squeeze %dma_wait3A_540 : memref<1x2x64xi32, #tpu.memory_space<hbm>> -> memref<2x64xi32, #tpu.memory_space<hbm>>
        tpu.wait_dma2 semaphore(%dma_wait3A_533 : memref<!tpu.dma_semaphore, #tpu.memory_space<semaphore_mem>>) src(%dma_wait3A_541 : memref<2x64xi32, #tpu.memory_space<hbm>>) dst(%dma_wait3A_537 : memref<2x64xi32, #tpu.memory_space<vmem>>)
        %dma_start3A_542 = arith.constant 0 : i32
        %dma_start3A_543 = arith.constant 0 : i32
        %dma_start3A_544 = arith.constant 0 : i32
        %dma_start3A_545 = arith.constant 0 : i32
        %dma_start3A_546 = arith.constant 0 : i32
        %dma_start3A_547 = arith.constant 0 : i32
        %dma_start3A_548 = tpu.memref_slice %arg7[%dma_start3A_544, %dma_start3A_546, %dma_start3A_547] : memref<4x64x128xf32, #tpu.memory_space<vmem>> -> memref<1x64x128xf32, #tpu.memory_space<vmem>>
        %dma_start3A_549 = tpu.memref_squeeze %dma_start3A_548 : memref<1x64x128xf32, #tpu.memory_space<vmem>> -> memref<64x128xf32, #tpu.memory_space<vmem>>
        %dma_start3A_550 = arith.constant 0 : i32
        %dma_start3A_551 = tpu.memref_slice %arg6[%dma_start3A_542, %dma_start3A_543, %dma_start3A_550] : memref<4x2x64xi32, #tpu.memory_space<vmem>> -> memref<1x1x64xi32, #tpu.memory_space<vmem>>
        %dma_start3A_552 = tpu.memref_squeeze %dma_start3A_551 : memref<1x1x64xi32, #tpu.memory_space<vmem>> -> memref<64xi32, #tpu.memory_space<vmem>>
        %dma_start3A_553 = arith.constant 0 : i32
        %dma_start3A_554 = arith.constant 0 : i32
        %dma_start3A_555 = tpu.memref_slice %arg2[%dma_start3A_553, %dma_start3A_554] : memref<10000x128xf32, #tpu.memory_space<hbm>> -> memref<10000x128xf32, #tpu.memory_space<hbm>>
        %dma_start3A_556 = tpu.memref_slice %arg10[%dma_start3A_545] : memref<4x!tpu.dma_semaphore, #tpu.memory_space<semaphore_mem>> -> memref<1x!tpu.dma_semaphore, #tpu.memory_space<semaphore_mem>>
        %dma_start3A_557 = tpu.memref_squeeze %dma_start3A_556 : memref<1x!tpu.dma_semaphore, #tpu.memory_space<semaphore_mem>> -> memref<!tpu.dma_semaphore, #tpu.memory_space<semaphore_mem>>
        tpu.enqueue_indirect_dma source(%dma_start3A_555 : memref<10000x128xf32, #tpu.memory_space<hbm>>) target(%dma_start3A_549 : memref<64x128xf32, #tpu.memory_space<vmem>>) offsets(%dma_start3A_552 : memref<64xi32, #tpu.memory_space<vmem>>) semaphore(%dma_start3A_557 : memref<!tpu.dma_semaphore, #tpu.memory_space<semaphore_mem>>)
      } else {
      }
      %dma_wait3A_466 = arith.constant 3 : i32
      %dma_wait3A_467 = arith.constant 0 : i32
      %dma_wait3A_468 = arith.constant 3 : i32
      %dma_wait3A_469 = arith.constant 3 : i32
      %dma_wait3A_470 = arith.constant 0 : i32
      %dma_wait3A_471 = arith.constant 0 : i32
      %dma_wait3A_472 = tpu.memref_slice %arg7[%dma_wait3A_468, %dma_wait3A_470, %dma_wait3A_471] : memref<4x64x128xf32, #tpu.memory_space<vmem>> -> memref<1x64x128xf32, #tpu.memory_space<vmem>>
      %dma_wait3A_473 = tpu.memref_squeeze %dma_wait3A_472 : memref<1x64x128xf32, #tpu.memory_space<vmem>> -> memref<64x128xf32, #tpu.memory_space<vmem>>
      %dma_wait3A_474 = arith.constant 0 : i32
      %dma_wait3A_475 = tpu.memref_slice %arg6[%dma_wait3A_466, %dma_wait3A_467, %dma_wait3A_474] : memref<4x2x64xi32, #tpu.memory_space<vmem>> -> memref<1x1x64xi32, #tpu.memory_space<vmem>>
      %dma_wait3A_476 = tpu.memref_squeeze %dma_wait3A_475 : memref<1x1x64xi32, #tpu.memory_space<vmem>> -> memref<64xi32, #tpu.memory_space<vmem>>
      %dma_wait3A_477 = arith.constant 0 : i32
      %dma_wait3A_478 = arith.constant 0 : i32
      %dma_wait3A_479 = tpu.memref_slice %arg2[%dma_wait3A_477, %dma_wait3A_478] : memref<10000x128xf32, #tpu.memory_space<hbm>> -> memref<10000x128xf32, #tpu.memory_space<hbm>>
      %dma_wait3A_480 = tpu.memref_slice %arg10[%dma_wait3A_469] : memref<4x!tpu.dma_semaphore, #tpu.memory_space<semaphore_mem>> -> memref<1x!tpu.dma_semaphore, #tpu.memory_space<semaphore_mem>>
      %dma_wait3A_481 = tpu.memref_squeeze %dma_wait3A_480 : memref<1x!tpu.dma_semaphore, #tpu.memory_space<semaphore_mem>> -> memref<!tpu.dma_semaphore, #tpu.memory_space<semaphore_mem>>
      tpu.wait_indirect_dma semaphore(%dma_wait3A_481 : memref<!tpu.dma_semaphore, #tpu.memory_space<semaphore_mem>>) src(%dma_wait3A_479 : memref<10000x128xf32, #tpu.memory_space<hbm>>) dst(%dma_wait3A_473 : memref<64x128xf32, #tpu.memory_space<vmem>>)
      %dma_start3A_482 = arith.constant 3 : i32
      %dma_start3A_483 = arith.constant 3 : i32
      %dma_start3A_484 = arith.constant 1 : i32
      %dma_start3A_485 = arith.constant 3 : i32
      %dma_start3A_486 = arith.constant 0 : i32
      %dma_start3A_487 = arith.constant 0 : i32
      %dma_start3A_488 = tpu.memref_slice %arg7[%dma_start3A_482, %dma_start3A_486, %dma_start3A_487] : memref<4x64x128xf32, #tpu.memory_space<vmem>> -> memref<1x64x128xf32, #tpu.memory_space<vmem>>
      %dma_start3A_489 = tpu.memref_squeeze %dma_start3A_488 : memref<1x64x128xf32, #tpu.memory_space<vmem>> -> memref<64x128xf32, #tpu.memory_space<vmem>>
      %dma_start3A_490 = arith.constant 0 : i32
      %dma_start3A_491 = tpu.memref_slice %arg6[%dma_start3A_483, %dma_start3A_484, %dma_start3A_490] : memref<4x2x64xi32, #tpu.memory_space<vmem>> -> memref<1x1x64xi32, #tpu.memory_space<vmem>>
      %dma_start3A_492 = tpu.memref_squeeze %dma_start3A_491 : memref<1x1x64xi32, #tpu.memory_space<vmem>> -> memref<64xi32, #tpu.memory_space<vmem>>
      %dma_start3A_493 = arith.constant 0 : i32
      %dma_start3A_494 = arith.constant 0 : i32
      %dma_start3A_495 = tpu.memref_slice %arg8[%dma_start3A_493, %dma_start3A_494] : memref<10240x128xf32, #tpu.memory_space<vmem_shared>> -> memref<10240x128xf32, #tpu.memory_space<vmem_shared>>
      %dma_start3A_496 = tpu.memref_slice %arg11[%dma_start3A_485] : memref<4x!tpu.dma_semaphore, #tpu.memory_space<semaphore_mem>> -> memref<1x!tpu.dma_semaphore, #tpu.memory_space<semaphore_mem>>
      %dma_start3A_497 = tpu.memref_squeeze %dma_start3A_496 : memref<1x!tpu.dma_semaphore, #tpu.memory_space<semaphore_mem>> -> memref<!tpu.dma_semaphore, #tpu.memory_space<semaphore_mem>>
      tpu.enqueue_indirect_dma source(%dma_start3A_489 : memref<64x128xf32, #tpu.memory_space<vmem>>) target(%dma_start3A_495 : memref<10240x128xf32, #tpu.memory_space<vmem_shared>>) offsets(%dma_start3A_492 : memref<64xi32, #tpu.memory_space<vmem>>) semaphore(%dma_start3A_497 : memref<!tpu.dma_semaphore, #tpu.memory_space<semaphore_mem>>) {add = true}
      %get3A_498 = arith.constant 3 : i32
      %get3A_499 = arith.constant 1 : i32
      %get3A_500 = arith.index_cast %get3A_498 : i32 to index
      %get3A_501 = arith.index_cast %get3A_499 : i32 to index
      %get3A_502 = arith.constant 0 : index
      %get3A_503 = tpu.vector_load %arg6[%get3A_500, %get3A_501, %get3A_502] {strides = array<i32>} : memref<4x2x64xi32, #tpu.memory_space<vmem>>, vector<16xi32>,
      tpu.vector_store_idx %arg12[%get3A_503], %broadcast_in_dim3A_64 {add = true} : memref<10240xf32, #tpu.memory_space<vmem>>[vector<16xi32>], vector<16xf32>,
      %get3A_504 = arith.constant 3 : i32
      %get3A_505 = arith.constant 1 : i32
      %get3A_506 = arith.index_cast %get3A_504 : i32 to index
      %get3A_507 = arith.index_cast %get3A_505 : i32 to index
      %get3A_508 = arith.constant 16 : index
      %get3A_509 = tpu.vector_load %arg6[%get3A_506, %get3A_507, %get3A_508] {strides = array<i32>} : memref<4x2x64xi32, #tpu.memory_space<vmem>>, vector<16xi32>,
      tpu.vector_store_idx %arg12[%get3A_509], %broadcast_in_dim3A_64 {add = true} : memref<10240xf32, #tpu.memory_space<vmem>>[vector<16xi32>], vector<16xf32>,
      %get3A_510 = arith.constant 3 : i32
      %get3A_511 = arith.constant 1 : i32
      %get3A_512 = arith.index_cast %get3A_510 : i32 to index
      %get3A_513 = arith.index_cast %get3A_511 : i32 to index
      %get3A_514 = arith.constant 32 : index
      %get3A_515 = tpu.vector_load %arg6[%get3A_512, %get3A_513, %get3A_514] {strides = array<i32>} : memref<4x2x64xi32, #tpu.memory_space<vmem>>, vector<16xi32>,
      tpu.vector_store_idx %arg12[%get3A_515], %broadcast_in_dim3A_64 {add = true} : memref<10240xf32, #tpu.memory_space<vmem>>[vector<16xi32>], vector<16xf32>,
      %get3A_516 = arith.constant 3 : i32
      %get3A_517 = arith.constant 1 : i32
      %get3A_518 = arith.index_cast %get3A_516 : i32 to index
      %get3A_519 = arith.index_cast %get3A_517 : i32 to index
      %get3A_520 = arith.constant 48 : index
      %get3A_521 = tpu.vector_load %arg6[%get3A_518, %get3A_519, %get3A_520] {strides = array<i32>} : memref<4x2x64xi32, #tpu.memory_space<vmem>>, vector<16xi32>,
      tpu.vector_store_idx %arg12[%get3A_521], %broadcast_in_dim3A_64 {add = true} : memref<10240xf32, #tpu.memory_space<vmem>>[vector<16xi32>], vector<16xf32>,
    }
    %dma_wait3A_181 = arith.constant 2 : i32
    %dma_wait3A_182 = arith.constant 2 : i32
    %dma_wait3A_183 = arith.constant 1 : i32
    %dma_wait3A_184 = arith.constant 2 : i32
    %dma_wait3A_185 = arith.constant 0 : i32
    %dma_wait3A_186 = arith.constant 0 : i32
    %dma_wait3A_187 = tpu.memref_slice %arg7[%dma_wait3A_181, %dma_wait3A_185, %dma_wait3A_186] : memref<4x64x128xf32, #tpu.memory_space<vmem>> -> memref<1x64x128xf32, #tpu.memory_space<vmem>>
    %dma_wait3A_188 = tpu.memref_squeeze %dma_wait3A_187 : memref<1x64x128xf32, #tpu.memory_space<vmem>> -> memref<64x128xf32, #tpu.memory_space<vmem>>
    %dma_wait3A_189 = arith.constant 0 : i32
    %dma_wait3A_190 = tpu.memref_slice %arg6[%dma_wait3A_182, %dma_wait3A_183, %dma_wait3A_189] : memref<4x2x64xi32, #tpu.memory_space<vmem>> -> memref<1x1x64xi32, #tpu.memory_space<vmem>>
    %dma_wait3A_191 = tpu.memref_squeeze %dma_wait3A_190 : memref<1x1x64xi32, #tpu.memory_space<vmem>> -> memref<64xi32, #tpu.memory_space<vmem>>
    %dma_wait3A_192 = arith.constant 0 : i32
    %dma_wait3A_193 = arith.constant 0 : i32
    %dma_wait3A_194 = tpu.memref_slice %arg8[%dma_wait3A_192, %dma_wait3A_193] : memref<10240x128xf32, #tpu.memory_space<vmem_shared>> -> memref<10240x128xf32, #tpu.memory_space<vmem_shared>>
    %dma_wait3A_195 = tpu.memref_slice %arg11[%dma_wait3A_184] : memref<4x!tpu.dma_semaphore, #tpu.memory_space<semaphore_mem>> -> memref<1x!tpu.dma_semaphore, #tpu.memory_space<semaphore_mem>>
    %dma_wait3A_196 = tpu.memref_squeeze %dma_wait3A_195 : memref<1x!tpu.dma_semaphore, #tpu.memory_space<semaphore_mem>> -> memref<!tpu.dma_semaphore, #tpu.memory_space<semaphore_mem>>
    tpu.wait_indirect_dma semaphore(%dma_wait3A_196 : memref<!tpu.dma_semaphore, #tpu.memory_space<semaphore_mem>>) src(%dma_wait3A_188 : memref<64x128xf32, #tpu.memory_space<vmem>>) dst(%dma_wait3A_194 : memref<10240x128xf32, #tpu.memory_space<vmem_shared>>)
    %dma_wait3A_197 = arith.constant 3 : i32
    %dma_wait3A_198 = arith.constant 3 : i32
    %dma_wait3A_199 = arith.constant 1 : i32
    %dma_wait3A_200 = arith.constant 3 : i32
    %dma_wait3A_201 = arith.constant 0 : i32
    %dma_wait3A_202 = arith.constant 0 : i32
    %dma_wait3A_203 = tpu.memref_slice %arg7[%dma_wait3A_197, %dma_wait3A_201, %dma_wait3A_202] : memref<4x64x128xf32, #tpu.memory_space<vmem>> -> memref<1x64x128xf32, #tpu.memory_space<vmem>>
    %dma_wait3A_204 = tpu.memref_squeeze %dma_wait3A_203 : memref<1x64x128xf32, #tpu.memory_space<vmem>> -> memref<64x128xf32, #tpu.memory_space<vmem>>
    %dma_wait3A_205 = arith.constant 0 : i32
    %dma_wait3A_206 = tpu.memref_slice %arg6[%dma_wait3A_198, %dma_wait3A_199, %dma_wait3A_205] : memref<4x2x64xi32, #tpu.memory_space<vmem>> -> memref<1x1x64xi32, #tpu.memory_space<vmem>>
    %dma_wait3A_207 = tpu.memref_squeeze %dma_wait3A_206 : memref<1x1x64xi32, #tpu.memory_space<vmem>> -> memref<64xi32, #tpu.memory_space<vmem>>
    %dma_wait3A_208 = arith.constant 0 : i32
    %dma_wait3A_209 = arith.constant 0 : i32
    %dma_wait3A_210 = tpu.memref_slice %arg8[%dma_wait3A_208, %dma_wait3A_209] : memref<10240x128xf32, #tpu.memory_space<vmem_shared>> -> memref<10240x128xf32, #tpu.memory_space<vmem_shared>>
    %dma_wait3A_211 = tpu.memref_slice %arg11[%dma_wait3A_200] : memref<4x!tpu.dma_semaphore, #tpu.memory_space<semaphore_mem>> -> memref<1x!tpu.dma_semaphore, #tpu.memory_space<semaphore_mem>>
    %dma_wait3A_212 = tpu.memref_squeeze %dma_wait3A_211 : memref<1x!tpu.dma_semaphore, #tpu.memory_space<semaphore_mem>> -> memref<!tpu.dma_semaphore, #tpu.memory_space<semaphore_mem>>
    tpu.wait_indirect_dma semaphore(%dma_wait3A_212 : memref<!tpu.dma_semaphore, #tpu.memory_space<semaphore_mem>>) src(%dma_wait3A_204 : memref<64x128xf32, #tpu.memory_space<vmem>>) dst(%dma_wait3A_210 : memref<10240x128xf32, #tpu.memory_space<vmem_shared>>)
    %barrier3A_213 = arith.constant 0 : index
    tpu.barrier barrier_id(%barrier3A_213)
    %mul3A_214 = arith.constant 640 : i32
    %mul3A_215 = arith.muli %arg1, %mul3A_214 : i32
    %mul3A_216 = arith.constant 640 : i32
    %mul3A_217 = arith.muli %arg1, %mul3A_216 : i32
    "tpu.region"() ({
      %run_scoped3A_218 = tpu.sem_alloc : memref<!tpu.dma_semaphore, #tpu.memory_space<semaphore_mem>>
      %dma_start3A_219 = arith.constant 0 : i32
      %dma_start3A_220 = tpu.memref_slice %arg4[%arg0, %mul3A_217, %dma_start3A_219] : memref<2x10240x128xf32, #tpu.memory_space<hbm>> -> memref<1x640x128xf32, #tpu.memory_space<hbm>>
      %dma_start3A_221 = tpu.memref_squeeze %dma_start3A_220 : memref<1x640x128xf32, #tpu.memory_space<hbm>> -> memref<640x128xf32, #tpu.memory_space<hbm>>
      %dma_start3A_222 = arith.constant 0 : i32
      %dma_start3A_223 = tpu.memref_slice %arg8[%mul3A_215, %dma_start3A_222] : memref<10240x128xf32, #tpu.memory_space<vmem_shared>> -> memref<640x128xf32, #tpu.memory_space<vmem_shared>>
      tpu.enqueue_dma source(%dma_start3A_223 : memref<640x128xf32, #tpu.memory_space<vmem_shared>>) target(%dma_start3A_221 : memref<640x128xf32, #tpu.memory_space<hbm>>) target_semaphore(%run_scoped3A_218 : memref<!tpu.dma_semaphore, #tpu.memory_space<semaphore_mem>>)
      %dma_wait3A_224 = arith.constant 0 : i32
      %dma_wait3A_225 = tpu.memref_slice %arg4[%arg0, %mul3A_217, %dma_wait3A_224] : memref<2x10240x128xf32, #tpu.memory_space<hbm>> -> memref<1x640x128xf32, #tpu.memory_space<hbm>>
      %dma_wait3A_226 = tpu.memref_squeeze %dma_wait3A_225 : memref<1x640x128xf32, #tpu.memory_space<hbm>> -> memref<640x128xf32, #tpu.memory_space<hbm>>
      %dma_wait3A_227 = arith.constant 0 : i32
      %dma_wait3A_228 = tpu.memref_slice %arg8[%mul3A_215, %dma_wait3A_227] : memref<10240x128xf32, #tpu.memory_space<vmem_shared>> -> memref<640x128xf32, #tpu.memory_space<vmem_shared>>
      tpu.wait_dma2 semaphore(%run_scoped3A_218 : memref<!tpu.dma_semaphore, #tpu.memory_space<semaphore_mem>>) src(%dma_wait3A_228 : memref<640x128xf32, #tpu.memory_space<vmem_shared>>) dst(%dma_wait3A_226 : memref<640x128xf32, #tpu.memory_space<hbm>>)
      tpu.yield
    }) : () -> ()
    "tpu.region"() ({
      %run_scoped3A_218 = tpu.sem_alloc : memref<!tpu.dma_semaphore, #tpu.memory_space<semaphore_mem>>
      %dma_start3A_219 = arith.constant 0 : i32
      %dma_start3A_220 = tpu.memref_slice %arg5[%add3A, %dma_start3A_219] : memref<32x10240xf32, #tpu.memory_space<hbm>> -> memref<1x10240xf32, #tpu.memory_space<hbm>>
      %dma_start3A_221 = tpu.memref_squeeze %dma_start3A_220 : memref<1x10240xf32, #tpu.memory_space<hbm>> -> memref<10240xf32, #tpu.memory_space<hbm>>
      %dma_start3A_222 = arith.constant 0 : i32
      %dma_start3A_223 = tpu.memref_slice %arg5[%add3A, %dma_start3A_222] : memref<32x10240xf32, #tpu.memory_space<hbm>> -> memref<1x10240xf32, #tpu.memory_space<hbm>>
      %dma_start3A_224 = tpu.memref_squeeze %dma_start3A_223 : memref<1x10240xf32, #tpu.memory_space<hbm>> -> memref<10240xf32, #tpu.memory_space<hbm>>
      tpu.enqueue_dma source(%arg12 : memref<10240xf32, #tpu.memory_space<vmem>>) target(%dma_start3A_224 : memref<10240xf32, #tpu.memory_space<hbm>>) target_semaphore(%run_scoped3A_218 : memref<!tpu.dma_semaphore, #tpu.memory_space<semaphore_mem>>)
      %dma_wait3A_225 = arith.constant 0 : i32
      %dma_wait3A_226 = tpu.memref_slice %arg5[%add3A, %dma_wait3A_225] : memref<32x10240xf32, #tpu.memory_space<hbm>> -> memref<1x10240xf32, #tpu.memory_space<hbm>>
      %dma_wait3A_227 = tpu.memref_squeeze %dma_wait3A_226 : memref<1x10240xf32, #tpu.memory_space<hbm>> -> memref<10240xf32, #tpu.memory_space<hbm>>
      %dma_wait3A_228 = arith.constant 0 : i32
      %dma_wait3A_229 = tpu.memref_slice %arg5[%add3A, %dma_wait3A_228] : memref<32x10240xf32, #tpu.memory_space<hbm>> -> memref<1x10240xf32, #tpu.memory_space<hbm>>
      %dma_wait3A_230 = tpu.memref_squeeze %dma_wait3A_229 : memref<1x10240xf32, #tpu.memory_space<hbm>> -> memref<10240xf32, #tpu.memory_space<hbm>>
      tpu.wait_dma2 semaphore(%run_scoped3A_218 : memref<!tpu.dma_semaphore, #tpu.memory_space<semaphore_mem>>) src(%arg12 : memref<10240xf32, #tpu.memory_space<vmem>>) dst(%dma_wait3A_230 : memref<10240xf32, #tpu.memory_space<hbm>>)
      tpu.yield
    }) : () -> ()
    return
  }
}

#map = affine_map<(d0, d1) -> (0, 0)>
#map1 = affine_map<(d0, d1) -> (0, 0, 0)>
module attributes {stable_mosaic.version = 14 : i64} {
  func.func @kfn(%arg0: i32, %arg1: i32, %arg2: memref<10000x128xf32, #tpu.memory_space<hbm>>, %arg3: memref<5120x2x64xi32, #tpu.memory_space<hbm>>, %arg4: memref<2x10240x128xf32, #tpu.memory_space<hbm>>, %arg5: memref<4x2x64xi32, #tpu.memory_space<vmem>>, %arg6: memref<4x64x128xf32, #tpu.memory_space<vmem>>, %arg7: memref<10240x128xf32, #tpu.memory_space<vmem_shared>>, %arg8: memref<4x!tpu.dma_semaphore, #tpu.memory_space<semaphore_mem>>, %arg9: memref<4x!tpu.dma_semaphore, #tpu.memory_space<semaphore_mem>>, %arg10: memref<4x!tpu.dma_semaphore, #tpu.memory_space<semaphore_mem>>) attributes {dimension_semantics = [#tpu.dimension_semantics<core_parallel>, #tpu.dimension_semantics<subcore_parallel>], iteration_bounds = array<i64: 2, 16>, scalar_prefetch = 0 : i64, scratch_operands = 6 : i64, tpu.core_type = #tpu.core_type<sc_vector_subcore>, window_params = [{transform_indices = #map}, {transform_indices = #map1}, {transform_indices = #map1}]} {
    %mul3A = arith.constant 2 : i32
    %mul3A_0 = arith.muli %arg1, %mul3A : i32
    %add3A = arith.addi %mul3A_0, %arg0 : i32
    %broadcast_in_dim3A = arith.constant 0.000000e+00 : f32
    %broadcast_in_dim3A_1 = vector.broadcast %broadcast_in_dim3A : f32 to vector<16xf32>
    %scan3A = arith.constant 0 : i32
    %scan3A_2 = arith.constant 0 : i32
    %scan3A_3 = arith.constant 0 : i32
    %scan3A_4 = arith.constant 64 : i32
    %scan3A_5 = arith.addi %scan3A_3, %scan3A_4 : i32
    %scan3A_6 = arith.constant 1 : i32
    scf.for %scan3A_212 = %scan3A_3 to %scan3A_5 step %scan3A_6  : i32 {
      %swap3A = arith.constant 0 : i32
      %swap3A_213 = arith.constant 0 : i32
      %swap3A_214 = tpu.memref_slice %arg6[%scan3A_2, %swap3A, %swap3A_213] : memref<4x64x128xf32, #tpu.memory_space<vmem>> -> memref<1x64x128xf32, #tpu.memory_space<vmem>>
      %swap3A_215 = tpu.memref_squeeze %swap3A_214 : memref<1x64x128xf32, #tpu.memory_space<vmem>> -> memref<64x128xf32, #tpu.memory_space<vmem>>
      %swap3A_216 = arith.index_cast %scan3A_212 : i32 to index
      %swap3A_217 = arith.constant 0 : index
      %swap3A_218 = tpu.vector_load %swap3A_215[%swap3A_216, %swap3A_217] {strides = array<i32>} : memref<64x128xf32, #tpu.memory_space<vmem>>, vector<16xf32>,
      tpu.vector_store %swap3A_215[%swap3A_216, %swap3A_217], %broadcast_in_dim3A_1 {strides = array<i32>} : memref<64x128xf32, #tpu.memory_space<vmem>>, vector<16xf32>,
      %swap3A_219 = arith.constant 0 : i32
      %swap3A_220 = arith.constant 0 : i32
      %swap3A_221 = tpu.memref_slice %arg6[%scan3A_2, %swap3A_219, %swap3A_220] : memref<4x64x128xf32, #tpu.memory_space<vmem>> -> memref<1x64x128xf32, #tpu.memory_space<vmem>>
      %swap3A_222 = tpu.memref_squeeze %swap3A_221 : memref<1x64x128xf32, #tpu.memory_space<vmem>> -> memref<64x128xf32, #tpu.memory_space<vmem>>
      %swap3A_223 = arith.index_cast %scan3A_212 : i32 to index
      %swap3A_224 = arith.constant 16 : index
      %swap3A_225 = tpu.vector_load %swap3A_222[%swap3A_223, %swap3A_224] {strides = array<i32>} : memref<64x128xf32, #tpu.memory_space<vmem>>, vector<16xf32>,
      tpu.vector_store %swap3A_222[%swap3A_223, %swap3A_224], %broadcast_in_dim3A_1 {strides = array<i32>} : memref<64x128xf32, #tpu.memory_space<vmem>>, vector<16xf32>,
      %swap3A_226 = arith.constant 0 : i32
      %swap3A_227 = arith.constant 0 : i32
      %swap3A_228 = tpu.memref_slice %arg6[%scan3A_2, %swap3A_226, %swap3A_227] : memref<4x64x128xf32, #tpu.memory_space<vmem>> -> memref<1x64x128xf32, #tpu.memory_space<vmem>>
      %swap3A_229 = tpu.memref_squeeze %swap3A_228 : memref<1x64x128xf32, #tpu.memory_space<vmem>> -> memref<64x128xf32, #tpu.memory_space<vmem>>
      %swap3A_230 = arith.index_cast %scan3A_212 : i32 to index
      %swap3A_231 = arith.constant 32 : index
      %swap3A_232 = tpu.vector_load %swap3A_229[%swap3A_230, %swap3A_231] {strides = array<i32>} : memref<64x128xf32, #tpu.memory_space<vmem>>, vector<16xf32>,
      tpu.vector_store %swap3A_229[%swap3A_230, %swap3A_231], %broadcast_in_dim3A_1 {strides = array<i32>} : memref<64x128xf32, #tpu.memory_space<vmem>>, vector<16xf32>,
      %swap3A_233 = arith.constant 0 : i32
      %swap3A_234 = arith.constant 0 : i32
      %swap3A_235 = tpu.memref_slice %arg6[%scan3A_2, %swap3A_233, %swap3A_234] : memref<4x64x128xf32, #tpu.memory_space<vmem>> -> memref<1x64x128xf32, #tpu.memory_space<vmem>>
      %swap3A_236 = tpu.memref_squeeze %swap3A_235 : memref<1x64x128xf32, #tpu.memory_space<vmem>> -> memref<64x128xf32, #tpu.memory_space<vmem>>
      %swap3A_237 = arith.index_cast %scan3A_212 : i32 to index
      %swap3A_238 = arith.constant 48 : index
      %swap3A_239 = tpu.vector_load %swap3A_236[%swap3A_237, %swap3A_238] {strides = array<i32>} : memref<64x128xf32, #tpu.memory_space<vmem>>, vector<16xf32>,
      tpu.vector_store %swap3A_236[%swap3A_237, %swap3A_238], %broadcast_in_dim3A_1 {strides = array<i32>} : memref<64x128xf32, #tpu.memory_space<vmem>>, vector<16xf32>,
      %swap3A_240 = arith.constant 0 : i32
      %swap3A_241 = arith.constant 0 : i32
      %swap3A_242 = tpu.memref_slice %arg6[%scan3A_2, %swap3A_240, %swap3A_241] : memref<4x64x128xf32, #tpu.memory_space<vmem>> -> memref<1x64x128xf32, #tpu.memory_space<vmem>>
      %swap3A_243 = tpu.memref_squeeze %swap3A_242 : memref<1x64x128xf32, #tpu.memory_space<vmem>> -> memref<64x128xf32, #tpu.memory_space<vmem>>
      %swap3A_244 = arith.index_cast %scan3A_212 : i32 to index
      %swap3A_245 = arith.constant 64 : index
      %swap3A_246 = tpu.vector_load %swap3A_243[%swap3A_244, %swap3A_245] {strides = array<i32>} : memref<64x128xf32, #tpu.memory_space<vmem>>, vector<16xf32>,
      tpu.vector_store %swap3A_243[%swap3A_244, %swap3A_245], %broadcast_in_dim3A_1 {strides = array<i32>} : memref<64x128xf32, #tpu.memory_space<vmem>>, vector<16xf32>,
      %swap3A_247 = arith.constant 0 : i32
      %swap3A_248 = arith.constant 0 : i32
      %swap3A_249 = tpu.memref_slice %arg6[%scan3A_2, %swap3A_247, %swap3A_248] : memref<4x64x128xf32, #tpu.memory_space<vmem>> -> memref<1x64x128xf32, #tpu.memory_space<vmem>>
      %swap3A_250 = tpu.memref_squeeze %swap3A_249 : memref<1x64x128xf32, #tpu.memory_space<vmem>> -> memref<64x128xf32, #tpu.memory_space<vmem>>
      %swap3A_251 = arith.index_cast %scan3A_212 : i32 to index
      %swap3A_252 = arith.constant 80 : index
      %swap3A_253 = tpu.vector_load %swap3A_250[%swap3A_251, %swap3A_252] {strides = array<i32>} : memref<64x128xf32, #tpu.memory_space<vmem>>, vector<16xf32>,
      tpu.vector_store %swap3A_250[%swap3A_251, %swap3A_252], %broadcast_in_dim3A_1 {strides = array<i32>} : memref<64x128xf32, #tpu.memory_space<vmem>>, vector<16xf32>,
      %swap3A_254 = arith.constant 0 : i32
      %swap3A_255 = arith.constant 0 : i32
      %swap3A_256 = tpu.memref_slice %arg6[%scan3A_2, %swap3A_254, %swap3A_255] : memref<4x64x128xf32, #tpu.memory_space<vmem>> -> memref<1x64x128xf32, #tpu.memory_space<vmem>>
      %swap3A_257 = tpu.memref_squeeze %swap3A_256 : memref<1x64x128xf32, #tpu.memory_space<vmem>> -> memref<64x128xf32, #tpu.memory_space<vmem>>
      %swap3A_258 = arith.index_cast %scan3A_212 : i32 to index
      %swap3A_259 = arith.constant 96 : index
      %swap3A_260 = tpu.vector_load %swap3A_257[%swap3A_258, %swap3A_259] {strides = array<i32>} : memref<64x128xf32, #tpu.memory_space<vmem>>, vector<16xf32>,
      tpu.vector_store %swap3A_257[%swap3A_258, %swap3A_259], %broadcast_in_dim3A_1 {strides = array<i32>} : memref<64x128xf32, #tpu.memory_space<vmem>>, vector<16xf32>,
      %swap3A_261 = arith.constant 0 : i32
      %swap3A_262 = arith.constant 0 : i32
      %swap3A_263 = tpu.memref_slice %arg6[%scan3A_2, %swap3A_261, %swap3A_262] : memref<4x64x128xf32, #tpu.memory_space<vmem>> -> memref<1x64x128xf32, #tpu.memory_space<vmem>>
      %swap3A_264 = tpu.memref_squeeze %swap3A_263 : memref<1x64x128xf32, #tpu.memory_space<vmem>> -> memref<64x128xf32, #tpu.memory_space<vmem>>
      %swap3A_265 = arith.index_cast %scan3A_212 : i32 to index
      %swap3A_266 = arith.constant 112 : index
      %swap3A_267 = tpu.vector_load %swap3A_264[%swap3A_265, %swap3A_266] {strides = array<i32>} : memref<64x128xf32, #tpu.memory_space<vmem>>, vector<16xf32>,
      tpu.vector_store %swap3A_264[%swap3A_265, %swap3A_266], %broadcast_in_dim3A_1 {strides = array<i32>} : memref<64x128xf32, #tpu.memory_space<vmem>>, vector<16xf32>,
    }
    %scan3A_7 = arith.constant 64 : i32
    %mul3A_8 = arith.constant 640 : i32
    %mul3A_9 = arith.muli %arg1, %mul3A_8 : i32
    %add3A_10 = arith.constant 0 : i32
    %add3A_11 = arith.addi %mul3A_9, %add3A_10 : i32
    %run_scoped3A = arith.constant 0 : i32
    "tpu.region"() ({
      %run_scoped3A_212 = tpu.sem_alloc : memref<!tpu.dma_semaphore, #tpu.memory_space<semaphore_mem>>
      %dma_start3A_213 = arith.constant 0 : i32
      %dma_start3A_214 = arith.constant 0 : i32
      %dma_start3A_215 = tpu.memref_slice %arg6[%run_scoped3A, %dma_start3A_213, %dma_start3A_214] : memref<4x64x128xf32, #tpu.memory_space<vmem>> -> memref<1x64x128xf32, #tpu.memory_space<vmem>>
      %dma_start3A_216 = tpu.memref_squeeze %dma_start3A_215 : memref<1x64x128xf32, #tpu.memory_space<vmem>> -> memref<64x128xf32, #tpu.memory_space<vmem>>
      %dma_start3A_217 = arith.constant 0 : i32
      %dma_start3A_218 = tpu.memref_slice %arg7[%add3A_11, %dma_start3A_217] : memref<10240x128xf32, #tpu.memory_space<vmem_shared>> -> memref<64x128xf32, #tpu.memory_space<vmem_shared>>
      %dma_start3A_219 = arith.constant 0 : i32
      %dma_start3A_220 = tpu.memref_slice %arg7[%add3A_11, %dma_start3A_219] : memref<10240x128xf32, #tpu.memory_space<vmem_shared>> -> memref<64x128xf32, #tpu.memory_space<vmem_shared>>
      %dma_start3A_221 = arith.constant 0 : i32
      %dma_start3A_222 = arith.constant 0 : i32
      %dma_start3A_223 = tpu.memref_slice %arg6[%run_scoped3A, %dma_start3A_221, %dma_start3A_222] : memref<4x64x128xf32, #tpu.memory_space<vmem>> -> memref<1x64x128xf32, #tpu.memory_space<vmem>>
      %dma_start3A_224 = tpu.memref_squeeze %dma_start3A_223 : memref<1x64x128xf32, #tpu.memory_space<vmem>> -> memref<64x128xf32, #tpu.memory_space<vmem>>
      tpu.enqueue_dma source(%dma_start3A_224 : memref<64x128xf32, #tpu.memory_space<vmem>>) target(%dma_start3A_220 : memref<64x128xf32, #tpu.memory_space<vmem_shared>>) target_semaphore(%run_scoped3A_212 : memref<!tpu.dma_semaphore, #tpu.memory_space<semaphore_mem>>)
      %dma_wait3A_225 = arith.constant 0 : i32
      %dma_wait3A_226 = arith.constant 0 : i32
      %dma_wait3A_227 = tpu.memref_slice %arg6[%run_scoped3A, %dma_wait3A_225, %dma_wait3A_226] : memref<4x64x128xf32, #tpu.memory_space<vmem>> -> memref<1x64x128xf32, #tpu.memory_space<vmem>>
      %dma_wait3A_228 = tpu.memref_squeeze %dma_wait3A_227 : memref<1x64x128xf32, #tpu.memory_space<vmem>> -> memref<64x128xf32, #tpu.memory_space<vmem>>
      %dma_wait3A_229 = arith.constant 0 : i32
      %dma_wait3A_230 = tpu.memref_slice %arg7[%add3A_11, %dma_wait3A_229] : memref<10240x128xf32, #tpu.memory_space<vmem_shared>> -> memref<64x128xf32, #tpu.memory_space<vmem_shared>>
      %dma_wait3A_231 = arith.constant 0 : i32
      %dma_wait3A_232 = tpu.memref_slice %arg7[%add3A_11, %dma_wait3A_231] : memref<10240x128xf32, #tpu.memory_space<vmem_shared>> -> memref<64x128xf32, #tpu.memory_space<vmem_shared>>
      %dma_wait3A_233 = arith.constant 0 : i32
      %dma_wait3A_234 = arith.constant 0 : i32
      %dma_wait3A_235 = tpu.memref_slice %arg6[%run_scoped3A, %dma_wait3A_233, %dma_wait3A_234] : memref<4x64x128xf32, #tpu.memory_space<vmem>> -> memref<1x64x128xf32, #tpu.memory_space<vmem>>
      %dma_wait3A_236 = tpu.memref_squeeze %dma_wait3A_235 : memref<1x64x128xf32, #tpu.memory_space<vmem>> -> memref<64x128xf32, #tpu.memory_space<vmem>>
      tpu.wait_dma2 semaphore(%run_scoped3A_212 : memref<!tpu.dma_semaphore, #tpu.memory_space<semaphore_mem>>) src(%dma_wait3A_236 : memref<64x128xf32, #tpu.memory_space<vmem>>) dst(%dma_wait3A_232 : memref<64x128xf32, #tpu.memory_space<vmem_shared>>)
      tpu.yield
    }) : () -> ()
    %mul3A_12 = arith.constant 640 : i32
    %mul3A_13 = arith.muli %arg1, %mul3A_12 : i32
    %add3A_14 = arith.constant 64 : i32
    %add3A_15 = arith.addi %mul3A_13, %add3A_14 : i32
    %run_scoped3A_16 = arith.constant 0 : i32
    "tpu.region"() ({
      %run_scoped3A_212 = tpu.sem_alloc : memref<!tpu.dma_semaphore, #tpu.memory_space<semaphore_mem>>
      %dma_start3A_213 = arith.constant 0 : i32
      %dma_start3A_214 = arith.constant 0 : i32
      %dma_start3A_215 = tpu.memref_slice %arg6[%run_scoped3A_16, %dma_start3A_213, %dma_start3A_214] : memref<4x64x128xf32, #tpu.memory_space<vmem>> -> memref<1x64x128xf32, #tpu.memory_space<vmem>>
      %dma_start3A_216 = tpu.memref_squeeze %dma_start3A_215 : memref<1x64x128xf32, #tpu.memory_space<vmem>> -> memref<64x128xf32, #tpu.memory_space<vmem>>
      %dma_start3A_217 = arith.constant 0 : i32
      %dma_start3A_218 = tpu.memref_slice %arg7[%add3A_15, %dma_start3A_217] : memref<10240x128xf32, #tpu.memory_space<vmem_shared>> -> memref<64x128xf32, #tpu.memory_space<vmem_shared>>
      %dma_start3A_219 = arith.constant 0 : i32
      %dma_start3A_220 = tpu.memref_slice %arg7[%add3A_15, %dma_start3A_219] : memref<10240x128xf32, #tpu.memory_space<vmem_shared>> -> memref<64x128xf32, #tpu.memory_space<vmem_shared>>
      %dma_start3A_221 = arith.constant 0 : i32
      %dma_start3A_222 = arith.constant 0 : i32
      %dma_start3A_223 = tpu.memref_slice %arg6[%run_scoped3A_16, %dma_start3A_221, %dma_start3A_222] : memref<4x64x128xf32, #tpu.memory_space<vmem>> -> memref<1x64x128xf32, #tpu.memory_space<vmem>>
      %dma_start3A_224 = tpu.memref_squeeze %dma_start3A_223 : memref<1x64x128xf32, #tpu.memory_space<vmem>> -> memref<64x128xf32, #tpu.memory_space<vmem>>
      tpu.enqueue_dma source(%dma_start3A_224 : memref<64x128xf32, #tpu.memory_space<vmem>>) target(%dma_start3A_220 : memref<64x128xf32, #tpu.memory_space<vmem_shared>>) target_semaphore(%run_scoped3A_212 : memref<!tpu.dma_semaphore, #tpu.memory_space<semaphore_mem>>)
      %dma_wait3A_225 = arith.constant 0 : i32
      %dma_wait3A_226 = arith.constant 0 : i32
      %dma_wait3A_227 = tpu.memref_slice %arg6[%run_scoped3A_16, %dma_wait3A_225, %dma_wait3A_226] : memref<4x64x128xf32, #tpu.memory_space<vmem>> -> memref<1x64x128xf32, #tpu.memory_space<vmem>>
      %dma_wait3A_228 = tpu.memref_squeeze %dma_wait3A_227 : memref<1x64x128xf32, #tpu.memory_space<vmem>> -> memref<64x128xf32, #tpu.memory_space<vmem>>
      %dma_wait3A_229 = arith.constant 0 : i32
      %dma_wait3A_230 = tpu.memref_slice %arg7[%add3A_15, %dma_wait3A_229] : memref<10240x128xf32, #tpu.memory_space<vmem_shared>> -> memref<64x128xf32, #tpu.memory_space<vmem_shared>>
      %dma_wait3A_231 = arith.constant 0 : i32
      %dma_wait3A_232 = tpu.memref_slice %arg7[%add3A_15, %dma_wait3A_231] : memref<10240x128xf32, #tpu.memory_space<vmem_shared>> -> memref<64x128xf32, #tpu.memory_space<vmem_shared>>
      %dma_wait3A_233 = arith.constant 0 : i32
      %dma_wait3A_234 = arith.constant 0 : i32
      %dma_wait3A_235 = tpu.memref_slice %arg6[%run_scoped3A_16, %dma_wait3A_233, %dma_wait3A_234] : memref<4x64x128xf32, #tpu.memory_space<vmem>> -> memref<1x64x128xf32, #tpu.memory_space<vmem>>
      %dma_wait3A_236 = tpu.memref_squeeze %dma_wait3A_235 : memref<1x64x128xf32, #tpu.memory_space<vmem>> -> memref<64x128xf32, #tpu.memory_space<vmem>>
      tpu.wait_dma2 semaphore(%run_scoped3A_212 : memref<!tpu.dma_semaphore, #tpu.memory_space<semaphore_mem>>) src(%dma_wait3A_236 : memref<64x128xf32, #tpu.memory_space<vmem>>) dst(%dma_wait3A_232 : memref<64x128xf32, #tpu.memory_space<vmem_shared>>)
      tpu.yield
    }) : () -> ()
    %mul3A_17 = arith.constant 640 : i32
    %mul3A_18 = arith.muli %arg1, %mul3A_17 : i32
    %add3A_19 = arith.constant 128 : i32
    %add3A_20 = arith.addi %mul3A_18, %add3A_19 : i32
    %run_scoped3A_21 = arith.constant 0 : i32
    "tpu.region"() ({
      %run_scoped3A_212 = tpu.sem_alloc : memref<!tpu.dma_semaphore, #tpu.memory_space<semaphore_mem>>
      %dma_start3A_213 = arith.constant 0 : i32
      %dma_start3A_214 = arith.constant 0 : i32
      %dma_start3A_215 = tpu.memref_slice %arg6[%run_scoped3A_21, %dma_start3A_213, %dma_start3A_214] : memref<4x64x128xf32, #tpu.memory_space<vmem>> -> memref<1x64x128xf32, #tpu.memory_space<vmem>>
      %dma_start3A_216 = tpu.memref_squeeze %dma_start3A_215 : memref<1x64x128xf32, #tpu.memory_space<vmem>> -> memref<64x128xf32, #tpu.memory_space<vmem>>
      %dma_start3A_217 = arith.constant 0 : i32
      %dma_start3A_218 = tpu.memref_slice %arg7[%add3A_20, %dma_start3A_217] : memref<10240x128xf32, #tpu.memory_space<vmem_shared>> -> memref<64x128xf32, #tpu.memory_space<vmem_shared>>
      %dma_start3A_219 = arith.constant 0 : i32
      %dma_start3A_220 = tpu.memref_slice %arg7[%add3A_20, %dma_start3A_219] : memref<10240x128xf32, #tpu.memory_space<vmem_shared>> -> memref<64x128xf32, #tpu.memory_space<vmem_shared>>
      %dma_start3A_221 = arith.constant 0 : i32
      %dma_start3A_222 = arith.constant 0 : i32
      %dma_start3A_223 = tpu.memref_slice %arg6[%run_scoped3A_21, %dma_start3A_221, %dma_start3A_222] : memref<4x64x128xf32, #tpu.memory_space<vmem>> -> memref<1x64x128xf32, #tpu.memory_space<vmem>>
      %dma_start3A_224 = tpu.memref_squeeze %dma_start3A_223 : memref<1x64x128xf32, #tpu.memory_space<vmem>> -> memref<64x128xf32, #tpu.memory_space<vmem>>
      tpu.enqueue_dma source(%dma_start3A_224 : memref<64x128xf32, #tpu.memory_space<vmem>>) target(%dma_start3A_220 : memref<64x128xf32, #tpu.memory_space<vmem_shared>>) target_semaphore(%run_scoped3A_212 : memref<!tpu.dma_semaphore, #tpu.memory_space<semaphore_mem>>)
      %dma_wait3A_225 = arith.constant 0 : i32
      %dma_wait3A_226 = arith.constant 0 : i32
      %dma_wait3A_227 = tpu.memref_slice %arg6[%run_scoped3A_21, %dma_wait3A_225, %dma_wait3A_226] : memref<4x64x128xf32, #tpu.memory_space<vmem>> -> memref<1x64x128xf32, #tpu.memory_space<vmem>>
      %dma_wait3A_228 = tpu.memref_squeeze %dma_wait3A_227 : memref<1x64x128xf32, #tpu.memory_space<vmem>> -> memref<64x128xf32, #tpu.memory_space<vmem>>
      %dma_wait3A_229 = arith.constant 0 : i32
      %dma_wait3A_230 = tpu.memref_slice %arg7[%add3A_20, %dma_wait3A_229] : memref<10240x128xf32, #tpu.memory_space<vmem_shared>> -> memref<64x128xf32, #tpu.memory_space<vmem_shared>>
      %dma_wait3A_231 = arith.constant 0 : i32
      %dma_wait3A_232 = tpu.memref_slice %arg7[%add3A_20, %dma_wait3A_231] : memref<10240x128xf32, #tpu.memory_space<vmem_shared>> -> memref<64x128xf32, #tpu.memory_space<vmem_shared>>
      %dma_wait3A_233 = arith.constant 0 : i32
      %dma_wait3A_234 = arith.constant 0 : i32
      %dma_wait3A_235 = tpu.memref_slice %arg6[%run_scoped3A_21, %dma_wait3A_233, %dma_wait3A_234] : memref<4x64x128xf32, #tpu.memory_space<vmem>> -> memref<1x64x128xf32, #tpu.memory_space<vmem>>
      %dma_wait3A_236 = tpu.memref_squeeze %dma_wait3A_235 : memref<1x64x128xf32, #tpu.memory_space<vmem>> -> memref<64x128xf32, #tpu.memory_space<vmem>>
      tpu.wait_dma2 semaphore(%run_scoped3A_212 : memref<!tpu.dma_semaphore, #tpu.memory_space<semaphore_mem>>) src(%dma_wait3A_236 : memref<64x128xf32, #tpu.memory_space<vmem>>) dst(%dma_wait3A_232 : memref<64x128xf32, #tpu.memory_space<vmem_shared>>)
      tpu.yield
    }) : () -> ()
    %mul3A_22 = arith.constant 640 : i32
    %mul3A_23 = arith.muli %arg1, %mul3A_22 : i32
    %add3A_24 = arith.constant 192 : i32
    %add3A_25 = arith.addi %mul3A_23, %add3A_24 : i32
    %run_scoped3A_26 = arith.constant 0 : i32
    "tpu.region"() ({
      %run_scoped3A_212 = tpu.sem_alloc : memref<!tpu.dma_semaphore, #tpu.memory_space<semaphore_mem>>
      %dma_start3A_213 = arith.constant 0 : i32
      %dma_start3A_214 = arith.constant 0 : i32
      %dma_start3A_215 = tpu.memref_slice %arg6[%run_scoped3A_26, %dma_start3A_213, %dma_start3A_214] : memref<4x64x128xf32, #tpu.memory_space<vmem>> -> memref<1x64x128xf32, #tpu.memory_space<vmem>>
      %dma_start3A_216 = tpu.memref_squeeze %dma_start3A_215 : memref<1x64x128xf32, #tpu.memory_space<vmem>> -> memref<64x128xf32, #tpu.memory_space<vmem>>
      %dma_start3A_217 = arith.constant 0 : i32
      %dma_start3A_218 = tpu.memref_slice %arg7[%add3A_25, %dma_start3A_217] : memref<10240x128xf32, #tpu.memory_space<vmem_shared>> -> memref<64x128xf32, #tpu.memory_space<vmem_shared>>
      %dma_start3A_219 = arith.constant 0 : i32
      %dma_start3A_220 = tpu.memref_slice %arg7[%add3A_25, %dma_start3A_219] : memref<10240x128xf32, #tpu.memory_space<vmem_shared>> -> memref<64x128xf32, #tpu.memory_space<vmem_shared>>
      %dma_start3A_221 = arith.constant 0 : i32
      %dma_start3A_222 = arith.constant 0 : i32
      %dma_start3A_223 = tpu.memref_slice %arg6[%run_scoped3A_26, %dma_start3A_221, %dma_start3A_222] : memref<4x64x128xf32, #tpu.memory_space<vmem>> -> memref<1x64x128xf32, #tpu.memory_space<vmem>>
      %dma_start3A_224 = tpu.memref_squeeze %dma_start3A_223 : memref<1x64x128xf32, #tpu.memory_space<vmem>> -> memref<64x128xf32, #tpu.memory_space<vmem>>
      tpu.enqueue_dma source(%dma_start3A_224 : memref<64x128xf32, #tpu.memory_space<vmem>>) target(%dma_start3A_220 : memref<64x128xf32, #tpu.memory_space<vmem_shared>>) target_semaphore(%run_scoped3A_212 : memref<!tpu.dma_semaphore, #tpu.memory_space<semaphore_mem>>)
      %dma_wait3A_225 = arith.constant 0 : i32
      %dma_wait3A_226 = arith.constant 0 : i32
      %dma_wait3A_227 = tpu.memref_slice %arg6[%run_scoped3A_26, %dma_wait3A_225, %dma_wait3A_226] : memref<4x64x128xf32, #tpu.memory_space<vmem>> -> memref<1x64x128xf32, #tpu.memory_space<vmem>>
      %dma_wait3A_228 = tpu.memref_squeeze %dma_wait3A_227 : memref<1x64x128xf32, #tpu.memory_space<vmem>> -> memref<64x128xf32, #tpu.memory_space<vmem>>
      %dma_wait3A_229 = arith.constant 0 : i32
      %dma_wait3A_230 = tpu.memref_slice %arg7[%add3A_25, %dma_wait3A_229] : memref<10240x128xf32, #tpu.memory_space<vmem_shared>> -> memref<64x128xf32, #tpu.memory_space<vmem_shared>>
      %dma_wait3A_231 = arith.constant 0 : i32
      %dma_wait3A_232 = tpu.memref_slice %arg7[%add3A_25, %dma_wait3A_231] : memref<10240x128xf32, #tpu.memory_space<vmem_shared>> -> memref<64x128xf32, #tpu.memory_space<vmem_shared>>
      %dma_wait3A_233 = arith.constant 0 : i32
      %dma_wait3A_234 = arith.constant 0 : i32
      %dma_wait3A_235 = tpu.memref_slice %arg6[%run_scoped3A_26, %dma_wait3A_233, %dma_wait3A_234] : memref<4x64x128xf32, #tpu.memory_space<vmem>> -> memref<1x64x128xf32, #tpu.memory_space<vmem>>
      %dma_wait3A_236 = tpu.memref_squeeze %dma_wait3A_235 : memref<1x64x128xf32, #tpu.memory_space<vmem>> -> memref<64x128xf32, #tpu.memory_space<vmem>>
      tpu.wait_dma2 semaphore(%run_scoped3A_212 : memref<!tpu.dma_semaphore, #tpu.memory_space<semaphore_mem>>) src(%dma_wait3A_236 : memref<64x128xf32, #tpu.memory_space<vmem>>) dst(%dma_wait3A_232 : memref<64x128xf32, #tpu.memory_space<vmem_shared>>)
      tpu.yield
    }) : () -> ()
    %mul3A_27 = arith.constant 640 : i32
    %mul3A_28 = arith.muli %arg1, %mul3A_27 : i32
    %add3A_29 = arith.constant 256 : i32
    %add3A_30 = arith.addi %mul3A_28, %add3A_29 : i32
    %run_scoped3A_31 = arith.constant 0 : i32
    "tpu.region"() ({
      %run_scoped3A_212 = tpu.sem_alloc : memref<!tpu.dma_semaphore, #tpu.memory_space<semaphore_mem>>
      %dma_start3A_213 = arith.constant 0 : i32
      %dma_start3A_214 = arith.constant 0 : i32
      %dma_start3A_215 = tpu.memref_slice %arg6[%run_scoped3A_31, %dma_start3A_213, %dma_start3A_214] : memref<4x64x128xf32, #tpu.memory_space<vmem>> -> memref<1x64x128xf32, #tpu.memory_space<vmem>>
      %dma_start3A_216 = tpu.memref_squeeze %dma_start3A_215 : memref<1x64x128xf32, #tpu.memory_space<vmem>> -> memref<64x128xf32, #tpu.memory_space<vmem>>
      %dma_start3A_217 = arith.constant 0 : i32
      %dma_start3A_218 = tpu.memref_slice %arg7[%add3A_30, %dma_start3A_217] : memref<10240x128xf32, #tpu.memory_space<vmem_shared>> -> memref<64x128xf32, #tpu.memory_space<vmem_shared>>
      %dma_start3A_219 = arith.constant 0 : i32
      %dma_start3A_220 = tpu.memref_slice %arg7[%add3A_30, %dma_start3A_219] : memref<10240x128xf32, #tpu.memory_space<vmem_shared>> -> memref<64x128xf32, #tpu.memory_space<vmem_shared>>
      %dma_start3A_221 = arith.constant 0 : i32
      %dma_start3A_222 = arith.constant 0 : i32
      %dma_start3A_223 = tpu.memref_slice %arg6[%run_scoped3A_31, %dma_start3A_221, %dma_start3A_222] : memref<4x64x128xf32, #tpu.memory_space<vmem>> -> memref<1x64x128xf32, #tpu.memory_space<vmem>>
      %dma_start3A_224 = tpu.memref_squeeze %dma_start3A_223 : memref<1x64x128xf32, #tpu.memory_space<vmem>> -> memref<64x128xf32, #tpu.memory_space<vmem>>
      tpu.enqueue_dma source(%dma_start3A_224 : memref<64x128xf32, #tpu.memory_space<vmem>>) target(%dma_start3A_220 : memref<64x128xf32, #tpu.memory_space<vmem_shared>>) target_semaphore(%run_scoped3A_212 : memref<!tpu.dma_semaphore, #tpu.memory_space<semaphore_mem>>)
      %dma_wait3A_225 = arith.constant 0 : i32
      %dma_wait3A_226 = arith.constant 0 : i32
      %dma_wait3A_227 = tpu.memref_slice %arg6[%run_scoped3A_31, %dma_wait3A_225, %dma_wait3A_226] : memref<4x64x128xf32, #tpu.memory_space<vmem>> -> memref<1x64x128xf32, #tpu.memory_space<vmem>>
      %dma_wait3A_228 = tpu.memref_squeeze %dma_wait3A_227 : memref<1x64x128xf32, #tpu.memory_space<vmem>> -> memref<64x128xf32, #tpu.memory_space<vmem>>
      %dma_wait3A_229 = arith.constant 0 : i32
      %dma_wait3A_230 = tpu.memref_slice %arg7[%add3A_30, %dma_wait3A_229] : memref<10240x128xf32, #tpu.memory_space<vmem_shared>> -> memref<64x128xf32, #tpu.memory_space<vmem_shared>>
      %dma_wait3A_231 = arith.constant 0 : i32
      %dma_wait3A_232 = tpu.memref_slice %arg7[%add3A_30, %dma_wait3A_231] : memref<10240x128xf32, #tpu.memory_space<vmem_shared>> -> memref<64x128xf32, #tpu.memory_space<vmem_shared>>
      %dma_wait3A_233 = arith.constant 0 : i32
      %dma_wait3A_234 = arith.constant 0 : i32
      %dma_wait3A_235 = tpu.memref_slice %arg6[%run_scoped3A_31, %dma_wait3A_233, %dma_wait3A_234] : memref<4x64x128xf32, #tpu.memory_space<vmem>> -> memref<1x64x128xf32, #tpu.memory_space<vmem>>
      %dma_wait3A_236 = tpu.memref_squeeze %dma_wait3A_235 : memref<1x64x128xf32, #tpu.memory_space<vmem>> -> memref<64x128xf32, #tpu.memory_space<vmem>>
      tpu.wait_dma2 semaphore(%run_scoped3A_212 : memref<!tpu.dma_semaphore, #tpu.memory_space<semaphore_mem>>) src(%dma_wait3A_236 : memref<64x128xf32, #tpu.memory_space<vmem>>) dst(%dma_wait3A_232 : memref<64x128xf32, #tpu.memory_space<vmem_shared>>)
      tpu.yield
    }) : () -> ()
    %mul3A_32 = arith.constant 640 : i32
    %mul3A_33 = arith.muli %arg1, %mul3A_32 : i32
    %add3A_34 = arith.constant 320 : i32
    %add3A_35 = arith.addi %mul3A_33, %add3A_34 : i32
    %run_scoped3A_36 = arith.constant 0 : i32
    "tpu.region"() ({
      %run_scoped3A_212 = tpu.sem_alloc : memref<!tpu.dma_semaphore, #tpu.memory_space<semaphore_mem>>
      %dma_start3A_213 = arith.constant 0 : i32
      %dma_start3A_214 = arith.constant 0 : i32
      %dma_start3A_215 = tpu.memref_slice %arg6[%run_scoped3A_36, %dma_start3A_213, %dma_start3A_214] : memref<4x64x128xf32, #tpu.memory_space<vmem>> -> memref<1x64x128xf32, #tpu.memory_space<vmem>>
      %dma_start3A_216 = tpu.memref_squeeze %dma_start3A_215 : memref<1x64x128xf32, #tpu.memory_space<vmem>> -> memref<64x128xf32, #tpu.memory_space<vmem>>
      %dma_start3A_217 = arith.constant 0 : i32
      %dma_start3A_218 = tpu.memref_slice %arg7[%add3A_35, %dma_start3A_217] : memref<10240x128xf32, #tpu.memory_space<vmem_shared>> -> memref<64x128xf32, #tpu.memory_space<vmem_shared>>
      %dma_start3A_219 = arith.constant 0 : i32
      %dma_start3A_220 = tpu.memref_slice %arg7[%add3A_35, %dma_start3A_219] : memref<10240x128xf32, #tpu.memory_space<vmem_shared>> -> memref<64x128xf32, #tpu.memory_space<vmem_shared>>
      %dma_start3A_221 = arith.constant 0 : i32
      %dma_start3A_222 = arith.constant 0 : i32
      %dma_start3A_223 = tpu.memref_slice %arg6[%run_scoped3A_36, %dma_start3A_221, %dma_start3A_222] : memref<4x64x128xf32, #tpu.memory_space<vmem>> -> memref<1x64x128xf32, #tpu.memory_space<vmem>>
      %dma_start3A_224 = tpu.memref_squeeze %dma_start3A_223 : memref<1x64x128xf32, #tpu.memory_space<vmem>> -> memref<64x128xf32, #tpu.memory_space<vmem>>
      tpu.enqueue_dma source(%dma_start3A_224 : memref<64x128xf32, #tpu.memory_space<vmem>>) target(%dma_start3A_220 : memref<64x128xf32, #tpu.memory_space<vmem_shared>>) target_semaphore(%run_scoped3A_212 : memref<!tpu.dma_semaphore, #tpu.memory_space<semaphore_mem>>)
      %dma_wait3A_225 = arith.constant 0 : i32
      %dma_wait3A_226 = arith.constant 0 : i32
      %dma_wait3A_227 = tpu.memref_slice %arg6[%run_scoped3A_36, %dma_wait3A_225, %dma_wait3A_226] : memref<4x64x128xf32, #tpu.memory_space<vmem>> -> memref<1x64x128xf32, #tpu.memory_space<vmem>>
      %dma_wait3A_228 = tpu.memref_squeeze %dma_wait3A_227 : memref<1x64x128xf32, #tpu.memory_space<vmem>> -> memref<64x128xf32, #tpu.memory_space<vmem>>
      %dma_wait3A_229 = arith.constant 0 : i32
      %dma_wait3A_230 = tpu.memref_slice %arg7[%add3A_35, %dma_wait3A_229] : memref<10240x128xf32, #tpu.memory_space<vmem_shared>> -> memref<64x128xf32, #tpu.memory_space<vmem_shared>>
      %dma_wait3A_231 = arith.constant 0 : i32
      %dma_wait3A_232 = tpu.memref_slice %arg7[%add3A_35, %dma_wait3A_231] : memref<10240x128xf32, #tpu.memory_space<vmem_shared>> -> memref<64x128xf32, #tpu.memory_space<vmem_shared>>
      %dma_wait3A_233 = arith.constant 0 : i32
      %dma_wait3A_234 = arith.constant 0 : i32
      %dma_wait3A_235 = tpu.memref_slice %arg6[%run_scoped3A_36, %dma_wait3A_233, %dma_wait3A_234] : memref<4x64x128xf32, #tpu.memory_space<vmem>> -> memref<1x64x128xf32, #tpu.memory_space<vmem>>
      %dma_wait3A_236 = tpu.memref_squeeze %dma_wait3A_235 : memref<1x64x128xf32, #tpu.memory_space<vmem>> -> memref<64x128xf32, #tpu.memory_space<vmem>>
      tpu.wait_dma2 semaphore(%run_scoped3A_212 : memref<!tpu.dma_semaphore, #tpu.memory_space<semaphore_mem>>) src(%dma_wait3A_236 : memref<64x128xf32, #tpu.memory_space<vmem>>) dst(%dma_wait3A_232 : memref<64x128xf32, #tpu.memory_space<vmem_shared>>)
      tpu.yield
    }) : () -> ()
    %mul3A_37 = arith.constant 640 : i32
    %mul3A_38 = arith.muli %arg1, %mul3A_37 : i32
    %add3A_39 = arith.constant 384 : i32
    %add3A_40 = arith.addi %mul3A_38, %add3A_39 : i32
    %run_scoped3A_41 = arith.constant 0 : i32
    "tpu.region"() ({
      %run_scoped3A_212 = tpu.sem_alloc : memref<!tpu.dma_semaphore, #tpu.memory_space<semaphore_mem>>
      %dma_start3A_213 = arith.constant 0 : i32
      %dma_start3A_214 = arith.constant 0 : i32
      %dma_start3A_215 = tpu.memref_slice %arg6[%run_scoped3A_41, %dma_start3A_213, %dma_start3A_214] : memref<4x64x128xf32, #tpu.memory_space<vmem>> -> memref<1x64x128xf32, #tpu.memory_space<vmem>>
      %dma_start3A_216 = tpu.memref_squeeze %dma_start3A_215 : memref<1x64x128xf32, #tpu.memory_space<vmem>> -> memref<64x128xf32, #tpu.memory_space<vmem>>
      %dma_start3A_217 = arith.constant 0 : i32
      %dma_start3A_218 = tpu.memref_slice %arg7[%add3A_40, %dma_start3A_217] : memref<10240x128xf32, #tpu.memory_space<vmem_shared>> -> memref<64x128xf32, #tpu.memory_space<vmem_shared>>
      %dma_start3A_219 = arith.constant 0 : i32
      %dma_start3A_220 = tpu.memref_slice %arg7[%add3A_40, %dma_start3A_219] : memref<10240x128xf32, #tpu.memory_space<vmem_shared>> -> memref<64x128xf32, #tpu.memory_space<vmem_shared>>
      %dma_start3A_221 = arith.constant 0 : i32
      %dma_start3A_222 = arith.constant 0 : i32
      %dma_start3A_223 = tpu.memref_slice %arg6[%run_scoped3A_41, %dma_start3A_221, %dma_start3A_222] : memref<4x64x128xf32, #tpu.memory_space<vmem>> -> memref<1x64x128xf32, #tpu.memory_space<vmem>>
      %dma_start3A_224 = tpu.memref_squeeze %dma_start3A_223 : memref<1x64x128xf32, #tpu.memory_space<vmem>> -> memref<64x128xf32, #tpu.memory_space<vmem>>
      tpu.enqueue_dma source(%dma_start3A_224 : memref<64x128xf32, #tpu.memory_space<vmem>>) target(%dma_start3A_220 : memref<64x128xf32, #tpu.memory_space<vmem_shared>>) target_semaphore(%run_scoped3A_212 : memref<!tpu.dma_semaphore, #tpu.memory_space<semaphore_mem>>)
      %dma_wait3A_225 = arith.constant 0 : i32
      %dma_wait3A_226 = arith.constant 0 : i32
      %dma_wait3A_227 = tpu.memref_slice %arg6[%run_scoped3A_41, %dma_wait3A_225, %dma_wait3A_226] : memref<4x64x128xf32, #tpu.memory_space<vmem>> -> memref<1x64x128xf32, #tpu.memory_space<vmem>>
      %dma_wait3A_228 = tpu.memref_squeeze %dma_wait3A_227 : memref<1x64x128xf32, #tpu.memory_space<vmem>> -> memref<64x128xf32, #tpu.memory_space<vmem>>
      %dma_wait3A_229 = arith.constant 0 : i32
      %dma_wait3A_230 = tpu.memref_slice %arg7[%add3A_40, %dma_wait3A_229] : memref<10240x128xf32, #tpu.memory_space<vmem_shared>> -> memref<64x128xf32, #tpu.memory_space<vmem_shared>>
      %dma_wait3A_231 = arith.constant 0 : i32
      %dma_wait3A_232 = tpu.memref_slice %arg7[%add3A_40, %dma_wait3A_231] : memref<10240x128xf32, #tpu.memory_space<vmem_shared>> -> memref<64x128xf32, #tpu.memory_space<vmem_shared>>
      %dma_wait3A_233 = arith.constant 0 : i32
      %dma_wait3A_234 = arith.constant 0 : i32
      %dma_wait3A_235 = tpu.memref_slice %arg6[%run_scoped3A_41, %dma_wait3A_233, %dma_wait3A_234] : memref<4x64x128xf32, #tpu.memory_space<vmem>> -> memref<1x64x128xf32, #tpu.memory_space<vmem>>
      %dma_wait3A_236 = tpu.memref_squeeze %dma_wait3A_235 : memref<1x64x128xf32, #tpu.memory_space<vmem>> -> memref<64x128xf32, #tpu.memory_space<vmem>>
      tpu.wait_dma2 semaphore(%run_scoped3A_212 : memref<!tpu.dma_semaphore, #tpu.memory_space<semaphore_mem>>) src(%dma_wait3A_236 : memref<64x128xf32, #tpu.memory_space<vmem>>) dst(%dma_wait3A_232 : memref<64x128xf32, #tpu.memory_space<vmem_shared>>)
      tpu.yield
    }) : () -> ()
    %mul3A_42 = arith.constant 640 : i32
    %mul3A_43 = arith.muli %arg1, %mul3A_42 : i32
    %add3A_44 = arith.constant 448 : i32
    %add3A_45 = arith.addi %mul3A_43, %add3A_44 : i32
    %run_scoped3A_46 = arith.constant 0 : i32
    "tpu.region"() ({
      %run_scoped3A_212 = tpu.sem_alloc : memref<!tpu.dma_semaphore, #tpu.memory_space<semaphore_mem>>
      %dma_start3A_213 = arith.constant 0 : i32
      %dma_start3A_214 = arith.constant 0 : i32
      %dma_start3A_215 = tpu.memref_slice %arg6[%run_scoped3A_46, %dma_start3A_213, %dma_start3A_214] : memref<4x64x128xf32, #tpu.memory_space<vmem>> -> memref<1x64x128xf32, #tpu.memory_space<vmem>>
      %dma_start3A_216 = tpu.memref_squeeze %dma_start3A_215 : memref<1x64x128xf32, #tpu.memory_space<vmem>> -> memref<64x128xf32, #tpu.memory_space<vmem>>
      %dma_start3A_217 = arith.constant 0 : i32
      %dma_start3A_218 = tpu.memref_slice %arg7[%add3A_45, %dma_start3A_217] : memref<10240x128xf32, #tpu.memory_space<vmem_shared>> -> memref<64x128xf32, #tpu.memory_space<vmem_shared>>
      %dma_start3A_219 = arith.constant 0 : i32
      %dma_start3A_220 = tpu.memref_slice %arg7[%add3A_45, %dma_start3A_219] : memref<10240x128xf32, #tpu.memory_space<vmem_shared>> -> memref<64x128xf32, #tpu.memory_space<vmem_shared>>
      %dma_start3A_221 = arith.constant 0 : i32
      %dma_start3A_222 = arith.constant 0 : i32
      %dma_start3A_223 = tpu.memref_slice %arg6[%run_scoped3A_46, %dma_start3A_221, %dma_start3A_222] : memref<4x64x128xf32, #tpu.memory_space<vmem>> -> memref<1x64x128xf32, #tpu.memory_space<vmem>>
      %dma_start3A_224 = tpu.memref_squeeze %dma_start3A_223 : memref<1x64x128xf32, #tpu.memory_space<vmem>> -> memref<64x128xf32, #tpu.memory_space<vmem>>
      tpu.enqueue_dma source(%dma_start3A_224 : memref<64x128xf32, #tpu.memory_space<vmem>>) target(%dma_start3A_220 : memref<64x128xf32, #tpu.memory_space<vmem_shared>>) target_semaphore(%run_scoped3A_212 : memref<!tpu.dma_semaphore, #tpu.memory_space<semaphore_mem>>)
      %dma_wait3A_225 = arith.constant 0 : i32
      %dma_wait3A_226 = arith.constant 0 : i32
      %dma_wait3A_227 = tpu.memref_slice %arg6[%run_scoped3A_46, %dma_wait3A_225, %dma_wait3A_226] : memref<4x64x128xf32, #tpu.memory_space<vmem>> -> memref<1x64x128xf32, #tpu.memory_space<vmem>>
      %dma_wait3A_228 = tpu.memref_squeeze %dma_wait3A_227 : memref<1x64x128xf32, #tpu.memory_space<vmem>> -> memref<64x128xf32, #tpu.memory_space<vmem>>
      %dma_wait3A_229 = arith.constant 0 : i32
      %dma_wait3A_230 = tpu.memref_slice %arg7[%add3A_45, %dma_wait3A_229] : memref<10240x128xf32, #tpu.memory_space<vmem_shared>> -> memref<64x128xf32, #tpu.memory_space<vmem_shared>>
      %dma_wait3A_231 = arith.constant 0 : i32
      %dma_wait3A_232 = tpu.memref_slice %arg7[%add3A_45, %dma_wait3A_231] : memref<10240x128xf32, #tpu.memory_space<vmem_shared>> -> memref<64x128xf32, #tpu.memory_space<vmem_shared>>
      %dma_wait3A_233 = arith.constant 0 : i32
      %dma_wait3A_234 = arith.constant 0 : i32
      %dma_wait3A_235 = tpu.memref_slice %arg6[%run_scoped3A_46, %dma_wait3A_233, %dma_wait3A_234] : memref<4x64x128xf32, #tpu.memory_space<vmem>> -> memref<1x64x128xf32, #tpu.memory_space<vmem>>
      %dma_wait3A_236 = tpu.memref_squeeze %dma_wait3A_235 : memref<1x64x128xf32, #tpu.memory_space<vmem>> -> memref<64x128xf32, #tpu.memory_space<vmem>>
      tpu.wait_dma2 semaphore(%run_scoped3A_212 : memref<!tpu.dma_semaphore, #tpu.memory_space<semaphore_mem>>) src(%dma_wait3A_236 : memref<64x128xf32, #tpu.memory_space<vmem>>) dst(%dma_wait3A_232 : memref<64x128xf32, #tpu.memory_space<vmem_shared>>)
      tpu.yield
    }) : () -> ()
    %mul3A_47 = arith.constant 640 : i32
    %mul3A_48 = arith.muli %arg1, %mul3A_47 : i32
    %add3A_49 = arith.constant 512 : i32
    %add3A_50 = arith.addi %mul3A_48, %add3A_49 : i32
    %run_scoped3A_51 = arith.constant 0 : i32
    "tpu.region"() ({
      %run_scoped3A_212 = tpu.sem_alloc : memref<!tpu.dma_semaphore, #tpu.memory_space<semaphore_mem>>
      %dma_start3A_213 = arith.constant 0 : i32
      %dma_start3A_214 = arith.constant 0 : i32
      %dma_start3A_215 = tpu.memref_slice %arg6[%run_scoped3A_51, %dma_start3A_213, %dma_start3A_214] : memref<4x64x128xf32, #tpu.memory_space<vmem>> -> memref<1x64x128xf32, #tpu.memory_space<vmem>>
      %dma_start3A_216 = tpu.memref_squeeze %dma_start3A_215 : memref<1x64x128xf32, #tpu.memory_space<vmem>> -> memref<64x128xf32, #tpu.memory_space<vmem>>
      %dma_start3A_217 = arith.constant 0 : i32
      %dma_start3A_218 = tpu.memref_slice %arg7[%add3A_50, %dma_start3A_217] : memref<10240x128xf32, #tpu.memory_space<vmem_shared>> -> memref<64x128xf32, #tpu.memory_space<vmem_shared>>
      %dma_start3A_219 = arith.constant 0 : i32
      %dma_start3A_220 = tpu.memref_slice %arg7[%add3A_50, %dma_start3A_219] : memref<10240x128xf32, #tpu.memory_space<vmem_shared>> -> memref<64x128xf32, #tpu.memory_space<vmem_shared>>
      %dma_start3A_221 = arith.constant 0 : i32
      %dma_start3A_222 = arith.constant 0 : i32
      %dma_start3A_223 = tpu.memref_slice %arg6[%run_scoped3A_51, %dma_start3A_221, %dma_start3A_222] : memref<4x64x128xf32, #tpu.memory_space<vmem>> -> memref<1x64x128xf32, #tpu.memory_space<vmem>>
      %dma_start3A_224 = tpu.memref_squeeze %dma_start3A_223 : memref<1x64x128xf32, #tpu.memory_space<vmem>> -> memref<64x128xf32, #tpu.memory_space<vmem>>
      tpu.enqueue_dma source(%dma_start3A_224 : memref<64x128xf32, #tpu.memory_space<vmem>>) target(%dma_start3A_220 : memref<64x128xf32, #tpu.memory_space<vmem_shared>>) target_semaphore(%run_scoped3A_212 : memref<!tpu.dma_semaphore, #tpu.memory_space<semaphore_mem>>)
      %dma_wait3A_225 = arith.constant 0 : i32
      %dma_wait3A_226 = arith.constant 0 : i32
      %dma_wait3A_227 = tpu.memref_slice %arg6[%run_scoped3A_51, %dma_wait3A_225, %dma_wait3A_226] : memref<4x64x128xf32, #tpu.memory_space<vmem>> -> memref<1x64x128xf32, #tpu.memory_space<vmem>>
      %dma_wait3A_228 = tpu.memref_squeeze %dma_wait3A_227 : memref<1x64x128xf32, #tpu.memory_space<vmem>> -> memref<64x128xf32, #tpu.memory_space<vmem>>
      %dma_wait3A_229 = arith.constant 0 : i32
      %dma_wait3A_230 = tpu.memref_slice %arg7[%add3A_50, %dma_wait3A_229] : memref<10240x128xf32, #tpu.memory_space<vmem_shared>> -> memref<64x128xf32, #tpu.memory_space<vmem_shared>>
      %dma_wait3A_231 = arith.constant 0 : i32
      %dma_wait3A_232 = tpu.memref_slice %arg7[%add3A_50, %dma_wait3A_231] : memref<10240x128xf32, #tpu.memory_space<vmem_shared>> -> memref<64x128xf32, #tpu.memory_space<vmem_shared>>
      %dma_wait3A_233 = arith.constant 0 : i32
      %dma_wait3A_234 = arith.constant 0 : i32
      %dma_wait3A_235 = tpu.memref_slice %arg6[%run_scoped3A_51, %dma_wait3A_233, %dma_wait3A_234] : memref<4x64x128xf32, #tpu.memory_space<vmem>> -> memref<1x64x128xf32, #tpu.memory_space<vmem>>
      %dma_wait3A_236 = tpu.memref_squeeze %dma_wait3A_235 : memref<1x64x128xf32, #tpu.memory_space<vmem>> -> memref<64x128xf32, #tpu.memory_space<vmem>>
      tpu.wait_dma2 semaphore(%run_scoped3A_212 : memref<!tpu.dma_semaphore, #tpu.memory_space<semaphore_mem>>) src(%dma_wait3A_236 : memref<64x128xf32, #tpu.memory_space<vmem>>) dst(%dma_wait3A_232 : memref<64x128xf32, #tpu.memory_space<vmem_shared>>)
      tpu.yield
    }) : () -> ()
    %mul3A_52 = arith.constant 640 : i32
    %mul3A_53 = arith.muli %arg1, %mul3A_52 : i32
    %add3A_54 = arith.constant 576 : i32
    %add3A_55 = arith.addi %mul3A_53, %add3A_54 : i32
    %run_scoped3A_56 = arith.constant 0 : i32
    "tpu.region"() ({
      %run_scoped3A_212 = tpu.sem_alloc : memref<!tpu.dma_semaphore, #tpu.memory_space<semaphore_mem>>
      %dma_start3A_213 = arith.constant 0 : i32
      %dma_start3A_214 = arith.constant 0 : i32
      %dma_start3A_215 = tpu.memref_slice %arg6[%run_scoped3A_56, %dma_start3A_213, %dma_start3A_214] : memref<4x64x128xf32, #tpu.memory_space<vmem>> -> memref<1x64x128xf32, #tpu.memory_space<vmem>>
      %dma_start3A_216 = tpu.memref_squeeze %dma_start3A_215 : memref<1x64x128xf32, #tpu.memory_space<vmem>> -> memref<64x128xf32, #tpu.memory_space<vmem>>
      %dma_start3A_217 = arith.constant 0 : i32
      %dma_start3A_218 = tpu.memref_slice %arg7[%add3A_55, %dma_start3A_217] : memref<10240x128xf32, #tpu.memory_space<vmem_shared>> -> memref<64x128xf32, #tpu.memory_space<vmem_shared>>
      %dma_start3A_219 = arith.constant 0 : i32
      %dma_start3A_220 = tpu.memref_slice %arg7[%add3A_55, %dma_start3A_219] : memref<10240x128xf32, #tpu.memory_space<vmem_shared>> -> memref<64x128xf32, #tpu.memory_space<vmem_shared>>
      %dma_start3A_221 = arith.constant 0 : i32
      %dma_start3A_222 = arith.constant 0 : i32
      %dma_start3A_223 = tpu.memref_slice %arg6[%run_scoped3A_56, %dma_start3A_221, %dma_start3A_222] : memref<4x64x128xf32, #tpu.memory_space<vmem>> -> memref<1x64x128xf32, #tpu.memory_space<vmem>>
      %dma_start3A_224 = tpu.memref_squeeze %dma_start3A_223 : memref<1x64x128xf32, #tpu.memory_space<vmem>> -> memref<64x128xf32, #tpu.memory_space<vmem>>
      tpu.enqueue_dma source(%dma_start3A_224 : memref<64x128xf32, #tpu.memory_space<vmem>>) target(%dma_start3A_220 : memref<64x128xf32, #tpu.memory_space<vmem_shared>>) target_semaphore(%run_scoped3A_212 : memref<!tpu.dma_semaphore, #tpu.memory_space<semaphore_mem>>)
      %dma_wait3A_225 = arith.constant 0 : i32
      %dma_wait3A_226 = arith.constant 0 : i32
      %dma_wait3A_227 = tpu.memref_slice %arg6[%run_scoped3A_56, %dma_wait3A_225, %dma_wait3A_226] : memref<4x64x128xf32, #tpu.memory_space<vmem>> -> memref<1x64x128xf32, #tpu.memory_space<vmem>>
      %dma_wait3A_228 = tpu.memref_squeeze %dma_wait3A_227 : memref<1x64x128xf32, #tpu.memory_space<vmem>> -> memref<64x128xf32, #tpu.memory_space<vmem>>
      %dma_wait3A_229 = arith.constant 0 : i32
      %dma_wait3A_230 = tpu.memref_slice %arg7[%add3A_55, %dma_wait3A_229] : memref<10240x128xf32, #tpu.memory_space<vmem_shared>> -> memref<64x128xf32, #tpu.memory_space<vmem_shared>>
      %dma_wait3A_231 = arith.constant 0 : i32
      %dma_wait3A_232 = tpu.memref_slice %arg7[%add3A_55, %dma_wait3A_231] : memref<10240x128xf32, #tpu.memory_space<vmem_shared>> -> memref<64x128xf32, #tpu.memory_space<vmem_shared>>
      %dma_wait3A_233 = arith.constant 0 : i32
      %dma_wait3A_234 = arith.constant 0 : i32
      %dma_wait3A_235 = tpu.memref_slice %arg6[%run_scoped3A_56, %dma_wait3A_233, %dma_wait3A_234] : memref<4x64x128xf32, #tpu.memory_space<vmem>> -> memref<1x64x128xf32, #tpu.memory_space<vmem>>
      %dma_wait3A_236 = tpu.memref_squeeze %dma_wait3A_235 : memref<1x64x128xf32, #tpu.memory_space<vmem>> -> memref<64x128xf32, #tpu.memory_space<vmem>>
      tpu.wait_dma2 semaphore(%run_scoped3A_212 : memref<!tpu.dma_semaphore, #tpu.memory_space<semaphore_mem>>) src(%dma_wait3A_236 : memref<64x128xf32, #tpu.memory_space<vmem>>) dst(%dma_wait3A_232 : memref<64x128xf32, #tpu.memory_space<vmem_shared>>)
      tpu.yield
    }) : () -> ()
    %barrier3A = arith.constant 0 : index
    tpu.barrier barrier_id(%barrier3A)
    %broadcast_in_dim3A_57 = arith.constant 1.000000e+00 : f32
    %broadcast_in_dim3A_58 = vector.broadcast %broadcast_in_dim3A_57 : f32 to vector<16xf32>
    %eq3A = arith.constant 0 : i32
    %eq3A_59 = arith.cmpi eq, %arg0, %eq3A : i32
    %jit3A = arith.constant 304 : i32
    %jit3A_60 = arith.constant 16 : i32
    %select_n3A = arith.select %eq3A_59, %jit3A, %jit3A_60 : i32
    %eq3A_61 = arith.constant 0 : i32
    %eq3A_62 = arith.cmpi eq, %arg0, %eq3A_61 : i32
    %mul3A_63 = arith.constant 304 : i32
    %mul3A_64 = arith.muli %arg1, %mul3A_63 : i32
    %mul3A_65 = arith.constant 16 : i32
    %mul3A_66 = arith.muli %arg1, %mul3A_65 : i32
    %add3A_67 = arith.constant 4864 : i32
    %add3A_68 = arith.addi %add3A_67, %mul3A_66 : i32
    %select_n3A_69 = arith.select %eq3A_62, %mul3A_64, %add3A_68 : i32
    %add3A_70 = arith.constant 0 : i32
    %add3A_71 = arith.addi %select_n3A_69, %add3A_70 : i32
    %dma_start3A = arith.constant 0 : i32
    %dma_start3A_72 = arith.constant 0 : i32
    %dma_start3A_73 = arith.constant 0 : i32
    %dma_start3A_74 = arith.constant 0 : i32
    %dma_start3A_75 = tpu.memref_slice %arg5[%dma_start3A, %dma_start3A_73, %dma_start3A_74] : memref<4x2x64xi32, #tpu.memory_space<vmem>> -> memref<1x2x64xi32, #tpu.memory_space<vmem>>
    %dma_start3A_76 = tpu.memref_squeeze %dma_start3A_75 : memref<1x2x64xi32, #tpu.memory_space<vmem>> -> memref<2x64xi32, #tpu.memory_space<vmem>>
    %dma_start3A_77 = arith.constant 0 : i32
    %dma_start3A_78 = arith.constant 0 : i32
    %dma_start3A_79 = tpu.memref_slice %arg3[%add3A_71, %dma_start3A_77, %dma_start3A_78] : memref<5120x2x64xi32, #tpu.memory_space<hbm>> -> memref<1x2x64xi32, #tpu.memory_space<hbm>>
    %dma_start3A_80 = tpu.memref_squeeze %dma_start3A_79 : memref<1x2x64xi32, #tpu.memory_space<hbm>> -> memref<2x64xi32, #tpu.memory_space<hbm>>
    %dma_start3A_81 = tpu.memref_slice %arg8[%dma_start3A_72] : memref<4x!tpu.dma_semaphore, #tpu.memory_space<semaphore_mem>> -> memref<1x!tpu.dma_semaphore, #tpu.memory_space<semaphore_mem>>
    %dma_start3A_82 = tpu.memref_squeeze %dma_start3A_81 : memref<1x!tpu.dma_semaphore, #tpu.memory_space<semaphore_mem>> -> memref<!tpu.dma_semaphore, #tpu.memory_space<semaphore_mem>>
    %dma_start3A_83 = arith.constant 0 : i32
    %dma_start3A_84 = arith.constant 0 : i32
    %dma_start3A_85 = tpu.memref_slice %arg5[%dma_start3A, %dma_start3A_83, %dma_start3A_84] : memref<4x2x64xi32, #tpu.memory_space<vmem>> -> memref<1x2x64xi32, #tpu.memory_space<vmem>>
    %dma_start3A_86 = tpu.memref_squeeze %dma_start3A_85 : memref<1x2x64xi32, #tpu.memory_space<vmem>> -> memref<2x64xi32, #tpu.memory_space<vmem>>
    %dma_start3A_87 = arith.constant 0 : i32
    %dma_start3A_88 = arith.constant 0 : i32
    %dma_start3A_89 = tpu.memref_slice %arg3[%add3A_71, %dma_start3A_87, %dma_start3A_88] : memref<5120x2x64xi32, #tpu.memory_space<hbm>> -> memref<1x2x64xi32, #tpu.memory_space<hbm>>
    %dma_start3A_90 = tpu.memref_squeeze %dma_start3A_89 : memref<1x2x64xi32, #tpu.memory_space<hbm>> -> memref<2x64xi32, #tpu.memory_space<hbm>>
    tpu.enqueue_dma source(%dma_start3A_90 : memref<2x64xi32, #tpu.memory_space<hbm>>) target(%dma_start3A_86 : memref<2x64xi32, #tpu.memory_space<vmem>>) target_semaphore(%dma_start3A_82 : memref<!tpu.dma_semaphore, #tpu.memory_space<semaphore_mem>>)
    %add3A_91 = arith.constant 1 : i32
    %add3A_92 = arith.addi %select_n3A_69, %add3A_91 : i32
    %dma_start3A_93 = arith.constant 1 : i32
    %dma_start3A_94 = arith.constant 1 : i32
    %dma_start3A_95 = arith.constant 0 : i32
    %dma_start3A_96 = arith.constant 0 : i32
    %dma_start3A_97 = tpu.memref_slice %arg5[%dma_start3A_93, %dma_start3A_95, %dma_start3A_96] : memref<4x2x64xi32, #tpu.memory_space<vmem>> -> memref<1x2x64xi32, #tpu.memory_space<vmem>>
    %dma_start3A_98 = tpu.memref_squeeze %dma_start3A_97 : memref<1x2x64xi32, #tpu.memory_space<vmem>> -> memref<2x64xi32, #tpu.memory_space<vmem>>
    %dma_start3A_99 = arith.constant 0 : i32
    %dma_start3A_100 = arith.constant 0 : i32
    %dma_start3A_101 = tpu.memref_slice %arg3[%add3A_92, %dma_start3A_99, %dma_start3A_100] : memref<5120x2x64xi32, #tpu.memory_space<hbm>> -> memref<1x2x64xi32, #tpu.memory_space<hbm>>
    %dma_start3A_102 = tpu.memref_squeeze %dma_start3A_101 : memref<1x2x64xi32, #tpu.memory_space<hbm>> -> memref<2x64xi32, #tpu.memory_space<hbm>>
    %dma_start3A_103 = tpu.memref_slice %arg8[%dma_start3A_94] : memref<4x!tpu.dma_semaphore, #tpu.memory_space<semaphore_mem>> -> memref<1x!tpu.dma_semaphore, #tpu.memory_space<semaphore_mem>>
    %dma_start3A_104 = tpu.memref_squeeze %dma_start3A_103 : memref<1x!tpu.dma_semaphore, #tpu.memory_space<semaphore_mem>> -> memref<!tpu.dma_semaphore, #tpu.memory_space<semaphore_mem>>
    %dma_start3A_105 = arith.constant 0 : i32
    %dma_start3A_106 = arith.constant 0 : i32
    %dma_start3A_107 = tpu.memref_slice %arg5[%dma_start3A_93, %dma_start3A_105, %dma_start3A_106] : memref<4x2x64xi32, #tpu.memory_space<vmem>> -> memref<1x2x64xi32, #tpu.memory_space<vmem>>
    %dma_start3A_108 = tpu.memref_squeeze %dma_start3A_107 : memref<1x2x64xi32, #tpu.memory_space<vmem>> -> memref<2x64xi32, #tpu.memory_space<vmem>>
    %dma_start3A_109 = arith.constant 0 : i32
    %dma_start3A_110 = arith.constant 0 : i32
    %dma_start3A_111 = tpu.memref_slice %arg3[%add3A_92, %dma_start3A_109, %dma_start3A_110] : memref<5120x2x64xi32, #tpu.memory_space<hbm>> -> memref<1x2x64xi32, #tpu.memory_space<hbm>>
    %dma_start3A_112 = tpu.memref_squeeze %dma_start3A_111 : memref<1x2x64xi32, #tpu.memory_space<hbm>> -> memref<2x64xi32, #tpu.memory_space<hbm>>
    tpu.enqueue_dma source(%dma_start3A_112 : memref<2x64xi32, #tpu.memory_space<hbm>>) target(%dma_start3A_108 : memref<2x64xi32, #tpu.memory_space<vmem>>) target_semaphore(%dma_start3A_104 : memref<!tpu.dma_semaphore, #tpu.memory_space<semaphore_mem>>)
    %dma_wait3A = arith.constant 0 : i32
    %dma_wait3A_113 = arith.constant 0 : i32
    %dma_wait3A_114 = arith.constant 0 : i32
    %dma_wait3A_115 = arith.constant 0 : i32
    %dma_wait3A_116 = tpu.memref_slice %arg5[%dma_wait3A, %dma_wait3A_114, %dma_wait3A_115] : memref<4x2x64xi32, #tpu.memory_space<vmem>> -> memref<1x2x64xi32, #tpu.memory_space<vmem>>
    %dma_wait3A_117 = tpu.memref_squeeze %dma_wait3A_116 : memref<1x2x64xi32, #tpu.memory_space<vmem>> -> memref<2x64xi32, #tpu.memory_space<vmem>>
    %dma_wait3A_118 = arith.constant 0 : i32
    %dma_wait3A_119 = arith.constant 0 : i32
    %dma_wait3A_120 = tpu.memref_slice %arg3[%select_n3A_69, %dma_wait3A_118, %dma_wait3A_119] : memref<5120x2x64xi32, #tpu.memory_space<hbm>> -> memref<1x2x64xi32, #tpu.memory_space<hbm>>
    %dma_wait3A_121 = tpu.memref_squeeze %dma_wait3A_120 : memref<1x2x64xi32, #tpu.memory_space<hbm>> -> memref<2x64xi32, #tpu.memory_space<hbm>>
    %dma_wait3A_122 = tpu.memref_slice %arg8[%dma_wait3A_113] : memref<4x!tpu.dma_semaphore, #tpu.memory_space<semaphore_mem>> -> memref<1x!tpu.dma_semaphore, #tpu.memory_space<semaphore_mem>>
    %dma_wait3A_123 = tpu.memref_squeeze %dma_wait3A_122 : memref<1x!tpu.dma_semaphore, #tpu.memory_space<semaphore_mem>> -> memref<!tpu.dma_semaphore, #tpu.memory_space<semaphore_mem>>
    %dma_wait3A_124 = arith.constant 0 : i32
    %dma_wait3A_125 = arith.constant 0 : i32
    %dma_wait3A_126 = tpu.memref_slice %arg5[%dma_wait3A, %dma_wait3A_124, %dma_wait3A_125] : memref<4x2x64xi32, #tpu.memory_space<vmem>> -> memref<1x2x64xi32, #tpu.memory_space<vmem>>
    %dma_wait3A_127 = tpu.memref_squeeze %dma_wait3A_126 : memref<1x2x64xi32, #tpu.memory_space<vmem>> -> memref<2x64xi32, #tpu.memory_space<vmem>>
    %dma_wait3A_128 = arith.constant 0 : i32
    %dma_wait3A_129 = arith.constant 0 : i32
    %dma_wait3A_130 = tpu.memref_slice %arg3[%select_n3A_69, %dma_wait3A_128, %dma_wait3A_129] : memref<5120x2x64xi32, #tpu.memory_space<hbm>> -> memref<1x2x64xi32, #tpu.memory_space<hbm>>
    %dma_wait3A_131 = tpu.memref_squeeze %dma_wait3A_130 : memref<1x2x64xi32, #tpu.memory_space<hbm>> -> memref<2x64xi32, #tpu.memory_space<hbm>>
    tpu.wait_dma2 semaphore(%dma_wait3A_123 : memref<!tpu.dma_semaphore, #tpu.memory_space<semaphore_mem>>) src(%dma_wait3A_131 : memref<2x64xi32, #tpu.memory_space<hbm>>) dst(%dma_wait3A_127 : memref<2x64xi32, #tpu.memory_space<vmem>>)
    %dma_start3A_132 = arith.constant 0 : i32
    %dma_start3A_133 = arith.constant 0 : i32
    %dma_start3A_134 = arith.constant 0 : i32
    %dma_start3A_135 = arith.constant 0 : i32
    %dma_start3A_136 = arith.constant 0 : i32
    %dma_start3A_137 = arith.constant 0 : i32
    %dma_start3A_138 = tpu.memref_slice %arg6[%dma_start3A_134, %dma_start3A_136, %dma_start3A_137] : memref<4x64x128xf32, #tpu.memory_space<vmem>> -> memref<1x64x128xf32, #tpu.memory_space<vmem>>
    %dma_start3A_139 = tpu.memref_squeeze %dma_start3A_138 : memref<1x64x128xf32, #tpu.memory_space<vmem>> -> memref<64x128xf32, #tpu.memory_space<vmem>>
    %dma_start3A_140 = arith.constant 0 : i32
    %dma_start3A_141 = tpu.memref_slice %arg5[%dma_start3A_132, %dma_start3A_133, %dma_start3A_140] : memref<4x2x64xi32, #tpu.memory_space<vmem>> -> memref<1x1x64xi32, #tpu.memory_space<vmem>>
    %dma_start3A_142 = tpu.memref_squeeze %dma_start3A_141 : memref<1x1x64xi32, #tpu.memory_space<vmem>> -> memref<64xi32, #tpu.memory_space<vmem>>
    %dma_start3A_143 = arith.constant 0 : i32
    %dma_start3A_144 = arith.constant 0 : i32
    %dma_start3A_145 = tpu.memref_slice %arg2[%dma_start3A_143, %dma_start3A_144] : memref<10000x128xf32, #tpu.memory_space<hbm>> -> memref<10000x128xf32, #tpu.memory_space<hbm>>
    %dma_start3A_146 = tpu.memref_slice %arg9[%dma_start3A_135] : memref<4x!tpu.dma_semaphore, #tpu.memory_space<semaphore_mem>> -> memref<1x!tpu.dma_semaphore, #tpu.memory_space<semaphore_mem>>
    %dma_start3A_147 = tpu.memref_squeeze %dma_start3A_146 : memref<1x!tpu.dma_semaphore, #tpu.memory_space<semaphore_mem>> -> memref<!tpu.dma_semaphore, #tpu.memory_space<semaphore_mem>>
    tpu.enqueue_indirect_dma source(%dma_start3A_145 : memref<10000x128xf32, #tpu.memory_space<hbm>>) target(%dma_start3A_139 : memref<64x128xf32, #tpu.memory_space<vmem>>) offsets(%dma_start3A_142 : memref<64xi32, #tpu.memory_space<vmem>>) semaphore(%dma_start3A_147 : memref<!tpu.dma_semaphore, #tpu.memory_space<semaphore_mem>>)
    %jit3A_148 = arith.constant 4 : i32
    %div3A = arith.divsi %select_n3A, %jit3A_148 : i32
    %sign3A = arith.constant 0 : i32
    %sign3A_149 = arith.cmpi sgt, %select_n3A, %sign3A : i32
    %sign3A_150 = arith.extui %sign3A_149 : i1 to i32
    %sign3A_151 = arith.constant 0 : i32
    %sign3A_152 = arith.cmpi slt, %select_n3A, %sign3A_151 : i32
    %sign3A_153 = arith.extui %sign3A_152 : i1 to i32
    %sign3A_154 = arith.subi %sign3A_150, %sign3A_153 : i32
    %sign3A_155 = arith.constant 0 : i32
    %sign3A_156 = arith.cmpi sgt, %jit3A_148, %sign3A_155 : i32
    %sign3A_157 = arith.extui %sign3A_156 : i1 to i32
    %sign3A_158 = arith.constant 0 : i32
    %sign3A_159 = arith.cmpi slt, %jit3A_148, %sign3A_158 : i32
    %sign3A_160 = arith.extui %sign3A_159 : i1 to i32
    %sign3A_161 = arith.subi %sign3A_157, %sign3A_160 : i32
    %ne3A = arith.cmpi ne, %sign3A_154, %sign3A_161 : i32
    %rem3A = arith.remsi %select_n3A, %jit3A_148 : i32
    %ne3A_162 = arith.constant 0 : i32
    %ne3A_163 = arith.cmpi ne, %rem3A, %ne3A_162 : i32
    %and3A = arith.andi %ne3A, %ne3A_163 : i1
    %sub3A = arith.constant 1 : i32
    %sub3A_164 = arith.subi %div3A, %sub3A : i32
    %select_n3A_165 = arith.select %and3A, %sub3A_164, %div3A : i32
    %while3A = arith.constant 0 : i32
    %while3A_166 = arith.constant 0 : i32
    %while3A_167 = arith.subi %select_n3A_165, %while3A_166 : i32
    %while3A_168 = arith.addi %while3A_166, %while3A_167 : i32
    %while3A_169 = arith.constant 1 : i32
    %while3A_170 = arith.divsi %while3A_167, %while3A_169 : i32
    %while3A_171 = arith.muli %while3A_170, %while3A_169 : i32
    %while3A_172 = arith.addi %while3A_166, %while3A_171 : i32
    %while3A_173 = arith.constant 1 : i32
    scf.for %while3A_212 = %while3A_166 to %while3A_172 step %while3A_173  : i32 {
      %mul3A_213 = arith.constant 4 : i32
      %mul3A_214 = arith.muli %mul3A_213, %while3A_212 : i32
      %add3A_215 = arith.constant 0 : i32
      %add3A_216 = arith.addi %mul3A_214, %add3A_215 : i32
      %ge3A = arith.constant 2 : i32
      %ge3A_217 = arith.cmpi sge, %add3A_216, %ge3A : i32
      %convert_element_type3A = arith.extui %ge3A_217 : i1 to i32
      %cond3A = arith.constant 0 : i32
      %cond3A_218 = arith.cmpi ne, %convert_element_type3A, %cond3A : i32
      scf.if %cond3A_218 {
        %dma_wait3A_421 = arith.constant 2 : i32
        %dma_wait3A_422 = arith.constant 2 : i32
        %dma_wait3A_423 = arith.constant 1 : i32
        %dma_wait3A_424 = arith.constant 2 : i32
        %dma_wait3A_425 = arith.constant 0 : i32
        %dma_wait3A_426 = arith.constant 0 : i32
        %dma_wait3A_427 = tpu.memref_slice %arg6[%dma_wait3A_421, %dma_wait3A_425, %dma_wait3A_426] : memref<4x64x128xf32, #tpu.memory_space<vmem>> -> memref<1x64x128xf32, #tpu.memory_space<vmem>>
        %dma_wait3A_428 = tpu.memref_squeeze %dma_wait3A_427 : memref<1x64x128xf32, #tpu.memory_space<vmem>> -> memref<64x128xf32, #tpu.memory_space<vmem>>
        %dma_wait3A_429 = arith.constant 0 : i32
        %dma_wait3A_430 = tpu.memref_slice %arg5[%dma_wait3A_422, %dma_wait3A_423, %dma_wait3A_429] : memref<4x2x64xi32, #tpu.memory_space<vmem>> -> memref<1x1x64xi32, #tpu.memory_space<vmem>>
        %dma_wait3A_431 = tpu.memref_squeeze %dma_wait3A_430 : memref<1x1x64xi32, #tpu.memory_space<vmem>> -> memref<64xi32, #tpu.memory_space<vmem>>
        %dma_wait3A_432 = arith.constant 0 : i32
        %dma_wait3A_433 = arith.constant 0 : i32
        %dma_wait3A_434 = tpu.memref_slice %arg7[%dma_wait3A_432, %dma_wait3A_433] : memref<10240x128xf32, #tpu.memory_space<vmem_shared>> -> memref<10240x128xf32, #tpu.memory_space<vmem_shared>>
        %dma_wait3A_435 = tpu.memref_slice %arg10[%dma_wait3A_424] : memref<4x!tpu.dma_semaphore, #tpu.memory_space<semaphore_mem>> -> memref<1x!tpu.dma_semaphore, #tpu.memory_space<semaphore_mem>>
        %dma_wait3A_436 = tpu.memref_squeeze %dma_wait3A_435 : memref<1x!tpu.dma_semaphore, #tpu.memory_space<semaphore_mem>> -> memref<!tpu.dma_semaphore, #tpu.memory_space<semaphore_mem>>
        tpu.wait_indirect_dma semaphore(%dma_wait3A_436 : memref<!tpu.dma_semaphore, #tpu.memory_space<semaphore_mem>>) src(%dma_wait3A_428 : memref<64x128xf32, #tpu.memory_space<vmem>>) dst(%dma_wait3A_434 : memref<10240x128xf32, #tpu.memory_space<vmem_shared>>)
      } else {
      }
      %add3A_219 = arith.constant 2 : i32
      %add3A_220 = arith.addi %add3A_216, %add3A_219 : i32
      %lt3A = arith.cmpi slt, %add3A_220, %select_n3A : i32
      %convert_element_type3A_221 = arith.extui %lt3A : i1 to i32
      %cond3A_222 = arith.constant 0 : i32
      %cond3A_223 = arith.cmpi ne, %convert_element_type3A_221, %cond3A_222 : i32
      scf.if %cond3A_223 {
        %add3A_421 = arith.constant 2 : i32
        %add3A_422 = arith.addi %add3A_216, %add3A_421 : i32
        %add3A_423 = arith.addi %select_n3A_69, %add3A_422 : i32
        %dma_start3A_424 = arith.constant 2 : i32
        %dma_start3A_425 = arith.constant 2 : i32
        %dma_start3A_426 = arith.constant 0 : i32
        %dma_start3A_427 = arith.constant 0 : i32
        %dma_start3A_428 = tpu.memref_slice %arg5[%dma_start3A_424, %dma_start3A_426, %dma_start3A_427] : memref<4x2x64xi32, #tpu.memory_space<vmem>> -> memref<1x2x64xi32, #tpu.memory_space<vmem>>
        %dma_start3A_429 = tpu.memref_squeeze %dma_start3A_428 : memref<1x2x64xi32, #tpu.memory_space<vmem>> -> memref<2x64xi32, #tpu.memory_space<vmem>>
        %dma_start3A_430 = arith.constant 0 : i32
        %dma_start3A_431 = arith.constant 0 : i32
        %dma_start3A_432 = tpu.memref_slice %arg3[%add3A_423, %dma_start3A_430, %dma_start3A_431] : memref<5120x2x64xi32, #tpu.memory_space<hbm>> -> memref<1x2x64xi32, #tpu.memory_space<hbm>>
        %dma_start3A_433 = tpu.memref_squeeze %dma_start3A_432 : memref<1x2x64xi32, #tpu.memory_space<hbm>> -> memref<2x64xi32, #tpu.memory_space<hbm>>
        %dma_start3A_434 = tpu.memref_slice %arg8[%dma_start3A_425] : memref<4x!tpu.dma_semaphore, #tpu.memory_space<semaphore_mem>> -> memref<1x!tpu.dma_semaphore, #tpu.memory_space<semaphore_mem>>
        %dma_start3A_435 = tpu.memref_squeeze %dma_start3A_434 : memref<1x!tpu.dma_semaphore, #tpu.memory_space<semaphore_mem>> -> memref<!tpu.dma_semaphore, #tpu.memory_space<semaphore_mem>>
        %dma_start3A_436 = arith.constant 0 : i32
        %dma_start3A_437 = arith.constant 0 : i32
        %dma_start3A_438 = tpu.memref_slice %arg5[%dma_start3A_424, %dma_start3A_436, %dma_start3A_437] : memref<4x2x64xi32, #tpu.memory_space<vmem>> -> memref<1x2x64xi32, #tpu.memory_space<vmem>>
        %dma_start3A_439 = tpu.memref_squeeze %dma_start3A_438 : memref<1x2x64xi32, #tpu.memory_space<vmem>> -> memref<2x64xi32, #tpu.memory_space<vmem>>
        %dma_start3A_440 = arith.constant 0 : i32
        %dma_start3A_441 = arith.constant 0 : i32
        %dma_start3A_442 = tpu.memref_slice %arg3[%add3A_423, %dma_start3A_440, %dma_start3A_441] : memref<5120x2x64xi32, #tpu.memory_space<hbm>> -> memref<1x2x64xi32, #tpu.memory_space<hbm>>
        %dma_start3A_443 = tpu.memref_squeeze %dma_start3A_442 : memref<1x2x64xi32, #tpu.memory_space<hbm>> -> memref<2x64xi32, #tpu.memory_space<hbm>>
        tpu.enqueue_dma source(%dma_start3A_443 : memref<2x64xi32, #tpu.memory_space<hbm>>) target(%dma_start3A_439 : memref<2x64xi32, #tpu.memory_space<vmem>>) target_semaphore(%dma_start3A_435 : memref<!tpu.dma_semaphore, #tpu.memory_space<semaphore_mem>>)
      } else {
      }
      %add3A_224 = arith.constant 1 : i32
      %add3A_225 = arith.addi %add3A_216, %add3A_224 : i32
      %lt3A_226 = arith.cmpi slt, %add3A_225, %select_n3A : i32
      %convert_element_type3A_227 = arith.extui %lt3A_226 : i1 to i32
      %cond3A_228 = arith.constant 0 : i32
      %cond3A_229 = arith.cmpi ne, %convert_element_type3A_227, %cond3A_228 : i32
      scf.if %cond3A_229 {
        %dma_wait3A_421 = arith.constant 1 : i32
        %dma_wait3A_422 = arith.constant 1 : i32
        %dma_wait3A_423 = arith.constant 0 : i32
        %dma_wait3A_424 = arith.constant 0 : i32
        %dma_wait3A_425 = tpu.memref_slice %arg5[%dma_wait3A_421, %dma_wait3A_423, %dma_wait3A_424] : memref<4x2x64xi32, #tpu.memory_space<vmem>> -> memref<1x2x64xi32, #tpu.memory_space<vmem>>
        %dma_wait3A_426 = tpu.memref_squeeze %dma_wait3A_425 : memref<1x2x64xi32, #tpu.memory_space<vmem>> -> memref<2x64xi32, #tpu.memory_space<vmem>>
        %dma_wait3A_427 = arith.constant 0 : i32
        %dma_wait3A_428 = arith.constant 0 : i32
        %dma_wait3A_429 = tpu.memref_slice %arg3[%select_n3A_69, %dma_wait3A_427, %dma_wait3A_428] : memref<5120x2x64xi32, #tpu.memory_space<hbm>> -> memref<1x2x64xi32, #tpu.memory_space<hbm>>
        %dma_wait3A_430 = tpu.memref_squeeze %dma_wait3A_429 : memref<1x2x64xi32, #tpu.memory_space<hbm>> -> memref<2x64xi32, #tpu.memory_space<hbm>>
        %dma_wait3A_431 = tpu.memref_slice %arg8[%dma_wait3A_422] : memref<4x!tpu.dma_semaphore, #tpu.memory_space<semaphore_mem>> -> memref<1x!tpu.dma_semaphore, #tpu.memory_space<semaphore_mem>>
        %dma_wait3A_432 = tpu.memref_squeeze %dma_wait3A_431 : memref<1x!tpu.dma_semaphore, #tpu.memory_space<semaphore_mem>> -> memref<!tpu.dma_semaphore, #tpu.memory_space<semaphore_mem>>
        %dma_wait3A_433 = arith.constant 0 : i32
        %dma_wait3A_434 = arith.constant 0 : i32
        %dma_wait3A_435 = tpu.memref_slice %arg5[%dma_wait3A_421, %dma_wait3A_433, %dma_wait3A_434] : memref<4x2x64xi32, #tpu.memory_space<vmem>> -> memref<1x2x64xi32, #tpu.memory_space<vmem>>
        %dma_wait3A_436 = tpu.memref_squeeze %dma_wait3A_435 : memref<1x2x64xi32, #tpu.memory_space<vmem>> -> memref<2x64xi32, #tpu.memory_space<vmem>>
        %dma_wait3A_437 = arith.constant 0 : i32
        %dma_wait3A_438 = arith.constant 0 : i32
        %dma_wait3A_439 = tpu.memref_slice %arg3[%select_n3A_69, %dma_wait3A_437, %dma_wait3A_438] : memref<5120x2x64xi32, #tpu.memory_space<hbm>> -> memref<1x2x64xi32, #tpu.memory_space<hbm>>
        %dma_wait3A_440 = tpu.memref_squeeze %dma_wait3A_439 : memref<1x2x64xi32, #tpu.memory_space<hbm>> -> memref<2x64xi32, #tpu.memory_space<hbm>>
        tpu.wait_dma2 semaphore(%dma_wait3A_432 : memref<!tpu.dma_semaphore, #tpu.memory_space<semaphore_mem>>) src(%dma_wait3A_440 : memref<2x64xi32, #tpu.memory_space<hbm>>) dst(%dma_wait3A_436 : memref<2x64xi32, #tpu.memory_space<vmem>>)
        %dma_start3A_441 = arith.constant 1 : i32
        %dma_start3A_442 = arith.constant 0 : i32
        %dma_start3A_443 = arith.constant 1 : i32
        %dma_start3A_444 = arith.constant 1 : i32
        %dma_start3A_445 = arith.constant 0 : i32
        %dma_start3A_446 = arith.constant 0 : i32
        %dma_start3A_447 = tpu.memref_slice %arg6[%dma_start3A_443, %dma_start3A_445, %dma_start3A_446] : memref<4x64x128xf32, #tpu.memory_space<vmem>> -> memref<1x64x128xf32, #tpu.memory_space<vmem>>
        %dma_start3A_448 = tpu.memref_squeeze %dma_start3A_447 : memref<1x64x128xf32, #tpu.memory_space<vmem>> -> memref<64x128xf32, #tpu.memory_space<vmem>>
        %dma_start3A_449 = arith.constant 0 : i32
        %dma_start3A_450 = tpu.memref_slice %arg5[%dma_start3A_441, %dma_start3A_442, %dma_start3A_449] : memref<4x2x64xi32, #tpu.memory_space<vmem>> -> memref<1x1x64xi32, #tpu.memory_space<vmem>>
        %dma_start3A_451 = tpu.memref_squeeze %dma_start3A_450 : memref<1x1x64xi32, #tpu.memory_space<vmem>> -> memref<64xi32, #tpu.memory_space<vmem>>
        %dma_start3A_452 = arith.constant 0 : i32
        %dma_start3A_453 = arith.constant 0 : i32
        %dma_start3A_454 = tpu.memref_slice %arg2[%dma_start3A_452, %dma_start3A_453] : memref<10000x128xf32, #tpu.memory_space<hbm>> -> memref<10000x128xf32, #tpu.memory_space<hbm>>
        %dma_start3A_455 = tpu.memref_slice %arg9[%dma_start3A_444] : memref<4x!tpu.dma_semaphore, #tpu.memory_space<semaphore_mem>> -> memref<1x!tpu.dma_semaphore, #tpu.memory_space<semaphore_mem>>
        %dma_start3A_456 = tpu.memref_squeeze %dma_start3A_455 : memref<1x!tpu.dma_semaphore, #tpu.memory_space<semaphore_mem>> -> memref<!tpu.dma_semaphore, #tpu.memory_space<semaphore_mem>>
        tpu.enqueue_indirect_dma source(%dma_start3A_454 : memref<10000x128xf32, #tpu.memory_space<hbm>>) target(%dma_start3A_448 : memref<64x128xf32, #tpu.memory_space<vmem>>) offsets(%dma_start3A_451 : memref<64xi32, #tpu.memory_space<vmem>>) semaphore(%dma_start3A_456 : memref<!tpu.dma_semaphore, #tpu.memory_space<semaphore_mem>>)
      } else {
      }
      %dma_wait3A_230 = arith.constant 0 : i32
      %dma_wait3A_231 = arith.constant 0 : i32
      %dma_wait3A_232 = arith.constant 0 : i32
      %dma_wait3A_233 = arith.constant 0 : i32
      %dma_wait3A_234 = arith.constant 0 : i32
      %dma_wait3A_235 = arith.constant 0 : i32
      %dma_wait3A_236 = tpu.memref_slice %arg6[%dma_wait3A_232, %dma_wait3A_234, %dma_wait3A_235] : memref<4x64x128xf32, #tpu.memory_space<vmem>> -> memref<1x64x128xf32, #tpu.memory_space<vmem>>
      %dma_wait3A_237 = tpu.memref_squeeze %dma_wait3A_236 : memref<1x64x128xf32, #tpu.memory_space<vmem>> -> memref<64x128xf32, #tpu.memory_space<vmem>>
      %dma_wait3A_238 = arith.constant 0 : i32
      %dma_wait3A_239 = tpu.memref_slice %arg5[%dma_wait3A_230, %dma_wait3A_231, %dma_wait3A_238] : memref<4x2x64xi32, #tpu.memory_space<vmem>> -> memref<1x1x64xi32, #tpu.memory_space<vmem>>
      %dma_wait3A_240 = tpu.memref_squeeze %dma_wait3A_239 : memref<1x1x64xi32, #tpu.memory_space<vmem>> -> memref<64xi32, #tpu.memory_space<vmem>>
      %dma_wait3A_241 = arith.constant 0 : i32
      %dma_wait3A_242 = arith.constant 0 : i32
      %dma_wait3A_243 = tpu.memref_slice %arg2[%dma_wait3A_241, %dma_wait3A_242] : memref<10000x128xf32, #tpu.memory_space<hbm>> -> memref<10000x128xf32, #tpu.memory_space<hbm>>
      %dma_wait3A_244 = tpu.memref_slice %arg9[%dma_wait3A_233] : memref<4x!tpu.dma_semaphore, #tpu.memory_space<semaphore_mem>> -> memref<1x!tpu.dma_semaphore, #tpu.memory_space<semaphore_mem>>
      %dma_wait3A_245 = tpu.memref_squeeze %dma_wait3A_244 : memref<1x!tpu.dma_semaphore, #tpu.memory_space<semaphore_mem>> -> memref<!tpu.dma_semaphore, #tpu.memory_space<semaphore_mem>>
      tpu.wait_indirect_dma semaphore(%dma_wait3A_245 : memref<!tpu.dma_semaphore, #tpu.memory_space<semaphore_mem>>) src(%dma_wait3A_243 : memref<10000x128xf32, #tpu.memory_space<hbm>>) dst(%dma_wait3A_237 : memref<64x128xf32, #tpu.memory_space<vmem>>)
      %dma_start3A_246 = arith.constant 0 : i32
      %dma_start3A_247 = arith.constant 0 : i32
      %dma_start3A_248 = arith.constant 1 : i32
      %dma_start3A_249 = arith.constant 0 : i32
      %dma_start3A_250 = arith.constant 0 : i32
      %dma_start3A_251 = arith.constant 0 : i32
      %dma_start3A_252 = tpu.memref_slice %arg6[%dma_start3A_246, %dma_start3A_250, %dma_start3A_251] : memref<4x64x128xf32, #tpu.memory_space<vmem>> -> memref<1x64x128xf32, #tpu.memory_space<vmem>>
      %dma_start3A_253 = tpu.memref_squeeze %dma_start3A_252 : memref<1x64x128xf32, #tpu.memory_space<vmem>> -> memref<64x128xf32, #tpu.memory_space<vmem>>
      %dma_start3A_254 = arith.constant 0 : i32
      %dma_start3A_255 = tpu.memref_slice %arg5[%dma_start3A_247, %dma_start3A_248, %dma_start3A_254] : memref<4x2x64xi32, #tpu.memory_space<vmem>> -> memref<1x1x64xi32, #tpu.memory_space<vmem>>
      %dma_start3A_256 = tpu.memref_squeeze %dma_start3A_255 : memref<1x1x64xi32, #tpu.memory_space<vmem>> -> memref<64xi32, #tpu.memory_space<vmem>>
      %dma_start3A_257 = arith.constant 0 : i32
      %dma_start3A_258 = arith.constant 0 : i32
      %dma_start3A_259 = tpu.memref_slice %arg7[%dma_start3A_257, %dma_start3A_258] : memref<10240x128xf32, #tpu.memory_space<vmem_shared>> -> memref<10240x128xf32, #tpu.memory_space<vmem_shared>>
      %dma_start3A_260 = tpu.memref_slice %arg10[%dma_start3A_249] : memref<4x!tpu.dma_semaphore, #tpu.memory_space<semaphore_mem>> -> memref<1x!tpu.dma_semaphore, #tpu.memory_space<semaphore_mem>>
      %dma_start3A_261 = tpu.memref_squeeze %dma_start3A_260 : memref<1x!tpu.dma_semaphore, #tpu.memory_space<semaphore_mem>> -> memref<!tpu.dma_semaphore, #tpu.memory_space<semaphore_mem>>
      tpu.enqueue_indirect_dma source(%dma_start3A_253 : memref<64x128xf32, #tpu.memory_space<vmem>>) target(%dma_start3A_259 : memref<10240x128xf32, #tpu.memory_space<vmem_shared>>) offsets(%dma_start3A_256 : memref<64xi32, #tpu.memory_space<vmem>>) semaphore(%dma_start3A_261 : memref<!tpu.dma_semaphore, #tpu.memory_space<semaphore_mem>>) {add = true}
      %mul3A_262 = arith.constant 4 : i32
      %mul3A_263 = arith.muli %mul3A_262, %while3A_212 : i32
      %add3A_264 = arith.constant 1 : i32
      %add3A_265 = arith.addi %mul3A_263, %add3A_264 : i32
      %ge3A_266 = arith.constant 2 : i32
      %ge3A_267 = arith.cmpi sge, %add3A_265, %ge3A_266 : i32
      %convert_element_type3A_268 = arith.extui %ge3A_267 : i1 to i32
      %cond3A_269 = arith.constant 0 : i32
      %cond3A_270 = arith.cmpi ne, %convert_element_type3A_268, %cond3A_269 : i32
      scf.if %cond3A_270 {
        %dma_wait3A_421 = arith.constant 3 : i32
        %dma_wait3A_422 = arith.constant 3 : i32
        %dma_wait3A_423 = arith.constant 1 : i32
        %dma_wait3A_424 = arith.constant 3 : i32
        %dma_wait3A_425 = arith.constant 0 : i32
        %dma_wait3A_426 = arith.constant 0 : i32
        %dma_wait3A_427 = tpu.memref_slice %arg6[%dma_wait3A_421, %dma_wait3A_425, %dma_wait3A_426] : memref<4x64x128xf32, #tpu.memory_space<vmem>> -> memref<1x64x128xf32, #tpu.memory_space<vmem>>
        %dma_wait3A_428 = tpu.memref_squeeze %dma_wait3A_427 : memref<1x64x128xf32, #tpu.memory_space<vmem>> -> memref<64x128xf32, #tpu.memory_space<vmem>>
        %dma_wait3A_429 = arith.constant 0 : i32
        %dma_wait3A_430 = tpu.memref_slice %arg5[%dma_wait3A_422, %dma_wait3A_423, %dma_wait3A_429] : memref<4x2x64xi32, #tpu.memory_space<vmem>> -> memref<1x1x64xi32, #tpu.memory_space<vmem>>
        %dma_wait3A_431 = tpu.memref_squeeze %dma_wait3A_430 : memref<1x1x64xi32, #tpu.memory_space<vmem>> -> memref<64xi32, #tpu.memory_space<vmem>>
        %dma_wait3A_432 = arith.constant 0 : i32
        %dma_wait3A_433 = arith.constant 0 : i32
        %dma_wait3A_434 = tpu.memref_slice %arg7[%dma_wait3A_432, %dma_wait3A_433] : memref<10240x128xf32, #tpu.memory_space<vmem_shared>> -> memref<10240x128xf32, #tpu.memory_space<vmem_shared>>
        %dma_wait3A_435 = tpu.memref_slice %arg10[%dma_wait3A_424] : memref<4x!tpu.dma_semaphore, #tpu.memory_space<semaphore_mem>> -> memref<1x!tpu.dma_semaphore, #tpu.memory_space<semaphore_mem>>
        %dma_wait3A_436 = tpu.memref_squeeze %dma_wait3A_435 : memref<1x!tpu.dma_semaphore, #tpu.memory_space<semaphore_mem>> -> memref<!tpu.dma_semaphore, #tpu.memory_space<semaphore_mem>>
        tpu.wait_indirect_dma semaphore(%dma_wait3A_436 : memref<!tpu.dma_semaphore, #tpu.memory_space<semaphore_mem>>) src(%dma_wait3A_428 : memref<64x128xf32, #tpu.memory_space<vmem>>) dst(%dma_wait3A_434 : memref<10240x128xf32, #tpu.memory_space<vmem_shared>>)
      } else {
      }
      %add3A_271 = arith.constant 2 : i32
      %add3A_272 = arith.addi %add3A_265, %add3A_271 : i32
      %lt3A_273 = arith.cmpi slt, %add3A_272, %select_n3A : i32
      %convert_element_type3A_274 = arith.extui %lt3A_273 : i1 to i32
      %cond3A_275 = arith.constant 0 : i32
      %cond3A_276 = arith.cmpi ne, %convert_element_type3A_274, %cond3A_275 : i32
      scf.if %cond3A_276 {
        %add3A_421 = arith.constant 2 : i32
        %add3A_422 = arith.addi %add3A_265, %add3A_421 : i32
        %add3A_423 = arith.addi %select_n3A_69, %add3A_422 : i32
        %dma_start3A_424 = arith.constant 3 : i32
        %dma_start3A_425 = arith.constant 3 : i32
        %dma_start3A_426 = arith.constant 0 : i32
        %dma_start3A_427 = arith.constant 0 : i32
        %dma_start3A_428 = tpu.memref_slice %arg5[%dma_start3A_424, %dma_start3A_426, %dma_start3A_427] : memref<4x2x64xi32, #tpu.memory_space<vmem>> -> memref<1x2x64xi32, #tpu.memory_space<vmem>>
        %dma_start3A_429 = tpu.memref_squeeze %dma_start3A_428 : memref<1x2x64xi32, #tpu.memory_space<vmem>> -> memref<2x64xi32, #tpu.memory_space<vmem>>
        %dma_start3A_430 = arith.constant 0 : i32
        %dma_start3A_431 = arith.constant 0 : i32
        %dma_start3A_432 = tpu.memref_slice %arg3[%add3A_423, %dma_start3A_430, %dma_start3A_431] : memref<5120x2x64xi32, #tpu.memory_space<hbm>> -> memref<1x2x64xi32, #tpu.memory_space<hbm>>
        %dma_start3A_433 = tpu.memref_squeeze %dma_start3A_432 : memref<1x2x64xi32, #tpu.memory_space<hbm>> -> memref<2x64xi32, #tpu.memory_space<hbm>>
        %dma_start3A_434 = tpu.memref_slice %arg8[%dma_start3A_425] : memref<4x!tpu.dma_semaphore, #tpu.memory_space<semaphore_mem>> -> memref<1x!tpu.dma_semaphore, #tpu.memory_space<semaphore_mem>>
        %dma_start3A_435 = tpu.memref_squeeze %dma_start3A_434 : memref<1x!tpu.dma_semaphore, #tpu.memory_space<semaphore_mem>> -> memref<!tpu.dma_semaphore, #tpu.memory_space<semaphore_mem>>
        %dma_start3A_436 = arith.constant 0 : i32
        %dma_start3A_437 = arith.constant 0 : i32
        %dma_start3A_438 = tpu.memref_slice %arg5[%dma_start3A_424, %dma_start3A_436, %dma_start3A_437] : memref<4x2x64xi32, #tpu.memory_space<vmem>> -> memref<1x2x64xi32, #tpu.memory_space<vmem>>
        %dma_start3A_439 = tpu.memref_squeeze %dma_start3A_438 : memref<1x2x64xi32, #tpu.memory_space<vmem>> -> memref<2x64xi32, #tpu.memory_space<vmem>>
        %dma_start3A_440 = arith.constant 0 : i32
        %dma_start3A_441 = arith.constant 0 : i32
        %dma_start3A_442 = tpu.memref_slice %arg3[%add3A_423, %dma_start3A_440, %dma_start3A_441] : memref<5120x2x64xi32, #tpu.memory_space<hbm>> -> memref<1x2x64xi32, #tpu.memory_space<hbm>>
        %dma_start3A_443 = tpu.memref_squeeze %dma_start3A_442 : memref<1x2x64xi32, #tpu.memory_space<hbm>> -> memref<2x64xi32, #tpu.memory_space<hbm>>
        tpu.enqueue_dma source(%dma_start3A_443 : memref<2x64xi32, #tpu.memory_space<hbm>>) target(%dma_start3A_439 : memref<2x64xi32, #tpu.memory_space<vmem>>) target_semaphore(%dma_start3A_435 : memref<!tpu.dma_semaphore, #tpu.memory_space<semaphore_mem>>)
      } else {
      }
      %add3A_277 = arith.constant 1 : i32
      %add3A_278 = arith.addi %add3A_265, %add3A_277 : i32
      %lt3A_279 = arith.cmpi slt, %add3A_278, %select_n3A : i32
      %convert_element_type3A_280 = arith.extui %lt3A_279 : i1 to i32
      %cond3A_281 = arith.constant 0 : i32
      %cond3A_282 = arith.cmpi ne, %convert_element_type3A_280, %cond3A_281 : i32
      scf.if %cond3A_282 {
        %dma_wait3A_421 = arith.constant 2 : i32
        %dma_wait3A_422 = arith.constant 2 : i32
        %dma_wait3A_423 = arith.constant 0 : i32
        %dma_wait3A_424 = arith.constant 0 : i32
        %dma_wait3A_425 = tpu.memref_slice %arg5[%dma_wait3A_421, %dma_wait3A_423, %dma_wait3A_424] : memref<4x2x64xi32, #tpu.memory_space<vmem>> -> memref<1x2x64xi32, #tpu.memory_space<vmem>>
        %dma_wait3A_426 = tpu.memref_squeeze %dma_wait3A_425 : memref<1x2x64xi32, #tpu.memory_space<vmem>> -> memref<2x64xi32, #tpu.memory_space<vmem>>
        %dma_wait3A_427 = arith.constant 0 : i32
        %dma_wait3A_428 = arith.constant 0 : i32
        %dma_wait3A_429 = tpu.memref_slice %arg3[%select_n3A_69, %dma_wait3A_427, %dma_wait3A_428] : memref<5120x2x64xi32, #tpu.memory_space<hbm>> -> memref<1x2x64xi32, #tpu.memory_space<hbm>>
        %dma_wait3A_430 = tpu.memref_squeeze %dma_wait3A_429 : memref<1x2x64xi32, #tpu.memory_space<hbm>> -> memref<2x64xi32, #tpu.memory_space<hbm>>
        %dma_wait3A_431 = tpu.memref_slice %arg8[%dma_wait3A_422] : memref<4x!tpu.dma_semaphore, #tpu.memory_space<semaphore_mem>> -> memref<1x!tpu.dma_semaphore, #tpu.memory_space<semaphore_mem>>
        %dma_wait3A_432 = tpu.memref_squeeze %dma_wait3A_431 : memref<1x!tpu.dma_semaphore, #tpu.memory_space<semaphore_mem>> -> memref<!tpu.dma_semaphore, #tpu.memory_space<semaphore_mem>>
        %dma_wait3A_433 = arith.constant 0 : i32
        %dma_wait3A_434 = arith.constant 0 : i32
        %dma_wait3A_435 = tpu.memref_slice %arg5[%dma_wait3A_421, %dma_wait3A_433, %dma_wait3A_434] : memref<4x2x64xi32, #tpu.memory_space<vmem>> -> memref<1x2x64xi32, #tpu.memory_space<vmem>>
        %dma_wait3A_436 = tpu.memref_squeeze %dma_wait3A_435 : memref<1x2x64xi32, #tpu.memory_space<vmem>> -> memref<2x64xi32, #tpu.memory_space<vmem>>
        %dma_wait3A_437 = arith.constant 0 : i32
        %dma_wait3A_438 = arith.constant 0 : i32
        %dma_wait3A_439 = tpu.memref_slice %arg3[%select_n3A_69, %dma_wait3A_437, %dma_wait3A_438] : memref<5120x2x64xi32, #tpu.memory_space<hbm>> -> memref<1x2x64xi32, #tpu.memory_space<hbm>>
        %dma_wait3A_440 = tpu.memref_squeeze %dma_wait3A_439 : memref<1x2x64xi32, #tpu.memory_space<hbm>> -> memref<2x64xi32, #tpu.memory_space<hbm>>
        tpu.wait_dma2 semaphore(%dma_wait3A_432 : memref<!tpu.dma_semaphore, #tpu.memory_space<semaphore_mem>>) src(%dma_wait3A_440 : memref<2x64xi32, #tpu.memory_space<hbm>>) dst(%dma_wait3A_436 : memref<2x64xi32, #tpu.memory_space<vmem>>)
        %dma_start3A_441 = arith.constant 2 : i32
        %dma_start3A_442 = arith.constant 0 : i32
        %dma_start3A_443 = arith.constant 2 : i32
        %dma_start3A_444 = arith.constant 2 : i32
        %dma_start3A_445 = arith.constant 0 : i32
        %dma_start3A_446 = arith.constant 0 : i32
        %dma_start3A_447 = tpu.memref_slice %arg6[%dma_start3A_443, %dma_start3A_445, %dma_start3A_446] : memref<4x64x128xf32, #tpu.memory_space<vmem>> -> memref<1x64x128xf32, #tpu.memory_space<vmem>>
        %dma_start3A_448 = tpu.memref_squeeze %dma_start3A_447 : memref<1x64x128xf32, #tpu.memory_space<vmem>> -> memref<64x128xf32, #tpu.memory_space<vmem>>
        %dma_start3A_449 = arith.constant 0 : i32
        %dma_start3A_450 = tpu.memref_slice %arg5[%dma_start3A_441, %dma_start3A_442, %dma_start3A_449] : memref<4x2x64xi32, #tpu.memory_space<vmem>> -> memref<1x1x64xi32, #tpu.memory_space<vmem>>
        %dma_start3A_451 = tpu.memref_squeeze %dma_start3A_450 : memref<1x1x64xi32, #tpu.memory_space<vmem>> -> memref<64xi32, #tpu.memory_space<vmem>>
        %dma_start3A_452 = arith.constant 0 : i32
        %dma_start3A_453 = arith.constant 0 : i32
        %dma_start3A_454 = tpu.memref_slice %arg2[%dma_start3A_452, %dma_start3A_453] : memref<10000x128xf32, #tpu.memory_space<hbm>> -> memref<10000x128xf32, #tpu.memory_space<hbm>>
        %dma_start3A_455 = tpu.memref_slice %arg9[%dma_start3A_444] : memref<4x!tpu.dma_semaphore, #tpu.memory_space<semaphore_mem>> -> memref<1x!tpu.dma_semaphore, #tpu.memory_space<semaphore_mem>>
        %dma_start3A_456 = tpu.memref_squeeze %dma_start3A_455 : memref<1x!tpu.dma_semaphore, #tpu.memory_space<semaphore_mem>> -> memref<!tpu.dma_semaphore, #tpu.memory_space<semaphore_mem>>
        tpu.enqueue_indirect_dma source(%dma_start3A_454 : memref<10000x128xf32, #tpu.memory_space<hbm>>) target(%dma_start3A_448 : memref<64x128xf32, #tpu.memory_space<vmem>>) offsets(%dma_start3A_451 : memref<64xi32, #tpu.memory_space<vmem>>) semaphore(%dma_start3A_456 : memref<!tpu.dma_semaphore, #tpu.memory_space<semaphore_mem>>)
      } else {
      }
      %dma_wait3A_283 = arith.constant 1 : i32
      %dma_wait3A_284 = arith.constant 0 : i32
      %dma_wait3A_285 = arith.constant 1 : i32
      %dma_wait3A_286 = arith.constant 1 : i32
      %dma_wait3A_287 = arith.constant 0 : i32
      %dma_wait3A_288 = arith.constant 0 : i32
      %dma_wait3A_289 = tpu.memref_slice %arg6[%dma_wait3A_285, %dma_wait3A_287, %dma_wait3A_288] : memref<4x64x128xf32, #tpu.memory_space<vmem>> -> memref<1x64x128xf32, #tpu.memory_space<vmem>>
      %dma_wait3A_290 = tpu.memref_squeeze %dma_wait3A_289 : memref<1x64x128xf32, #tpu.memory_space<vmem>> -> memref<64x128xf32, #tpu.memory_space<vmem>>
      %dma_wait3A_291 = arith.constant 0 : i32
      %dma_wait3A_292 = tpu.memref_slice %arg5[%dma_wait3A_283, %dma_wait3A_284, %dma_wait3A_291] : memref<4x2x64xi32, #tpu.memory_space<vmem>> -> memref<1x1x64xi32, #tpu.memory_space<vmem>>
      %dma_wait3A_293 = tpu.memref_squeeze %dma_wait3A_292 : memref<1x1x64xi32, #tpu.memory_space<vmem>> -> memref<64xi32, #tpu.memory_space<vmem>>
      %dma_wait3A_294 = arith.constant 0 : i32
      %dma_wait3A_295 = arith.constant 0 : i32
      %dma_wait3A_296 = tpu.memref_slice %arg2[%dma_wait3A_294, %dma_wait3A_295] : memref<10000x128xf32, #tpu.memory_space<hbm>> -> memref<10000x128xf32, #tpu.memory_space<hbm>>
      %dma_wait3A_297 = tpu.memref_slice %arg9[%dma_wait3A_286] : memref<4x!tpu.dma_semaphore, #tpu.memory_space<semaphore_mem>> -> memref<1x!tpu.dma_semaphore, #tpu.memory_space<semaphore_mem>>
      %dma_wait3A_298 = tpu.memref_squeeze %dma_wait3A_297 : memref<1x!tpu.dma_semaphore, #tpu.memory_space<semaphore_mem>> -> memref<!tpu.dma_semaphore, #tpu.memory_space<semaphore_mem>>
      tpu.wait_indirect_dma semaphore(%dma_wait3A_298 : memref<!tpu.dma_semaphore, #tpu.memory_space<semaphore_mem>>) src(%dma_wait3A_296 : memref<10000x128xf32, #tpu.memory_space<hbm>>) dst(%dma_wait3A_290 : memref<64x128xf32, #tpu.memory_space<vmem>>)
      %dma_start3A_299 = arith.constant 1 : i32
      %dma_start3A_300 = arith.constant 1 : i32
      %dma_start3A_301 = arith.constant 1 : i32
      %dma_start3A_302 = arith.constant 1 : i32
      %dma_start3A_303 = arith.constant 0 : i32
      %dma_start3A_304 = arith.constant 0 : i32
      %dma_start3A_305 = tpu.memref_slice %arg6[%dma_start3A_299, %dma_start3A_303, %dma_start3A_304] : memref<4x64x128xf32, #tpu.memory_space<vmem>> -> memref<1x64x128xf32, #tpu.memory_space<vmem>>
      %dma_start3A_306 = tpu.memref_squeeze %dma_start3A_305 : memref<1x64x128xf32, #tpu.memory_space<vmem>> -> memref<64x128xf32, #tpu.memory_space<vmem>>
      %dma_start3A_307 = arith.constant 0 : i32
      %dma_start3A_308 = tpu.memref_slice %arg5[%dma_start3A_300, %dma_start3A_301, %dma_start3A_307] : memref<4x2x64xi32, #tpu.memory_space<vmem>> -> memref<1x1x64xi32, #tpu.memory_space<vmem>>
      %dma_start3A_309 = tpu.memref_squeeze %dma_start3A_308 : memref<1x1x64xi32, #tpu.memory_space<vmem>> -> memref<64xi32, #tpu.memory_space<vmem>>
      %dma_start3A_310 = arith.constant 0 : i32
      %dma_start3A_311 = arith.constant 0 : i32
      %dma_start3A_312 = tpu.memref_slice %arg7[%dma_start3A_310, %dma_start3A_311] : memref<10240x128xf32, #tpu.memory_space<vmem_shared>> -> memref<10240x128xf32, #tpu.memory_space<vmem_shared>>
      %dma_start3A_313 = tpu.memref_slice %arg10[%dma_start3A_302] : memref<4x!tpu.dma_semaphore, #tpu.memory_space<semaphore_mem>> -> memref<1x!tpu.dma_semaphore, #tpu.memory_space<semaphore_mem>>
      %dma_start3A_314 = tpu.memref_squeeze %dma_start3A_313 : memref<1x!tpu.dma_semaphore, #tpu.memory_space<semaphore_mem>> -> memref<!tpu.dma_semaphore, #tpu.memory_space<semaphore_mem>>
      tpu.enqueue_indirect_dma source(%dma_start3A_306 : memref<64x128xf32, #tpu.memory_space<vmem>>) target(%dma_start3A_312 : memref<10240x128xf32, #tpu.memory_space<vmem_shared>>) offsets(%dma_start3A_309 : memref<64xi32, #tpu.memory_space<vmem>>) semaphore(%dma_start3A_314 : memref<!tpu.dma_semaphore, #tpu.memory_space<semaphore_mem>>) {add = true}
      %mul3A_315 = arith.constant 4 : i32
      %mul3A_316 = arith.muli %mul3A_315, %while3A_212 : i32
      %add3A_317 = arith.constant 2 : i32
      %add3A_318 = arith.addi %mul3A_316, %add3A_317 : i32
      %ge3A_319 = arith.constant 2 : i32
      %ge3A_320 = arith.cmpi sge, %add3A_318, %ge3A_319 : i32
      %convert_element_type3A_321 = arith.extui %ge3A_320 : i1 to i32
      %cond3A_322 = arith.constant 0 : i32
      %cond3A_323 = arith.cmpi ne, %convert_element_type3A_321, %cond3A_322 : i32
      scf.if %cond3A_323 {
        %dma_wait3A_421 = arith.constant 0 : i32
        %dma_wait3A_422 = arith.constant 0 : i32
        %dma_wait3A_423 = arith.constant 1 : i32
        %dma_wait3A_424 = arith.constant 0 : i32
        %dma_wait3A_425 = arith.constant 0 : i32
        %dma_wait3A_426 = arith.constant 0 : i32
        %dma_wait3A_427 = tpu.memref_slice %arg6[%dma_wait3A_421, %dma_wait3A_425, %dma_wait3A_426] : memref<4x64x128xf32, #tpu.memory_space<vmem>> -> memref<1x64x128xf32, #tpu.memory_space<vmem>>
        %dma_wait3A_428 = tpu.memref_squeeze %dma_wait3A_427 : memref<1x64x128xf32, #tpu.memory_space<vmem>> -> memref<64x128xf32, #tpu.memory_space<vmem>>
        %dma_wait3A_429 = arith.constant 0 : i32
        %dma_wait3A_430 = tpu.memref_slice %arg5[%dma_wait3A_422, %dma_wait3A_423, %dma_wait3A_429] : memref<4x2x64xi32, #tpu.memory_space<vmem>> -> memref<1x1x64xi32, #tpu.memory_space<vmem>>
        %dma_wait3A_431 = tpu.memref_squeeze %dma_wait3A_430 : memref<1x1x64xi32, #tpu.memory_space<vmem>> -> memref<64xi32, #tpu.memory_space<vmem>>
        %dma_wait3A_432 = arith.constant 0 : i32
        %dma_wait3A_433 = arith.constant 0 : i32
        %dma_wait3A_434 = tpu.memref_slice %arg7[%dma_wait3A_432, %dma_wait3A_433] : memref<10240x128xf32, #tpu.memory_space<vmem_shared>> -> memref<10240x128xf32, #tpu.memory_space<vmem_shared>>
        %dma_wait3A_435 = tpu.memref_slice %arg10[%dma_wait3A_424] : memref<4x!tpu.dma_semaphore, #tpu.memory_space<semaphore_mem>> -> memref<1x!tpu.dma_semaphore, #tpu.memory_space<semaphore_mem>>
        %dma_wait3A_436 = tpu.memref_squeeze %dma_wait3A_435 : memref<1x!tpu.dma_semaphore, #tpu.memory_space<semaphore_mem>> -> memref<!tpu.dma_semaphore, #tpu.memory_space<semaphore_mem>>
        tpu.wait_indirect_dma semaphore(%dma_wait3A_436 : memref<!tpu.dma_semaphore, #tpu.memory_space<semaphore_mem>>) src(%dma_wait3A_428 : memref<64x128xf32, #tpu.memory_space<vmem>>) dst(%dma_wait3A_434 : memref<10240x128xf32, #tpu.memory_space<vmem_shared>>)
      } else {
      }
      %add3A_324 = arith.constant 2 : i32
      %add3A_325 = arith.addi %add3A_318, %add3A_324 : i32
      %lt3A_326 = arith.cmpi slt, %add3A_325, %select_n3A : i32
      %convert_element_type3A_327 = arith.extui %lt3A_326 : i1 to i32
      %cond3A_328 = arith.constant 0 : i32
      %cond3A_329 = arith.cmpi ne, %convert_element_type3A_327, %cond3A_328 : i32
      scf.if %cond3A_329 {
        %add3A_421 = arith.constant 2 : i32
        %add3A_422 = arith.addi %add3A_318, %add3A_421 : i32
        %add3A_423 = arith.addi %select_n3A_69, %add3A_422 : i32
        %dma_start3A_424 = arith.constant 0 : i32
        %dma_start3A_425 = arith.constant 0 : i32
        %dma_start3A_426 = arith.constant 0 : i32
        %dma_start3A_427 = arith.constant 0 : i32
        %dma_start3A_428 = tpu.memref_slice %arg5[%dma_start3A_424, %dma_start3A_426, %dma_start3A_427] : memref<4x2x64xi32, #tpu.memory_space<vmem>> -> memref<1x2x64xi32, #tpu.memory_space<vmem>>
        %dma_start3A_429 = tpu.memref_squeeze %dma_start3A_428 : memref<1x2x64xi32, #tpu.memory_space<vmem>> -> memref<2x64xi32, #tpu.memory_space<vmem>>
        %dma_start3A_430 = arith.constant 0 : i32
        %dma_start3A_431 = arith.constant 0 : i32
        %dma_start3A_432 = tpu.memref_slice %arg3[%add3A_423, %dma_start3A_430, %dma_start3A_431] : memref<5120x2x64xi32, #tpu.memory_space<hbm>> -> memref<1x2x64xi32, #tpu.memory_space<hbm>>
        %dma_start3A_433 = tpu.memref_squeeze %dma_start3A_432 : memref<1x2x64xi32, #tpu.memory_space<hbm>> -> memref<2x64xi32, #tpu.memory_space<hbm>>
        %dma_start3A_434 = tpu.memref_slice %arg8[%dma_start3A_425] : memref<4x!tpu.dma_semaphore, #tpu.memory_space<semaphore_mem>> -> memref<1x!tpu.dma_semaphore, #tpu.memory_space<semaphore_mem>>
        %dma_start3A_435 = tpu.memref_squeeze %dma_start3A_434 : memref<1x!tpu.dma_semaphore, #tpu.memory_space<semaphore_mem>> -> memref<!tpu.dma_semaphore, #tpu.memory_space<semaphore_mem>>
        %dma_start3A_436 = arith.constant 0 : i32
        %dma_start3A_437 = arith.constant 0 : i32
        %dma_start3A_438 = tpu.memref_slice %arg5[%dma_start3A_424, %dma_start3A_436, %dma_start3A_437] : memref<4x2x64xi32, #tpu.memory_space<vmem>> -> memref<1x2x64xi32, #tpu.memory_space<vmem>>
        %dma_start3A_439 = tpu.memref_squeeze %dma_start3A_438 : memref<1x2x64xi32, #tpu.memory_space<vmem>> -> memref<2x64xi32, #tpu.memory_space<vmem>>
        %dma_start3A_440 = arith.constant 0 : i32
        %dma_start3A_441 = arith.constant 0 : i32
        %dma_start3A_442 = tpu.memref_slice %arg3[%add3A_423, %dma_start3A_440, %dma_start3A_441] : memref<5120x2x64xi32, #tpu.memory_space<hbm>> -> memref<1x2x64xi32, #tpu.memory_space<hbm>>
        %dma_start3A_443 = tpu.memref_squeeze %dma_start3A_442 : memref<1x2x64xi32, #tpu.memory_space<hbm>> -> memref<2x64xi32, #tpu.memory_space<hbm>>
        tpu.enqueue_dma source(%dma_start3A_443 : memref<2x64xi32, #tpu.memory_space<hbm>>) target(%dma_start3A_439 : memref<2x64xi32, #tpu.memory_space<vmem>>) target_semaphore(%dma_start3A_435 : memref<!tpu.dma_semaphore, #tpu.memory_space<semaphore_mem>>)
      } else {
      }
      %add3A_330 = arith.constant 1 : i32
      %add3A_331 = arith.addi %add3A_318, %add3A_330 : i32
      %lt3A_332 = arith.cmpi slt, %add3A_331, %select_n3A : i32
      %convert_element_type3A_333 = arith.extui %lt3A_332 : i1 to i32
      %cond3A_334 = arith.constant 0 : i32
      %cond3A_335 = arith.cmpi ne, %convert_element_type3A_333, %cond3A_334 : i32
      scf.if %cond3A_335 {
        %dma_wait3A_421 = arith.constant 3 : i32
        %dma_wait3A_422 = arith.constant 3 : i32
        %dma_wait3A_423 = arith.constant 0 : i32
        %dma_wait3A_424 = arith.constant 0 : i32
        %dma_wait3A_425 = tpu.memref_slice %arg5[%dma_wait3A_421, %dma_wait3A_423, %dma_wait3A_424] : memref<4x2x64xi32, #tpu.memory_space<vmem>> -> memref<1x2x64xi32, #tpu.memory_space<vmem>>
        %dma_wait3A_426 = tpu.memref_squeeze %dma_wait3A_425 : memref<1x2x64xi32, #tpu.memory_space<vmem>> -> memref<2x64xi32, #tpu.memory_space<vmem>>
        %dma_wait3A_427 = arith.constant 0 : i32
        %dma_wait3A_428 = arith.constant 0 : i32
        %dma_wait3A_429 = tpu.memref_slice %arg3[%select_n3A_69, %dma_wait3A_427, %dma_wait3A_428] : memref<5120x2x64xi32, #tpu.memory_space<hbm>> -> memref<1x2x64xi32, #tpu.memory_space<hbm>>
        %dma_wait3A_430 = tpu.memref_squeeze %dma_wait3A_429 : memref<1x2x64xi32, #tpu.memory_space<hbm>> -> memref<2x64xi32, #tpu.memory_space<hbm>>
        %dma_wait3A_431 = tpu.memref_slice %arg8[%dma_wait3A_422] : memref<4x!tpu.dma_semaphore, #tpu.memory_space<semaphore_mem>> -> memref<1x!tpu.dma_semaphore, #tpu.memory_space<semaphore_mem>>
        %dma_wait3A_432 = tpu.memref_squeeze %dma_wait3A_431 : memref<1x!tpu.dma_semaphore, #tpu.memory_space<semaphore_mem>> -> memref<!tpu.dma_semaphore, #tpu.memory_space<semaphore_mem>>
        %dma_wait3A_433 = arith.constant 0 : i32
        %dma_wait3A_434 = arith.constant 0 : i32
        %dma_wait3A_435 = tpu.memref_slice %arg5[%dma_wait3A_421, %dma_wait3A_433, %dma_wait3A_434] : memref<4x2x64xi32, #tpu.memory_space<vmem>> -> memref<1x2x64xi32, #tpu.memory_space<vmem>>
        %dma_wait3A_436 = tpu.memref_squeeze %dma_wait3A_435 : memref<1x2x64xi32, #tpu.memory_space<vmem>> -> memref<2x64xi32, #tpu.memory_space<vmem>>
        %dma_wait3A_437 = arith.constant 0 : i32
        %dma_wait3A_438 = arith.constant 0 : i32
        %dma_wait3A_439 = tpu.memref_slice %arg3[%select_n3A_69, %dma_wait3A_437, %dma_wait3A_438] : memref<5120x2x64xi32, #tpu.memory_space<hbm>> -> memref<1x2x64xi32, #tpu.memory_space<hbm>>
        %dma_wait3A_440 = tpu.memref_squeeze %dma_wait3A_439 : memref<1x2x64xi32, #tpu.memory_space<hbm>> -> memref<2x64xi32, #tpu.memory_space<hbm>>
        tpu.wait_dma2 semaphore(%dma_wait3A_432 : memref<!tpu.dma_semaphore, #tpu.memory_space<semaphore_mem>>) src(%dma_wait3A_440 : memref<2x64xi32, #tpu.memory_space<hbm>>) dst(%dma_wait3A_436 : memref<2x64xi32, #tpu.memory_space<vmem>>)
        %dma_start3A_441 = arith.constant 3 : i32
        %dma_start3A_442 = arith.constant 0 : i32
        %dma_start3A_443 = arith.constant 3 : i32
        %dma_start3A_444 = arith.constant 3 : i32
        %dma_start3A_445 = arith.constant 0 : i32
        %dma_start3A_446 = arith.constant 0 : i32
        %dma_start3A_447 = tpu.memref_slice %arg6[%dma_start3A_443, %dma_start3A_445, %dma_start3A_446] : memref<4x64x128xf32, #tpu.memory_space<vmem>> -> memref<1x64x128xf32, #tpu.memory_space<vmem>>
        %dma_start3A_448 = tpu.memref_squeeze %dma_start3A_447 : memref<1x64x128xf32, #tpu.memory_space<vmem>> -> memref<64x128xf32, #tpu.memory_space<vmem>>
        %dma_start3A_449 = arith.constant 0 : i32
        %dma_start3A_450 = tpu.memref_slice %arg5[%dma_start3A_441, %dma_start3A_442, %dma_start3A_449] : memref<4x2x64xi32, #tpu.memory_space<vmem>> -> memref<1x1x64xi32, #tpu.memory_space<vmem>>
        %dma_start3A_451 = tpu.memref_squeeze %dma_start3A_450 : memref<1x1x64xi32, #tpu.memory_space<vmem>> -> memref<64xi32, #tpu.memory_space<vmem>>
        %dma_start3A_452 = arith.constant 0 : i32
        %dma_start3A_453 = arith.constant 0 : i32
        %dma_start3A_454 = tpu.memref_slice %arg2[%dma_start3A_452, %dma_start3A_453] : memref<10000x128xf32, #tpu.memory_space<hbm>> -> memref<10000x128xf32, #tpu.memory_space<hbm>>
        %dma_start3A_455 = tpu.memref_slice %arg9[%dma_start3A_444] : memref<4x!tpu.dma_semaphore, #tpu.memory_space<semaphore_mem>> -> memref<1x!tpu.dma_semaphore, #tpu.memory_space<semaphore_mem>>
        %dma_start3A_456 = tpu.memref_squeeze %dma_start3A_455 : memref<1x!tpu.dma_semaphore, #tpu.memory_space<semaphore_mem>> -> memref<!tpu.dma_semaphore, #tpu.memory_space<semaphore_mem>>
        tpu.enqueue_indirect_dma source(%dma_start3A_454 : memref<10000x128xf32, #tpu.memory_space<hbm>>) target(%dma_start3A_448 : memref<64x128xf32, #tpu.memory_space<vmem>>) offsets(%dma_start3A_451 : memref<64xi32, #tpu.memory_space<vmem>>) semaphore(%dma_start3A_456 : memref<!tpu.dma_semaphore, #tpu.memory_space<semaphore_mem>>)
      } else {
      }
      %dma_wait3A_336 = arith.constant 2 : i32
      %dma_wait3A_337 = arith.constant 0 : i32
      %dma_wait3A_338 = arith.constant 2 : i32
      %dma_wait3A_339 = arith.constant 2 : i32
      %dma_wait3A_340 = arith.constant 0 : i32
      %dma_wait3A_341 = arith.constant 0 : i32
      %dma_wait3A_342 = tpu.memref_slice %arg6[%dma_wait3A_338, %dma_wait3A_340, %dma_wait3A_341] : memref<4x64x128xf32, #tpu.memory_space<vmem>> -> memref<1x64x128xf32, #tpu.memory_space<vmem>>
      %dma_wait3A_343 = tpu.memref_squeeze %dma_wait3A_342 : memref<1x64x128xf32, #tpu.memory_space<vmem>> -> memref<64x128xf32, #tpu.memory_space<vmem>>
      %dma_wait3A_344 = arith.constant 0 : i32
      %dma_wait3A_345 = tpu.memref_slice %arg5[%dma_wait3A_336, %dma_wait3A_337, %dma_wait3A_344] : memref<4x2x64xi32, #tpu.memory_space<vmem>> -> memref<1x1x64xi32, #tpu.memory_space<vmem>>
      %dma_wait3A_346 = tpu.memref_squeeze %dma_wait3A_345 : memref<1x1x64xi32, #tpu.memory_space<vmem>> -> memref<64xi32, #tpu.memory_space<vmem>>
      %dma_wait3A_347 = arith.constant 0 : i32
      %dma_wait3A_348 = arith.constant 0 : i32
      %dma_wait3A_349 = tpu.memref_slice %arg2[%dma_wait3A_347, %dma_wait3A_348] : memref<10000x128xf32, #tpu.memory_space<hbm>> -> memref<10000x128xf32, #tpu.memory_space<hbm>>
      %dma_wait3A_350 = tpu.memref_slice %arg9[%dma_wait3A_339] : memref<4x!tpu.dma_semaphore, #tpu.memory_space<semaphore_mem>> -> memref<1x!tpu.dma_semaphore, #tpu.memory_space<semaphore_mem>>
      %dma_wait3A_351 = tpu.memref_squeeze %dma_wait3A_350 : memref<1x!tpu.dma_semaphore, #tpu.memory_space<semaphore_mem>> -> memref<!tpu.dma_semaphore, #tpu.memory_space<semaphore_mem>>
      tpu.wait_indirect_dma semaphore(%dma_wait3A_351 : memref<!tpu.dma_semaphore, #tpu.memory_space<semaphore_mem>>) src(%dma_wait3A_349 : memref<10000x128xf32, #tpu.memory_space<hbm>>) dst(%dma_wait3A_343 : memref<64x128xf32, #tpu.memory_space<vmem>>)
      %dma_start3A_352 = arith.constant 2 : i32
      %dma_start3A_353 = arith.constant 2 : i32
      %dma_start3A_354 = arith.constant 1 : i32
      %dma_start3A_355 = arith.constant 2 : i32
      %dma_start3A_356 = arith.constant 0 : i32
      %dma_start3A_357 = arith.constant 0 : i32
      %dma_start3A_358 = tpu.memref_slice %arg6[%dma_start3A_352, %dma_start3A_356, %dma_start3A_357] : memref<4x64x128xf32, #tpu.memory_space<vmem>> -> memref<1x64x128xf32, #tpu.memory_space<vmem>>
      %dma_start3A_359 = tpu.memref_squeeze %dma_start3A_358 : memref<1x64x128xf32, #tpu.memory_space<vmem>> -> memref<64x128xf32, #tpu.memory_space<vmem>>
      %dma_start3A_360 = arith.constant 0 : i32
      %dma_start3A_361 = tpu.memref_slice %arg5[%dma_start3A_353, %dma_start3A_354, %dma_start3A_360] : memref<4x2x64xi32, #tpu.memory_space<vmem>> -> memref<1x1x64xi32, #tpu.memory_space<vmem>>
      %dma_start3A_362 = tpu.memref_squeeze %dma_start3A_361 : memref<1x1x64xi32, #tpu.memory_space<vmem>> -> memref<64xi32, #tpu.memory_space<vmem>>
      %dma_start3A_363 = arith.constant 0 : i32
      %dma_start3A_364 = arith.constant 0 : i32
      %dma_start3A_365 = tpu.memref_slice %arg7[%dma_start3A_363, %dma_start3A_364] : memref<10240x128xf32, #tpu.memory_space<vmem_shared>> -> memref<10240x128xf32, #tpu.memory_space<vmem_shared>>
      %dma_start3A_366 = tpu.memref_slice %arg10[%dma_start3A_355] : memref<4x!tpu.dma_semaphore, #tpu.memory_space<semaphore_mem>> -> memref<1x!tpu.dma_semaphore, #tpu.memory_space<semaphore_mem>>
      %dma_start3A_367 = tpu.memref_squeeze %dma_start3A_366 : memref<1x!tpu.dma_semaphore, #tpu.memory_space<semaphore_mem>> -> memref<!tpu.dma_semaphore, #tpu.memory_space<semaphore_mem>>
      tpu.enqueue_indirect_dma source(%dma_start3A_359 : memref<64x128xf32, #tpu.memory_space<vmem>>) target(%dma_start3A_365 : memref<10240x128xf32, #tpu.memory_space<vmem_shared>>) offsets(%dma_start3A_362 : memref<64xi32, #tpu.memory_space<vmem>>) semaphore(%dma_start3A_367 : memref<!tpu.dma_semaphore, #tpu.memory_space<semaphore_mem>>) {add = true}
      %mul3A_368 = arith.constant 4 : i32
      %mul3A_369 = arith.muli %mul3A_368, %while3A_212 : i32
      %add3A_370 = arith.constant 3 : i32
      %add3A_371 = arith.addi %mul3A_369, %add3A_370 : i32
      %ge3A_372 = arith.constant 2 : i32
      %ge3A_373 = arith.cmpi sge, %add3A_371, %ge3A_372 : i32
      %convert_element_type3A_374 = arith.extui %ge3A_373 : i1 to i32
      %cond3A_375 = arith.constant 0 : i32
      %cond3A_376 = arith.cmpi ne, %convert_element_type3A_374, %cond3A_375 : i32
      scf.if %cond3A_376 {
        %dma_wait3A_421 = arith.constant 1 : i32
        %dma_wait3A_422 = arith.constant 1 : i32
        %dma_wait3A_423 = arith.constant 1 : i32
        %dma_wait3A_424 = arith.constant 1 : i32
        %dma_wait3A_425 = arith.constant 0 : i32
        %dma_wait3A_426 = arith.constant 0 : i32
        %dma_wait3A_427 = tpu.memref_slice %arg6[%dma_wait3A_421, %dma_wait3A_425, %dma_wait3A_426] : memref<4x64x128xf32, #tpu.memory_space<vmem>> -> memref<1x64x128xf32, #tpu.memory_space<vmem>>
        %dma_wait3A_428 = tpu.memref_squeeze %dma_wait3A_427 : memref<1x64x128xf32, #tpu.memory_space<vmem>> -> memref<64x128xf32, #tpu.memory_space<vmem>>
        %dma_wait3A_429 = arith.constant 0 : i32
        %dma_wait3A_430 = tpu.memref_slice %arg5[%dma_wait3A_422, %dma_wait3A_423, %dma_wait3A_429] : memref<4x2x64xi32, #tpu.memory_space<vmem>> -> memref<1x1x64xi32, #tpu.memory_space<vmem>>
        %dma_wait3A_431 = tpu.memref_squeeze %dma_wait3A_430 : memref<1x1x64xi32, #tpu.memory_space<vmem>> -> memref<64xi32, #tpu.memory_space<vmem>>
        %dma_wait3A_432 = arith.constant 0 : i32
        %dma_wait3A_433 = arith.constant 0 : i32
        %dma_wait3A_434 = tpu.memref_slice %arg7[%dma_wait3A_432, %dma_wait3A_433] : memref<10240x128xf32, #tpu.memory_space<vmem_shared>> -> memref<10240x128xf32, #tpu.memory_space<vmem_shared>>
        %dma_wait3A_435 = tpu.memref_slice %arg10[%dma_wait3A_424] : memref<4x!tpu.dma_semaphore, #tpu.memory_space<semaphore_mem>> -> memref<1x!tpu.dma_semaphore, #tpu.memory_space<semaphore_mem>>
        %dma_wait3A_436 = tpu.memref_squeeze %dma_wait3A_435 : memref<1x!tpu.dma_semaphore, #tpu.memory_space<semaphore_mem>> -> memref<!tpu.dma_semaphore, #tpu.memory_space<semaphore_mem>>
        tpu.wait_indirect_dma semaphore(%dma_wait3A_436 : memref<!tpu.dma_semaphore, #tpu.memory_space<semaphore_mem>>) src(%dma_wait3A_428 : memref<64x128xf32, #tpu.memory_space<vmem>>) dst(%dma_wait3A_434 : memref<10240x128xf32, #tpu.memory_space<vmem_shared>>)
      } else {
      }
      %add3A_377 = arith.constant 2 : i32
      %add3A_378 = arith.addi %add3A_371, %add3A_377 : i32
      %lt3A_379 = arith.cmpi slt, %add3A_378, %select_n3A : i32
      %convert_element_type3A_380 = arith.extui %lt3A_379 : i1 to i32
      %cond3A_381 = arith.constant 0 : i32
      %cond3A_382 = arith.cmpi ne, %convert_element_type3A_380, %cond3A_381 : i32
      scf.if %cond3A_382 {
        %add3A_421 = arith.constant 2 : i32
        %add3A_422 = arith.addi %add3A_371, %add3A_421 : i32
        %add3A_423 = arith.addi %select_n3A_69, %add3A_422 : i32
        %dma_start3A_424 = arith.constant 1 : i32
        %dma_start3A_425 = arith.constant 1 : i32
        %dma_start3A_426 = arith.constant 0 : i32
        %dma_start3A_427 = arith.constant 0 : i32
        %dma_start3A_428 = tpu.memref_slice %arg5[%dma_start3A_424, %dma_start3A_426, %dma_start3A_427] : memref<4x2x64xi32, #tpu.memory_space<vmem>> -> memref<1x2x64xi32, #tpu.memory_space<vmem>>
        %dma_start3A_429 = tpu.memref_squeeze %dma_start3A_428 : memref<1x2x64xi32, #tpu.memory_space<vmem>> -> memref<2x64xi32, #tpu.memory_space<vmem>>
        %dma_start3A_430 = arith.constant 0 : i32
        %dma_start3A_431 = arith.constant 0 : i32
        %dma_start3A_432 = tpu.memref_slice %arg3[%add3A_423, %dma_start3A_430, %dma_start3A_431] : memref<5120x2x64xi32, #tpu.memory_space<hbm>> -> memref<1x2x64xi32, #tpu.memory_space<hbm>>
        %dma_start3A_433 = tpu.memref_squeeze %dma_start3A_432 : memref<1x2x64xi32, #tpu.memory_space<hbm>> -> memref<2x64xi32, #tpu.memory_space<hbm>>
        %dma_start3A_434 = tpu.memref_slice %arg8[%dma_start3A_425] : memref<4x!tpu.dma_semaphore, #tpu.memory_space<semaphore_mem>> -> memref<1x!tpu.dma_semaphore, #tpu.memory_space<semaphore_mem>>
        %dma_start3A_435 = tpu.memref_squeeze %dma_start3A_434 : memref<1x!tpu.dma_semaphore, #tpu.memory_space<semaphore_mem>> -> memref<!tpu.dma_semaphore, #tpu.memory_space<semaphore_mem>>
        %dma_start3A_436 = arith.constant 0 : i32
        %dma_start3A_437 = arith.constant 0 : i32
        %dma_start3A_438 = tpu.memref_slice %arg5[%dma_start3A_424, %dma_start3A_436, %dma_start3A_437] : memref<4x2x64xi32, #tpu.memory_space<vmem>> -> memref<1x2x64xi32, #tpu.memory_space<vmem>>
        %dma_start3A_439 = tpu.memref_squeeze %dma_start3A_438 : memref<1x2x64xi32, #tpu.memory_space<vmem>> -> memref<2x64xi32, #tpu.memory_space<vmem>>
        %dma_start3A_440 = arith.constant 0 : i32
        %dma_start3A_441 = arith.constant 0 : i32
        %dma_start3A_442 = tpu.memref_slice %arg3[%add3A_423, %dma_start3A_440, %dma_start3A_441] : memref<5120x2x64xi32, #tpu.memory_space<hbm>> -> memref<1x2x64xi32, #tpu.memory_space<hbm>>
        %dma_start3A_443 = tpu.memref_squeeze %dma_start3A_442 : memref<1x2x64xi32, #tpu.memory_space<hbm>> -> memref<2x64xi32, #tpu.memory_space<hbm>>
        tpu.enqueue_dma source(%dma_start3A_443 : memref<2x64xi32, #tpu.memory_space<hbm>>) target(%dma_start3A_439 : memref<2x64xi32, #tpu.memory_space<vmem>>) target_semaphore(%dma_start3A_435 : memref<!tpu.dma_semaphore, #tpu.memory_space<semaphore_mem>>)
      } else {
      }
      %add3A_383 = arith.constant 1 : i32
      %add3A_384 = arith.addi %add3A_371, %add3A_383 : i32
      %lt3A_385 = arith.cmpi slt, %add3A_384, %select_n3A : i32
      %convert_element_type3A_386 = arith.extui %lt3A_385 : i1 to i32
      %cond3A_387 = arith.constant 0 : i32
      %cond3A_388 = arith.cmpi ne, %convert_element_type3A_386, %cond3A_387 : i32
      scf.if %cond3A_388 {
        %dma_wait3A_421 = arith.constant 0 : i32
        %dma_wait3A_422 = arith.constant 0 : i32
        %dma_wait3A_423 = arith.constant 0 : i32
        %dma_wait3A_424 = arith.constant 0 : i32
        %dma_wait3A_425 = tpu.memref_slice %arg5[%dma_wait3A_421, %dma_wait3A_423, %dma_wait3A_424] : memref<4x2x64xi32, #tpu.memory_space<vmem>> -> memref<1x2x64xi32, #tpu.memory_space<vmem>>
        %dma_wait3A_426 = tpu.memref_squeeze %dma_wait3A_425 : memref<1x2x64xi32, #tpu.memory_space<vmem>> -> memref<2x64xi32, #tpu.memory_space<vmem>>
        %dma_wait3A_427 = arith.constant 0 : i32
        %dma_wait3A_428 = arith.constant 0 : i32
        %dma_wait3A_429 = tpu.memref_slice %arg3[%select_n3A_69, %dma_wait3A_427, %dma_wait3A_428] : memref<5120x2x64xi32, #tpu.memory_space<hbm>> -> memref<1x2x64xi32, #tpu.memory_space<hbm>>
        %dma_wait3A_430 = tpu.memref_squeeze %dma_wait3A_429 : memref<1x2x64xi32, #tpu.memory_space<hbm>> -> memref<2x64xi32, #tpu.memory_space<hbm>>
        %dma_wait3A_431 = tpu.memref_slice %arg8[%dma_wait3A_422] : memref<4x!tpu.dma_semaphore, #tpu.memory_space<semaphore_mem>> -> memref<1x!tpu.dma_semaphore, #tpu.memory_space<semaphore_mem>>
        %dma_wait3A_432 = tpu.memref_squeeze %dma_wait3A_431 : memref<1x!tpu.dma_semaphore, #tpu.memory_space<semaphore_mem>> -> memref<!tpu.dma_semaphore, #tpu.memory_space<semaphore_mem>>
        %dma_wait3A_433 = arith.constant 0 : i32
        %dma_wait3A_434 = arith.constant 0 : i32
        %dma_wait3A_435 = tpu.memref_slice %arg5[%dma_wait3A_421, %dma_wait3A_433, %dma_wait3A_434] : memref<4x2x64xi32, #tpu.memory_space<vmem>> -> memref<1x2x64xi32, #tpu.memory_space<vmem>>
        %dma_wait3A_436 = tpu.memref_squeeze %dma_wait3A_435 : memref<1x2x64xi32, #tpu.memory_space<vmem>> -> memref<2x64xi32, #tpu.memory_space<vmem>>
        %dma_wait3A_437 = arith.constant 0 : i32
        %dma_wait3A_438 = arith.constant 0 : i32
        %dma_wait3A_439 = tpu.memref_slice %arg3[%select_n3A_69, %dma_wait3A_437, %dma_wait3A_438] : memref<5120x2x64xi32, #tpu.memory_space<hbm>> -> memref<1x2x64xi32, #tpu.memory_space<hbm>>
        %dma_wait3A_440 = tpu.memref_squeeze %dma_wait3A_439 : memref<1x2x64xi32, #tpu.memory_space<hbm>> -> memref<2x64xi32, #tpu.memory_space<hbm>>
        tpu.wait_dma2 semaphore(%dma_wait3A_432 : memref<!tpu.dma_semaphore, #tpu.memory_space<semaphore_mem>>) src(%dma_wait3A_440 : memref<2x64xi32, #tpu.memory_space<hbm>>) dst(%dma_wait3A_436 : memref<2x64xi32, #tpu.memory_space<vmem>>)
        %dma_start3A_441 = arith.constant 0 : i32
        %dma_start3A_442 = arith.constant 0 : i32
        %dma_start3A_443 = arith.constant 0 : i32
        %dma_start3A_444 = arith.constant 0 : i32
        %dma_start3A_445 = arith.constant 0 : i32
        %dma_start3A_446 = arith.constant 0 : i32
        %dma_start3A_447 = tpu.memref_slice %arg6[%dma_start3A_443, %dma_start3A_445, %dma_start3A_446] : memref<4x64x128xf32, #tpu.memory_space<vmem>> -> memref<1x64x128xf32, #tpu.memory_space<vmem>>
        %dma_start3A_448 = tpu.memref_squeeze %dma_start3A_447 : memref<1x64x128xf32, #tpu.memory_space<vmem>> -> memref<64x128xf32, #tpu.memory_space<vmem>>
        %dma_start3A_449 = arith.constant 0 : i32
        %dma_start3A_450 = tpu.memref_slice %arg5[%dma_start3A_441, %dma_start3A_442, %dma_start3A_449] : memref<4x2x64xi32, #tpu.memory_space<vmem>> -> memref<1x1x64xi32, #tpu.memory_space<vmem>>
        %dma_start3A_451 = tpu.memref_squeeze %dma_start3A_450 : memref<1x1x64xi32, #tpu.memory_space<vmem>> -> memref<64xi32, #tpu.memory_space<vmem>>
        %dma_start3A_452 = arith.constant 0 : i32
        %dma_start3A_453 = arith.constant 0 : i32
        %dma_start3A_454 = tpu.memref_slice %arg2[%dma_start3A_452, %dma_start3A_453] : memref<10000x128xf32, #tpu.memory_space<hbm>> -> memref<10000x128xf32, #tpu.memory_space<hbm>>
        %dma_start3A_455 = tpu.memref_slice %arg9[%dma_start3A_444] : memref<4x!tpu.dma_semaphore, #tpu.memory_space<semaphore_mem>> -> memref<1x!tpu.dma_semaphore, #tpu.memory_space<semaphore_mem>>
        %dma_start3A_456 = tpu.memref_squeeze %dma_start3A_455 : memref<1x!tpu.dma_semaphore, #tpu.memory_space<semaphore_mem>> -> memref<!tpu.dma_semaphore, #tpu.memory_space<semaphore_mem>>
        tpu.enqueue_indirect_dma source(%dma_start3A_454 : memref<10000x128xf32, #tpu.memory_space<hbm>>) target(%dma_start3A_448 : memref<64x128xf32, #tpu.memory_space<vmem>>) offsets(%dma_start3A_451 : memref<64xi32, #tpu.memory_space<vmem>>) semaphore(%dma_start3A_456 : memref<!tpu.dma_semaphore, #tpu.memory_space<semaphore_mem>>)
      } else {
      }
      %dma_wait3A_389 = arith.constant 3 : i32
      %dma_wait3A_390 = arith.constant 0 : i32
      %dma_wait3A_391 = arith.constant 3 : i32
      %dma_wait3A_392 = arith.constant 3 : i32
      %dma_wait3A_393 = arith.constant 0 : i32
      %dma_wait3A_394 = arith.constant 0 : i32
      %dma_wait3A_395 = tpu.memref_slice %arg6[%dma_wait3A_391, %dma_wait3A_393, %dma_wait3A_394] : memref<4x64x128xf32, #tpu.memory_space<vmem>> -> memref<1x64x128xf32, #tpu.memory_space<vmem>>
      %dma_wait3A_396 = tpu.memref_squeeze %dma_wait3A_395 : memref<1x64x128xf32, #tpu.memory_space<vmem>> -> memref<64x128xf32, #tpu.memory_space<vmem>>
      %dma_wait3A_397 = arith.constant 0 : i32
      %dma_wait3A_398 = tpu.memref_slice %arg5[%dma_wait3A_389, %dma_wait3A_390, %dma_wait3A_397] : memref<4x2x64xi32, #tpu.memory_space<vmem>> -> memref<1x1x64xi32, #tpu.memory_space<vmem>>
      %dma_wait3A_399 = tpu.memref_squeeze %dma_wait3A_398 : memref<1x1x64xi32, #tpu.memory_space<vmem>> -> memref<64xi32, #tpu.memory_space<vmem>>
      %dma_wait3A_400 = arith.constant 0 : i32
      %dma_wait3A_401 = arith.constant 0 : i32
      %dma_wait3A_402 = tpu.memref_slice %arg2[%dma_wait3A_400, %dma_wait3A_401] : memref<10000x128xf32, #tpu.memory_space<hbm>> -> memref<10000x128xf32, #tpu.memory_space<hbm>>
      %dma_wait3A_403 = tpu.memref_slice %arg9[%dma_wait3A_392] : memref<4x!tpu.dma_semaphore, #tpu.memory_space<semaphore_mem>> -> memref<1x!tpu.dma_semaphore, #tpu.memory_space<semaphore_mem>>
      %dma_wait3A_404 = tpu.memref_squeeze %dma_wait3A_403 : memref<1x!tpu.dma_semaphore, #tpu.memory_space<semaphore_mem>> -> memref<!tpu.dma_semaphore, #tpu.memory_space<semaphore_mem>>
      tpu.wait_indirect_dma semaphore(%dma_wait3A_404 : memref<!tpu.dma_semaphore, #tpu.memory_space<semaphore_mem>>) src(%dma_wait3A_402 : memref<10000x128xf32, #tpu.memory_space<hbm>>) dst(%dma_wait3A_396 : memref<64x128xf32, #tpu.memory_space<vmem>>)
      %dma_start3A_405 = arith.constant 3 : i32
      %dma_start3A_406 = arith.constant 3 : i32
      %dma_start3A_407 = arith.constant 1 : i32
      %dma_start3A_408 = arith.constant 3 : i32
      %dma_start3A_409 = arith.constant 0 : i32
      %dma_start3A_410 = arith.constant 0 : i32
      %dma_start3A_411 = tpu.memref_slice %arg6[%dma_start3A_405, %dma_start3A_409, %dma_start3A_410] : memref<4x64x128xf32, #tpu.memory_space<vmem>> -> memref<1x64x128xf32, #tpu.memory_space<vmem>>
      %dma_start3A_412 = tpu.memref_squeeze %dma_start3A_411 : memref<1x64x128xf32, #tpu.memory_space<vmem>> -> memref<64x128xf32, #tpu.memory_space<vmem>>
      %dma_start3A_413 = arith.constant 0 : i32
      %dma_start3A_414 = tpu.memref_slice %arg5[%dma_start3A_406, %dma_start3A_407, %dma_start3A_413] : memref<4x2x64xi32, #tpu.memory_space<vmem>> -> memref<1x1x64xi32, #tpu.memory_space<vmem>>
      %dma_start3A_415 = tpu.memref_squeeze %dma_start3A_414 : memref<1x1x64xi32, #tpu.memory_space<vmem>> -> memref<64xi32, #tpu.memory_space<vmem>>
      %dma_start3A_416 = arith.constant 0 : i32
      %dma_start3A_417 = arith.constant 0 : i32
      %dma_start3A_418 = tpu.memref_slice %arg7[%dma_start3A_416, %dma_start3A_417] : memref<10240x128xf32, #tpu.memory_space<vmem_shared>> -> memref<10240x128xf32, #tpu.memory_space<vmem_shared>>
      %dma_start3A_419 = tpu.memref_slice %arg10[%dma_start3A_408] : memref<4x!tpu.dma_semaphore, #tpu.memory_space<semaphore_mem>> -> memref<1x!tpu.dma_semaphore, #tpu.memory_space<semaphore_mem>>
      %dma_start3A_420 = tpu.memref_squeeze %dma_start3A_419 : memref<1x!tpu.dma_semaphore, #tpu.memory_space<semaphore_mem>> -> memref<!tpu.dma_semaphore, #tpu.memory_space<semaphore_mem>>
      tpu.enqueue_indirect_dma source(%dma_start3A_412 : memref<64x128xf32, #tpu.memory_space<vmem>>) target(%dma_start3A_418 : memref<10240x128xf32, #tpu.memory_space<vmem_shared>>) offsets(%dma_start3A_415 : memref<64xi32, #tpu.memory_space<vmem>>) semaphore(%dma_start3A_420 : memref<!tpu.dma_semaphore, #tpu.memory_space<semaphore_mem>>) {add = true}
    }
    %while3A_174 = arith.constant 1 : i32
    scf.for %while3A_212 = %while3A_172 to %while3A_168 step %while3A_174  : i32 {
      %mul3A_213 = arith.constant 4 : i32
      %mul3A_214 = arith.muli %mul3A_213, %while3A_212 : i32
      %add3A_215 = arith.constant 0 : i32
      %add3A_216 = arith.addi %mul3A_214, %add3A_215 : i32
      %ge3A = arith.constant 2 : i32
      %ge3A_217 = arith.cmpi sge, %add3A_216, %ge3A : i32
      %convert_element_type3A = arith.extui %ge3A_217 : i1 to i32
      %cond3A = arith.constant 0 : i32
      %cond3A_218 = arith.cmpi ne, %convert_element_type3A, %cond3A : i32
      scf.if %cond3A_218 {
        %dma_wait3A_421 = arith.constant 2 : i32
        %dma_wait3A_422 = arith.constant 2 : i32
        %dma_wait3A_423 = arith.constant 1 : i32
        %dma_wait3A_424 = arith.constant 2 : i32
        %dma_wait3A_425 = arith.constant 0 : i32
        %dma_wait3A_426 = arith.constant 0 : i32
        %dma_wait3A_427 = tpu.memref_slice %arg6[%dma_wait3A_421, %dma_wait3A_425, %dma_wait3A_426] : memref<4x64x128xf32, #tpu.memory_space<vmem>> -> memref<1x64x128xf32, #tpu.memory_space<vmem>>
        %dma_wait3A_428 = tpu.memref_squeeze %dma_wait3A_427 : memref<1x64x128xf32, #tpu.memory_space<vmem>> -> memref<64x128xf32, #tpu.memory_space<vmem>>
        %dma_wait3A_429 = arith.constant 0 : i32
        %dma_wait3A_430 = tpu.memref_slice %arg5[%dma_wait3A_422, %dma_wait3A_423, %dma_wait3A_429] : memref<4x2x64xi32, #tpu.memory_space<vmem>> -> memref<1x1x64xi32, #tpu.memory_space<vmem>>
        %dma_wait3A_431 = tpu.memref_squeeze %dma_wait3A_430 : memref<1x1x64xi32, #tpu.memory_space<vmem>> -> memref<64xi32, #tpu.memory_space<vmem>>
        %dma_wait3A_432 = arith.constant 0 : i32
        %dma_wait3A_433 = arith.constant 0 : i32
        %dma_wait3A_434 = tpu.memref_slice %arg7[%dma_wait3A_432, %dma_wait3A_433] : memref<10240x128xf32, #tpu.memory_space<vmem_shared>> -> memref<10240x128xf32, #tpu.memory_space<vmem_shared>>
        %dma_wait3A_435 = tpu.memref_slice %arg10[%dma_wait3A_424] : memref<4x!tpu.dma_semaphore, #tpu.memory_space<semaphore_mem>> -> memref<1x!tpu.dma_semaphore, #tpu.memory_space<semaphore_mem>>
        %dma_wait3A_436 = tpu.memref_squeeze %dma_wait3A_435 : memref<1x!tpu.dma_semaphore, #tpu.memory_space<semaphore_mem>> -> memref<!tpu.dma_semaphore, #tpu.memory_space<semaphore_mem>>
        tpu.wait_indirect_dma semaphore(%dma_wait3A_436 : memref<!tpu.dma_semaphore, #tpu.memory_space<semaphore_mem>>) src(%dma_wait3A_428 : memref<64x128xf32, #tpu.memory_space<vmem>>) dst(%dma_wait3A_434 : memref<10240x128xf32, #tpu.memory_space<vmem_shared>>)
      } else {
      }
      %add3A_219 = arith.constant 2 : i32
      %add3A_220 = arith.addi %add3A_216, %add3A_219 : i32
      %lt3A = arith.cmpi slt, %add3A_220, %select_n3A : i32
      %convert_element_type3A_221 = arith.extui %lt3A : i1 to i32
      %cond3A_222 = arith.constant 0 : i32
      %cond3A_223 = arith.cmpi ne, %convert_element_type3A_221, %cond3A_222 : i32
      scf.if %cond3A_223 {
        %add3A_421 = arith.constant 2 : i32
        %add3A_422 = arith.addi %add3A_216, %add3A_421 : i32
        %add3A_423 = arith.addi %select_n3A_69, %add3A_422 : i32
        %dma_start3A_424 = arith.constant 2 : i32
        %dma_start3A_425 = arith.constant 2 : i32
        %dma_start3A_426 = arith.constant 0 : i32
        %dma_start3A_427 = arith.constant 0 : i32
        %dma_start3A_428 = tpu.memref_slice %arg5[%dma_start3A_424, %dma_start3A_426, %dma_start3A_427] : memref<4x2x64xi32, #tpu.memory_space<vmem>> -> memref<1x2x64xi32, #tpu.memory_space<vmem>>
        %dma_start3A_429 = tpu.memref_squeeze %dma_start3A_428 : memref<1x2x64xi32, #tpu.memory_space<vmem>> -> memref<2x64xi32, #tpu.memory_space<vmem>>
        %dma_start3A_430 = arith.constant 0 : i32
        %dma_start3A_431 = arith.constant 0 : i32
        %dma_start3A_432 = tpu.memref_slice %arg3[%add3A_423, %dma_start3A_430, %dma_start3A_431] : memref<5120x2x64xi32, #tpu.memory_space<hbm>> -> memref<1x2x64xi32, #tpu.memory_space<hbm>>
        %dma_start3A_433 = tpu.memref_squeeze %dma_start3A_432 : memref<1x2x64xi32, #tpu.memory_space<hbm>> -> memref<2x64xi32, #tpu.memory_space<hbm>>
        %dma_start3A_434 = tpu.memref_slice %arg8[%dma_start3A_425] : memref<4x!tpu.dma_semaphore, #tpu.memory_space<semaphore_mem>> -> memref<1x!tpu.dma_semaphore, #tpu.memory_space<semaphore_mem>>
        %dma_start3A_435 = tpu.memref_squeeze %dma_start3A_434 : memref<1x!tpu.dma_semaphore, #tpu.memory_space<semaphore_mem>> -> memref<!tpu.dma_semaphore, #tpu.memory_space<semaphore_mem>>
        %dma_start3A_436 = arith.constant 0 : i32
        %dma_start3A_437 = arith.constant 0 : i32
        %dma_start3A_438 = tpu.memref_slice %arg5[%dma_start3A_424, %dma_start3A_436, %dma_start3A_437] : memref<4x2x64xi32, #tpu.memory_space<vmem>> -> memref<1x2x64xi32, #tpu.memory_space<vmem>>
        %dma_start3A_439 = tpu.memref_squeeze %dma_start3A_438 : memref<1x2x64xi32, #tpu.memory_space<vmem>> -> memref<2x64xi32, #tpu.memory_space<vmem>>
        %dma_start3A_440 = arith.constant 0 : i32
        %dma_start3A_441 = arith.constant 0 : i32
        %dma_start3A_442 = tpu.memref_slice %arg3[%add3A_423, %dma_start3A_440, %dma_start3A_441] : memref<5120x2x64xi32, #tpu.memory_space<hbm>> -> memref<1x2x64xi32, #tpu.memory_space<hbm>>
        %dma_start3A_443 = tpu.memref_squeeze %dma_start3A_442 : memref<1x2x64xi32, #tpu.memory_space<hbm>> -> memref<2x64xi32, #tpu.memory_space<hbm>>
        tpu.enqueue_dma source(%dma_start3A_443 : memref<2x64xi32, #tpu.memory_space<hbm>>) target(%dma_start3A_439 : memref<2x64xi32, #tpu.memory_space<vmem>>) target_semaphore(%dma_start3A_435 : memref<!tpu.dma_semaphore, #tpu.memory_space<semaphore_mem>>)
      } else {
      }
      %add3A_224 = arith.constant 1 : i32
      %add3A_225 = arith.addi %add3A_216, %add3A_224 : i32
      %lt3A_226 = arith.cmpi slt, %add3A_225, %select_n3A : i32
      %convert_element_type3A_227 = arith.extui %lt3A_226 : i1 to i32
      %cond3A_228 = arith.constant 0 : i32
      %cond3A_229 = arith.cmpi ne, %convert_element_type3A_227, %cond3A_228 : i32
      scf.if %cond3A_229 {
        %dma_wait3A_421 = arith.constant 1 : i32
        %dma_wait3A_422 = arith.constant 1 : i32
        %dma_wait3A_423 = arith.constant 0 : i32
        %dma_wait3A_424 = arith.constant 0 : i32
        %dma_wait3A_425 = tpu.memref_slice %arg5[%dma_wait3A_421, %dma_wait3A_423, %dma_wait3A_424] : memref<4x2x64xi32, #tpu.memory_space<vmem>> -> memref<1x2x64xi32, #tpu.memory_space<vmem>>
        %dma_wait3A_426 = tpu.memref_squeeze %dma_wait3A_425 : memref<1x2x64xi32, #tpu.memory_space<vmem>> -> memref<2x64xi32, #tpu.memory_space<vmem>>
        %dma_wait3A_427 = arith.constant 0 : i32
        %dma_wait3A_428 = arith.constant 0 : i32
        %dma_wait3A_429 = tpu.memref_slice %arg3[%select_n3A_69, %dma_wait3A_427, %dma_wait3A_428] : memref<5120x2x64xi32, #tpu.memory_space<hbm>> -> memref<1x2x64xi32, #tpu.memory_space<hbm>>
        %dma_wait3A_430 = tpu.memref_squeeze %dma_wait3A_429 : memref<1x2x64xi32, #tpu.memory_space<hbm>> -> memref<2x64xi32, #tpu.memory_space<hbm>>
        %dma_wait3A_431 = tpu.memref_slice %arg8[%dma_wait3A_422] : memref<4x!tpu.dma_semaphore, #tpu.memory_space<semaphore_mem>> -> memref<1x!tpu.dma_semaphore, #tpu.memory_space<semaphore_mem>>
        %dma_wait3A_432 = tpu.memref_squeeze %dma_wait3A_431 : memref<1x!tpu.dma_semaphore, #tpu.memory_space<semaphore_mem>> -> memref<!tpu.dma_semaphore, #tpu.memory_space<semaphore_mem>>
        %dma_wait3A_433 = arith.constant 0 : i32
        %dma_wait3A_434 = arith.constant 0 : i32
        %dma_wait3A_435 = tpu.memref_slice %arg5[%dma_wait3A_421, %dma_wait3A_433, %dma_wait3A_434] : memref<4x2x64xi32, #tpu.memory_space<vmem>> -> memref<1x2x64xi32, #tpu.memory_space<vmem>>
        %dma_wait3A_436 = tpu.memref_squeeze %dma_wait3A_435 : memref<1x2x64xi32, #tpu.memory_space<vmem>> -> memref<2x64xi32, #tpu.memory_space<vmem>>
        %dma_wait3A_437 = arith.constant 0 : i32
        %dma_wait3A_438 = arith.constant 0 : i32
        %dma_wait3A_439 = tpu.memref_slice %arg3[%select_n3A_69, %dma_wait3A_437, %dma_wait3A_438] : memref<5120x2x64xi32, #tpu.memory_space<hbm>> -> memref<1x2x64xi32, #tpu.memory_space<hbm>>
        %dma_wait3A_440 = tpu.memref_squeeze %dma_wait3A_439 : memref<1x2x64xi32, #tpu.memory_space<hbm>> -> memref<2x64xi32, #tpu.memory_space<hbm>>
        tpu.wait_dma2 semaphore(%dma_wait3A_432 : memref<!tpu.dma_semaphore, #tpu.memory_space<semaphore_mem>>) src(%dma_wait3A_440 : memref<2x64xi32, #tpu.memory_space<hbm>>) dst(%dma_wait3A_436 : memref<2x64xi32, #tpu.memory_space<vmem>>)
        %dma_start3A_441 = arith.constant 1 : i32
        %dma_start3A_442 = arith.constant 0 : i32
        %dma_start3A_443 = arith.constant 1 : i32
        %dma_start3A_444 = arith.constant 1 : i32
        %dma_start3A_445 = arith.constant 0 : i32
        %dma_start3A_446 = arith.constant 0 : i32
        %dma_start3A_447 = tpu.memref_slice %arg6[%dma_start3A_443, %dma_start3A_445, %dma_start3A_446] : memref<4x64x128xf32, #tpu.memory_space<vmem>> -> memref<1x64x128xf32, #tpu.memory_space<vmem>>
        %dma_start3A_448 = tpu.memref_squeeze %dma_start3A_447 : memref<1x64x128xf32, #tpu.memory_space<vmem>> -> memref<64x128xf32, #tpu.memory_space<vmem>>
        %dma_start3A_449 = arith.constant 0 : i32
        %dma_start3A_450 = tpu.memref_slice %arg5[%dma_start3A_441, %dma_start3A_442, %dma_start3A_449] : memref<4x2x64xi32, #tpu.memory_space<vmem>> -> memref<1x1x64xi32, #tpu.memory_space<vmem>>
        %dma_start3A_451 = tpu.memref_squeeze %dma_start3A_450 : memref<1x1x64xi32, #tpu.memory_space<vmem>> -> memref<64xi32, #tpu.memory_space<vmem>>
        %dma_start3A_452 = arith.constant 0 : i32
        %dma_start3A_453 = arith.constant 0 : i32
        %dma_start3A_454 = tpu.memref_slice %arg2[%dma_start3A_452, %dma_start3A_453] : memref<10000x128xf32, #tpu.memory_space<hbm>> -> memref<10000x128xf32, #tpu.memory_space<hbm>>
        %dma_start3A_455 = tpu.memref_slice %arg9[%dma_start3A_444] : memref<4x!tpu.dma_semaphore, #tpu.memory_space<semaphore_mem>> -> memref<1x!tpu.dma_semaphore, #tpu.memory_space<semaphore_mem>>
        %dma_start3A_456 = tpu.memref_squeeze %dma_start3A_455 : memref<1x!tpu.dma_semaphore, #tpu.memory_space<semaphore_mem>> -> memref<!tpu.dma_semaphore, #tpu.memory_space<semaphore_mem>>
        tpu.enqueue_indirect_dma source(%dma_start3A_454 : memref<10000x128xf32, #tpu.memory_space<hbm>>) target(%dma_start3A_448 : memref<64x128xf32, #tpu.memory_space<vmem>>) offsets(%dma_start3A_451 : memref<64xi32, #tpu.memory_space<vmem>>) semaphore(%dma_start3A_456 : memref<!tpu.dma_semaphore, #tpu.memory_space<semaphore_mem>>)
      } else {
      }
      %dma_wait3A_230 = arith.constant 0 : i32
      %dma_wait3A_231 = arith.constant 0 : i32
      %dma_wait3A_232 = arith.constant 0 : i32
      %dma_wait3A_233 = arith.constant 0 : i32
      %dma_wait3A_234 = arith.constant 0 : i32
      %dma_wait3A_235 = arith.constant 0 : i32
      %dma_wait3A_236 = tpu.memref_slice %arg6[%dma_wait3A_232, %dma_wait3A_234, %dma_wait3A_235] : memref<4x64x128xf32, #tpu.memory_space<vmem>> -> memref<1x64x128xf32, #tpu.memory_space<vmem>>
      %dma_wait3A_237 = tpu.memref_squeeze %dma_wait3A_236 : memref<1x64x128xf32, #tpu.memory_space<vmem>> -> memref<64x128xf32, #tpu.memory_space<vmem>>
      %dma_wait3A_238 = arith.constant 0 : i32
      %dma_wait3A_239 = tpu.memref_slice %arg5[%dma_wait3A_230, %dma_wait3A_231, %dma_wait3A_238] : memref<4x2x64xi32, #tpu.memory_space<vmem>> -> memref<1x1x64xi32, #tpu.memory_space<vmem>>
      %dma_wait3A_240 = tpu.memref_squeeze %dma_wait3A_239 : memref<1x1x64xi32, #tpu.memory_space<vmem>> -> memref<64xi32, #tpu.memory_space<vmem>>
      %dma_wait3A_241 = arith.constant 0 : i32
      %dma_wait3A_242 = arith.constant 0 : i32
      %dma_wait3A_243 = tpu.memref_slice %arg2[%dma_wait3A_241, %dma_wait3A_242] : memref<10000x128xf32, #tpu.memory_space<hbm>> -> memref<10000x128xf32, #tpu.memory_space<hbm>>
      %dma_wait3A_244 = tpu.memref_slice %arg9[%dma_wait3A_233] : memref<4x!tpu.dma_semaphore, #tpu.memory_space<semaphore_mem>> -> memref<1x!tpu.dma_semaphore, #tpu.memory_space<semaphore_mem>>
      %dma_wait3A_245 = tpu.memref_squeeze %dma_wait3A_244 : memref<1x!tpu.dma_semaphore, #tpu.memory_space<semaphore_mem>> -> memref<!tpu.dma_semaphore, #tpu.memory_space<semaphore_mem>>
      tpu.wait_indirect_dma semaphore(%dma_wait3A_245 : memref<!tpu.dma_semaphore, #tpu.memory_space<semaphore_mem>>) src(%dma_wait3A_243 : memref<10000x128xf32, #tpu.memory_space<hbm>>) dst(%dma_wait3A_237 : memref<64x128xf32, #tpu.memory_space<vmem>>)
      %dma_start3A_246 = arith.constant 0 : i32
      %dma_start3A_247 = arith.constant 0 : i32
      %dma_start3A_248 = arith.constant 1 : i32
      %dma_start3A_249 = arith.constant 0 : i32
      %dma_start3A_250 = arith.constant 0 : i32
      %dma_start3A_251 = arith.constant 0 : i32
      %dma_start3A_252 = tpu.memref_slice %arg6[%dma_start3A_246, %dma_start3A_250, %dma_start3A_251] : memref<4x64x128xf32, #tpu.memory_space<vmem>> -> memref<1x64x128xf32, #tpu.memory_space<vmem>>
      %dma_start3A_253 = tpu.memref_squeeze %dma_start3A_252 : memref<1x64x128xf32, #tpu.memory_space<vmem>> -> memref<64x128xf32, #tpu.memory_space<vmem>>
      %dma_start3A_254 = arith.constant 0 : i32
      %dma_start3A_255 = tpu.memref_slice %arg5[%dma_start3A_247, %dma_start3A_248, %dma_start3A_254] : memref<4x2x64xi32, #tpu.memory_space<vmem>> -> memref<1x1x64xi32, #tpu.memory_space<vmem>>
      %dma_start3A_256 = tpu.memref_squeeze %dma_start3A_255 : memref<1x1x64xi32, #tpu.memory_space<vmem>> -> memref<64xi32, #tpu.memory_space<vmem>>
      %dma_start3A_257 = arith.constant 0 : i32
      %dma_start3A_258 = arith.constant 0 : i32
      %dma_start3A_259 = tpu.memref_slice %arg7[%dma_start3A_257, %dma_start3A_258] : memref<10240x128xf32, #tpu.memory_space<vmem_shared>> -> memref<10240x128xf32, #tpu.memory_space<vmem_shared>>
      %dma_start3A_260 = tpu.memref_slice %arg10[%dma_start3A_249] : memref<4x!tpu.dma_semaphore, #tpu.memory_space<semaphore_mem>> -> memref<1x!tpu.dma_semaphore, #tpu.memory_space<semaphore_mem>>
      %dma_start3A_261 = tpu.memref_squeeze %dma_start3A_260 : memref<1x!tpu.dma_semaphore, #tpu.memory_space<semaphore_mem>> -> memref<!tpu.dma_semaphore, #tpu.memory_space<semaphore_mem>>
      tpu.enqueue_indirect_dma source(%dma_start3A_253 : memref<64x128xf32, #tpu.memory_space<vmem>>) target(%dma_start3A_259 : memref<10240x128xf32, #tpu.memory_space<vmem_shared>>) offsets(%dma_start3A_256 : memref<64xi32, #tpu.memory_space<vmem>>) semaphore(%dma_start3A_261 : memref<!tpu.dma_semaphore, #tpu.memory_space<semaphore_mem>>) {add = true}
      %mul3A_262 = arith.constant 4 : i32
      %mul3A_263 = arith.muli %mul3A_262, %while3A_212 : i32
      %add3A_264 = arith.constant 1 : i32
      %add3A_265 = arith.addi %mul3A_263, %add3A_264 : i32
      %ge3A_266 = arith.constant 2 : i32
      %ge3A_267 = arith.cmpi sge, %add3A_265, %ge3A_266 : i32
      %convert_element_type3A_268 = arith.extui %ge3A_267 : i1 to i32
      %cond3A_269 = arith.constant 0 : i32
      %cond3A_270 = arith.cmpi ne, %convert_element_type3A_268, %cond3A_269 : i32
      scf.if %cond3A_270 {
        %dma_wait3A_421 = arith.constant 3 : i32
        %dma_wait3A_422 = arith.constant 3 : i32
        %dma_wait3A_423 = arith.constant 1 : i32
        %dma_wait3A_424 = arith.constant 3 : i32
        %dma_wait3A_425 = arith.constant 0 : i32
        %dma_wait3A_426 = arith.constant 0 : i32
        %dma_wait3A_427 = tpu.memref_slice %arg6[%dma_wait3A_421, %dma_wait3A_425, %dma_wait3A_426] : memref<4x64x128xf32, #tpu.memory_space<vmem>> -> memref<1x64x128xf32, #tpu.memory_space<vmem>>
        %dma_wait3A_428 = tpu.memref_squeeze %dma_wait3A_427 : memref<1x64x128xf32, #tpu.memory_space<vmem>> -> memref<64x128xf32, #tpu.memory_space<vmem>>
        %dma_wait3A_429 = arith.constant 0 : i32
        %dma_wait3A_430 = tpu.memref_slice %arg5[%dma_wait3A_422, %dma_wait3A_423, %dma_wait3A_429] : memref<4x2x64xi32, #tpu.memory_space<vmem>> -> memref<1x1x64xi32, #tpu.memory_space<vmem>>
        %dma_wait3A_431 = tpu.memref_squeeze %dma_wait3A_430 : memref<1x1x64xi32, #tpu.memory_space<vmem>> -> memref<64xi32, #tpu.memory_space<vmem>>
        %dma_wait3A_432 = arith.constant 0 : i32
        %dma_wait3A_433 = arith.constant 0 : i32
        %dma_wait3A_434 = tpu.memref_slice %arg7[%dma_wait3A_432, %dma_wait3A_433] : memref<10240x128xf32, #tpu.memory_space<vmem_shared>> -> memref<10240x128xf32, #tpu.memory_space<vmem_shared>>
        %dma_wait3A_435 = tpu.memref_slice %arg10[%dma_wait3A_424] : memref<4x!tpu.dma_semaphore, #tpu.memory_space<semaphore_mem>> -> memref<1x!tpu.dma_semaphore, #tpu.memory_space<semaphore_mem>>
        %dma_wait3A_436 = tpu.memref_squeeze %dma_wait3A_435 : memref<1x!tpu.dma_semaphore, #tpu.memory_space<semaphore_mem>> -> memref<!tpu.dma_semaphore, #tpu.memory_space<semaphore_mem>>
        tpu.wait_indirect_dma semaphore(%dma_wait3A_436 : memref<!tpu.dma_semaphore, #tpu.memory_space<semaphore_mem>>) src(%dma_wait3A_428 : memref<64x128xf32, #tpu.memory_space<vmem>>) dst(%dma_wait3A_434 : memref<10240x128xf32, #tpu.memory_space<vmem_shared>>)
      } else {
      }
      %add3A_271 = arith.constant 2 : i32
      %add3A_272 = arith.addi %add3A_265, %add3A_271 : i32
      %lt3A_273 = arith.cmpi slt, %add3A_272, %select_n3A : i32
      %convert_element_type3A_274 = arith.extui %lt3A_273 : i1 to i32
      %cond3A_275 = arith.constant 0 : i32
      %cond3A_276 = arith.cmpi ne, %convert_element_type3A_274, %cond3A_275 : i32
      scf.if %cond3A_276 {
        %add3A_421 = arith.constant 2 : i32
        %add3A_422 = arith.addi %add3A_265, %add3A_421 : i32
        %add3A_423 = arith.addi %select_n3A_69, %add3A_422 : i32
        %dma_start3A_424 = arith.constant 3 : i32
        %dma_start3A_425 = arith.constant 3 : i32
        %dma_start3A_426 = arith.constant 0 : i32
        %dma_start3A_427 = arith.constant 0 : i32
        %dma_start3A_428 = tpu.memref_slice %arg5[%dma_start3A_424, %dma_start3A_426, %dma_start3A_427] : memref<4x2x64xi32, #tpu.memory_space<vmem>> -> memref<1x2x64xi32, #tpu.memory_space<vmem>>
        %dma_start3A_429 = tpu.memref_squeeze %dma_start3A_428 : memref<1x2x64xi32, #tpu.memory_space<vmem>> -> memref<2x64xi32, #tpu.memory_space<vmem>>
        %dma_start3A_430 = arith.constant 0 : i32
        %dma_start3A_431 = arith.constant 0 : i32
        %dma_start3A_432 = tpu.memref_slice %arg3[%add3A_423, %dma_start3A_430, %dma_start3A_431] : memref<5120x2x64xi32, #tpu.memory_space<hbm>> -> memref<1x2x64xi32, #tpu.memory_space<hbm>>
        %dma_start3A_433 = tpu.memref_squeeze %dma_start3A_432 : memref<1x2x64xi32, #tpu.memory_space<hbm>> -> memref<2x64xi32, #tpu.memory_space<hbm>>
        %dma_start3A_434 = tpu.memref_slice %arg8[%dma_start3A_425] : memref<4x!tpu.dma_semaphore, #tpu.memory_space<semaphore_mem>> -> memref<1x!tpu.dma_semaphore, #tpu.memory_space<semaphore_mem>>
        %dma_start3A_435 = tpu.memref_squeeze %dma_start3A_434 : memref<1x!tpu.dma_semaphore, #tpu.memory_space<semaphore_mem>> -> memref<!tpu.dma_semaphore, #tpu.memory_space<semaphore_mem>>
        %dma_start3A_436 = arith.constant 0 : i32
        %dma_start3A_437 = arith.constant 0 : i32
        %dma_start3A_438 = tpu.memref_slice %arg5[%dma_start3A_424, %dma_start3A_436, %dma_start3A_437] : memref<4x2x64xi32, #tpu.memory_space<vmem>> -> memref<1x2x64xi32, #tpu.memory_space<vmem>>
        %dma_start3A_439 = tpu.memref_squeeze %dma_start3A_438 : memref<1x2x64xi32, #tpu.memory_space<vmem>> -> memref<2x64xi32, #tpu.memory_space<vmem>>
        %dma_start3A_440 = arith.constant 0 : i32
        %dma_start3A_441 = arith.constant 0 : i32
        %dma_start3A_442 = tpu.memref_slice %arg3[%add3A_423, %dma_start3A_440, %dma_start3A_441] : memref<5120x2x64xi32, #tpu.memory_space<hbm>> -> memref<1x2x64xi32, #tpu.memory_space<hbm>>
        %dma_start3A_443 = tpu.memref_squeeze %dma_start3A_442 : memref<1x2x64xi32, #tpu.memory_space<hbm>> -> memref<2x64xi32, #tpu.memory_space<hbm>>
        tpu.enqueue_dma source(%dma_start3A_443 : memref<2x64xi32, #tpu.memory_space<hbm>>) target(%dma_start3A_439 : memref<2x64xi32, #tpu.memory_space<vmem>>) target_semaphore(%dma_start3A_435 : memref<!tpu.dma_semaphore, #tpu.memory_space<semaphore_mem>>)
      } else {
      }
      %add3A_277 = arith.constant 1 : i32
      %add3A_278 = arith.addi %add3A_265, %add3A_277 : i32
      %lt3A_279 = arith.cmpi slt, %add3A_278, %select_n3A : i32
      %convert_element_type3A_280 = arith.extui %lt3A_279 : i1 to i32
      %cond3A_281 = arith.constant 0 : i32
      %cond3A_282 = arith.cmpi ne, %convert_element_type3A_280, %cond3A_281 : i32
      scf.if %cond3A_282 {
        %dma_wait3A_421 = arith.constant 2 : i32
        %dma_wait3A_422 = arith.constant 2 : i32
        %dma_wait3A_423 = arith.constant 0 : i32
        %dma_wait3A_424 = arith.constant 0 : i32
        %dma_wait3A_425 = tpu.memref_slice %arg5[%dma_wait3A_421, %dma_wait3A_423, %dma_wait3A_424] : memref<4x2x64xi32, #tpu.memory_space<vmem>> -> memref<1x2x64xi32, #tpu.memory_space<vmem>>
        %dma_wait3A_426 = tpu.memref_squeeze %dma_wait3A_425 : memref<1x2x64xi32, #tpu.memory_space<vmem>> -> memref<2x64xi32, #tpu.memory_space<vmem>>
        %dma_wait3A_427 = arith.constant 0 : i32
        %dma_wait3A_428 = arith.constant 0 : i32
        %dma_wait3A_429 = tpu.memref_slice %arg3[%select_n3A_69, %dma_wait3A_427, %dma_wait3A_428] : memref<5120x2x64xi32, #tpu.memory_space<hbm>> -> memref<1x2x64xi32, #tpu.memory_space<hbm>>
        %dma_wait3A_430 = tpu.memref_squeeze %dma_wait3A_429 : memref<1x2x64xi32, #tpu.memory_space<hbm>> -> memref<2x64xi32, #tpu.memory_space<hbm>>
        %dma_wait3A_431 = tpu.memref_slice %arg8[%dma_wait3A_422] : memref<4x!tpu.dma_semaphore, #tpu.memory_space<semaphore_mem>> -> memref<1x!tpu.dma_semaphore, #tpu.memory_space<semaphore_mem>>
        %dma_wait3A_432 = tpu.memref_squeeze %dma_wait3A_431 : memref<1x!tpu.dma_semaphore, #tpu.memory_space<semaphore_mem>> -> memref<!tpu.dma_semaphore, #tpu.memory_space<semaphore_mem>>
        %dma_wait3A_433 = arith.constant 0 : i32
        %dma_wait3A_434 = arith.constant 0 : i32
        %dma_wait3A_435 = tpu.memref_slice %arg5[%dma_wait3A_421, %dma_wait3A_433, %dma_wait3A_434] : memref<4x2x64xi32, #tpu.memory_space<vmem>> -> memref<1x2x64xi32, #tpu.memory_space<vmem>>
        %dma_wait3A_436 = tpu.memref_squeeze %dma_wait3A_435 : memref<1x2x64xi32, #tpu.memory_space<vmem>> -> memref<2x64xi32, #tpu.memory_space<vmem>>
        %dma_wait3A_437 = arith.constant 0 : i32
        %dma_wait3A_438 = arith.constant 0 : i32
        %dma_wait3A_439 = tpu.memref_slice %arg3[%select_n3A_69, %dma_wait3A_437, %dma_wait3A_438] : memref<5120x2x64xi32, #tpu.memory_space<hbm>> -> memref<1x2x64xi32, #tpu.memory_space<hbm>>
        %dma_wait3A_440 = tpu.memref_squeeze %dma_wait3A_439 : memref<1x2x64xi32, #tpu.memory_space<hbm>> -> memref<2x64xi32, #tpu.memory_space<hbm>>
        tpu.wait_dma2 semaphore(%dma_wait3A_432 : memref<!tpu.dma_semaphore, #tpu.memory_space<semaphore_mem>>) src(%dma_wait3A_440 : memref<2x64xi32, #tpu.memory_space<hbm>>) dst(%dma_wait3A_436 : memref<2x64xi32, #tpu.memory_space<vmem>>)
        %dma_start3A_441 = arith.constant 2 : i32
        %dma_start3A_442 = arith.constant 0 : i32
        %dma_start3A_443 = arith.constant 2 : i32
        %dma_start3A_444 = arith.constant 2 : i32
        %dma_start3A_445 = arith.constant 0 : i32
        %dma_start3A_446 = arith.constant 0 : i32
        %dma_start3A_447 = tpu.memref_slice %arg6[%dma_start3A_443, %dma_start3A_445, %dma_start3A_446] : memref<4x64x128xf32, #tpu.memory_space<vmem>> -> memref<1x64x128xf32, #tpu.memory_space<vmem>>
        %dma_start3A_448 = tpu.memref_squeeze %dma_start3A_447 : memref<1x64x128xf32, #tpu.memory_space<vmem>> -> memref<64x128xf32, #tpu.memory_space<vmem>>
        %dma_start3A_449 = arith.constant 0 : i32
        %dma_start3A_450 = tpu.memref_slice %arg5[%dma_start3A_441, %dma_start3A_442, %dma_start3A_449] : memref<4x2x64xi32, #tpu.memory_space<vmem>> -> memref<1x1x64xi32, #tpu.memory_space<vmem>>
        %dma_start3A_451 = tpu.memref_squeeze %dma_start3A_450 : memref<1x1x64xi32, #tpu.memory_space<vmem>> -> memref<64xi32, #tpu.memory_space<vmem>>
        %dma_start3A_452 = arith.constant 0 : i32
        %dma_start3A_453 = arith.constant 0 : i32
        %dma_start3A_454 = tpu.memref_slice %arg2[%dma_start3A_452, %dma_start3A_453] : memref<10000x128xf32, #tpu.memory_space<hbm>> -> memref<10000x128xf32, #tpu.memory_space<hbm>>
        %dma_start3A_455 = tpu.memref_slice %arg9[%dma_start3A_444] : memref<4x!tpu.dma_semaphore, #tpu.memory_space<semaphore_mem>> -> memref<1x!tpu.dma_semaphore, #tpu.memory_space<semaphore_mem>>
        %dma_start3A_456 = tpu.memref_squeeze %dma_start3A_455 : memref<1x!tpu.dma_semaphore, #tpu.memory_space<semaphore_mem>> -> memref<!tpu.dma_semaphore, #tpu.memory_space<semaphore_mem>>
        tpu.enqueue_indirect_dma source(%dma_start3A_454 : memref<10000x128xf32, #tpu.memory_space<hbm>>) target(%dma_start3A_448 : memref<64x128xf32, #tpu.memory_space<vmem>>) offsets(%dma_start3A_451 : memref<64xi32, #tpu.memory_space<vmem>>) semaphore(%dma_start3A_456 : memref<!tpu.dma_semaphore, #tpu.memory_space<semaphore_mem>>)
      } else {
      }
      %dma_wait3A_283 = arith.constant 1 : i32
      %dma_wait3A_284 = arith.constant 0 : i32
      %dma_wait3A_285 = arith.constant 1 : i32
      %dma_wait3A_286 = arith.constant 1 : i32
      %dma_wait3A_287 = arith.constant 0 : i32
      %dma_wait3A_288 = arith.constant 0 : i32
      %dma_wait3A_289 = tpu.memref_slice %arg6[%dma_wait3A_285, %dma_wait3A_287, %dma_wait3A_288] : memref<4x64x128xf32, #tpu.memory_space<vmem>> -> memref<1x64x128xf32, #tpu.memory_space<vmem>>
      %dma_wait3A_290 = tpu.memref_squeeze %dma_wait3A_289 : memref<1x64x128xf32, #tpu.memory_space<vmem>> -> memref<64x128xf32, #tpu.memory_space<vmem>>
      %dma_wait3A_291 = arith.constant 0 : i32
      %dma_wait3A_292 = tpu.memref_slice %arg5[%dma_wait3A_283, %dma_wait3A_284, %dma_wait3A_291] : memref<4x2x64xi32, #tpu.memory_space<vmem>> -> memref<1x1x64xi32, #tpu.memory_space<vmem>>
      %dma_wait3A_293 = tpu.memref_squeeze %dma_wait3A_292 : memref<1x1x64xi32, #tpu.memory_space<vmem>> -> memref<64xi32, #tpu.memory_space<vmem>>
      %dma_wait3A_294 = arith.constant 0 : i32
      %dma_wait3A_295 = arith.constant 0 : i32
      %dma_wait3A_296 = tpu.memref_slice %arg2[%dma_wait3A_294, %dma_wait3A_295] : memref<10000x128xf32, #tpu.memory_space<hbm>> -> memref<10000x128xf32, #tpu.memory_space<hbm>>
      %dma_wait3A_297 = tpu.memref_slice %arg9[%dma_wait3A_286] : memref<4x!tpu.dma_semaphore, #tpu.memory_space<semaphore_mem>> -> memref<1x!tpu.dma_semaphore, #tpu.memory_space<semaphore_mem>>
      %dma_wait3A_298 = tpu.memref_squeeze %dma_wait3A_297 : memref<1x!tpu.dma_semaphore, #tpu.memory_space<semaphore_mem>> -> memref<!tpu.dma_semaphore, #tpu.memory_space<semaphore_mem>>
      tpu.wait_indirect_dma semaphore(%dma_wait3A_298 : memref<!tpu.dma_semaphore, #tpu.memory_space<semaphore_mem>>) src(%dma_wait3A_296 : memref<10000x128xf32, #tpu.memory_space<hbm>>) dst(%dma_wait3A_290 : memref<64x128xf32, #tpu.memory_space<vmem>>)
      %dma_start3A_299 = arith.constant 1 : i32
      %dma_start3A_300 = arith.constant 1 : i32
      %dma_start3A_301 = arith.constant 1 : i32
      %dma_start3A_302 = arith.constant 1 : i32
      %dma_start3A_303 = arith.constant 0 : i32
      %dma_start3A_304 = arith.constant 0 : i32
      %dma_start3A_305 = tpu.memref_slice %arg6[%dma_start3A_299, %dma_start3A_303, %dma_start3A_304] : memref<4x64x128xf32, #tpu.memory_space<vmem>> -> memref<1x64x128xf32, #tpu.memory_space<vmem>>
      %dma_start3A_306 = tpu.memref_squeeze %dma_start3A_305 : memref<1x64x128xf32, #tpu.memory_space<vmem>> -> memref<64x128xf32, #tpu.memory_space<vmem>>
      %dma_start3A_307 = arith.constant 0 : i32
      %dma_start3A_308 = tpu.memref_slice %arg5[%dma_start3A_300, %dma_start3A_301, %dma_start3A_307] : memref<4x2x64xi32, #tpu.memory_space<vmem>> -> memref<1x1x64xi32, #tpu.memory_space<vmem>>
      %dma_start3A_309 = tpu.memref_squeeze %dma_start3A_308 : memref<1x1x64xi32, #tpu.memory_space<vmem>> -> memref<64xi32, #tpu.memory_space<vmem>>
      %dma_start3A_310 = arith.constant 0 : i32
      %dma_start3A_311 = arith.constant 0 : i32
      %dma_start3A_312 = tpu.memref_slice %arg7[%dma_start3A_310, %dma_start3A_311] : memref<10240x128xf32, #tpu.memory_space<vmem_shared>> -> memref<10240x128xf32, #tpu.memory_space<vmem_shared>>
      %dma_start3A_313 = tpu.memref_slice %arg10[%dma_start3A_302] : memref<4x!tpu.dma_semaphore, #tpu.memory_space<semaphore_mem>> -> memref<1x!tpu.dma_semaphore, #tpu.memory_space<semaphore_mem>>
      %dma_start3A_314 = tpu.memref_squeeze %dma_start3A_313 : memref<1x!tpu.dma_semaphore, #tpu.memory_space<semaphore_mem>> -> memref<!tpu.dma_semaphore, #tpu.memory_space<semaphore_mem>>
      tpu.enqueue_indirect_dma source(%dma_start3A_306 : memref<64x128xf32, #tpu.memory_space<vmem>>) target(%dma_start3A_312 : memref<10240x128xf32, #tpu.memory_space<vmem_shared>>) offsets(%dma_start3A_309 : memref<64xi32, #tpu.memory_space<vmem>>) semaphore(%dma_start3A_314 : memref<!tpu.dma_semaphore, #tpu.memory_space<semaphore_mem>>) {add = true}
      %mul3A_315 = arith.constant 4 : i32
      %mul3A_316 = arith.muli %mul3A_315, %while3A_212 : i32
      %add3A_317 = arith.constant 2 : i32
      %add3A_318 = arith.addi %mul3A_316, %add3A_317 : i32
      %ge3A_319 = arith.constant 2 : i32
      %ge3A_320 = arith.cmpi sge, %add3A_318, %ge3A_319 : i32
      %convert_element_type3A_321 = arith.extui %ge3A_320 : i1 to i32
      %cond3A_322 = arith.constant 0 : i32
      %cond3A_323 = arith.cmpi ne, %convert_element_type3A_321, %cond3A_322 : i32
      scf.if %cond3A_323 {
        %dma_wait3A_421 = arith.constant 0 : i32
        %dma_wait3A_422 = arith.constant 0 : i32
        %dma_wait3A_423 = arith.constant 1 : i32
        %dma_wait3A_424 = arith.constant 0 : i32
        %dma_wait3A_425 = arith.constant 0 : i32
        %dma_wait3A_426 = arith.constant 0 : i32
        %dma_wait3A_427 = tpu.memref_slice %arg6[%dma_wait3A_421, %dma_wait3A_425, %dma_wait3A_426] : memref<4x64x128xf32, #tpu.memory_space<vmem>> -> memref<1x64x128xf32, #tpu.memory_space<vmem>>
        %dma_wait3A_428 = tpu.memref_squeeze %dma_wait3A_427 : memref<1x64x128xf32, #tpu.memory_space<vmem>> -> memref<64x128xf32, #tpu.memory_space<vmem>>
        %dma_wait3A_429 = arith.constant 0 : i32
        %dma_wait3A_430 = tpu.memref_slice %arg5[%dma_wait3A_422, %dma_wait3A_423, %dma_wait3A_429] : memref<4x2x64xi32, #tpu.memory_space<vmem>> -> memref<1x1x64xi32, #tpu.memory_space<vmem>>
        %dma_wait3A_431 = tpu.memref_squeeze %dma_wait3A_430 : memref<1x1x64xi32, #tpu.memory_space<vmem>> -> memref<64xi32, #tpu.memory_space<vmem>>
        %dma_wait3A_432 = arith.constant 0 : i32
        %dma_wait3A_433 = arith.constant 0 : i32
        %dma_wait3A_434 = tpu.memref_slice %arg7[%dma_wait3A_432, %dma_wait3A_433] : memref<10240x128xf32, #tpu.memory_space<vmem_shared>> -> memref<10240x128xf32, #tpu.memory_space<vmem_shared>>
        %dma_wait3A_435 = tpu.memref_slice %arg10[%dma_wait3A_424] : memref<4x!tpu.dma_semaphore, #tpu.memory_space<semaphore_mem>> -> memref<1x!tpu.dma_semaphore, #tpu.memory_space<semaphore_mem>>
        %dma_wait3A_436 = tpu.memref_squeeze %dma_wait3A_435 : memref<1x!tpu.dma_semaphore, #tpu.memory_space<semaphore_mem>> -> memref<!tpu.dma_semaphore, #tpu.memory_space<semaphore_mem>>
        tpu.wait_indirect_dma semaphore(%dma_wait3A_436 : memref<!tpu.dma_semaphore, #tpu.memory_space<semaphore_mem>>) src(%dma_wait3A_428 : memref<64x128xf32, #tpu.memory_space<vmem>>) dst(%dma_wait3A_434 : memref<10240x128xf32, #tpu.memory_space<vmem_shared>>)
      } else {
      }
      %add3A_324 = arith.constant 2 : i32
      %add3A_325 = arith.addi %add3A_318, %add3A_324 : i32
      %lt3A_326 = arith.cmpi slt, %add3A_325, %select_n3A : i32
      %convert_element_type3A_327 = arith.extui %lt3A_326 : i1 to i32
      %cond3A_328 = arith.constant 0 : i32
      %cond3A_329 = arith.cmpi ne, %convert_element_type3A_327, %cond3A_328 : i32
      scf.if %cond3A_329 {
        %add3A_421 = arith.constant 2 : i32
        %add3A_422 = arith.addi %add3A_318, %add3A_421 : i32
        %add3A_423 = arith.addi %select_n3A_69, %add3A_422 : i32
        %dma_start3A_424 = arith.constant 0 : i32
        %dma_start3A_425 = arith.constant 0 : i32
        %dma_start3A_426 = arith.constant 0 : i32
        %dma_start3A_427 = arith.constant 0 : i32
        %dma_start3A_428 = tpu.memref_slice %arg5[%dma_start3A_424, %dma_start3A_426, %dma_start3A_427] : memref<4x2x64xi32, #tpu.memory_space<vmem>> -> memref<1x2x64xi32, #tpu.memory_space<vmem>>
        %dma_start3A_429 = tpu.memref_squeeze %dma_start3A_428 : memref<1x2x64xi32, #tpu.memory_space<vmem>> -> memref<2x64xi32, #tpu.memory_space<vmem>>
        %dma_start3A_430 = arith.constant 0 : i32
        %dma_start3A_431 = arith.constant 0 : i32
        %dma_start3A_432 = tpu.memref_slice %arg3[%add3A_423, %dma_start3A_430, %dma_start3A_431] : memref<5120x2x64xi32, #tpu.memory_space<hbm>> -> memref<1x2x64xi32, #tpu.memory_space<hbm>>
        %dma_start3A_433 = tpu.memref_squeeze %dma_start3A_432 : memref<1x2x64xi32, #tpu.memory_space<hbm>> -> memref<2x64xi32, #tpu.memory_space<hbm>>
        %dma_start3A_434 = tpu.memref_slice %arg8[%dma_start3A_425] : memref<4x!tpu.dma_semaphore, #tpu.memory_space<semaphore_mem>> -> memref<1x!tpu.dma_semaphore, #tpu.memory_space<semaphore_mem>>
        %dma_start3A_435 = tpu.memref_squeeze %dma_start3A_434 : memref<1x!tpu.dma_semaphore, #tpu.memory_space<semaphore_mem>> -> memref<!tpu.dma_semaphore, #tpu.memory_space<semaphore_mem>>
        %dma_start3A_436 = arith.constant 0 : i32
        %dma_start3A_437 = arith.constant 0 : i32
        %dma_start3A_438 = tpu.memref_slice %arg5[%dma_start3A_424, %dma_start3A_436, %dma_start3A_437] : memref<4x2x64xi32, #tpu.memory_space<vmem>> -> memref<1x2x64xi32, #tpu.memory_space<vmem>>
        %dma_start3A_439 = tpu.memref_squeeze %dma_start3A_438 : memref<1x2x64xi32, #tpu.memory_space<vmem>> -> memref<2x64xi32, #tpu.memory_space<vmem>>
        %dma_start3A_440 = arith.constant 0 : i32
        %dma_start3A_441 = arith.constant 0 : i32
        %dma_start3A_442 = tpu.memref_slice %arg3[%add3A_423, %dma_start3A_440, %dma_start3A_441] : memref<5120x2x64xi32, #tpu.memory_space<hbm>> -> memref<1x2x64xi32, #tpu.memory_space<hbm>>
        %dma_start3A_443 = tpu.memref_squeeze %dma_start3A_442 : memref<1x2x64xi32, #tpu.memory_space<hbm>> -> memref<2x64xi32, #tpu.memory_space<hbm>>
        tpu.enqueue_dma source(%dma_start3A_443 : memref<2x64xi32, #tpu.memory_space<hbm>>) target(%dma_start3A_439 : memref<2x64xi32, #tpu.memory_space<vmem>>) target_semaphore(%dma_start3A_435 : memref<!tpu.dma_semaphore, #tpu.memory_space<semaphore_mem>>)
      } else {
      }
      %add3A_330 = arith.constant 1 : i32
      %add3A_331 = arith.addi %add3A_318, %add3A_330 : i32
      %lt3A_332 = arith.cmpi slt, %add3A_331, %select_n3A : i32
      %convert_element_type3A_333 = arith.extui %lt3A_332 : i1 to i32
      %cond3A_334 = arith.constant 0 : i32
      %cond3A_335 = arith.cmpi ne, %convert_element_type3A_333, %cond3A_334 : i32
      scf.if %cond3A_335 {
        %dma_wait3A_421 = arith.constant 3 : i32
        %dma_wait3A_422 = arith.constant 3 : i32
        %dma_wait3A_423 = arith.constant 0 : i32
        %dma_wait3A_424 = arith.constant 0 : i32
        %dma_wait3A_425 = tpu.memref_slice %arg5[%dma_wait3A_421, %dma_wait3A_423, %dma_wait3A_424] : memref<4x2x64xi32, #tpu.memory_space<vmem>> -> memref<1x2x64xi32, #tpu.memory_space<vmem>>
        %dma_wait3A_426 = tpu.memref_squeeze %dma_wait3A_425 : memref<1x2x64xi32, #tpu.memory_space<vmem>> -> memref<2x64xi32, #tpu.memory_space<vmem>>
        %dma_wait3A_427 = arith.constant 0 : i32
        %dma_wait3A_428 = arith.constant 0 : i32
        %dma_wait3A_429 = tpu.memref_slice %arg3[%select_n3A_69, %dma_wait3A_427, %dma_wait3A_428] : memref<5120x2x64xi32, #tpu.memory_space<hbm>> -> memref<1x2x64xi32, #tpu.memory_space<hbm>>
        %dma_wait3A_430 = tpu.memref_squeeze %dma_wait3A_429 : memref<1x2x64xi32, #tpu.memory_space<hbm>> -> memref<2x64xi32, #tpu.memory_space<hbm>>
        %dma_wait3A_431 = tpu.memref_slice %arg8[%dma_wait3A_422] : memref<4x!tpu.dma_semaphore, #tpu.memory_space<semaphore_mem>> -> memref<1x!tpu.dma_semaphore, #tpu.memory_space<semaphore_mem>>
        %dma_wait3A_432 = tpu.memref_squeeze %dma_wait3A_431 : memref<1x!tpu.dma_semaphore, #tpu.memory_space<semaphore_mem>> -> memref<!tpu.dma_semaphore, #tpu.memory_space<semaphore_mem>>
        %dma_wait3A_433 = arith.constant 0 : i32
        %dma_wait3A_434 = arith.constant 0 : i32
        %dma_wait3A_435 = tpu.memref_slice %arg5[%dma_wait3A_421, %dma_wait3A_433, %dma_wait3A_434] : memref<4x2x64xi32, #tpu.memory_space<vmem>> -> memref<1x2x64xi32, #tpu.memory_space<vmem>>
        %dma_wait3A_436 = tpu.memref_squeeze %dma_wait3A_435 : memref<1x2x64xi32, #tpu.memory_space<vmem>> -> memref<2x64xi32, #tpu.memory_space<vmem>>
        %dma_wait3A_437 = arith.constant 0 : i32
        %dma_wait3A_438 = arith.constant 0 : i32
        %dma_wait3A_439 = tpu.memref_slice %arg3[%select_n3A_69, %dma_wait3A_437, %dma_wait3A_438] : memref<5120x2x64xi32, #tpu.memory_space<hbm>> -> memref<1x2x64xi32, #tpu.memory_space<hbm>>
        %dma_wait3A_440 = tpu.memref_squeeze %dma_wait3A_439 : memref<1x2x64xi32, #tpu.memory_space<hbm>> -> memref<2x64xi32, #tpu.memory_space<hbm>>
        tpu.wait_dma2 semaphore(%dma_wait3A_432 : memref<!tpu.dma_semaphore, #tpu.memory_space<semaphore_mem>>) src(%dma_wait3A_440 : memref<2x64xi32, #tpu.memory_space<hbm>>) dst(%dma_wait3A_436 : memref<2x64xi32, #tpu.memory_space<vmem>>)
        %dma_start3A_441 = arith.constant 3 : i32
        %dma_start3A_442 = arith.constant 0 : i32
        %dma_start3A_443 = arith.constant 3 : i32
        %dma_start3A_444 = arith.constant 3 : i32
        %dma_start3A_445 = arith.constant 0 : i32
        %dma_start3A_446 = arith.constant 0 : i32
        %dma_start3A_447 = tpu.memref_slice %arg6[%dma_start3A_443, %dma_start3A_445, %dma_start3A_446] : memref<4x64x128xf32, #tpu.memory_space<vmem>> -> memref<1x64x128xf32, #tpu.memory_space<vmem>>
        %dma_start3A_448 = tpu.memref_squeeze %dma_start3A_447 : memref<1x64x128xf32, #tpu.memory_space<vmem>> -> memref<64x128xf32, #tpu.memory_space<vmem>>
        %dma_start3A_449 = arith.constant 0 : i32
        %dma_start3A_450 = tpu.memref_slice %arg5[%dma_start3A_441, %dma_start3A_442, %dma_start3A_449] : memref<4x2x64xi32, #tpu.memory_space<vmem>> -> memref<1x1x64xi32, #tpu.memory_space<vmem>>
        %dma_start3A_451 = tpu.memref_squeeze %dma_start3A_450 : memref<1x1x64xi32, #tpu.memory_space<vmem>> -> memref<64xi32, #tpu.memory_space<vmem>>
        %dma_start3A_452 = arith.constant 0 : i32
        %dma_start3A_453 = arith.constant 0 : i32
        %dma_start3A_454 = tpu.memref_slice %arg2[%dma_start3A_452, %dma_start3A_453] : memref<10000x128xf32, #tpu.memory_space<hbm>> -> memref<10000x128xf32, #tpu.memory_space<hbm>>
        %dma_start3A_455 = tpu.memref_slice %arg9[%dma_start3A_444] : memref<4x!tpu.dma_semaphore, #tpu.memory_space<semaphore_mem>> -> memref<1x!tpu.dma_semaphore, #tpu.memory_space<semaphore_mem>>
        %dma_start3A_456 = tpu.memref_squeeze %dma_start3A_455 : memref<1x!tpu.dma_semaphore, #tpu.memory_space<semaphore_mem>> -> memref<!tpu.dma_semaphore, #tpu.memory_space<semaphore_mem>>
        tpu.enqueue_indirect_dma source(%dma_start3A_454 : memref<10000x128xf32, #tpu.memory_space<hbm>>) target(%dma_start3A_448 : memref<64x128xf32, #tpu.memory_space<vmem>>) offsets(%dma_start3A_451 : memref<64xi32, #tpu.memory_space<vmem>>) semaphore(%dma_start3A_456 : memref<!tpu.dma_semaphore, #tpu.memory_space<semaphore_mem>>)
      } else {
      }
      %dma_wait3A_336 = arith.constant 2 : i32
      %dma_wait3A_337 = arith.constant 0 : i32
      %dma_wait3A_338 = arith.constant 2 : i32
      %dma_wait3A_339 = arith.constant 2 : i32
      %dma_wait3A_340 = arith.constant 0 : i32
      %dma_wait3A_341 = arith.constant 0 : i32
      %dma_wait3A_342 = tpu.memref_slice %arg6[%dma_wait3A_338, %dma_wait3A_340, %dma_wait3A_341] : memref<4x64x128xf32, #tpu.memory_space<vmem>> -> memref<1x64x128xf32, #tpu.memory_space<vmem>>
      %dma_wait3A_343 = tpu.memref_squeeze %dma_wait3A_342 : memref<1x64x128xf32, #tpu.memory_space<vmem>> -> memref<64x128xf32, #tpu.memory_space<vmem>>
      %dma_wait3A_344 = arith.constant 0 : i32
      %dma_wait3A_345 = tpu.memref_slice %arg5[%dma_wait3A_336, %dma_wait3A_337, %dma_wait3A_344] : memref<4x2x64xi32, #tpu.memory_space<vmem>> -> memref<1x1x64xi32, #tpu.memory_space<vmem>>
      %dma_wait3A_346 = tpu.memref_squeeze %dma_wait3A_345 : memref<1x1x64xi32, #tpu.memory_space<vmem>> -> memref<64xi32, #tpu.memory_space<vmem>>
      %dma_wait3A_347 = arith.constant 0 : i32
      %dma_wait3A_348 = arith.constant 0 : i32
      %dma_wait3A_349 = tpu.memref_slice %arg2[%dma_wait3A_347, %dma_wait3A_348] : memref<10000x128xf32, #tpu.memory_space<hbm>> -> memref<10000x128xf32, #tpu.memory_space<hbm>>
      %dma_wait3A_350 = tpu.memref_slice %arg9[%dma_wait3A_339] : memref<4x!tpu.dma_semaphore, #tpu.memory_space<semaphore_mem>> -> memref<1x!tpu.dma_semaphore, #tpu.memory_space<semaphore_mem>>
      %dma_wait3A_351 = tpu.memref_squeeze %dma_wait3A_350 : memref<1x!tpu.dma_semaphore, #tpu.memory_space<semaphore_mem>> -> memref<!tpu.dma_semaphore, #tpu.memory_space<semaphore_mem>>
      tpu.wait_indirect_dma semaphore(%dma_wait3A_351 : memref<!tpu.dma_semaphore, #tpu.memory_space<semaphore_mem>>) src(%dma_wait3A_349 : memref<10000x128xf32, #tpu.memory_space<hbm>>) dst(%dma_wait3A_343 : memref<64x128xf32, #tpu.memory_space<vmem>>)
      %dma_start3A_352 = arith.constant 2 : i32
      %dma_start3A_353 = arith.constant 2 : i32
      %dma_start3A_354 = arith.constant 1 : i32
      %dma_start3A_355 = arith.constant 2 : i32
      %dma_start3A_356 = arith.constant 0 : i32
      %dma_start3A_357 = arith.constant 0 : i32
      %dma_start3A_358 = tpu.memref_slice %arg6[%dma_start3A_352, %dma_start3A_356, %dma_start3A_357] : memref<4x64x128xf32, #tpu.memory_space<vmem>> -> memref<1x64x128xf32, #tpu.memory_space<vmem>>
      %dma_start3A_359 = tpu.memref_squeeze %dma_start3A_358 : memref<1x64x128xf32, #tpu.memory_space<vmem>> -> memref<64x128xf32, #tpu.memory_space<vmem>>
      %dma_start3A_360 = arith.constant 0 : i32
      %dma_start3A_361 = tpu.memref_slice %arg5[%dma_start3A_353, %dma_start3A_354, %dma_start3A_360] : memref<4x2x64xi32, #tpu.memory_space<vmem>> -> memref<1x1x64xi32, #tpu.memory_space<vmem>>
      %dma_start3A_362 = tpu.memref_squeeze %dma_start3A_361 : memref<1x1x64xi32, #tpu.memory_space<vmem>> -> memref<64xi32, #tpu.memory_space<vmem>>
      %dma_start3A_363 = arith.constant 0 : i32
      %dma_start3A_364 = arith.constant 0 : i32
      %dma_start3A_365 = tpu.memref_slice %arg7[%dma_start3A_363, %dma_start3A_364] : memref<10240x128xf32, #tpu.memory_space<vmem_shared>> -> memref<10240x128xf32, #tpu.memory_space<vmem_shared>>
      %dma_start3A_366 = tpu.memref_slice %arg10[%dma_start3A_355] : memref<4x!tpu.dma_semaphore, #tpu.memory_space<semaphore_mem>> -> memref<1x!tpu.dma_semaphore, #tpu.memory_space<semaphore_mem>>
      %dma_start3A_367 = tpu.memref_squeeze %dma_start3A_366 : memref<1x!tpu.dma_semaphore, #tpu.memory_space<semaphore_mem>> -> memref<!tpu.dma_semaphore, #tpu.memory_space<semaphore_mem>>
      tpu.enqueue_indirect_dma source(%dma_start3A_359 : memref<64x128xf32, #tpu.memory_space<vmem>>) target(%dma_start3A_365 : memref<10240x128xf32, #tpu.memory_space<vmem_shared>>) offsets(%dma_start3A_362 : memref<64xi32, #tpu.memory_space<vmem>>) semaphore(%dma_start3A_367 : memref<!tpu.dma_semaphore, #tpu.memory_space<semaphore_mem>>) {add = true}
      %mul3A_368 = arith.constant 4 : i32
      %mul3A_369 = arith.muli %mul3A_368, %while3A_212 : i32
      %add3A_370 = arith.constant 3 : i32
      %add3A_371 = arith.addi %mul3A_369, %add3A_370 : i32
      %ge3A_372 = arith.constant 2 : i32
      %ge3A_373 = arith.cmpi sge, %add3A_371, %ge3A_372 : i32
      %convert_element_type3A_374 = arith.extui %ge3A_373 : i1 to i32
      %cond3A_375 = arith.constant 0 : i32
      %cond3A_376 = arith.cmpi ne, %convert_element_type3A_374, %cond3A_375 : i32
      scf.if %cond3A_376 {
        %dma_wait3A_421 = arith.constant 1 : i32
        %dma_wait3A_422 = arith.constant 1 : i32
        %dma_wait3A_423 = arith.constant 1 : i32
        %dma_wait3A_424 = arith.constant 1 : i32
        %dma_wait3A_425 = arith.constant 0 : i32
        %dma_wait3A_426 = arith.constant 0 : i32
        %dma_wait3A_427 = tpu.memref_slice %arg6[%dma_wait3A_421, %dma_wait3A_425, %dma_wait3A_426] : memref<4x64x128xf32, #tpu.memory_space<vmem>> -> memref<1x64x128xf32, #tpu.memory_space<vmem>>
        %dma_wait3A_428 = tpu.memref_squeeze %dma_wait3A_427 : memref<1x64x128xf32, #tpu.memory_space<vmem>> -> memref<64x128xf32, #tpu.memory_space<vmem>>
        %dma_wait3A_429 = arith.constant 0 : i32
        %dma_wait3A_430 = tpu.memref_slice %arg5[%dma_wait3A_422, %dma_wait3A_423, %dma_wait3A_429] : memref<4x2x64xi32, #tpu.memory_space<vmem>> -> memref<1x1x64xi32, #tpu.memory_space<vmem>>
        %dma_wait3A_431 = tpu.memref_squeeze %dma_wait3A_430 : memref<1x1x64xi32, #tpu.memory_space<vmem>> -> memref<64xi32, #tpu.memory_space<vmem>>
        %dma_wait3A_432 = arith.constant 0 : i32
        %dma_wait3A_433 = arith.constant 0 : i32
        %dma_wait3A_434 = tpu.memref_slice %arg7[%dma_wait3A_432, %dma_wait3A_433] : memref<10240x128xf32, #tpu.memory_space<vmem_shared>> -> memref<10240x128xf32, #tpu.memory_space<vmem_shared>>
        %dma_wait3A_435 = tpu.memref_slice %arg10[%dma_wait3A_424] : memref<4x!tpu.dma_semaphore, #tpu.memory_space<semaphore_mem>> -> memref<1x!tpu.dma_semaphore, #tpu.memory_space<semaphore_mem>>
        %dma_wait3A_436 = tpu.memref_squeeze %dma_wait3A_435 : memref<1x!tpu.dma_semaphore, #tpu.memory_space<semaphore_mem>> -> memref<!tpu.dma_semaphore, #tpu.memory_space<semaphore_mem>>
        tpu.wait_indirect_dma semaphore(%dma_wait3A_436 : memref<!tpu.dma_semaphore, #tpu.memory_space<semaphore_mem>>) src(%dma_wait3A_428 : memref<64x128xf32, #tpu.memory_space<vmem>>) dst(%dma_wait3A_434 : memref<10240x128xf32, #tpu.memory_space<vmem_shared>>)
      } else {
      }
      %add3A_377 = arith.constant 2 : i32
      %add3A_378 = arith.addi %add3A_371, %add3A_377 : i32
      %lt3A_379 = arith.cmpi slt, %add3A_378, %select_n3A : i32
      %convert_element_type3A_380 = arith.extui %lt3A_379 : i1 to i32
      %cond3A_381 = arith.constant 0 : i32
      %cond3A_382 = arith.cmpi ne, %convert_element_type3A_380, %cond3A_381 : i32
      scf.if %cond3A_382 {
        %add3A_421 = arith.constant 2 : i32
        %add3A_422 = arith.addi %add3A_371, %add3A_421 : i32
        %add3A_423 = arith.addi %select_n3A_69, %add3A_422 : i32
        %dma_start3A_424 = arith.constant 1 : i32
        %dma_start3A_425 = arith.constant 1 : i32
        %dma_start3A_426 = arith.constant 0 : i32
        %dma_start3A_427 = arith.constant 0 : i32
        %dma_start3A_428 = tpu.memref_slice %arg5[%dma_start3A_424, %dma_start3A_426, %dma_start3A_427] : memref<4x2x64xi32, #tpu.memory_space<vmem>> -> memref<1x2x64xi32, #tpu.memory_space<vmem>>
        %dma_start3A_429 = tpu.memref_squeeze %dma_start3A_428 : memref<1x2x64xi32, #tpu.memory_space<vmem>> -> memref<2x64xi32, #tpu.memory_space<vmem>>
        %dma_start3A_430 = arith.constant 0 : i32
        %dma_start3A_431 = arith.constant 0 : i32
        %dma_start3A_432 = tpu.memref_slice %arg3[%add3A_423, %dma_start3A_430, %dma_start3A_431] : memref<5120x2x64xi32, #tpu.memory_space<hbm>> -> memref<1x2x64xi32, #tpu.memory_space<hbm>>
        %dma_start3A_433 = tpu.memref_squeeze %dma_start3A_432 : memref<1x2x64xi32, #tpu.memory_space<hbm>> -> memref<2x64xi32, #tpu.memory_space<hbm>>
        %dma_start3A_434 = tpu.memref_slice %arg8[%dma_start3A_425] : memref<4x!tpu.dma_semaphore, #tpu.memory_space<semaphore_mem>> -> memref<1x!tpu.dma_semaphore, #tpu.memory_space<semaphore_mem>>
        %dma_start3A_435 = tpu.memref_squeeze %dma_start3A_434 : memref<1x!tpu.dma_semaphore, #tpu.memory_space<semaphore_mem>> -> memref<!tpu.dma_semaphore, #tpu.memory_space<semaphore_mem>>
        %dma_start3A_436 = arith.constant 0 : i32
        %dma_start3A_437 = arith.constant 0 : i32
        %dma_start3A_438 = tpu.memref_slice %arg5[%dma_start3A_424, %dma_start3A_436, %dma_start3A_437] : memref<4x2x64xi32, #tpu.memory_space<vmem>> -> memref<1x2x64xi32, #tpu.memory_space<vmem>>
        %dma_start3A_439 = tpu.memref_squeeze %dma_start3A_438 : memref<1x2x64xi32, #tpu.memory_space<vmem>> -> memref<2x64xi32, #tpu.memory_space<vmem>>
        %dma_start3A_440 = arith.constant 0 : i32
        %dma_start3A_441 = arith.constant 0 : i32
        %dma_start3A_442 = tpu.memref_slice %arg3[%add3A_423, %dma_start3A_440, %dma_start3A_441] : memref<5120x2x64xi32, #tpu.memory_space<hbm>> -> memref<1x2x64xi32, #tpu.memory_space<hbm>>
        %dma_start3A_443 = tpu.memref_squeeze %dma_start3A_442 : memref<1x2x64xi32, #tpu.memory_space<hbm>> -> memref<2x64xi32, #tpu.memory_space<hbm>>
        tpu.enqueue_dma source(%dma_start3A_443 : memref<2x64xi32, #tpu.memory_space<hbm>>) target(%dma_start3A_439 : memref<2x64xi32, #tpu.memory_space<vmem>>) target_semaphore(%dma_start3A_435 : memref<!tpu.dma_semaphore, #tpu.memory_space<semaphore_mem>>)
      } else {
      }
      %add3A_383 = arith.constant 1 : i32
      %add3A_384 = arith.addi %add3A_371, %add3A_383 : i32
      %lt3A_385 = arith.cmpi slt, %add3A_384, %select_n3A : i32
      %convert_element_type3A_386 = arith.extui %lt3A_385 : i1 to i32
      %cond3A_387 = arith.constant 0 : i32
      %cond3A_388 = arith.cmpi ne, %convert_element_type3A_386, %cond3A_387 : i32
      scf.if %cond3A_388 {
        %dma_wait3A_421 = arith.constant 0 : i32
        %dma_wait3A_422 = arith.constant 0 : i32
        %dma_wait3A_423 = arith.constant 0 : i32
        %dma_wait3A_424 = arith.constant 0 : i32
        %dma_wait3A_425 = tpu.memref_slice %arg5[%dma_wait3A_421, %dma_wait3A_423, %dma_wait3A_424] : memref<4x2x64xi32, #tpu.memory_space<vmem>> -> memref<1x2x64xi32, #tpu.memory_space<vmem>>
        %dma_wait3A_426 = tpu.memref_squeeze %dma_wait3A_425 : memref<1x2x64xi32, #tpu.memory_space<vmem>> -> memref<2x64xi32, #tpu.memory_space<vmem>>
        %dma_wait3A_427 = arith.constant 0 : i32
        %dma_wait3A_428 = arith.constant 0 : i32
        %dma_wait3A_429 = tpu.memref_slice %arg3[%select_n3A_69, %dma_wait3A_427, %dma_wait3A_428] : memref<5120x2x64xi32, #tpu.memory_space<hbm>> -> memref<1x2x64xi32, #tpu.memory_space<hbm>>
        %dma_wait3A_430 = tpu.memref_squeeze %dma_wait3A_429 : memref<1x2x64xi32, #tpu.memory_space<hbm>> -> memref<2x64xi32, #tpu.memory_space<hbm>>
        %dma_wait3A_431 = tpu.memref_slice %arg8[%dma_wait3A_422] : memref<4x!tpu.dma_semaphore, #tpu.memory_space<semaphore_mem>> -> memref<1x!tpu.dma_semaphore, #tpu.memory_space<semaphore_mem>>
        %dma_wait3A_432 = tpu.memref_squeeze %dma_wait3A_431 : memref<1x!tpu.dma_semaphore, #tpu.memory_space<semaphore_mem>> -> memref<!tpu.dma_semaphore, #tpu.memory_space<semaphore_mem>>
        %dma_wait3A_433 = arith.constant 0 : i32
        %dma_wait3A_434 = arith.constant 0 : i32
        %dma_wait3A_435 = tpu.memref_slice %arg5[%dma_wait3A_421, %dma_wait3A_433, %dma_wait3A_434] : memref<4x2x64xi32, #tpu.memory_space<vmem>> -> memref<1x2x64xi32, #tpu.memory_space<vmem>>
        %dma_wait3A_436 = tpu.memref_squeeze %dma_wait3A_435 : memref<1x2x64xi32, #tpu.memory_space<vmem>> -> memref<2x64xi32, #tpu.memory_space<vmem>>
        %dma_wait3A_437 = arith.constant 0 : i32
        %dma_wait3A_438 = arith.constant 0 : i32
        %dma_wait3A_439 = tpu.memref_slice %arg3[%select_n3A_69, %dma_wait3A_437, %dma_wait3A_438] : memref<5120x2x64xi32, #tpu.memory_space<hbm>> -> memref<1x2x64xi32, #tpu.memory_space<hbm>>
        %dma_wait3A_440 = tpu.memref_squeeze %dma_wait3A_439 : memref<1x2x64xi32, #tpu.memory_space<hbm>> -> memref<2x64xi32, #tpu.memory_space<hbm>>
        tpu.wait_dma2 semaphore(%dma_wait3A_432 : memref<!tpu.dma_semaphore, #tpu.memory_space<semaphore_mem>>) src(%dma_wait3A_440 : memref<2x64xi32, #tpu.memory_space<hbm>>) dst(%dma_wait3A_436 : memref<2x64xi32, #tpu.memory_space<vmem>>)
        %dma_start3A_441 = arith.constant 0 : i32
        %dma_start3A_442 = arith.constant 0 : i32
        %dma_start3A_443 = arith.constant 0 : i32
        %dma_start3A_444 = arith.constant 0 : i32
        %dma_start3A_445 = arith.constant 0 : i32
        %dma_start3A_446 = arith.constant 0 : i32
        %dma_start3A_447 = tpu.memref_slice %arg6[%dma_start3A_443, %dma_start3A_445, %dma_start3A_446] : memref<4x64x128xf32, #tpu.memory_space<vmem>> -> memref<1x64x128xf32, #tpu.memory_space<vmem>>
        %dma_start3A_448 = tpu.memref_squeeze %dma_start3A_447 : memref<1x64x128xf32, #tpu.memory_space<vmem>> -> memref<64x128xf32, #tpu.memory_space<vmem>>
        %dma_start3A_449 = arith.constant 0 : i32
        %dma_start3A_450 = tpu.memref_slice %arg5[%dma_start3A_441, %dma_start3A_442, %dma_start3A_449] : memref<4x2x64xi32, #tpu.memory_space<vmem>> -> memref<1x1x64xi32, #tpu.memory_space<vmem>>
        %dma_start3A_451 = tpu.memref_squeeze %dma_start3A_450 : memref<1x1x64xi32, #tpu.memory_space<vmem>> -> memref<64xi32, #tpu.memory_space<vmem>>
        %dma_start3A_452 = arith.constant 0 : i32
        %dma_start3A_453 = arith.constant 0 : i32
        %dma_start3A_454 = tpu.memref_slice %arg2[%dma_start3A_452, %dma_start3A_453] : memref<10000x128xf32, #tpu.memory_space<hbm>> -> memref<10000x128xf32, #tpu.memory_space<hbm>>
        %dma_start3A_455 = tpu.memref_slice %arg9[%dma_start3A_444] : memref<4x!tpu.dma_semaphore, #tpu.memory_space<semaphore_mem>> -> memref<1x!tpu.dma_semaphore, #tpu.memory_space<semaphore_mem>>
        %dma_start3A_456 = tpu.memref_squeeze %dma_start3A_455 : memref<1x!tpu.dma_semaphore, #tpu.memory_space<semaphore_mem>> -> memref<!tpu.dma_semaphore, #tpu.memory_space<semaphore_mem>>
        tpu.enqueue_indirect_dma source(%dma_start3A_454 : memref<10000x128xf32, #tpu.memory_space<hbm>>) target(%dma_start3A_448 : memref<64x128xf32, #tpu.memory_space<vmem>>) offsets(%dma_start3A_451 : memref<64xi32, #tpu.memory_space<vmem>>) semaphore(%dma_start3A_456 : memref<!tpu.dma_semaphore, #tpu.memory_space<semaphore_mem>>)
      } else {
      }
      %dma_wait3A_389 = arith.constant 3 : i32
      %dma_wait3A_390 = arith.constant 0 : i32
      %dma_wait3A_391 = arith.constant 3 : i32
      %dma_wait3A_392 = arith.constant 3 : i32
      %dma_wait3A_393 = arith.constant 0 : i32
      %dma_wait3A_394 = arith.constant 0 : i32
      %dma_wait3A_395 = tpu.memref_slice %arg6[%dma_wait3A_391, %dma_wait3A_393, %dma_wait3A_394] : memref<4x64x128xf32, #tpu.memory_space<vmem>> -> memref<1x64x128xf32, #tpu.memory_space<vmem>>
      %dma_wait3A_396 = tpu.memref_squeeze %dma_wait3A_395 : memref<1x64x128xf32, #tpu.memory_space<vmem>> -> memref<64x128xf32, #tpu.memory_space<vmem>>
      %dma_wait3A_397 = arith.constant 0 : i32
      %dma_wait3A_398 = tpu.memref_slice %arg5[%dma_wait3A_389, %dma_wait3A_390, %dma_wait3A_397] : memref<4x2x64xi32, #tpu.memory_space<vmem>> -> memref<1x1x64xi32, #tpu.memory_space<vmem>>
      %dma_wait3A_399 = tpu.memref_squeeze %dma_wait3A_398 : memref<1x1x64xi32, #tpu.memory_space<vmem>> -> memref<64xi32, #tpu.memory_space<vmem>>
      %dma_wait3A_400 = arith.constant 0 : i32
      %dma_wait3A_401 = arith.constant 0 : i32
      %dma_wait3A_402 = tpu.memref_slice %arg2[%dma_wait3A_400, %dma_wait3A_401] : memref<10000x128xf32, #tpu.memory_space<hbm>> -> memref<10000x128xf32, #tpu.memory_space<hbm>>
      %dma_wait3A_403 = tpu.memref_slice %arg9[%dma_wait3A_392] : memref<4x!tpu.dma_semaphore, #tpu.memory_space<semaphore_mem>> -> memref<1x!tpu.dma_semaphore, #tpu.memory_space<semaphore_mem>>
      %dma_wait3A_404 = tpu.memref_squeeze %dma_wait3A_403 : memref<1x!tpu.dma_semaphore, #tpu.memory_space<semaphore_mem>> -> memref<!tpu.dma_semaphore, #tpu.memory_space<semaphore_mem>>
      tpu.wait_indirect_dma semaphore(%dma_wait3A_404 : memref<!tpu.dma_semaphore, #tpu.memory_space<semaphore_mem>>) src(%dma_wait3A_402 : memref<10000x128xf32, #tpu.memory_space<hbm>>) dst(%dma_wait3A_396 : memref<64x128xf32, #tpu.memory_space<vmem>>)
      %dma_start3A_405 = arith.constant 3 : i32
      %dma_start3A_406 = arith.constant 3 : i32
      %dma_start3A_407 = arith.constant 1 : i32
      %dma_start3A_408 = arith.constant 3 : i32
      %dma_start3A_409 = arith.constant 0 : i32
      %dma_start3A_410 = arith.constant 0 : i32
      %dma_start3A_411 = tpu.memref_slice %arg6[%dma_start3A_405, %dma_start3A_409, %dma_start3A_410] : memref<4x64x128xf32, #tpu.memory_space<vmem>> -> memref<1x64x128xf32, #tpu.memory_space<vmem>>
      %dma_start3A_412 = tpu.memref_squeeze %dma_start3A_411 : memref<1x64x128xf32, #tpu.memory_space<vmem>> -> memref<64x128xf32, #tpu.memory_space<vmem>>
      %dma_start3A_413 = arith.constant 0 : i32
      %dma_start3A_414 = tpu.memref_slice %arg5[%dma_start3A_406, %dma_start3A_407, %dma_start3A_413] : memref<4x2x64xi32, #tpu.memory_space<vmem>> -> memref<1x1x64xi32, #tpu.memory_space<vmem>>
      %dma_start3A_415 = tpu.memref_squeeze %dma_start3A_414 : memref<1x1x64xi32, #tpu.memory_space<vmem>> -> memref<64xi32, #tpu.memory_space<vmem>>
      %dma_start3A_416 = arith.constant 0 : i32
      %dma_start3A_417 = arith.constant 0 : i32
      %dma_start3A_418 = tpu.memref_slice %arg7[%dma_start3A_416, %dma_start3A_417] : memref<10240x128xf32, #tpu.memory_space<vmem_shared>> -> memref<10240x128xf32, #tpu.memory_space<vmem_shared>>
      %dma_start3A_419 = tpu.memref_slice %arg10[%dma_start3A_408] : memref<4x!tpu.dma_semaphore, #tpu.memory_space<semaphore_mem>> -> memref<1x!tpu.dma_semaphore, #tpu.memory_space<semaphore_mem>>
      %dma_start3A_420 = tpu.memref_squeeze %dma_start3A_419 : memref<1x!tpu.dma_semaphore, #tpu.memory_space<semaphore_mem>> -> memref<!tpu.dma_semaphore, #tpu.memory_space<semaphore_mem>>
      tpu.enqueue_indirect_dma source(%dma_start3A_412 : memref<64x128xf32, #tpu.memory_space<vmem>>) target(%dma_start3A_418 : memref<10240x128xf32, #tpu.memory_space<vmem_shared>>) offsets(%dma_start3A_415 : memref<64xi32, #tpu.memory_space<vmem>>) semaphore(%dma_start3A_420 : memref<!tpu.dma_semaphore, #tpu.memory_space<semaphore_mem>>) {add = true}
    }
    %dma_wait3A_175 = arith.constant 2 : i32
    %dma_wait3A_176 = arith.constant 2 : i32
    %dma_wait3A_177 = arith.constant 1 : i32
    %dma_wait3A_178 = arith.constant 2 : i32
    %dma_wait3A_179 = arith.constant 0 : i32
    %dma_wait3A_180 = arith.constant 0 : i32
    %dma_wait3A_181 = tpu.memref_slice %arg6[%dma_wait3A_175, %dma_wait3A_179, %dma_wait3A_180] : memref<4x64x128xf32, #tpu.memory_space<vmem>> -> memref<1x64x128xf32, #tpu.memory_space<vmem>>
    %dma_wait3A_182 = tpu.memref_squeeze %dma_wait3A_181 : memref<1x64x128xf32, #tpu.memory_space<vmem>> -> memref<64x128xf32, #tpu.memory_space<vmem>>
    %dma_wait3A_183 = arith.constant 0 : i32
    %dma_wait3A_184 = tpu.memref_slice %arg5[%dma_wait3A_176, %dma_wait3A_177, %dma_wait3A_183] : memref<4x2x64xi32, #tpu.memory_space<vmem>> -> memref<1x1x64xi32, #tpu.memory_space<vmem>>
    %dma_wait3A_185 = tpu.memref_squeeze %dma_wait3A_184 : memref<1x1x64xi32, #tpu.memory_space<vmem>> -> memref<64xi32, #tpu.memory_space<vmem>>
    %dma_wait3A_186 = arith.constant 0 : i32
    %dma_wait3A_187 = arith.constant 0 : i32
    %dma_wait3A_188 = tpu.memref_slice %arg7[%dma_wait3A_186, %dma_wait3A_187] : memref<10240x128xf32, #tpu.memory_space<vmem_shared>> -> memref<10240x128xf32, #tpu.memory_space<vmem_shared>>
    %dma_wait3A_189 = tpu.memref_slice %arg10[%dma_wait3A_178] : memref<4x!tpu.dma_semaphore, #tpu.memory_space<semaphore_mem>> -> memref<1x!tpu.dma_semaphore, #tpu.memory_space<semaphore_mem>>
    %dma_wait3A_190 = tpu.memref_squeeze %dma_wait3A_189 : memref<1x!tpu.dma_semaphore, #tpu.memory_space<semaphore_mem>> -> memref<!tpu.dma_semaphore, #tpu.memory_space<semaphore_mem>>
    tpu.wait_indirect_dma semaphore(%dma_wait3A_190 : memref<!tpu.dma_semaphore, #tpu.memory_space<semaphore_mem>>) src(%dma_wait3A_182 : memref<64x128xf32, #tpu.memory_space<vmem>>) dst(%dma_wait3A_188 : memref<10240x128xf32, #tpu.memory_space<vmem_shared>>)
    %dma_wait3A_191 = arith.constant 3 : i32
    %dma_wait3A_192 = arith.constant 3 : i32
    %dma_wait3A_193 = arith.constant 1 : i32
    %dma_wait3A_194 = arith.constant 3 : i32
    %dma_wait3A_195 = arith.constant 0 : i32
    %dma_wait3A_196 = arith.constant 0 : i32
    %dma_wait3A_197 = tpu.memref_slice %arg6[%dma_wait3A_191, %dma_wait3A_195, %dma_wait3A_196] : memref<4x64x128xf32, #tpu.memory_space<vmem>> -> memref<1x64x128xf32, #tpu.memory_space<vmem>>
    %dma_wait3A_198 = tpu.memref_squeeze %dma_wait3A_197 : memref<1x64x128xf32, #tpu.memory_space<vmem>> -> memref<64x128xf32, #tpu.memory_space<vmem>>
    %dma_wait3A_199 = arith.constant 0 : i32
    %dma_wait3A_200 = tpu.memref_slice %arg5[%dma_wait3A_192, %dma_wait3A_193, %dma_wait3A_199] : memref<4x2x64xi32, #tpu.memory_space<vmem>> -> memref<1x1x64xi32, #tpu.memory_space<vmem>>
    %dma_wait3A_201 = tpu.memref_squeeze %dma_wait3A_200 : memref<1x1x64xi32, #tpu.memory_space<vmem>> -> memref<64xi32, #tpu.memory_space<vmem>>
    %dma_wait3A_202 = arith.constant 0 : i32
    %dma_wait3A_203 = arith.constant 0 : i32
    %dma_wait3A_204 = tpu.memref_slice %arg7[%dma_wait3A_202, %dma_wait3A_203] : memref<10240x128xf32, #tpu.memory_space<vmem_shared>> -> memref<10240x128xf32, #tpu.memory_space<vmem_shared>>
    %dma_wait3A_205 = tpu.memref_slice %arg10[%dma_wait3A_194] : memref<4x!tpu.dma_semaphore, #tpu.memory_space<semaphore_mem>> -> memref<1x!tpu.dma_semaphore, #tpu.memory_space<semaphore_mem>>
    %dma_wait3A_206 = tpu.memref_squeeze %dma_wait3A_205 : memref<1x!tpu.dma_semaphore, #tpu.memory_space<semaphore_mem>> -> memref<!tpu.dma_semaphore, #tpu.memory_space<semaphore_mem>>
    tpu.wait_indirect_dma semaphore(%dma_wait3A_206 : memref<!tpu.dma_semaphore, #tpu.memory_space<semaphore_mem>>) src(%dma_wait3A_198 : memref<64x128xf32, #tpu.memory_space<vmem>>) dst(%dma_wait3A_204 : memref<10240x128xf32, #tpu.memory_space<vmem_shared>>)
    %barrier3A_207 = arith.constant 0 : index
    tpu.barrier barrier_id(%barrier3A_207)
    %mul3A_208 = arith.constant 640 : i32
    %mul3A_209 = arith.muli %arg1, %mul3A_208 : i32
    %mul3A_210 = arith.constant 640 : i32
    %mul3A_211 = arith.muli %arg1, %mul3A_210 : i32
    "tpu.region"() ({
      %run_scoped3A_212 = tpu.sem_alloc : memref<!tpu.dma_semaphore, #tpu.memory_space<semaphore_mem>>
      %dma_start3A_213 = arith.constant 0 : i32
      %dma_start3A_214 = tpu.memref_slice %arg4[%arg0, %mul3A_211, %dma_start3A_213] : memref<2x10240x128xf32, #tpu.memory_space<hbm>> -> memref<1x640x128xf32, #tpu.memory_space<hbm>>
      %dma_start3A_215 = tpu.memref_squeeze %dma_start3A_214 : memref<1x640x128xf32, #tpu.memory_space<hbm>> -> memref<640x128xf32, #tpu.memory_space<hbm>>
      %dma_start3A_216 = arith.constant 0 : i32
      %dma_start3A_217 = tpu.memref_slice %arg7[%mul3A_209, %dma_start3A_216] : memref<10240x128xf32, #tpu.memory_space<vmem_shared>> -> memref<640x128xf32, #tpu.memory_space<vmem_shared>>
      tpu.enqueue_dma source(%dma_start3A_217 : memref<640x128xf32, #tpu.memory_space<vmem_shared>>) target(%dma_start3A_215 : memref<640x128xf32, #tpu.memory_space<hbm>>) target_semaphore(%run_scoped3A_212 : memref<!tpu.dma_semaphore, #tpu.memory_space<semaphore_mem>>)
      %dma_wait3A_218 = arith.constant 0 : i32
      %dma_wait3A_219 = tpu.memref_slice %arg4[%arg0, %mul3A_211, %dma_wait3A_218] : memref<2x10240x128xf32, #tpu.memory_space<hbm>> -> memref<1x640x128xf32, #tpu.memory_space<hbm>>
      %dma_wait3A_220 = tpu.memref_squeeze %dma_wait3A_219 : memref<1x640x128xf32, #tpu.memory_space<hbm>> -> memref<640x128xf32, #tpu.memory_space<hbm>>
      %dma_wait3A_221 = arith.constant 0 : i32
      %dma_wait3A_222 = tpu.memref_slice %arg7[%mul3A_209, %dma_wait3A_221] : memref<10240x128xf32, #tpu.memory_space<vmem_shared>> -> memref<640x128xf32, #tpu.memory_space<vmem_shared>>
      tpu.wait_dma2 semaphore(%run_scoped3A_212 : memref<!tpu.dma_semaphore, #tpu.memory_space<semaphore_mem>>) src(%dma_wait3A_222 : memref<640x128xf32, #tpu.memory_space<vmem_shared>>) dst(%dma_wait3A_220 : memref<640x128xf32, #tpu.memory_space<hbm>>)
      tpu.yield
    }) : () -> ()
    return
  }
}

module attributes {stable_mosaic.version = 14 : i64} {
  func.func @body(%arg0: i32, %arg1: memref<2x1024x128xf32, #tpu.memory_space<vmem>>, %arg2: memref<32x1024xf32, #tpu.memory_space<vmem>>, %arg3: memref<1024x128xf32, #tpu.memory_space<vmem>>, %arg4: memref<256x128xf32, #tpu.memory_space<vmem>>, %arg5: memref<1x256xf32, #tpu.memory_space<vmem>>, %arg6: memref<256x128xf32, #tpu.memory_space<vmem>>, %arg7: memref<128x256xf32, #tpu.memory_space<vmem>>, %arg8: memref<1x128xf32, #tpu.memory_space<vmem>>, %arg9: memref<128x256xf32, #tpu.memory_space<vmem>>, %arg10: memref<1024x128xf32, #tpu.memory_space<vmem>>, %arg11: memref<1024x128xf32, #tpu.memory_space<vmem>>, %arg12: memref<1024x1xf32, #tpu.memory_space<vmem>>) attributes {dimension_semantics = [#tpu.dimension_semantics<arbitrary>], iteration_bounds = array<i64: 10>, scalar_prefetch = 0 : i64, scratch_operands = 0 : i64, tpu.core_type = #tpu.core_type<tc>, window_params = [{transform_indices = @transform_0, window_bounds = array<i64: 2, 1024, 128>}, {transform_indices = @transform_1, window_bounds = array<i64: 32, 1024>}, {transform_indices = @transform_2, window_bounds = array<i64: 1024, 128>}, {pipeline_mode = #tpu.pipeline_mode<synchronous>, transform_indices = @transform_3, window_bounds = array<i64: 256, 128>}, {pipeline_mode = #tpu.pipeline_mode<synchronous>, transform_indices = @transform_4, window_bounds = array<i64: 1, 256>}, {pipeline_mode = #tpu.pipeline_mode<synchronous>, transform_indices = @transform_5, window_bounds = array<i64: 256, 128>}, {pipeline_mode = #tpu.pipeline_mode<synchronous>, transform_indices = @transform_6, window_bounds = array<i64: 128, 256>}, {pipeline_mode = #tpu.pipeline_mode<synchronous>, transform_indices = @transform_7, window_bounds = array<i64: 1, 128>}, {pipeline_mode = #tpu.pipeline_mode<synchronous>, transform_indices = @transform_8, window_bounds = array<i64: 128, 256>}, {transform_indices = @transform_9, window_bounds = array<i64: 1024, 128>}, {transform_indices = @transform_10, window_bounds = array<i64: 1024, 128>}, {transform_indices = @transform_11, window_bounds = array<i64: 1024, 1>}]} {
    %get3A = arith.constant 0 : index
    %get3A_0 = arith.constant 0 : index
    %get3A_1 = vector.load %arg2[%get3A, %get3A_0] : memref<32x1024xf32, #tpu.memory_space<vmem>>, vector<32x1024xf32>
    %broadcast_in_dim3A = arith.constant 1.000000e+00 : f32
    %broadcast_in_dim3A_2 = vector.broadcast %broadcast_in_dim3A : f32 to vector<32x1xf32>
    %dot_general3A = arith.constant dense<0.000000e+00> : vector<1024x1xf32>
    %dot_general3A_3 = tpu.matmul %get3A_1, %broadcast_in_dim3A_2, %dot_general3A {dimension_numbers = #tpu.dot_dimension_numbers<[0], [0], [1], [1], [0, 1, 1, 1], [], []>, transpose_lhs_hint = false} : vector<32x1024xf32>, vector<32x1xf32>, vector<1024x1xf32> -> vector<1024x1xf32>
    %max3A = arith.constant 1.000000e+00 : f32
    %max3A_4 = vector.broadcast %max3A : f32 to vector<1024x1xf32>
    %max3A_5 = arith.maximumf %dot_general3A_3, %max3A_4 : vector<1024x1xf32>
    %div3A = arith.constant 1.000000e+00 : f32
    %div3A_6 = vector.broadcast %div3A : f32 to vector<1024x1xf32>
    %div3A_7 = arith.divf %div3A_6, %max3A_5 : vector<1024x1xf32>
    %get3A_8 = arith.constant 0 : index
    %get3A_9 = arith.constant 0 : index
    %get3A_10 = arith.constant 0 : index
    %get3A_11 = vector.load %arg1[%get3A_8, %get3A_9, %get3A_10] : memref<2x1024x128xf32, #tpu.memory_space<vmem>>, vector<1x1024x128xf32>
    %get3A_12 = vector.shape_cast %get3A_11 : vector<1x1024x128xf32> to vector<1024x128xf32>
    %get3A_13 = arith.constant 1 : index
    %get3A_14 = arith.constant 0 : index
    %get3A_15 = arith.constant 0 : index
    %get3A_16 = vector.load %arg1[%get3A_13, %get3A_14, %get3A_15] : memref<2x1024x128xf32, #tpu.memory_space<vmem>>, vector<1x1024x128xf32>
    %get3A_17 = vector.shape_cast %get3A_16 : vector<1x1024x128xf32> to vector<1024x128xf32>
    %add3A = arith.addf %get3A_12, %get3A_17 : vector<1024x128xf32>
    %mul3A = vector.broadcast %div3A_7 : vector<1024x1xf32> to vector<1024x128xf32>
    %mul3A_18 = arith.mulf %add3A, %mul3A : vector<1024x128xf32>
    %get3A_19 = arith.constant 0 : index
    %get3A_20 = arith.constant 0 : index
    %get3A_21 = vector.load %arg4[%get3A_19, %get3A_20] : memref<256x128xf32, #tpu.memory_space<vmem>>, vector<256x128xf32>
    %dot_general3A_22 = arith.constant dense<0.000000e+00> : vector<1024x256xf32>
    %dot_general3A_23 = tpu.matmul %mul3A_18, %get3A_21, %dot_general3A_22 {dimension_numbers = #tpu.dot_dimension_numbers<[1], [1], [0], [0], [0, 0, 1, 0], [], []>, transpose_lhs_hint = false} : vector<1024x128xf32>, vector<256x128xf32>, vector<1024x256xf32> -> vector<1024x256xf32>
    %get3A_24 = arith.constant 0 : index
    %get3A_25 = arith.constant 0 : index
    %get3A_26 = vector.load %arg5[%get3A_24, %get3A_25] : memref<1x256xf32, #tpu.memory_space<vmem>>, vector<1x256xf32>
    %add3A_27 = vector.broadcast %get3A_26 : vector<1x256xf32> to vector<1024x256xf32>
    %add3A_28 = arith.addf %dot_general3A_23, %add3A_27 : vector<1024x256xf32>
    %get3A_29 = arith.constant 0 : index
    %get3A_30 = arith.constant 0 : index
    %get3A_31 = vector.load %arg3[%get3A_29, %get3A_30] : memref<1024x128xf32, #tpu.memory_space<vmem>>, vector<1024x128xf32>
    %get3A_32 = arith.constant 0 : index
    %get3A_33 = arith.constant 0 : index
    %get3A_34 = vector.load %arg6[%get3A_32, %get3A_33] : memref<256x128xf32, #tpu.memory_space<vmem>>, vector<256x128xf32>
    %dot_general3A_35 = arith.constant dense<0.000000e+00> : vector<1024x256xf32>
    %dot_general3A_36 = tpu.matmul %get3A_31, %get3A_34, %dot_general3A_35 {dimension_numbers = #tpu.dot_dimension_numbers<[1], [1], [0], [0], [0, 0, 1, 0], [], []>, transpose_lhs_hint = false} : vector<1024x128xf32>, vector<256x128xf32>, vector<1024x256xf32> -> vector<1024x256xf32>
    %add3A_37 = arith.addf %add3A_28, %dot_general3A_36 : vector<1024x256xf32>
    %max3A_38 = arith.constant 0.000000e+00 : f32
    %max3A_39 = vector.broadcast %max3A_38 : f32 to vector<1024x256xf32>
    %max3A_40 = arith.maximumf %add3A_37, %max3A_39 : vector<1024x256xf32>
    %get3A_41 = arith.constant 0 : index
    %get3A_42 = arith.constant 0 : index
    %get3A_43 = vector.load %arg7[%get3A_41, %get3A_42] : memref<128x256xf32, #tpu.memory_space<vmem>>, vector<128x256xf32>
    %dot_general3A_44 = arith.constant dense<0.000000e+00> : vector<1024x128xf32>
    %dot_general3A_45 = tpu.matmul %max3A_40, %get3A_43, %dot_general3A_44 {dimension_numbers = #tpu.dot_dimension_numbers<[1], [1], [0], [0], [0, 0, 1, 0], [], []>, transpose_lhs_hint = false} : vector<1024x256xf32>, vector<128x256xf32>, vector<1024x128xf32> -> vector<1024x128xf32>
    %swap3A = arith.constant 0 : index
    %swap3A_46 = arith.constant 0 : index
    %swap3A_47 = vector.load %arg10[%swap3A, %swap3A_46] : memref<1024x128xf32, #tpu.memory_space<vmem>>, vector<1024x128xf32>
    tpu.vector_store %arg10[%swap3A, %swap3A_46], %dot_general3A_45 {strides = array<i32>} : memref<1024x128xf32, #tpu.memory_space<vmem>>, vector<1024x128xf32>,
    %get3A_48 = arith.constant 0 : index
    %get3A_49 = arith.constant 0 : index
    %get3A_50 = vector.load %arg9[%get3A_48, %get3A_49] : memref<128x256xf32, #tpu.memory_space<vmem>>, vector<128x256xf32>
    %dot_general3A_51 = arith.constant dense<0.000000e+00> : vector<1024x128xf32>
    %dot_general3A_52 = tpu.matmul %max3A_40, %get3A_50, %dot_general3A_51 {dimension_numbers = #tpu.dot_dimension_numbers<[1], [1], [0], [0], [0, 0, 1, 0], [], []>, transpose_lhs_hint = false} : vector<1024x256xf32>, vector<128x256xf32>, vector<1024x128xf32> -> vector<1024x128xf32>
    %get3A_53 = arith.constant 0 : index
    %get3A_54 = arith.constant 0 : index
    %get3A_55 = vector.load %arg8[%get3A_53, %get3A_54] : memref<1x128xf32, #tpu.memory_space<vmem>>, vector<1x128xf32>
    %add3A_56 = vector.broadcast %get3A_55 : vector<1x128xf32> to vector<1024x128xf32>
    %add3A_57 = arith.addf %dot_general3A_52, %add3A_56 : vector<1024x128xf32>
    %swap3A_58 = arith.constant 0 : index
    %swap3A_59 = arith.constant 0 : index
    %swap3A_60 = vector.load %arg11[%swap3A_58, %swap3A_59] : memref<1024x128xf32, #tpu.memory_space<vmem>>, vector<1024x128xf32>
    tpu.vector_store %arg11[%swap3A_58, %swap3A_59], %add3A_57 {strides = array<i32>} : memref<1024x128xf32, #tpu.memory_space<vmem>>, vector<1024x128xf32>,
    %swap3A_61 = arith.constant 0 : index
    %swap3A_62 = arith.constant 0 : index
    %swap3A_63 = vector.load %arg12[%swap3A_61, %swap3A_62] : memref<1024x1xf32, #tpu.memory_space<vmem>>, vector<1024x1xf32>
    tpu.vector_store %arg12[%swap3A_61, %swap3A_62], %div3A_7 {strides = array<i32>} : memref<1024x1xf32, #tpu.memory_space<vmem>>, vector<1024x1xf32>,
    return
  }
  func.func @transform_0(%arg0: i32) -> (i32, i32, i32) {
    %c0_i32 = arith.constant 0 : i32
    %c0_i32_0 = arith.constant 0 : i32
    %c0_i32_1 = arith.constant 0 : i32
    return %c0_i32, %arg0, %c0_i32_0 : i32, i32, i32
  }
  func.func @transform_1(%arg0: i32) -> (i32, i32) {
    %c0_i32 = arith.constant 0 : i32
    %c0_i32_0 = arith.constant 0 : i32
    return %c0_i32, %arg0 : i32, i32
  }
  func.func @transform_2(%arg0: i32) -> (i32, i32) {
    %c0_i32 = arith.constant 0 : i32
    %c0_i32_0 = arith.constant 0 : i32
    return %arg0, %c0_i32 : i32, i32
  }
  func.func @transform_3(%arg0: i32) -> (i32, i32) {
    %c0_i32 = arith.constant 0 : i32
    %c0_i32_0 = arith.constant 0 : i32
    %c0_i32_1 = arith.constant 0 : i32
    return %c0_i32, %c0_i32_0 : i32, i32
  }
  func.func @transform_4(%arg0: i32) -> (i32, i32) {
    %c0_i32 = arith.constant 0 : i32
    %c0_i32_0 = arith.constant 0 : i32
    %c0_i32_1 = arith.constant 0 : i32
    return %c0_i32, %c0_i32_0 : i32, i32
  }
  func.func @transform_5(%arg0: i32) -> (i32, i32) {
    %c0_i32 = arith.constant 0 : i32
    %c0_i32_0 = arith.constant 0 : i32
    %c0_i32_1 = arith.constant 0 : i32
    return %c0_i32, %c0_i32_0 : i32, i32
  }
  func.func @transform_6(%arg0: i32) -> (i32, i32) {
    %c0_i32 = arith.constant 0 : i32
    %c0_i32_0 = arith.constant 0 : i32
    %c0_i32_1 = arith.constant 0 : i32
    return %c0_i32, %c0_i32_0 : i32, i32
  }
  func.func @transform_7(%arg0: i32) -> (i32, i32) {
    %c0_i32 = arith.constant 0 : i32
    %c0_i32_0 = arith.constant 0 : i32
    %c0_i32_1 = arith.constant 0 : i32
    return %c0_i32, %c0_i32_0 : i32, i32
  }
  func.func @transform_8(%arg0: i32) -> (i32, i32) {
    %c0_i32 = arith.constant 0 : i32
    %c0_i32_0 = arith.constant 0 : i32
    %c0_i32_1 = arith.constant 0 : i32
    return %c0_i32, %c0_i32_0 : i32, i32
  }
  func.func @transform_9(%arg0: i32) -> (i32, i32) {
    %c0_i32 = arith.constant 0 : i32
    %c0_i32_0 = arith.constant 0 : i32
    return %arg0, %c0_i32 : i32, i32
  }
  func.func @transform_10(%arg0: i32) -> (i32, i32) {
    %c0_i32 = arith.constant 0 : i32
    %c0_i32_0 = arith.constant 0 : i32
    return %arg0, %c0_i32 : i32, i32
  }
  func.func @transform_11(%arg0: i32) -> (i32, i32) {
    %c0_i32 = arith.constant 0 : i32
    %c0_i32_0 = arith.constant 0 : i32
    return %arg0, %c0_i32 : i32, i32
  }
}

module attributes {stable_mosaic.version = 14 : i64} {
  func.func @body(%arg0: i32, %arg1: memref<2x1024x128xf32, #tpu.memory_space<vmem>>, %arg2: memref<1024x1xf32, #tpu.memory_space<vmem>>, %arg3: memref<1024x128xf32, #tpu.memory_space<vmem>>, %arg4: memref<1024x128xf32, #tpu.memory_space<vmem>>) attributes {dimension_semantics = [#tpu.dimension_semantics<arbitrary>], iteration_bounds = array<i64: 10>, scalar_prefetch = 0 : i64, scratch_operands = 0 : i64, tpu.core_type = #tpu.core_type<tc>, window_params = [{transform_indices = @transform_0, window_bounds = array<i64: 2, 1024, 128>}, {transform_indices = @transform_1, window_bounds = array<i64: 1024, 1>}, {transform_indices = @transform_2, window_bounds = array<i64: 1024, 128>}, {transform_indices = @transform_3, window_bounds = array<i64: 1024, 128>}]} {
    %get3A = arith.constant 0 : index
    %get3A_0 = arith.constant 0 : index
    %get3A_1 = arith.constant 0 : index
    %get3A_2 = vector.load %arg1[%get3A, %get3A_0, %get3A_1] : memref<2x1024x128xf32, #tpu.memory_space<vmem>>, vector<1x1024x128xf32>
    %get3A_3 = vector.shape_cast %get3A_2 : vector<1x1024x128xf32> to vector<1024x128xf32>
    %get3A_4 = arith.constant 1 : index
    %get3A_5 = arith.constant 0 : index
    %get3A_6 = arith.constant 0 : index
    %get3A_7 = vector.load %arg1[%get3A_4, %get3A_5, %get3A_6] : memref<2x1024x128xf32, #tpu.memory_space<vmem>>, vector<1x1024x128xf32>
    %get3A_8 = vector.shape_cast %get3A_7 : vector<1x1024x128xf32> to vector<1024x128xf32>
    %add3A = arith.addf %get3A_3, %get3A_8 : vector<1024x128xf32>
    %get3A_9 = arith.constant 0 : index
    %get3A_10 = arith.constant 0 : index
    %get3A_11 = vector.load %arg2[%get3A_9, %get3A_10] : memref<1024x1xf32, #tpu.memory_space<vmem>>, vector<1024x1xf32>
    %mul3A = vector.broadcast %get3A_11 : vector<1024x1xf32> to vector<1024x128xf32>
    %mul3A_12 = arith.mulf %add3A, %mul3A : vector<1024x128xf32>
    %get3A_13 = arith.constant 0 : index
    %get3A_14 = arith.constant 0 : index
    %get3A_15 = vector.load %arg3[%get3A_13, %get3A_14] : memref<1024x128xf32, #tpu.memory_space<vmem>>, vector<1024x128xf32>
    %add3A_16 = arith.addf %mul3A_12, %get3A_15 : vector<1024x128xf32>
    %swap3A = arith.constant 0 : index
    %swap3A_17 = arith.constant 0 : index
    %swap3A_18 = vector.load %arg4[%swap3A, %swap3A_17] : memref<1024x128xf32, #tpu.memory_space<vmem>>, vector<1024x128xf32>
    tpu.vector_store %arg4[%swap3A, %swap3A_17], %add3A_16 {strides = array<i32>} : memref<1024x128xf32, #tpu.memory_space<vmem>>, vector<1024x128xf32>,
    return
  }
  func.func @transform_0(%arg0: i32) -> (i32, i32, i32) {
    %c0_i32 = arith.constant 0 : i32
    %c0_i32_0 = arith.constant 0 : i32
    %c0_i32_1 = arith.constant 0 : i32
    return %c0_i32, %arg0, %c0_i32_0 : i32, i32, i32
  }
  func.func @transform_1(%arg0: i32) -> (i32, i32) {
    %c0_i32 = arith.constant 0 : i32
    %c0_i32_0 = arith.constant 0 : i32
    return %arg0, %c0_i32 : i32, i32
  }
  func.func @transform_2(%arg0: i32) -> (i32, i32) {
    %c0_i32 = arith.constant 0 : i32
    %c0_i32_0 = arith.constant 0 : i32
    return %arg0, %c0_i32 : i32, i32
  }
  func.func @transform_3(%arg0: i32) -> (i32, i32) {
    %c0_i32 = arith.constant 0 : i32
    %c0_i32_0 = arith.constant 0 : i32
    return %arg0, %c0_i32 : i32, i32
  }
}

</mosaic_0001>

<sc_bundles>
// kernel: kernel.6.cloned.1.call-start
scs
__scs_entry_jumppad:
0x0: {  	(pc) =	sbr.rel $0x88, $3  }
0x1: {  	(tag) =	ssettag $0x0;
	lr =	simm.s32 $0x1  }
0x2: {  	[smem:$0x3F99] =	sst lr;
	_ =	strace $0xD0000000  }
0x3: {  	_ = 	snop  }
0x4: {  	_ = 	snop  }
0x5: {  	_ = 	snop  }
0x6: {  	_ = 	snop  }
0x7: {  	_ = 	snop  }
__scs_overlays_trampoline_lowered:
0x8: {  	[smem:$0x3FA8] =	sst s0  }
0x9: {  	[smem:$0x3FA9] =	sst s1  }
0xa: {  	[smem:$0x3FAA] =	sst s2  }
0xb: {  	[smem:$0x3FAB] =	sst s3  }
0xc: {  	[smem:$0x3FAC] =	sst s4  }
0xd: {  	[smem:$0x3FAD] =	sst s5  }
0xe: {  	[smem:$0x3FAE] =	sst s6  }
0xf: {  	[smem:$0x3FAF] =	sst s7  }
0x10: {  	[smem:$0x3FB0] =	sst s8  }
0x11: {  	[smem:$0x3FB1] =	sst s9;
	s0 =	simm.s32 @!p0 $0x0  }
0x12: {  	s1 =	sld [smem:$0x3F97];
	s0 =	simm.s32 @p0 $0x1  }
0x13: {  	[smem:$0x3FB2] =	sst s0;
	s0 =	simm.s32 @!p1 $0x0  }
0x14: {  	s2 =	sld [smem:$0x3F96];
	s0 =	simm.s32 @p1 $0x1  }
0x15: {  	[smem:$0x3FB3] =	sst s0;
	s0 =	simm.s32 @!p2 $0x0  }
0x16: {  	s3 =	sld [smem:$0x3FDB];
	s0 =	simm.s32 @p2 $0x1  }
0x17: {  	s4 =	simm.s32 $0x1BF5;
	[smem:$0x3FB5] =	sst s0  }
0x18: {  	s0 =	sld [smem:$0x3F98];
	_ =	swait.ge [sflag:s4], $0x0  }
0x19: {  	s7 =	sld [smem:$0x3F99]  }
0x1a: {  	s8 =	sadd.s32 $0xFFFFE003, lr  }
0x1b: {  	s9 =	sadd.s32 $0xFFFFFEF7, lr;
	s5 =	simm.s32 $0xFFFFFFFF;
	p2 =	slt.u32 s8, $0xFFFFF086  }
0x1c: {  	p1 =	slt.u32 s9, $0xF7A;
	s5 =	simm.s32 @!p2 $0x0  }
0x1d: {  	s5 =	simm.s32 @p1 $0x1;
	p0 =	seq.s32 s7, s2  }
0x1e: {  	s7 =	smul.u32 @!p0 $0xF7A, s2;
	p2 =	seq.s32 @!p0 s5, $0x0  }
0x1f: {  	s9 =	smul.u32 $0xF7A, s1;
	s8 =	simm.s32 @!p0 $0x1BF5;
	p2 =	por !p2, p0  }
0x20: {  	[sflag:s8] =	ssyncset.s32 @!p0 $0xFFFFF086;
	s6 =	sadd.s32 @!p0 s3, s7;
	s7 =	simm.s32 @!p0 $0x108  }
0x21: {  	s3 =	sadd.s32 s3, s9;
	s6 =	sadd.s32 @!p0 $0x88, s6;
	s7 =	simm.s32 @p2 $0x1082  }
0x22: {  	[simem:s7], [sflag:s8] =	dma.local @!p0 [hbm:s6], $0xF7A  }
0x23: {  	s9 =	sor.u32 $0xD0000000, s2;
	s6 =	simm.s32 $0x108;
	_ =	swait.ge @!p0 [sflag:s8], $0x0  }
0x24: {  	s3 =	sadd.s32 $0x88, s3;
	s6 =	simm.s32 @!p1 $0x1082;
	[sflag:s4] =	ssyncset.s32 $0xFFFFF086  }
0x25: {  	[simem:s6], [sflag:s4] =	dma.local [hbm:s3], $0xF7A  }
0x26: {  	[smem:$0x3F99] =	sst s1;
	(tag) =	ssettag s2;
	_ =	strace s9  }
0x27: {  	s1 =	sld [smem:$0x3FA9]  }
0x28: {  	s2 =	sld [smem:$0x3FAA]  }
0x29: {  	s4 =	sld [smem:$0x3FAC]  }
0x2a: {  	p0 =	seq.s32 s5, $0x0;
	s5 =	sld [smem:$0x3FAD]  }
0x2b: {  	s6 =	sld [smem:$0x3FAE]  }
0x2c: {  	s7 =	sld [smem:$0x3FAF]  }
0x2d: {  	s3 =	simm.s32 $0x108;
	s8 =	sld [smem:$0x3FB0]  }
0x2e: {  	s3 =	simm.s32 @!p0 $0x1082;
	s9 =	sld [smem:$0x3FB1]  }
0x2f: {  	lr =	sadd.s32 s0, s3;
	s0 =	sld [smem:$0x3FA8]  }
0x30: {  	s3 =	sld [smem:$0x3FAB]  }
0x31: {  	[smem:$0x3FB4] =	sst s10  }
0x32: {  	s10 =	sld [smem:$0x3FB2];
	_ =	sdelay $0x3  }
0x33: {  	p0 =	seq.s32 s10, $0x1;
	s10 =	sld [smem:$0x3FB4];
	_ =	sdelay $0x3  }
0x34: {  	[smem:$0x3FB4] =	sst s10  }
0x35: {  	s10 =	sld [smem:$0x3FB3];
	_ =	sdelay $0x3  }
0x36: {  	p1 =	seq.s32 s10, $0x1;
	s10 =	sld [smem:$0x3FB4];
	_ =	sdelay $0x3  }
0x37: {  	[smem:$0x3FB4] =	sst s10  }
0x38: {  	s10 =	sld [smem:$0x3FB5]  }
0x39: {  	_ = 	snop;
	(pc) =	sbr.ind lr, $3  }
0x3a: {  	_ = 	snop  }
0x3b: {  	_ = 	snop  }
0x3c: {  	p2 =	seq.s32 s10, $0x1;
	s10 =	sld [smem:$0x3FB4]  }
0x3d: {  	_ =	shalt  }
0x3e: {  	_ =	shalt  }
0x3f: {  	_ =	shalt  }
0x40: {  	_ =	shalt  }
0x41: {  	_ =	shalt  }
0x42: {  	_ =	shalt  }
0x43: {  	_ =	shalt  }
0x44: {  	_ =	shalt  }
0x45: {  	_ =	shalt  }
0x46: {  	_ =	shalt  }
0x47: {  	_ =	shalt  }
0x48: {  	_ =	shalt  }
0x49: {  	_ =	shalt  }
0x4a: {  	_ =	shalt  }
0x4b: {  	_ =	shalt  }
0x4c: {  	_ =	shalt  }
0x4d: {  	_ =	shalt  }
0x4e: {  	_ =	shalt  }
0x4f: {  	_ =	shalt  }
0x50: {  	_ =	shalt  }
0x51: {  	_ =	shalt  }
0x52: {  	_ =	shalt  }
0x53: {  	_ =	shalt  }
0x54: {  	_ =	shalt  }
0x55: {  	_ =	shalt  }
0x56: {  	_ =	shalt  }
0x57: {  	_ =	shalt  }
0x58: {  	_ =	shalt  }
0x59: {  	_ =	shalt  }
0x5a: {  	_ =	shalt  }
0x5b: {  	_ =	shalt  }
0x5c: {  	_ =	shalt  }
0x5d: {  	_ =	shalt  }
0x5e: {  	_ =	shalt  }
0x5f: {  	_ =	shalt  }
0x60: {  	_ =	shalt  }
0x61: {  	_ =	shalt  }
0x62: {  	_ =	shalt  }
0x63: {  	_ =	shalt  }
0x64: {  	_ =	shalt  }
0x65: {  	_ =	shalt  }
0x66: {  	_ =	shalt  }
0x67: {  	_ =	shalt  }
0x68: {  	_ =	shalt  }
0x69: {  	_ =	shalt  }
0x6a: {  	_ =	shalt  }
0x6b: {  	_ =	shalt  }
0x6c: {  	_ =	shalt  }
0x6d: {  	_ =	shalt  }
0x6e: {  	_ =	shalt  }
0x6f: {  	_ =	shalt  }
0x70: {  	_ =	shalt  }
0x71: {  	_ =	shalt  }
0x72: {  	_ =	shalt  }
0x73: {  	_ =	shalt  }
0x74: {  	_ =	shalt  }
0x75: {  	_ =	shalt  }
0x76: {  	_ =	shalt  }
0x77: {  	_ =	shalt  }
0x78: {  	_ =	shalt  }
0x79: {  	_ =	shalt  }
0x7a: {  	_ =	shalt  }
0x7b: {  	_ =	shalt  }
0x7c: {  	_ =	shalt  }
0x7d: {  	_ =	shalt  }
0x7e: {  	_ =	shalt  }
0x7f: {  	_ =	shalt  }
0x80: {  	_ =	shalt  }
0x81: {  	_ =	shalt  }
0x82: {  	_ =	shalt  }
0x83: {  	_ =	shalt  }
0x84: {  	_ =	shalt  }
0x85: {  	_ =	shalt  }
0x86: {  	_ =	shalt  }
0x87: {  	_ =	shalt  }
.Lfunc_end0:
.L_simem_size_0:
called_computation_lowered:
.L_overlay_start_0:
0x88: {  	s2 =	sld [smem:$0x3FD9]  }
0x89: {  	s3 =	sld [smem:$0x3FFE];
	_ =	sdelay $0x1  }
0x8a: {  	s1 =	srdreg.scid  }
0x8b: {  	s0 =	sand.u32 $0x1, s1  }
0x8c: {  	s17 =	sshll.u32 s0, $0xA;
	s2 =	sadd.s32 s3, s2  }
0x8d: {  	s2 =	sadd.s32 s2, s17  }
0x8e: {  	[smem:$0x3FC0] =	sst s2  }
0x8f: {  	_ = 	snop  }
0x90: {  	s2 =	sld [smem:$0x3FC9]  }
0x91: {  	s18 =	sld [smem:$0x3FD0];
	(tm) =	ssettm $0x1  }
0x92: {  	s4 =	sld [smem:$0x3FFB];
	_ =	sdelay $0x3  }
0x93: {  	_ =	strace s4  }
0x94: {  	s4 =	sld [smem:$0x3FFC];
	_ =	sdelay $0x3  }
0x95: {  	_ =	strace s4  }
0x96: {  	s4 =	sld [smem:$0x3FFD];
	_ =	sdelay $0x3  }
0x97: {  	_ =	strace s4  }
0x98: {  	_ =	strace $0x8FFFFFFF  }
0x99: {  	s19 =	sld [smem:$0x3FDB];
	_ =	sdelay $0x1  }
0x9a: {  	s5 =	simm.s32 $_scs_section_size  }
0x9b: {  	s6 =	simm.s32 $_size__tile_overlayer_lowered;
	s7 =	simm.s32 $_tile_overlayer_lowered  }
0x9c: {  	s22 =	simm.s32 $0x1BFF;
	s21 =	sshll.u32 s7, $0x1;
	s4 =	sadd.s32 s5, s19  }
0x9d: {  	s8 =	simm.s32 $0x0;
	s20 =	sshll.u32 s6, $0x1;
	s6 =	sadd.s32 s21, s4  }
0x9e: {  	[timem:s8], [sflag:s22] =	dma.local [hbm:s6], s20  }
0x9f: {  	_ =	swait.ge [sflag:s22], s20  }
0xa0: {  	s5 =	ssub.s32 $0x0, s20;
	[sflag:s22] =	ssyncset.done $0x0  }
0xa1: {  	[sflag:s22] =	ssyncadd.s32 s5;
	_ =	sdelay $0x1  }
0xa2: {  	s23 =	simm.s32 $0x1B8B  }
0xa3: {  	_ =	swait.ge [sflag:s23], $0x1  }
0xa4: {  	[sflag:s23] =	ssyncset.done $0x0  }
0xa5: {  	s25 =	simm.s32 $0x1B8E;
	s24 =	sld [smem:$0x3FFE];
	[sflag:s23] =	ssyncadd.s32 $0xFFFFFFFF  }
0xa6: {  	s26 =	simm.s32 $execute0_lowered;
	[smem:$0x3FD2] =	sst s25  }
0xa7: {  	s6 =	sshll.u32 s26, $0x1;
	_ =	strace $0x80000046;
	[dreg:$0x1] =	wrdreg $0xFFFFFFFF  }
0xa8: {  	s28 =	simm.s32 $_size_execute0_lowered;
	s4 =	sadd.s32 s4, s6;
	[dreg:$0x0] =	wrdreg $0x0  }
0xa9: {  	s6 =	sshll.u32 s28, $0x1;
	[dreg:$0x2] =	wrdreg s4  }
0xaa: {  	[dreg:$0x3] =	wrdreg s6  }
0xab: {  	[dreg:$0x4] =	wrdreg $0xC0  }
0xac: {  	_ =	task [dreg:s8], $0x5FFFF  }
0xad: {  	[dreg:$0x1] =	wrdreg $0xFFFFFFFF  }
0xae: {  	[dreg:$0x0] =	wrdreg $0x60  }
0xaf: {  	[dreg:$0x2] =	wrdreg s2  }
0xb0: {  	[dreg:$0x3] =	wrdreg s24  }
0xb1: {  	[dreg:$0x4] =	wrdreg s18  }
0xb2: {  	[dreg:$0x5] =	wrdreg $0x84000  }
0xb3: {  	[dreg:$0x6] =	wrdreg $0x9  }
0xb4: {  	_ =	task.clear_ibuf [dreg:s8], $0x7FFFF;
	_ =	strace $0x90000046  }
0xb5: {  	s29 =	simm.s32 $0x9;
	_ =	strace $0x80000048  }
0xb6: {  	_ =	swait.ge [sflag:s29], $0x1  }
0xb7: {  	[sflag:s29] =	ssyncadd.s32 $0xFFFFFFFF  }
0xb8: {  	_ =	strace $0x90000048  }
0xb9: {  	_ =	sfence  }
0xba: {  	s30 =	sld [smem:$0x0];
	_ =	sdelay $0x2  }
0xbb: {  	s31 =	sshll.u32 s1, $0xD;
	s1 =	sshrl.u32 s1, $0x2  }
0xbc: {  	s3 =	sand.u32 $0x4000, s31;
	s1 =	sadd.s32 s1, s30  }
0xbd: {  	s0 =	sor.u32 s3, s0;
	s1 =	sshll.u32 s1, $0x11  }
0xbe: {  	s0 =	sor.u32 s1, s0  }
0xbf: {  	s0 =	sadd.s32 $0x8F2B, s0  }
0xc0: {  	[sflag:s0] =	ssyncadd.remote.s32 $0x1  }
0xc1: {  	_ =	sfence.sel $0xFFFF  }
0xc2: {  	[dreg:$0x0] =	wrdreg $0xFFFFFFFF;
	(pc) =	sbr.abs _section_cstart, $3  }
0xc3: {  	[dreg:$0x1] =	wrdreg $0xFFFFFFFF  }
0xc4: {  	_ =	task.clear_ibuf [dreg:s8], $0x2FFFF;
	_ =	strace $0x9FFFFFFF  }
0xc5: {  	(tm) =	ssettm $0x7FFFFFFF  }
tec
execute0_lowered:
.L_overlay_start_1:
0x0: {  	(tag) =	ssettag $0x1  }
0x1: {  	s1 =	rddreg [dreg:$0x0]  }
0x2: {  	s0 =	rddreg [dreg:$0x1]  }
0x3: {  	s2 =	rddreg [dreg:$0x2]  }
0x4: {  	s3 =	rddreg [dreg:$0x3]  }
0x5: {  	s4 =	srdreg.scid;
	s12 =	stileid.u32;
	s15 =	simm.s32 $0x130  }
0x6: {  	s28 =	simm.s32 $0x40;
	s6 =	sand.u32 $0x1, s4;
	s5 =	smul.u32 $0x130, s12  }
0x7: {  	s19 =	sshll.u32 s12, $0x4;
	s4 =	simm.s32 $0x0;
	s20 =	smul.u32 $0x14000, s12  }
0x8: {  	s9 =	smul.u32 $0x50000, s12;
	p0 =	seq.s32 s6, $0x0;
	s7 =	sor.u32 $0x1300, s19  }
0x9: {  	s8 =	smul.u32 $0x140000, s6;
	[smem:$0x7FF] =	sst s4;
	s21 =	ssub.s32 $0x2, s6  }
0xa: {  	s7 =	smov.u32 @p0 s5;
	_ =	strace $0x80000047;
	s9 =	sshrl.u32 s9, $0x2  }
0xb: {  	s11 =	sshrl.u32 s21, $0x1;
	s15 =	simm.s32 @!p0 $0x10;
	s5 =	sadd.s32 s20, s8  }
0xc: {  	s8 =	ssub.s32 s21, s11;
	s17 =	sadd.s32 $0xFFFFFFFF, s15;
	s21 =	simm.s32 $0x180  }
0xd: {  	s10 =	sshrl.u32 s5, $0x3;
	s5 =	sadd.s32 s9, s3;
	[dreg:$0x5] =	wrdreg s17  }
0xe: {  	s29 =	simm.s32 $0x5;
	[dreg:$0x6] =	wrdreg s21;
	s9 =	sadd.s32 $0x2000, s5  }
0xf: {  	s30 =	simm.s32 $0x80;
	s22 =	sadd.s32 $0x4000, s5;
	[dreg:$0xc] =	wrdreg s9  }
0x10: {  	s31 =	simm.s32 $0x1C400;
	s23 =	sadd.s32 $0x6000, s5;
	[dreg:$0xd] =	wrdreg s22  }
0x11: {  	s18 =	sshrl.u32 s12, $0x2;
	s24 =	sadd.s32 $0x8000, s5;
	[dreg:$0xe] =	wrdreg s23  }
0x12: {  	s7 =	sshll.u32 s7, $0x5;
	s25 =	sadd.s32 $0xA000, s5;
	[dreg:$0xf] =	wrdreg s24  }
0x13: {  	s7 =	sadd.s32 s7, s0;
	s26 =	sadd.s32 $0xC000, s5;
	[dreg:$0x10] =	wrdreg s25  }
0x14: {  	s0 =	sadd.s32 s10, s0;
	s10 =	sadd.s32 $0xE000, s5;
	[dreg:$0x11] =	wrdreg s26  }
0x15: {  	s19 =	sshll.u32 s12, $0x8;
	s11 =	sadd.s32 $0x10000, s5;
	[dreg:$0x12] =	wrdreg s10  }
0x16: {  	s6 =	sshll.u32 s6, $0x7;
	s13 =	sadd.s32 $0x12000, s5;
	[dreg:$0x13] =	wrdreg s11  }
0x17: {  	s12 =	sand.u32 $0x300, s19;
	s14 =	sadd.s32 $0x2000, s7;
	[dreg:$0x14] =	wrdreg s13  }
0x18: {  	s6 =	sor.u32 s6, s12;
	s16 =	sadd.s32 $0x2020, s7;
	[dreg:$0x15] =	wrdreg s14  }
0x19: {  	s21 =	smax.u32 s8, $0x1;
	[dreg:$0x16] =	wrdreg s16;
	s0 =	sadd.s32 $0x2A000, s0  }
0x1a: {  	s8 =	simm.s32 $0xB;
	s22 =	simm.s32 $0x2400;
	[dreg:$0x17] =	wrdreg s0  }
0x1b: {  	s10 =	smul.u32 $0x14000, s18;
	s23 =	simm.s32 $0x280;
	[dreg:$0x7] =	wrdreg s22  }
0x1c: {  	s11 =	sshrl.u32 s15, $0x2;
	s24 =	simm.s32 $0x4400;
	[dreg:$0x8] =	wrdreg s23  }
0x1d: {  	s25 =	simm.s32 $0x380;
	s26 =	simm.s32 $0x6400;
	[dreg:$0x9] =	wrdreg s24  }
0x1e: {  	s9 =	simm.s32 $0xC;
	s23 =	simm.s32 $0x400;
	[dreg:$0xa] =	wrdreg s25  }
0x1f: {  	s24 =	simm.s32 $0xD;
	[dreg:$0xb] =	wrdreg s26;
	s26 =	simm.s32 $0x1  }
0x20: {  	s25 =	simm.s32 $0x7;
	s20 =	sor.u32 s10, s6;
	s10 =	sadd.s32 $0x2060, s7  }
0x21: {  	s6 =	simm.s32 $0xA;
	s7 =	simm.s32 $0x8;
	s0 =	sshrl.u32 s20, $0x3  }
0x22: {  	v0 =	vimm.f32 $0.0e+00;
	v1 =	vimm.f32 $1.000000000e+00;
	s20 =	sadd.s32 s2, s0;
	s0 =	simm.s32 $0x6;
	s2 =	simm.s32 $0x9  }
.LBB2_1:
0x23: {  	s12 =	simm.s32 $0x0;
	s18 =	simm.s32 $0x200  }
.LBB2_2:
0x24: {  	p0 =	sne.s32 s18, $0x7E00;
	[tilespmem:s12+$0x470] =	vst v0  }
0x25: {  	[tilespmem:s12+$0x400] =	vst v0  }
0x26: {  	[tilespmem:s12+$0x410] =	vst v0  }
.Ltmp0:
0x27: {  	[tilespmem:s12+$0x420] =	vst v0;
	(pc) =	sbr.rel @p0 .LBB2_2-.Ltmp0, $4  }
0x28: {  	[tilespmem:s12+$0x430] =	vst v0  }
0x29: {  	[tilespmem:s12+$0x440] =	vst v0  }
0x2a: {  	[tilespmem:s12+$0x450] =	vst v0  }
0x2b: {  	[tilespmem:s12+$0x460] =	vst v0;
	s12 =	sshra.s32 s18, $0x2;
	s18 =	sadd.s32 $0x200, s18  }
0x2c: {  	[tilespmem:s12+$0x470] =	vst v0  }
0x2d: {  	[tilespmem:s12+$0x400] =	vst v0  }
0x2e: {  	[tilespmem:s12+$0x410] =	vst v0  }
0x2f: {  	[tilespmem:s12+$0x420] =	vst v0  }
0x30: {  	[tilespmem:s12+$0x430] =	vst v0  }
0x31: {  	[tilespmem:s12+$0x440] =	vst v0  }
0x32: {  	[tilespmem:s12+$0x450] =	vst v0  }
0x33: {  	[tilespmem:s12+$0x460] =	vst v0  }
0x34: {  	[spmem:s5] =	stream.linear.scatter [tilespmem:s23], [sflag:$0xD], $0x2000, $0x38;
	[tilespmem:$0x1EC00] =	vst v63  }
0x35: {  	_ =	swait.ge [sflag:s24], $0x2000  }
0x36: {  	[sflag:s24] =	ssyncset.done $0x0  }
0x37: {  	s19 =	rddreg [dreg:$0xc];
	[sflag:s24] =	ssyncadd.s32 $0xFFFFE000  }
0x38: {  	[spmem:s19] =	stream.linear.scatter [tilespmem:s23], [sflag:$0xD], $0x2000, $0x38;
	[tilespmem:$0x1EC00] =	vst v63  }
0x39: {  	_ =	swait.ge [sflag:s24], $0x2000  }
0x3a: {  	[sflag:s24] =	ssyncset.done $0x0  }
0x3b: {  	s22 =	rddreg [dreg:$0xd];
	[sflag:s24] =	ssyncadd.s32 $0xFFFFE000  }
0x3c: {  	[spmem:s22] =	stream.linear.scatter [tilespmem:s23], [sflag:$0xD], $0x2000, $0x38;
	[tilespmem:$0x1EC00] =	vst v63  }
0x3d: {  	_ =	swait.ge [sflag:s24], $0x2000  }
0x3e: {  	[sflag:s24] =	ssyncset.done $0x0  }
0x3f: {  	s13 =	rddreg [dreg:$0xe];
	[sflag:s24] =	ssyncadd.s32 $0xFFFFE000  }
0x40: {  	[spmem:s13] =	stream.linear.scatter [tilespmem:s23], [sflag:$0xD], $0x2000, $0x38;
	[tilespmem:$0x1EC00] =	vst v63  }
0x41: {  	_ =	swait.ge [sflag:s24], $0x2000  }
0x42: {  	[sflag:s24] =	ssyncset.done $0x0  }
0x43: {  	s14 =	rddreg [dreg:$0xf];
	[sflag:s24] =	ssyncadd.s32 $0xFFFFE000  }
0x44: {  	[spmem:s14] =	stream.linear.scatter [tilespmem:s23], [sflag:$0xD], $0x2000, $0x38;
	[tilespmem:$0x1EC00] =	vst v63  }
0x45: {  	_ =	swait.ge [sflag:s24], $0x2000  }
0x46: {  	[sflag:s24] =	ssyncset.done $0x0  }
0x47: {  	s16 =	rddreg [dreg:$0x10];
	[sflag:s24] =	ssyncadd.s32 $0xFFFFE000  }
0x48: {  	[spmem:s16] =	stream.linear.scatter [tilespmem:s23], [sflag:$0xD], $0x2000, $0x38;
	[tilespmem:$0x1EC00] =	vst v63  }
0x49: {  	_ =	swait.ge [sflag:s24], $0x2000  }
0x4a: {  	[sflag:s24] =	ssyncset.done $0x0  }
0x4b: {  	s17 =	rddreg [dreg:$0x11];
	[sflag:s24] =	ssyncadd.s32 $0xFFFFE000  }
0x4c: {  	[spmem:s17] =	stream.linear.scatter [tilespmem:s23], [sflag:$0xD], $0x2000, $0x38;
	[tilespmem:$0x1EC00] =	vst v63  }
0x4d: {  	_ =	swait.ge [sflag:s24], $0x2000  }
0x4e: {  	[sflag:s24] =	ssyncset.done $0x0  }
0x4f: {  	s18 =	rddreg [dreg:$0x12];
	[sflag:s24] =	ssyncadd.s32 $0xFFFFE000  }
0x50: {  	[spmem:s18] =	stream.linear.scatter [tilespmem:s23], [sflag:$0xD], $0x2000, $0x38;
	[tilespmem:$0x1EC00] =	vst v63  }
0x51: {  	_ =	swait.ge [sflag:s24], $0x2000  }
0x52: {  	[sflag:s24] =	ssyncset.done $0x0  }
0x53: {  	s19 =	rddreg [dreg:$0x13];
	[sflag:s24] =	ssyncadd.s32 $0xFFFFE000  }
0x54: {  	[spmem:s19] =	stream.linear.scatter [tilespmem:s23], [sflag:$0xD], $0x2000, $0x38;
	[tilespmem:$0x1EC00] =	vst v63  }
0x55: {  	_ =	swait.ge [sflag:s24], $0x2000  }
0x56: {  	[sflag:s24] =	ssyncset.done $0x0  }
0x57: {  	s22 =	rddreg [dreg:$0x14];
	[sflag:s24] =	ssyncadd.s32 $0xFFFFE000  }
0x58: {  	[spmem:s22] =	stream.linear.scatter [tilespmem:s23], [sflag:$0xD], $0x2000, $0x38;
	[tilespmem:$0x1EC00] =	vst v63  }
0x59: {  	_ =	swait.ge [sflag:s24], $0x2000  }
0x5a: {  	[sflag:s24] =	ssyncset.done $0x0  }
0x5b: {  	s12 =	simm.s32 $0x40;
	s18 =	simm.s32 $0x0;
	[sflag:s24] =	ssyncadd.s32 $0xFFFFE000  }
.LBB2_4:
0x5c: {  	p0 =	sne.s32 s12, $0x9FC0;
	[tilespmem:s18+$0x1C400] =	vst v0;
	s18 =	smov.u32 s12;
	s12 =	sadd.s32 $0x40, s12  }
.Ltmp1:
0x5d: {  	(pc) =	sbr.rel @p0 .LBB2_4-.Ltmp1, $2  }
0x5e: {  	_ =	sdelay $0x2  }
0x5f: {  	s18 =	sshra.s32 s18, $0x2  }
0x60: {  	[tilespmem:s18+$0x1C400] =	vst v0  }
0x61: {  	[bflag:$0x0] =	sbarrier.arrive $0xFFFF  }
0x62: {  	s12 =	simm.s32 $0x0;
	s13 =	rddreg [dreg:$0x15]  }
0x63: {  	[tilespmem:s12], [sflag:$0x1] =	stream.linear.gather [hbm4b:s13+s12], $0x100, $0x38;
	[tilespmem:$0x1EC00] =	vst v63  }
0x64: {  	s14 =	simm.s32 $0x100;
	s22 =	rddreg [dreg:$0x16]  }
0x65: {  	[tilespmem:s14], [sflag:$0x2] =	stream.linear.gather [hbm4b:s22+s12], $0x100, $0x38;
	[tilespmem:$0x1EC00] =	vst v63  }
0x66: {  	_ =	swait.ge [sflag:s26], $0x100  }
0x67: {  	[sflag:s26] =	ssyncset.done $0x0  }
0x68: {  	s18 =	smov.u32 s11;
	s22 =	smov.u32 s10;
	[sflag:s26] =	ssyncadd.s32 $0xFFFFFF00  }
0x69: {  	[tilespmem:s23], [sflag:$0x5] =	stream.indirect.gather [hbm4b:s1+s28], $0x80, s12, s28, $0xb8;
	[tilespmem:$0x1EC00] =	vst v63  }
.LBB2_6:
0x6a: {  	p2 =	seq.s32 s12, $0x0;
	s14 =	sadd.s32 $0x2, s12  }
0x6b: {  	s13 =	simm.s32 @!p2 $0xB;
	p0 =	sge.u32 s14, s15  }
0x6c: {  	_ =	swait.ge @!p2 [sflag:s13], $0x2000;
	s14 =	sadd.s32 @!p0 $0xFFFFFFE0, s22  }
0x6d: {  	s16 =	simm.s32 @!p0 $0x0;
	[sflag:s13] =	ssyncset.done @!p2 $0x0;
	s19 =	rddreg [dreg:$0x5]  }
0x6e: {  	s17 =	simm.s32 @!p0 $0x200;
	[sflag:s13] =	ssyncadd.s32 @!p2 $0xFFFFE000;
	p1 =	sge.u32 s12, s19  }
0x6f: {  	[tilespmem:s17], [sflag:$0x3] =	stream.linear.gather @!p0 [hbm4b:s14+s16], $0x100, $0x38;
	[tilespmem:$0x1EC00] =	vst v63  }
0x70: {  	s13 =	simm.s32 @!p1 $0x2  }
0x71: {  	_ =	swait.ge @!p1 [sflag:s13], $0x100  }
0x72: {  	s14 =	simm.s32 @!p1 $0x100;
	[sflag:s13] =	ssyncset.done @!p1 $0x0  }
0x73: {  	s16 =	simm.s32 @!p1 $0x2400;
	[sflag:s13] =	ssyncadd.s32 @!p1 $0xFFFFFF00;
	s13 =	simm.s32 @!p1 $0x40  }
0x74: {  	[tilespmem:s16], [sflag:$0x6] =	stream.indirect.gather @!p1 [hbm4b:s1+s13], $0x80, s14, s13, $0xb8;
	[tilespmem:$0x1EC00] =	vst v63  }
0x75: {  	_ =	swait.ge [sflag:s29], $0x2000  }
0x76: {  	[sflag:s29] =	ssyncset.done $0x0  }
0x77: {  	[sflag:s29] =	ssyncadd.s32 $0xFFFFE000  }
0x78: {  	[spmem:s3] =	stream.indirect.scatter.add.f32 [tilespmem:s23], [sflag:$0x9], $0x80, s30, s28, $0xb8;
	[tilespmem:$0x1EC00] =	vst v63  }
0x79: {  	v2 =	vld [tilespmem:$0x80];
	_ =	sdelay $0x7  }
0x7a: {  	[tilespmem:v2+s31+$0x0] =	vst.idx.add.f32.msk $0xffff, v1  }
0x7b: {  	v2 =	vld [tilespmem:$0x90];
	_ =	sdelay $0x7  }
0x7c: {  	[tilespmem:v2+s31+$0x0] =	vst.idx.add.f32.msk $0xffff, v1  }
0x7d: {  	v2 =	vld [tilespmem:$0xA0];
	_ =	sdelay $0x7  }
0x7e: {  	[tilespmem:v2+s31+$0x0] =	vst.idx.add.f32.msk $0xffff, v1  }
0x7f: {  	v2 =	vld [tilespmem:$0xB0];
	_ =	sdelay $0x7  }
0x80: {  	s13 =	simm.s32 @!p2 $0xC;
	[tilespmem:v2+s31+$0x0] =	vst.idx.add.f32.msk $0xffff, v1  }
0x81: {  	s16 =	sadd.s32 $0x3, s12;
	_ =	swait.ge @!p2 [sflag:s13], $0x2000  }
0x82: {  	p1 =	sge.u32 s16, s15;
	[sflag:s13] =	ssyncset.done @!p2 $0x0  }
0x83: {  	s14 =	simm.s32 @!p1 $0x300;
	[sflag:s13] =	ssyncadd.s32 @!p2 $0xFFFFE000;
	s13 =	simm.s32 @!p1 $0x0  }
0x84: {  	[tilespmem:s14], [sflag:$0x4] =	stream.linear.gather @!p1 [hbm4b:s22+s13], $0x100, $0x38;
	[tilespmem:$0x1EC00] =	vst v63  }
0x85: {  	s13 =	simm.s32 @!p0 $0x3  }
0x86: {  	_ =	swait.ge @!p0 [sflag:s13], $0x100  }
0x87: {  	[sflag:s13] =	ssyncset.done @!p0 $0x0  }
0x88: {  	s16 =	simm.s32 @!p0 $0x4400;
	[sflag:s13] =	ssyncadd.s32 @!p0 $0xFFFFFF00;
	s13 =	simm.s32 @!p0 $0x40  }
0x89: {  	[tilespmem:s16], [sflag:$0x7] =	stream.indirect.gather @!p0 [hbm4b:s1+s13], $0x80, s17, s13, $0xb8;
	[tilespmem:$0x1EC00] =	vst v63  }
0x8a: {  	_ =	swait.ge [sflag:s0], $0x2000  }
0x8b: {  	s17 =	rddreg [dreg:$0x6];
	[sflag:s0] =	ssyncset.done $0x0  }
0x8c: {  	s19 =	rddreg [dreg:$0x7];
	[sflag:s0] =	ssyncadd.s32 $0xFFFFE000  }
0x8d: {  	[spmem:s3] =	stream.indirect.scatter.add.f32 [tilespmem:s19], [sflag:$0xA], $0x80, s17, s28, $0xb8;
	[tilespmem:$0x1EC00] =	vst v63  }
0x8e: {  	v2 =	vld [tilespmem:$0x180];
	_ =	sdelay $0x7  }
0x8f: {  	[tilespmem:v2+s31+$0x0] =	vst.idx.add.f32.msk $0xffff, v1  }
0x90: {  	v2 =	vld [tilespmem:$0x190];
	_ =	sdelay $0x7  }
0x91: {  	[tilespmem:v2+s31+$0x0] =	vst.idx.add.f32.msk $0xffff, v1  }
0x92: {  	v2 =	vld [tilespmem:$0x1A0];
	_ =	sdelay $0x7  }
0x93: {  	[tilespmem:v2+s31+$0x0] =	vst.idx.add.f32.msk $0xffff, v1  }
0x94: {  	v2 =	vld [tilespmem:$0x1B0];
	_ =	sdelay $0x7  }
0x95: {  	[tilespmem:v2+s31+$0x0] =	vst.idx.add.f32.msk $0xffff, v1  }
0x96: {  	s13 =	sadd.s32 $0x4, s12;
	_ =	swait.ge [sflag:s2], $0x2000  }
0x97: {  	p0 =	sge.u32 s13, s15;
	[sflag:s2] =	ssyncset.done $0x0  }
0x98: {  	s16 =	sadd.s32 @!p0 $0x20, s22;
	s17 =	simm.s32 @!p0 $0x0;
	[sflag:s2] =	ssyncadd.s32 $0xFFFFE000  }
0x99: {  	[tilespmem:s17], [sflag:$0x1] =	stream.linear.gather @!p0 [hbm4b:s16+s17], $0x100, $0x38;
	[tilespmem:$0x1EC00] =	vst v63  }
0x9a: {  	s16 =	simm.s32 @!p1 $0x4  }
0x9b: {  	_ =	swait.ge @!p1 [sflag:s16], $0x100  }
0x9c: {  	[sflag:s16] =	ssyncset.done @!p1 $0x0  }
0x9d: {  	s19 =	simm.s32 @!p1 $0x6400;
	[sflag:s16] =	ssyncadd.s32 @!p1 $0xFFFFFF00;
	s16 =	simm.s32 @!p1 $0x40  }
0x9e: {  	[tilespmem:s19], [sflag:$0x8] =	stream.indirect.gather @!p1 [hbm4b:s1+s16], $0x80, s14, s16, $0xb8;
	[tilespmem:$0x1EC00] =	vst v63  }
0x9f: {  	_ =	swait.ge [sflag:s25], $0x2000  }
0xa0: {  	s16 =	rddreg [dreg:$0x8];
	[sflag:s25] =	ssyncset.done $0x0  }
0xa1: {  	s19 =	rddreg [dreg:$0x9];
	[sflag:s25] =	ssyncadd.s32 $0xFFFFE000  }
0xa2: {  	[spmem:s3] =	stream.indirect.scatter.add.f32 [tilespmem:s19], [sflag:$0xB], $0x80, s16, s28, $0xb8;
	[tilespmem:$0x1EC00] =	vst v63  }
0xa3: {  	v2 =	vld [tilespmem:$0x280];
	_ =	sdelay $0x7  }
0xa4: {  	[tilespmem:v2+s31+$0x0] =	vst.idx.add.f32.msk $0xffff, v1  }
0xa5: {  	v2 =	vld [tilespmem:$0x290];
	_ =	sdelay $0x7  }
0xa6: {  	[tilespmem:v2+s31+$0x0] =	vst.idx.add.f32.msk $0xffff, v1  }
0xa7: {  	v2 =	vld [tilespmem:$0x2A0];
	_ =	sdelay $0x7  }
0xa8: {  	[tilespmem:v2+s31+$0x0] =	vst.idx.add.f32.msk $0xffff, v1  }
0xa9: {  	v2 =	vld [tilespmem:$0x2B0];
	_ =	sdelay $0x7  }
0xaa: {  	s16 =	sadd.s32 $0x5, s12;
	[tilespmem:v2+s31+$0x0] =	vst.idx.add.f32.msk $0xffff, v1  }
0xab: {  	p1 =	sge.u32 s16, s15;
	_ =	swait.ge [sflag:s6], $0x2000  }
0xac: {  	s12 =	sadd.s32 @!p1 $0x40, s22;
	[sflag:s6] =	ssyncset.done $0x0  }
0xad: {  	s14 =	simm.s32 @!p1 $0x0;
	s16 =	simm.s32 @!p1 $0x100;
	[sflag:s6] =	ssyncadd.s32 $0xFFFFE000  }
0xae: {  	[tilespmem:s16], [sflag:$0x2] =	stream.linear.gather @!p1 [hbm4b:s12+s14], $0x100, $0x38;
	[tilespmem:$0x1EC00] =	vst v63  }
0xaf: {  	s12 =	simm.s32 @!p0 $0x1  }
0xb0: {  	_ =	swait.ge @!p0 [sflag:s12], $0x100  }
0xb1: {  	[sflag:s12] =	ssyncset.done @!p0 $0x0  }
0xb2: {  	s14 =	simm.s32 @!p0 $0x400;
	[sflag:s12] =	ssyncadd.s32 @!p0 $0xFFFFFF00;
	s12 =	simm.s32 @!p0 $0x40  }
0xb3: {  	[tilespmem:s14], [sflag:$0x5] =	stream.indirect.gather @!p0 [hbm4b:s1+s12], $0x80, s17, s12, $0xb8;
	[tilespmem:$0x1EC00] =	vst v63  }
0xb4: {  	_ =	swait.ge [sflag:s7], $0x2000  }
0xb5: {  	s17 =	rddreg [dreg:$0xa];
	[sflag:s7] =	ssyncset.done $0x0  }
0xb6: {  	s19 =	rddreg [dreg:$0xb];
	[sflag:s7] =	ssyncadd.s32 $0xFFFFE000  }
0xb7: {  	[spmem:s3] =	stream.indirect.scatter.add.f32 [tilespmem:s19], [sflag:$0xC], $0x80, s17, s28, $0xb8;
	[tilespmem:$0x1EC00] =	vst v63  }
0xb8: {  	v2 =	vld [tilespmem:$0x380];
	_ =	sdelay $0x7  }
0xb9: {  	[tilespmem:v2+s31+$0x0] =	vst.idx.add.f32.msk $0xffff, v1  }
0xba: {  	v2 =	vld [tilespmem:$0x390];
	_ =	sdelay $0x7  }
0xbb: {  	[tilespmem:v2+s31+$0x0] =	vst.idx.add.f32.msk $0xffff, v1  }
0xbc: {  	v2 =	vld [tilespmem:$0x3A0];
	_ =	sdelay $0x7  }
0xbd: {  	[tilespmem:v2+s31+$0x0] =	vst.idx.add.f32.msk $0xffff, v1  }
0xbe: {  	v2 =	vld [tilespmem:$0x3B0];
	_ =	sdelay $0x1  }
0xbf: {  	s18 =	sadd.s32 $0xFFFFFFFF, s18  }
0xc0: {  	p0 =	sne.s32 s18, $0x0  }
.Ltmp2:
0xc1: {  	_ = 	snop;
	(pc) =	sbr.rel @p0 .LBB2_6-.Ltmp2, $2  }
0xc2: {  	_ =	sdelay $0x2  }
0xc3: {  	s22 =	sadd.s32 $0x80, s22;
	s12 =	smov.u32 s13;
	[tilespmem:v2+s31+$0x0] =	vst.idx.add.f32.msk $0xffff, v1  }
0xc4: {  	_ =	swait.ge [sflag:s8], $0x2000  }
0xc5: {  	[sflag:s8] =	ssyncset.done $0x0  }
0xc6: {  	[sflag:s8] =	ssyncadd.s32 $0xFFFFE000  }
0xc7: {  	_ =	swait.ge [sflag:s9], $0x2000  }
0xc8: {  	[sflag:s9] =	ssyncset.done $0x0  }
0xc9: {  	s12 =	stileid.u32;
	[sflag:s9] =	ssyncadd.s32 $0xFFFFE000  }
0xca: {  	s12 =	sshll.u32 s12, $0x6;
	[bflag:$0x0] =	sbarrier.arrive $0xFFFF  }
0xcb: {  	s13 =	sshrl.u32 s5, $0x3;
	s12 =	sor.u32 $0x1C0D, s12;
	s14 =	rddreg [dreg:$0x17]  }
0xcc: {  	[hbm:s14], [sflag:s12] =	dma.local [spmem:s13], $0x2800  }
0xcd: {  	s4 =	sadd.s32 $0x1, s4;
	_ =	swait.ge [sflag:s24], $0x2800  }
0xce: {  	p0 =	sne.s32 s4, s21;
	[sflag:s24] =	ssyncset.done $0x0  }
.Ltmp3:
0xcf: {  	[sflag:s24] =	ssyncadd.s32 $0xFFFFD800;
	(pc) =	sbr.rel @p0 .LBB2_1-.Ltmp3, $4  }
0xd0: {  	[hbm4b:s20+s30] =	stream.strided.scatter [tilespmem:s31], [sflag:$0xD], $0x2800, s23, s30, $0x38;
	[tilespmem:$0x1EC00] =	vst v63  }
0xd1: {  	_ =	swait.ge [sflag:s24], $0x2800  }
0xd2: {  	[sflag:s24] =	ssyncset.done $0x0  }
0xd3: {  	[sflag:s24] =	ssyncadd.s32 $0xFFFFD800  }
0xd4: {  	_ =	sfence.sel $0x180000  }
0xd5: {  	[bflag:$0x0] =	sbarrier.arrive $0xFFFF  }
0xd6: {  	_ =	strace $0x90000047  }
0xd7: {  	s0 =	stileid.u32;
	[bflag:$0x2] =	sbarrier.arrive $0xFFFF  }
0xd8: {  	p0 =	sne.s32 s0, $0x0;
	s0 =	rddreg [dreg:$0x4]  }
0xd9: {  	s0 =	sadd.s32 @!p0 $0x100000, s0  }
0xda: {  	[sflag:s0] =	ssyncadd.tile.s32 @!p0 $0x1;
	_ =	shalt  }
.Lfunc_end2:
_tile_overlayer_lowered:
.L_overlay_start_2:
0xdb: {  	(tag) =	ssettag $0x2  }
0xdc: {  	s0 =	rddreg [dreg:$0x0];
	s2 =	stileid.u32  }
0xdd: {  	s1 =	rddreg [dreg:$0x1];
	p0 =	sne.s32 s2, $0x0  }
0xde: {  	s3 =	rddreg [dreg:$0x2];
	[bflag:$0x3] =	sbarrier.arrive $0xFFFF;
	s2 =	simm.s32 @!p0 $0x1C0D  }
0xdf: {  	[timem:s3], [sflag:s2] =	dma.local @!p0 [hbm:s0], s1  }
0xe0: {  	s0 =	simm.s32 @!p0 $0xD  }
0xe1: {  	_ =	swait.ge @!p0 [sflag:s0], s1  }
0xe2: {  	s1 =	ssub.s32 @!p0 $0x0, s1;
	[sflag:s0] =	ssyncset.done @!p0 $0x0  }
0xe3: {  	[sflag:s0] =	ssyncadd.s32 @!p0 s1  }
0xe4: {  	[bflag:$0x3] =	sbarrier.arrive $0xFFFF  }
0xe5: {  	_ =	shalt  }

// kernel: kernel.9.cloned.1.call-start
scs
__scs_entry_jumppad:
0x0: {  	(pc) =	sbr.rel $0x88, $3  }
0x1: {  	(tag) =	ssettag $0x0;
	lr =	simm.s32 $0x1  }
0x2: {  	[smem:$0x3F99] =	sst lr;
	_ =	strace $0xD0000000  }
0x3: {  	_ = 	snop  }
0x4: {  	_ = 	snop  }
0x5: {  	_ = 	snop  }
0x6: {  	_ = 	snop  }
0x7: {  	_ = 	snop  }
__scs_overlays_trampoline_lowered:
0x8: {  	[smem:$0x3FA8] =	sst s0  }
0x9: {  	[smem:$0x3FA9] =	sst s1  }
0xa: {  	[smem:$0x3FAA] =	sst s2  }
0xb: {  	[smem:$0x3FAB] =	sst s3  }
0xc: {  	[smem:$0x3FAC] =	sst s4  }
0xd: {  	[smem:$0x3FAD] =	sst s5  }
0xe: {  	[smem:$0x3FAE] =	sst s6  }
0xf: {  	[smem:$0x3FAF] =	sst s7  }
0x10: {  	[smem:$0x3FB0] =	sst s8  }
0x11: {  	[smem:$0x3FB1] =	sst s9;
	s0 =	simm.s32 @!p0 $0x0  }
0x12: {  	s1 =	sld [smem:$0x3F97];
	s0 =	simm.s32 @p0 $0x1  }
0x13: {  	[smem:$0x3FB2] =	sst s0;
	s0 =	simm.s32 @!p1 $0x0  }
0x14: {  	s2 =	sld [smem:$0x3F96];
	s0 =	simm.s32 @p1 $0x1  }
0x15: {  	[smem:$0x3FB3] =	sst s0;
	s0 =	simm.s32 @!p2 $0x0  }
0x16: {  	s3 =	sld [smem:$0x3FDB];
	s0 =	simm.s32 @p2 $0x1  }
0x17: {  	s4 =	simm.s32 $0x1BF5;
	[smem:$0x3FB5] =	sst s0  }
0x18: {  	s0 =	sld [smem:$0x3F98];
	_ =	swait.ge [sflag:s4], $0x0  }
0x19: {  	s7 =	sld [smem:$0x3F99]  }
0x1a: {  	s8 =	sadd.s32 $0xFFFFE003, lr  }
0x1b: {  	s9 =	sadd.s32 $0xFFFFFEF7, lr;
	s5 =	simm.s32 $0xFFFFFFFF;
	p2 =	slt.u32 s8, $0xFFFFF086  }
0x1c: {  	p1 =	slt.u32 s9, $0xF7A;
	s5 =	simm.s32 @!p2 $0x0  }
0x1d: {  	s5 =	simm.s32 @p1 $0x1;
	p0 =	seq.s32 s7, s2  }
0x1e: {  	s7 =	smul.u32 @!p0 $0xF7A, s2;
	p2 =	seq.s32 @!p0 s5, $0x0  }
0x1f: {  	s9 =	smul.u32 $0xF7A, s1;
	s8 =	simm.s32 @!p0 $0x1BF5;
	p2 =	por !p2, p0  }
0x20: {  	[sflag:s8] =	ssyncset.s32 @!p0 $0xFFFFF086;
	s6 =	sadd.s32 @!p0 s3, s7;
	s7 =	simm.s32 @!p0 $0x108  }
0x21: {  	s3 =	sadd.s32 s3, s9;
	s6 =	sadd.s32 @!p0 $0x88, s6;
	s7 =	simm.s32 @p2 $0x1082  }
0x22: {  	[simem:s7], [sflag:s8] =	dma.local @!p0 [hbm:s6], $0xF7A  }
0x23: {  	s9 =	sor.u32 $0xD0000000, s2;
	s6 =	simm.s32 $0x108;
	_ =	swait.ge @!p0 [sflag:s8], $0x0  }
0x24: {  	s3 =	sadd.s32 $0x88, s3;
	s6 =	simm.s32 @!p1 $0x1082;
	[sflag:s4] =	ssyncset.s32 $0xFFFFF086  }
0x25: {  	[simem:s6], [sflag:s4] =	dma.local [hbm:s3], $0xF7A  }
0x26: {  	[smem:$0x3F99] =	sst s1;
	(tag) =	ssettag s2;
	_ =	strace s9  }
0x27: {  	s1 =	sld [smem:$0x3FA9]  }
0x28: {  	s2 =	sld [smem:$0x3FAA]  }
0x29: {  	s4 =	sld [smem:$0x3FAC]  }
0x2a: {  	p0 =	seq.s32 s5, $0x0;
	s5 =	sld [smem:$0x3FAD]  }
0x2b: {  	s6 =	sld [smem:$0x3FAE]  }
0x2c: {  	s7 =	sld [smem:$0x3FAF]  }
0x2d: {  	s3 =	simm.s32 $0x108;
	s8 =	sld [smem:$0x3FB0]  }
0x2e: {  	s3 =	simm.s32 @!p0 $0x1082;
	s9 =	sld [smem:$0x3FB1]  }
0x2f: {  	lr =	sadd.s32 s0, s3;
	s0 =	sld [smem:$0x3FA8]  }
0x30: {  	s3 =	sld [smem:$0x3FAB]  }
0x31: {  	[smem:$0x3FB4] =	sst s10  }
0x32: {  	s10 =	sld [smem:$0x3FB2];
	_ =	sdelay $0x3  }
0x33: {  	p0 =	seq.s32 s10, $0x1;
	s10 =	sld [smem:$0x3FB4];
	_ =	sdelay $0x3  }
0x34: {  	[smem:$0x3FB4] =	sst s10  }
0x35: {  	s10 =	sld [smem:$0x3FB3];
	_ =	sdelay $0x3  }
0x36: {  	p1 =	seq.s32 s10, $0x1;
	s10 =	sld [smem:$0x3FB4];
	_ =	sdelay $0x3  }
0x37: {  	[smem:$0x3FB4] =	sst s10  }
0x38: {  	s10 =	sld [smem:$0x3FB5]  }
0x39: {  	_ = 	snop;
	(pc) =	sbr.ind lr, $3  }
0x3a: {  	_ = 	snop  }
0x3b: {  	_ = 	snop  }
0x3c: {  	p2 =	seq.s32 s10, $0x1;
	s10 =	sld [smem:$0x3FB4]  }
0x3d: {  	_ =	shalt  }
0x3e: {  	_ =	shalt  }
0x3f: {  	_ =	shalt  }
0x40: {  	_ =	shalt  }
0x41: {  	_ =	shalt  }
0x42: {  	_ =	shalt  }
0x43: {  	_ =	shalt  }
0x44: {  	_ =	shalt  }
0x45: {  	_ =	shalt  }
0x46: {  	_ =	shalt  }
0x47: {  	_ =	shalt  }
0x48: {  	_ =	shalt  }
0x49: {  	_ =	shalt  }
0x4a: {  	_ =	shalt  }
0x4b: {  	_ =	shalt  }
0x4c: {  	_ =	shalt  }
0x4d: {  	_ =	shalt  }
0x4e: {  	_ =	shalt  }
0x4f: {  	_ =	shalt  }
0x50: {  	_ =	shalt  }
0x51: {  	_ =	shalt  }
0x52: {  	_ =	shalt  }
0x53: {  	_ =	shalt  }
0x54: {  	_ =	shalt  }
0x55: {  	_ =	shalt  }
0x56: {  	_ =	shalt  }
0x57: {  	_ =	shalt  }
0x58: {  	_ =	shalt  }
0x59: {  	_ =	shalt  }
0x5a: {  	_ =	shalt  }
0x5b: {  	_ =	shalt  }
0x5c: {  	_ =	shalt  }
0x5d: {  	_ =	shalt  }
0x5e: {  	_ =	shalt  }
0x5f: {  	_ =	shalt  }
0x60: {  	_ =	shalt  }
0x61: {  	_ =	shalt  }
0x62: {  	_ =	shalt  }
0x63: {  	_ =	shalt  }
0x64: {  	_ =	shalt  }
0x65: {  	_ =	shalt  }
0x66: {  	_ =	shalt  }
0x67: {  	_ =	shalt  }
0x68: {  	_ =	shalt  }
0x69: {  	_ =	shalt  }
0x6a: {  	_ =	shalt  }
0x6b: {  	_ =	shalt  }
0x6c: {  	_ =	shalt  }
0x6d: {  	_ =	shalt  }
0x6e: {  	_ =	shalt  }
0x6f: {  	_ =	shalt  }
0x70: {  	_ =	shalt  }
0x71: {  	_ =	shalt  }
0x72: {  	_ =	shalt  }
0x73: {  	_ =	shalt  }
0x74: {  	_ =	shalt  }
0x75: {  	_ =	shalt  }
0x76: {  	_ =	shalt  }
0x77: {  	_ =	shalt  }
0x78: {  	_ =	shalt  }
0x79: {  	_ =	shalt  }
0x7a: {  	_ =	shalt  }
0x7b: {  	_ =	shalt  }
0x7c: {  	_ =	shalt  }
0x7d: {  	_ =	shalt  }
0x7e: {  	_ =	shalt  }
0x7f: {  	_ =	shalt  }
0x80: {  	_ =	shalt  }
0x81: {  	_ =	shalt  }
0x82: {  	_ =	shalt  }
0x83: {  	_ =	shalt  }
0x84: {  	_ =	shalt  }
0x85: {  	_ =	shalt  }
0x86: {  	_ =	shalt  }
0x87: {  	_ =	shalt  }
.Lfunc_end0:
.L_simem_size_0:
called_computation.1_lowered:
.L_overlay_start_0:
0x88: {  	s2 =	sld [smem:$0x3FD9]  }
0x89: {  	s3 =	sld [smem:$0x3FFE];
	_ =	sdelay $0x1  }
0x8a: {  	s1 =	srdreg.scid  }
0x8b: {  	s0 =	sand.u32 $0x1, s1  }
0x8c: {  	s17 =	sshll.u32 s0, $0xA;
	s2 =	sadd.s32 s3, s2  }
0x8d: {  	s2 =	sadd.s32 s2, s17  }
0x8e: {  	[smem:$0x3FC0] =	sst s2  }
0x8f: {  	_ = 	snop  }
0x90: {  	s2 =	sld [smem:$0x3FD0];
	(tm) =	ssettm $0x1  }
0x91: {  	s18 =	sld [smem:$0x3FFB];
	_ =	sdelay $0x3  }
0x92: {  	_ =	strace s18  }
0x93: {  	s3 =	sld [smem:$0x3FFC];
	_ =	sdelay $0x3  }
0x94: {  	_ =	strace s3  }
0x95: {  	s3 =	sld [smem:$0x3FFD];
	_ =	sdelay $0x3  }
0x96: {  	_ =	strace s3  }
0x97: {  	_ =	strace $0x8FFFFFFF  }
0x98: {  	s19 =	sld [smem:$0x3FDB];
	_ =	sdelay $0x1  }
0x99: {  	s4 =	simm.s32 $_scs_section_size  }
0x9a: {  	s5 =	simm.s32 $_size__tile_overlayer_lowered;
	s6 =	simm.s32 $_tile_overlayer_lowered  }
0x9b: {  	s22 =	simm.s32 $0x1BFF;
	s21 =	sshll.u32 s6, $0x1;
	s3 =	sadd.s32 s4, s19  }
0x9c: {  	s7 =	simm.s32 $0x0;
	s20 =	sshll.u32 s5, $0x1;
	s5 =	sadd.s32 s21, s3  }
0x9d: {  	[timem:s7], [sflag:s22] =	dma.local [hbm:s5], s20  }
0x9e: {  	_ =	swait.ge [sflag:s22], s20  }
0x9f: {  	s4 =	ssub.s32 $0x0, s20;
	[sflag:s22] =	ssyncset.done $0x0  }
0xa0: {  	[sflag:s22] =	ssyncadd.s32 s4;
	_ =	sdelay $0x1  }
0xa1: {  	s23 =	simm.s32 $0x1B8B  }
0xa2: {  	_ =	swait.ge [sflag:s23], $0x1  }
0xa3: {  	[sflag:s23] =	ssyncset.done $0x0  }
0xa4: {  	s25 =	simm.s32 $0x1B8E;
	s24 =	sld [smem:$0x3FFE];
	[sflag:s23] =	ssyncadd.s32 $0xFFFFFFFF  }
0xa5: {  	s26 =	simm.s32 $execute0_lowered;
	[smem:$0x3FD2] =	sst s25  }
0xa6: {  	s5 =	sshll.u32 s26, $0x1;
	_ =	strace $0x80000049;
	[dreg:$0x1] =	wrdreg $0xFFFFFFFF  }
0xa7: {  	s28 =	simm.s32 $_size_execute0_lowered;
	s3 =	sadd.s32 s3, s5;
	[dreg:$0x0] =	wrdreg $0x0  }
0xa8: {  	s5 =	sshll.u32 s28, $0x1;
	[dreg:$0x2] =	wrdreg s3  }
0xa9: {  	[dreg:$0x3] =	wrdreg s5  }
0xaa: {  	[dreg:$0x4] =	wrdreg $0xC0  }
0xab: {  	_ =	task [dreg:s7], $0x5FFFF  }
0xac: {  	[dreg:$0x1] =	wrdreg $0xFFFFFFFF  }
0xad: {  	[dreg:$0x0] =	wrdreg $0x60  }
0xae: {  	[dreg:$0x2] =	wrdreg s2  }
0xaf: {  	[dreg:$0x3] =	wrdreg s24  }
0xb0: {  	[dreg:$0x4] =	wrdreg $0x84000  }
0xb1: {  	[dreg:$0x5] =	wrdreg $0x9  }
0xb2: {  	_ =	task.clear_ibuf [dreg:s7], $0x6FFFF;
	_ =	strace $0x90000049  }
0xb3: {  	s29 =	simm.s32 $0x9;
	_ =	strace $0x8000004B  }
0xb4: {  	_ =	swait.ge [sflag:s29], $0x1  }
0xb5: {  	[sflag:s29] =	ssyncadd.s32 $0xFFFFFFFF  }
0xb6: {  	_ =	strace $0x9000004B  }
0xb7: {  	_ =	sfence  }
0xb8: {  	s30 =	sld [smem:$0x0];
	_ =	sdelay $0x2  }
0xb9: {  	s31 =	sshll.u32 s1, $0xD;
	s1 =	sshrl.u32 s1, $0x2  }
0xba: {  	s3 =	sand.u32 $0x4000, s31;
	s1 =	sadd.s32 s1, s30  }
0xbb: {  	s0 =	sor.u32 s3, s0;
	s1 =	sshll.u32 s1, $0x11  }
0xbc: {  	s0 =	sor.u32 s1, s0  }
0xbd: {  	s0 =	sadd.s32 $0x8F2B, s0  }
0xbe: {  	[sflag:s0] =	ssyncadd.remote.s32 $0x1  }
0xbf: {  	_ =	sfence.sel $0xFFFF  }
0xc0: {  	[dreg:$0x0] =	wrdreg $0xFFFFFFFF;
	(pc) =	sbr.abs _section_cstart, $3  }
0xc1: {  	[dreg:$0x1] =	wrdreg $0xFFFFFFFF  }
0xc2: {  	_ =	task.clear_ibuf [dreg:s7], $0x2FFFF;
	_ =	strace $0x9FFFFFFF  }
0xc3: {  	(tm) =	ssettm $0x7FFFFFFF  }
tec
execute0_lowered:
.L_overlay_start_1:
0x0: {  	(tag) =	ssettag $0x1  }
0x1: {  	s1 =	rddreg [dreg:$0x0]  }
0x2: {  	s0 =	rddreg [dreg:$0x1]  }
0x3: {  	s3 =	rddreg [dreg:$0x2];
	s2 =	srdreg.scid  }
0x4: {  	s8 =	stileid.u32;
	s19 =	simm.s32 $0x80;
	s21 =	simm.s32 $0x180  }
0x5: {  	s22 =	simm.s32 $0x2400;
	s23 =	simm.s32 $0x280;
	s28 =	simm.s32 $0x5  }
0x6: {  	s29 =	simm.s32 $0x6;
	s30 =	simm.s32 $0x9;
	s31 =	simm.s32 $0x7  }
0x7: {  	s2 =	sand.u32 $0x1, s2;
	s5 =	smul.u32 $0x130, s8;
	s4 =	sshll.u32 s8, $0x4  }
0x8: {  	s24 =	smul.u32 $0x14000, s8;
	s6 =	sor.u32 $0x1300, s4;
	s4 =	simm.s32 $0x0  }
0x9: {  	s8 =	smul.u32 $0x50000, s8;
	p0 =	seq.s32 s2, $0x0;
	[smem:$0x7FF] =	sst s4  }
0xa: {  	s7 =	smul.u32 $0x140000, s2;
	_ =	strace $0x8000004A;
	[dreg:$0x5] =	wrdreg s19  }
0xb: {  	s2 =	ssub.s32 $0x2, s2;
	s6 =	smov.u32 @p0 s5;
	[dreg:$0x6] =	wrdreg s21  }
0xc: {  	s25 =	sshrl.u32 s8, $0x2;
	s5 =	sadd.s32 s24, s7;
	[dreg:$0x7] =	wrdreg s22  }
0xd: {  	[dreg:$0x8] =	wrdreg s23;
	s24 =	simm.s32 $0x4400;
	s26 =	sshrl.u32 s5, $0x3  }
0xe: {  	s5 =	sadd.s32 s25, s3;
	[dreg:$0x9] =	wrdreg s24;
	s25 =	simm.s32 $0x380  }
0xf: {  	s9 =	sshrl.u32 s2, $0x1;
	s7 =	sadd.s32 $0x2000, s5;
	[dreg:$0xa] =	wrdreg s25  }
0x10: {  	s6 =	sshll.u32 s6, $0x5;
	s8 =	sadd.s32 $0x4000, s5;
	[dreg:$0xc] =	wrdreg s7  }
0x11: {  	s2 =	ssub.s32 s2, s9;
	s9 =	sadd.s32 $0x6000, s5;
	[dreg:$0xd] =	wrdreg s8  }
0x12: {  	s22 =	simm.s32 $0x400;
	s10 =	sadd.s32 $0x8000, s5;
	[dreg:$0xe] =	wrdreg s9  }
0x13: {  	s23 =	simm.s32 $0xD;
	s11 =	sadd.s32 $0xA000, s5;
	[dreg:$0xf] =	wrdreg s10  }
0x14: {  	s6 =	sadd.s32 s6, s0;
	s12 =	sadd.s32 $0xC000, s5;
	[dreg:$0x10] =	wrdreg s11  }
0x15: {  	s24 =	simm.s32 $0xB;
	s13 =	sadd.s32 $0xE000, s5;
	[dreg:$0x11] =	wrdreg s12  }
0x16: {  	s0 =	sadd.s32 s26, s0;
	s14 =	sadd.s32 $0x10000, s5;
	[dreg:$0x12] =	wrdreg s13  }
0x17: {  	s15 =	sadd.s32 $0x12000, s5;
	s16 =	sadd.s32 $0x2000, s6;
	[dreg:$0x13] =	wrdreg s14  }
0x18: {  	s18 =	sadd.s32 $0x2020, s6;
	s26 =	simm.s32 $0x6400;
	[dreg:$0x14] =	wrdreg s15  }
0x19: {  	s25 =	simm.s32 $0x1;
	s12 =	simm.s32 $0x130;
	[dreg:$0x15] =	wrdreg s16  }
0x1a: {  	[dreg:$0x16] =	wrdreg s18;
	s0 =	sadd.s32 $0x2A000, s0;
	s9 =	sadd.s32 $0x2060, s6  }
0x1b: {  	[dreg:$0xb] =	wrdreg s26;
	s26 =	simm.s32 $0x40;
	s12 =	simm.s32 @!p0 $0x10  }
0x1c: {  	s6 =	simm.s32 $0xC;
	[dreg:$0x18] =	wrdreg s0;
	s17 =	sadd.s32 $0xFFFFFFFF, s12  }
0x1d: {  	s0 =	simm.s32 $0xA;
	s20 =	sshrl.u32 s12, $0x2;
	[dreg:$0x4] =	wrdreg s17  }
0x1e: {  	v0 =	vimm.f32 $0.0e+00;
	[dreg:$0x17] =	wrdreg s20;
	s20 =	smax.u32 s2, $0x1;
	s2 =	simm.s32 $0x8  }
.LBB2_1:
0x1f: {  	s7 =	simm.s32 $0x0;
	s8 =	simm.s32 $0x200  }
.LBB2_2:
0x20: {  	p0 =	sne.s32 s8, $0x7E00;
	[tilespmem:s7+$0x470] =	vst v0  }
0x21: {  	[tilespmem:s7+$0x400] =	vst v0  }
0x22: {  	[tilespmem:s7+$0x410] =	vst v0  }
.Ltmp0:
0x23: {  	[tilespmem:s7+$0x420] =	vst v0;
	(pc) =	sbr.rel @p0 .LBB2_2-.Ltmp0, $4  }
0x24: {  	[tilespmem:s7+$0x430] =	vst v0  }
0x25: {  	[tilespmem:s7+$0x440] =	vst v0  }
0x26: {  	[tilespmem:s7+$0x450] =	vst v0  }
0x27: {  	[tilespmem:s7+$0x460] =	vst v0;
	s7 =	sshra.s32 s8, $0x2;
	s8 =	sadd.s32 $0x200, s8  }
0x28: {  	[tilespmem:s7+$0x470] =	vst v0  }
0x29: {  	[tilespmem:s7+$0x400] =	vst v0  }
0x2a: {  	[tilespmem:s7+$0x410] =	vst v0  }
0x2b: {  	[tilespmem:s7+$0x420] =	vst v0  }
0x2c: {  	[tilespmem:s7+$0x430] =	vst v0  }
0x2d: {  	[tilespmem:s7+$0x440] =	vst v0  }
0x2e: {  	[tilespmem:s7+$0x450] =	vst v0  }
0x2f: {  	[tilespmem:s7+$0x460] =	vst v0  }
0x30: {  	[spmem:s5] =	stream.linear.scatter [tilespmem:s22], [sflag:$0xD], $0x2000, $0x38;
	[tilespmem:$0x1C400] =	vst v63  }
0x31: {  	_ =	swait.ge [sflag:s23], $0x2000  }
0x32: {  	[sflag:s23] =	ssyncset.done $0x0  }
0x33: {  	s19 =	rddreg [dreg:$0xc];
	[sflag:s23] =	ssyncadd.s32 $0xFFFFE000  }
0x34: {  	[spmem:s19] =	stream.linear.scatter [tilespmem:s22], [sflag:$0xD], $0x2000, $0x38;
	[tilespmem:$0x1C400] =	vst v63  }
0x35: {  	_ =	swait.ge [sflag:s23], $0x2000  }
0x36: {  	[sflag:s23] =	ssyncset.done $0x0  }
0x37: {  	s21 =	rddreg [dreg:$0xd];
	[sflag:s23] =	ssyncadd.s32 $0xFFFFE000  }
0x38: {  	[spmem:s21] =	stream.linear.scatter [tilespmem:s22], [sflag:$0xD], $0x2000, $0x38;
	[tilespmem:$0x1C400] =	vst v63  }
0x39: {  	_ =	swait.ge [sflag:s23], $0x2000  }
0x3a: {  	[sflag:s23] =	ssyncset.done $0x0  }
0x3b: {  	s8 =	rddreg [dreg:$0xe];
	[sflag:s23] =	ssyncadd.s32 $0xFFFFE000  }
0x3c: {  	[spmem:s8] =	stream.linear.scatter [tilespmem:s22], [sflag:$0xD], $0x2000, $0x38;
	[tilespmem:$0x1C400] =	vst v63  }
0x3d: {  	_ =	swait.ge [sflag:s23], $0x2000  }
0x3e: {  	[sflag:s23] =	ssyncset.done $0x0  }
0x3f: {  	s10 =	rddreg [dreg:$0xf];
	[sflag:s23] =	ssyncadd.s32 $0xFFFFE000  }
0x40: {  	[spmem:s10] =	stream.linear.scatter [tilespmem:s22], [sflag:$0xD], $0x2000, $0x38;
	[tilespmem:$0x1C400] =	vst v63  }
0x41: {  	_ =	swait.ge [sflag:s23], $0x2000  }
0x42: {  	[sflag:s23] =	ssyncset.done $0x0  }
0x43: {  	s11 =	rddreg [dreg:$0x10];
	[sflag:s23] =	ssyncadd.s32 $0xFFFFE000  }
0x44: {  	[spmem:s11] =	stream.linear.scatter [tilespmem:s22], [sflag:$0xD], $0x2000, $0x38;
	[tilespmem:$0x1C400] =	vst v63  }
0x45: {  	_ =	swait.ge [sflag:s23], $0x2000  }
0x46: {  	[sflag:s23] =	ssyncset.done $0x0  }
0x47: {  	s13 =	rddreg [dreg:$0x11];
	[sflag:s23] =	ssyncadd.s32 $0xFFFFE000  }
0x48: {  	[spmem:s13] =	stream.linear.scatter [tilespmem:s22], [sflag:$0xD], $0x2000, $0x38;
	[tilespmem:$0x1C400] =	vst v63  }
0x49: {  	_ =	swait.ge [sflag:s23], $0x2000  }
0x4a: {  	[sflag:s23] =	ssyncset.done $0x0  }
0x4b: {  	s14 =	rddreg [dreg:$0x12];
	[sflag:s23] =	ssyncadd.s32 $0xFFFFE000  }
0x4c: {  	[spmem:s14] =	stream.linear.scatter [tilespmem:s22], [sflag:$0xD], $0x2000, $0x38;
	[tilespmem:$0x1C400] =	vst v63  }
0x4d: {  	_ =	swait.ge [sflag:s23], $0x2000  }
0x4e: {  	[sflag:s23] =	ssyncset.done $0x0  }
0x4f: {  	s15 =	rddreg [dreg:$0x13];
	[sflag:s23] =	ssyncadd.s32 $0xFFFFE000  }
0x50: {  	[spmem:s15] =	stream.linear.scatter [tilespmem:s22], [sflag:$0xD], $0x2000, $0x38;
	[tilespmem:$0x1C400] =	vst v63  }
0x51: {  	_ =	swait.ge [sflag:s23], $0x2000  }
0x52: {  	[sflag:s23] =	ssyncset.done $0x0  }
0x53: {  	s16 =	rddreg [dreg:$0x14];
	[sflag:s23] =	ssyncadd.s32 $0xFFFFE000  }
0x54: {  	[spmem:s16] =	stream.linear.scatter [tilespmem:s22], [sflag:$0xD], $0x2000, $0x38;
	[tilespmem:$0x1C400] =	vst v63  }
0x55: {  	_ =	swait.ge [sflag:s23], $0x2000  }
0x56: {  	[sflag:s23] =	ssyncset.done $0x0  }
0x57: {  	[sflag:s23] =	ssyncadd.s32 $0xFFFFE000  }
0x58: {  	[bflag:$0x0] =	sbarrier.arrive $0xFFFF  }
0x59: {  	s7 =	simm.s32 $0x0;
	s8 =	rddreg [dreg:$0x15]  }
0x5a: {  	[tilespmem:s7], [sflag:$0x1] =	stream.linear.gather [hbm4b:s8+s7], $0x100, $0x38;
	[tilespmem:$0x1C400] =	vst v63  }
0x5b: {  	s10 =	simm.s32 $0x100;
	s17 =	rddreg [dreg:$0x16]  }
0x5c: {  	[tilespmem:s10], [sflag:$0x2] =	stream.linear.gather [hbm4b:s17+s7], $0x100, $0x38;
	[tilespmem:$0x1C400] =	vst v63  }
0x5d: {  	_ =	swait.ge [sflag:s25], $0x100  }
0x5e: {  	p3 =	por $0x1, $0x1;
	[sflag:s25] =	ssyncset.done $0x0  }
0x5f: {  	p1 =	sle.u32 s12, $0x2;
	s8 =	simm.s32 @!p3 $0xB;
	[sflag:s25] =	ssyncadd.s32 $0xFFFFFF00  }
0x60: {  	[tilespmem:s22], [sflag:$0x5] =	stream.indirect.gather [hbm4b:s1+s26], $0x80, s7, s26, $0xb8;
	[tilespmem:$0x1C400] =	vst v63  }
0x61: {  	s11 =	simm.s32 @!p1 $0x200;
	_ =	swait.ge @!p3 [sflag:s8], $0x2000  }
0x62: {  	s13 =	sadd.s32 @!p1 $0xFFFFFFE0, s9;
	[sflag:s8] =	ssyncset.done @!p3 $0x0;
	s18 =	rddreg [dreg:$0x4]  }
0x63: {  	s14 =	simm.s32 @!p1 $0x0;
	[sflag:s8] =	ssyncadd.s32 @!p3 $0xFFFFE000;
	p0 =	sle.u32 s18, $0x0  }
0x64: {  	[tilespmem:s11], [sflag:$0x3] =	stream.linear.gather @!p1 [hbm4b:s13+s14], $0x100, $0x38;
	[tilespmem:$0x1C400] =	vst v63  }
0x65: {  	s8 =	simm.s32 @!p0 $0x2  }
0x66: {  	_ =	swait.ge @!p0 [sflag:s8], $0x100  }
0x67: {  	s10 =	simm.s32 @!p0 $0x2400;
	s13 =	simm.s32 @!p0 $0x40;
	[sflag:s8] =	ssyncset.done @!p0 $0x0  }
0x68: {  	s14 =	simm.s32 @!p0 $0x100;
	s19 =	rddreg [dreg:$0x17];
	[sflag:s8] =	ssyncadd.s32 @!p0 $0xFFFFFF00  }
0x69: {  	[tilespmem:s10], [sflag:$0x6] =	stream.indirect.gather @!p0 [hbm4b:s1+s13], $0x80, s14, s13, $0xb8;
	[tilespmem:$0x1C400] =	vst v63  }
0x6a: {  	p2 =	sle.u32 s12, $0x3;
	s15 =	simm.s32 @!p3 $0xC;
	s10 =	sadd.s32 $0xFFFFFFFF, s19  }
0x6b: {  	s16 =	simm.s32 @!p2 $0x0;
	_ =	swait.ge [sflag:s28], $0x2000;
	p0 =	sne.s32 s10, $0x0  }
.Ltmp1:
0x6c: {  	s17 =	simm.s32 @!p1 $0x40;
	[sflag:s28] =	ssyncset.done $0x0;
	(pc) =	sbr.rel @!p0 .LBB2_5-.Ltmp1, $4  }
0x6d: {  	s18 =	simm.s32 @!p1 $0x4400;
	s21 =	rddreg [dreg:$0x5];
	[sflag:s28] =	ssyncadd.s32 $0xFFFFE000  }
0x6e: {  	[spmem:s3] =	stream.indirect.scatter.add.f32 [tilespmem:s22], [sflag:$0x9], $0x80, s21, s26, $0xb8;
	[tilespmem:$0x1C400] =	vst v63  }
0x6f: {  	s8 =	simm.s32 $0x5;
	s13 =	simm.s32 @!p1 $0x3;
	_ =	swait.ge @!p3 [sflag:s15], $0x2000  }
0x70: {  	s14 =	simm.s32 @!p2 $0x300;
	s21 =	smov.u32 s9;
	[sflag:s15] =	ssyncset.done @!p3 $0x0  }
.LBB2_4:
0x71: {  	[sflag:s15] =	ssyncadd.s32 @!p3 $0xFFFFE000  }
0x72: {  	[tilespmem:s14], [sflag:$0x4] =	stream.linear.gather @!p2 [hbm4b:s21+s16], $0x100, $0x38;
	[tilespmem:$0x1C400] =	vst v63  }
0x73: {  	_ =	swait.ge @!p1 [sflag:s13], $0x100  }
0x74: {  	[sflag:s13] =	ssyncset.done @!p1 $0x0  }
0x75: {  	[sflag:s13] =	ssyncadd.s32 @!p1 $0xFFFFFF00  }
0x76: {  	[tilespmem:s18], [sflag:$0x7] =	stream.indirect.gather @!p1 [hbm4b:s1+s17], $0x80, s11, s17, $0xb8;
	[tilespmem:$0x1C400] =	vst v63  }
0x77: {  	_ =	swait.ge [sflag:s29], $0x2000  }
0x78: {  	[sflag:s29] =	ssyncset.done $0x0;
	s15 =	rddreg [dreg:$0x6]  }
0x79: {  	s7 =	sadd.s32 $0x4, s7;
	s19 =	rddreg [dreg:$0x7];
	[sflag:s29] =	ssyncadd.s32 $0xFFFFE000  }
0x7a: {  	[spmem:s3] =	stream.indirect.scatter.add.f32 [tilespmem:s19], [sflag:$0xA], $0x80, s15, s26, $0xb8;
	[tilespmem:$0x1C400] =	vst v63  }
0x7b: {  	p3 =	sge.u32 s7, s12;
	_ =	swait.ge [sflag:s30], $0x2000  }
0x7c: {  	s17 =	sadd.s32 @!p3 $0x20, s21;
	[sflag:s30] =	ssyncset.done $0x0  }
0x7d: {  	s18 =	simm.s32 @!p2 $0x4;
	s11 =	simm.s32 @!p3 $0x0;
	[sflag:s30] =	ssyncadd.s32 $0xFFFFE000  }
0x7e: {  	[tilespmem:s11], [sflag:$0x1] =	stream.linear.gather @!p3 [hbm4b:s17+s11], $0x100, $0x38;
	[tilespmem:$0x1C400] =	vst v63  }
0x7f: {  	_ =	swait.ge @!p2 [sflag:s18], $0x100  }
0x80: {  	[sflag:s18] =	ssyncset.done @!p2 $0x0  }
0x81: {  	s15 =	simm.s32 @!p2 $0x40;
	s19 =	simm.s32 @!p2 $0x6400;
	[sflag:s18] =	ssyncadd.s32 @!p2 $0xFFFFFF00  }
0x82: {  	[tilespmem:s19], [sflag:$0x8] =	stream.indirect.gather @!p2 [hbm4b:s1+s15], $0x80, s14, s15, $0xb8;
	[tilespmem:$0x1C400] =	vst v63  }
0x83: {  	_ =	swait.ge [sflag:s31], $0x2000  }
0x84: {  	s17 =	rddreg [dreg:$0x8];
	[sflag:s31] =	ssyncset.done $0x0  }
0x85: {  	s16 =	sadd.s32 $0x5, s7;
	s18 =	rddreg [dreg:$0x9];
	[sflag:s31] =	ssyncadd.s32 $0xFFFFE000  }
0x86: {  	[spmem:s3] =	stream.indirect.scatter.add.f32 [tilespmem:s18], [sflag:$0xB], $0x80, s17, s26, $0xb8;
	[tilespmem:$0x1C400] =	vst v63  }
0x87: {  	p2 =	sge.u32 s8, s12;
	s8 =	smov.u32 s16;
	_ =	swait.ge [sflag:s0], $0x2000  }
0x88: {  	s15 =	simm.s32 @!p3 $0x1;
	s16 =	simm.s32 @!p2 $0x0;
	[sflag:s0] =	ssyncset.done $0x0  }
0x89: {  	s17 =	sadd.s32 @!p2 $0x40, s21;
	s18 =	simm.s32 @!p2 $0x100;
	[sflag:s0] =	ssyncadd.s32 $0xFFFFE000  }
0x8a: {  	[tilespmem:s18], [sflag:$0x2] =	stream.linear.gather @!p2 [hbm4b:s17+s16], $0x100, $0x38;
	[tilespmem:$0x1C400] =	vst v63  }
0x8b: {  	_ =	swait.ge @!p3 [sflag:s15], $0x100  }
0x8c: {  	s19 =	sadd.s32 $0x2, s7;
	[sflag:s15] =	ssyncset.done @!p3 $0x0  }
0x8d: {  	s14 =	simm.s32 @!p3 $0x400;
	[sflag:s15] =	ssyncadd.s32 @!p3 $0xFFFFFF00;
	s15 =	simm.s32 @!p3 $0x40  }
0x8e: {  	[tilespmem:s14], [sflag:$0x5] =	stream.indirect.gather @!p3 [hbm4b:s1+s15], $0x80, s11, s15, $0xb8;
	[tilespmem:$0x1C400] =	vst v63  }
0x8f: {  	p1 =	sge.u32 s19, s12;
	s21 =	sadd.s32 $0x80, s21;
	_ =	swait.ge [sflag:s2], $0x2000  }
0x90: {  	p3 =	seq.s32 s7, $0x0;
	[sflag:s2] =	ssyncset.done $0x0;
	s15 =	rddreg [dreg:$0xa]  }
0x91: {  	s16 =	simm.s32 @!p3 $0xB;
	s19 =	rddreg [dreg:$0xb];
	[sflag:s2] =	ssyncadd.s32 $0xFFFFE000  }
0x92: {  	[spmem:s3] =	stream.indirect.scatter.add.f32 [tilespmem:s19], [sflag:$0xC], $0x80, s15, s26, $0xb8;
	[tilespmem:$0x1C400] =	vst v63  }
0x93: {  	s17 =	sadd.s32 @!p1 $0xFFFFFFE0, s21;
	_ =	swait.ge @!p3 [sflag:s16], $0x2000  }
0x94: {  	s18 =	simm.s32 @!p1 $0x0;
	[sflag:s16] =	ssyncset.done @!p3 $0x0;
	s15 =	rddreg [dreg:$0x4]  }
0x95: {  	s11 =	simm.s32 @!p1 $0x200;
	[sflag:s16] =	ssyncadd.s32 @!p3 $0xFFFFE000;
	p2 =	sge.u32 s7, s15  }
0x96: {  	[tilespmem:s11], [sflag:$0x3] =	stream.linear.gather @!p1 [hbm4b:s17+s18], $0x100, $0x38;
	[tilespmem:$0x1C400] =	vst v63  }
0x97: {  	s14 =	simm.s32 @!p2 $0x2  }
0x98: {  	s10 =	sadd.s32 $0xFFFFFFFF, s10;
	_ =	swait.ge @!p2 [sflag:s14], $0x100  }
0x99: {  	p0 =	sne.s32 s10, $0x0;
	s15 =	simm.s32 @!p2 $0x2400;
	[sflag:s14] =	ssyncset.done @!p2 $0x0  }
0x9a: {  	s16 =	simm.s32 @!p2 $0x40;
	s17 =	simm.s32 @!p2 $0x100;
	[sflag:s14] =	ssyncadd.s32 @!p2 $0xFFFFFF00  }
0x9b: {  	[tilespmem:s15], [sflag:$0x6] =	stream.indirect.gather @!p2 [hbm4b:s1+s16], $0x80, s17, s16, $0xb8;
	[tilespmem:$0x1C400] =	vst v63  }
0x9c: {  	s13 =	sadd.s32 $0x3, s7;
	s18 =	simm.s32 @!p1 $0x4400;
	_ =	swait.ge [sflag:s28], $0x2000  }
.Ltmp2:
0x9d: {  	p2 =	sge.u32 s13, s12;
	[sflag:s28] =	ssyncset.done $0x0;
	(pc) =	sbr.rel @p0 .LBB2_4-.Ltmp2, $4  }
0x9e: {  	s15 =	simm.s32 @!p3 $0xC;
	s19 =	rddreg [dreg:$0x5];
	[sflag:s28] =	ssyncadd.s32 $0xFFFFE000  }
0x9f: {  	[spmem:s3] =	stream.indirect.scatter.add.f32 [tilespmem:s22], [sflag:$0x9], $0x80, s19, s26, $0xb8;
	[tilespmem:$0x1C400] =	vst v63  }
0xa0: {  	s13 =	simm.s32 @!p1 $0x3;
	s17 =	simm.s32 @!p1 $0x40;
	_ =	swait.ge @!p3 [sflag:s15], $0x2000  }
0xa1: {  	s16 =	simm.s32 @!p2 $0x0;
	s14 =	simm.s32 @!p2 $0x300;
	[sflag:s15] =	ssyncset.done @!p3 $0x0  }
.LBB2_5:
0xa2: {  	[sflag:s15] =	ssyncadd.s32 @!p3 $0xFFFFE000  }
0xa3: {  	[tilespmem:s14], [sflag:$0x4] =	stream.linear.gather @!p2 [hbm4b:s21+s16], $0x100, $0x38;
	[tilespmem:$0x1C400] =	vst v63  }
0xa4: {  	_ =	swait.ge @!p1 [sflag:s13], $0x100  }
0xa5: {  	[sflag:s13] =	ssyncset.done @!p1 $0x0  }
0xa6: {  	[sflag:s13] =	ssyncadd.s32 @!p1 $0xFFFFFF00  }
0xa7: {  	[tilespmem:s18], [sflag:$0x7] =	stream.indirect.gather @!p1 [hbm4b:s1+s17], $0x80, s11, s17, $0xb8;
	[tilespmem:$0x1C400] =	vst v63  }
0xa8: {  	_ =	swait.ge [sflag:s29], $0x2000  }
0xa9: {  	s10 =	rddreg [dreg:$0x6];
	[sflag:s29] =	ssyncset.done $0x0  }
0xaa: {  	s7 =	sadd.s32 $0x4, s7;
	s13 =	rddreg [dreg:$0x7];
	[sflag:s29] =	ssyncadd.s32 $0xFFFFE000  }
0xab: {  	[spmem:s3] =	stream.indirect.scatter.add.f32 [tilespmem:s13], [sflag:$0xA], $0x80, s10, s26, $0xb8;
	[tilespmem:$0x1C400] =	vst v63  }
0xac: {  	p0 =	sge.u32 s7, s12;
	_ =	swait.ge [sflag:s30], $0x2000  }
0xad: {  	s7 =	sadd.s32 @!p0 $0x20, s21;
	[sflag:s30] =	ssyncset.done $0x0  }
0xae: {  	s11 =	simm.s32 @!p0 $0x0;
	s10 =	simm.s32 @!p2 $0x4;
	[sflag:s30] =	ssyncadd.s32 $0xFFFFE000  }
0xaf: {  	[tilespmem:s11], [sflag:$0x1] =	stream.linear.gather @!p0 [hbm4b:s7+s11], $0x100, $0x38;
	[tilespmem:$0x1C400] =	vst v63  }
0xb0: {  	_ =	swait.ge @!p2 [sflag:s10], $0x100  }
0xb1: {  	[sflag:s10] =	ssyncset.done @!p2 $0x0  }
0xb2: {  	s7 =	simm.s32 @!p2 $0x40;
	[sflag:s10] =	ssyncadd.s32 @!p2 $0xFFFFFF00;
	s10 =	simm.s32 @!p2 $0x6400  }
0xb3: {  	[tilespmem:s10], [sflag:$0x8] =	stream.indirect.gather @!p2 [hbm4b:s1+s7], $0x80, s14, s7, $0xb8;
	[tilespmem:$0x1C400] =	vst v63  }
0xb4: {  	_ =	swait.ge [sflag:s31], $0x2000  }
0xb5: {  	s14 =	rddreg [dreg:$0x8];
	[sflag:s31] =	ssyncset.done $0x0  }
0xb6: {  	s15 =	rddreg [dreg:$0x9];
	[sflag:s31] =	ssyncadd.s32 $0xFFFFE000  }
0xb7: {  	[spmem:s3] =	stream.indirect.scatter.add.f32 [tilespmem:s15], [sflag:$0xB], $0x80, s14, s26, $0xb8;
	[tilespmem:$0x1C400] =	vst v63  }
0xb8: {  	p1 =	sge.u32 s8, s12;
	_ =	swait.ge [sflag:s0], $0x2000  }
0xb9: {  	s8 =	sadd.s32 @!p1 $0x40, s21;
	[sflag:s0] =	ssyncset.done $0x0  }
0xba: {  	s7 =	simm.s32 @!p1 $0x0;
	s10 =	simm.s32 @!p1 $0x100;
	[sflag:s0] =	ssyncadd.s32 $0xFFFFE000  }
0xbb: {  	[tilespmem:s10], [sflag:$0x2] =	stream.linear.gather @!p1 [hbm4b:s8+s7], $0x100, $0x38;
	[tilespmem:$0x1C400] =	vst v63  }
0xbc: {  	s7 =	simm.s32 @!p0 $0x1  }
0xbd: {  	_ =	swait.ge @!p0 [sflag:s7], $0x100  }
0xbe: {  	[sflag:s7] =	ssyncset.done @!p0 $0x0  }
0xbf: {  	s8 =	simm.s32 @!p0 $0x400;
	[sflag:s7] =	ssyncadd.s32 @!p0 $0xFFFFFF00;
	s7 =	simm.s32 @!p0 $0x40  }
0xc0: {  	[tilespmem:s8], [sflag:$0x5] =	stream.indirect.gather @!p0 [hbm4b:s1+s7], $0x80, s11, s7, $0xb8;
	[tilespmem:$0x1C400] =	vst v63  }
0xc1: {  	_ =	swait.ge [sflag:s2], $0x2000  }
0xc2: {  	s16 =	rddreg [dreg:$0xa];
	[sflag:s2] =	ssyncset.done $0x0  }
0xc3: {  	s17 =	rddreg [dreg:$0xb];
	[sflag:s2] =	ssyncadd.s32 $0xFFFFE000  }
0xc4: {  	[spmem:s3] =	stream.indirect.scatter.add.f32 [tilespmem:s17], [sflag:$0xC], $0x80, s16, s26, $0xb8;
	[tilespmem:$0x1C400] =	vst v63  }
0xc5: {  	_ =	swait.ge [sflag:s24], $0x2000  }
0xc6: {  	[sflag:s24] =	ssyncset.done $0x0  }
0xc7: {  	[sflag:s24] =	ssyncadd.s32 $0xFFFFE000  }
0xc8: {  	_ =	swait.ge [sflag:s6], $0x2000  }
0xc9: {  	s19 =	sshrl.u32 s5, $0x3;
	[sflag:s6] =	ssyncset.done $0x0  }
0xca: {  	s4 =	sadd.s32 $0x1, s4;
	s18 =	stileid.u32;
	[sflag:s6] =	ssyncadd.s32 $0xFFFFE000  }
0xcb: {  	s7 =	sshll.u32 s18, $0x6;
	p0 =	sne.s32 s4, s20;
	[bflag:$0x0] =	sbarrier.arrive $0xFFFF  }
.Ltmp3:
0xcc: {  	s7 =	sor.u32 $0x1C0D, s7;
	s21 =	rddreg [dreg:$0x18];
	(pc) =	sbr.rel @p0 .LBB2_1-.Ltmp3, $4  }
0xcd: {  	[hbm:s21], [sflag:s7] =	dma.local [spmem:s19], $0x2800  }
0xce: {  	_ =	swait.ge [sflag:s23], $0x2800  }
0xcf: {  	[sflag:s23] =	ssyncset.done $0x0  }
0xd0: {  	[sflag:s23] =	ssyncadd.s32 $0xFFFFD800  }
0xd1: {  	_ =	sfence.sel $0x180000  }
0xd2: {  	[bflag:$0x0] =	sbarrier.arrive $0xFFFF  }
0xd3: {  	_ =	strace $0x9000004A  }
0xd4: {  	s0 =	stileid.u32;
	[bflag:$0x2] =	sbarrier.arrive $0xFFFF  }
0xd5: {  	p0 =	sne.s32 s0, $0x0;
	s0 =	rddreg [dreg:$0x3]  }
0xd6: {  	s0 =	sadd.s32 @!p0 $0x100000, s0  }
0xd7: {  	[sflag:s0] =	ssyncadd.tile.s32 @!p0 $0x1;
	_ =	shalt  }
.Lfunc_end2:
_tile_overlayer_lowered:
.L_overlay_start_2:
0xd8: {  	(tag) =	ssettag $0x2  }
0xd9: {  	s0 =	rddreg [dreg:$0x0];
	s2 =	stileid.u32  }
0xda: {  	s1 =	rddreg [dreg:$0x1];
	p0 =	sne.s32 s2, $0x0  }
0xdb: {  	s3 =	rddreg [dreg:$0x2];
	[bflag:$0x3] =	sbarrier.arrive $0xFFFF;
	s2 =	simm.s32 @!p0 $0x1C0D  }
0xdc: {  	[timem:s3], [sflag:s2] =	dma.local @!p0 [hbm:s0], s1  }
0xdd: {  	s0 =	simm.s32 @!p0 $0xD  }
0xde: {  	_ =	swait.ge @!p0 [sflag:s0], s1  }
0xdf: {  	s1 =	ssub.s32 @!p0 $0x0, s1;
	[sflag:s0] =	ssyncset.done @!p0 $0x0  }
0xe0: {  	[sflag:s0] =	ssyncadd.s32 @!p0 s1  }
0xe1: {  	[bflag:$0x3] =	sbarrier.arrive $0xFFFF  }
0xe2: {  	_ =	shalt  }

</sc_bundles>
